<compile_context>
chip_gen: v7x
topology: tpu7x:2x2x1
jax: 0.10.2.dev20260603
libtpu: 0.0.44.dev20260713+nightly
codegen_flags: <defaults>
</compile_context>

<pallas_src>
import functools

import jax
import jax.numpy as jnp
from jax import lax
from jax.experimental import pallas as pl
from jax.experimental.pallas import tpu as pltpu
from jax.experimental.pallas import tpu_sc as plsc

N_MAT = 10000
N_CON = 10000
E = 320000
D = 128
H = 128
O = 64
L = 100000

NC = 2
NS = 16
CHUNK = 128
BLK = 1000

_HIGH = lax.Precision.HIGHEST


def _mesh():
    return plsc.VectorSubcoreMesh(
        core_axis_name="c", subcore_axis_name="s", num_cores=NC, num_subcores=NS
    )


def _make_agg(n_rows, width, n_edges, with_deg):
    n_chunks = n_edges // CHUNK
    assert n_edges % CHUNK == 0
    rpt = (n_rows // NS) // 8 * 8
    rtail = n_rows - rpt * NS

    out_type = [
        jax.ShapeDtypeStruct((n_rows, width), jnp.float32),
        jax.ShapeDtypeStruct((n_rows, width), jnp.float32),
    ]
    KB = 3
    n_even = n_chunks // NS
    n_groups = n_even // KB
    n_loose = n_even - n_groups * KB

    scratch = (
        [pltpu.VMEM((CHUNK,), jnp.int32) for _ in range(KB)]
        + [pltpu.VMEM((CHUNK,), jnp.int32) for _ in range(KB)]
        + [pltpu.VMEM((CHUNK, width), jnp.float32) for _ in range(KB)]
        + [pltpu.VMEM_SHARED((n_rows, width), jnp.float32),
           pltpu.SemaphoreType.DMA,
           pltpu.SemaphoreType.DMA,
           pltpu.SemaphoreType.DMA]
    )
    if with_deg:
        out_type += [
            jax.ShapeDtypeStruct((n_rows, width), jnp.float32),
            jax.ShapeDtypeStruct((n_rows, width), jnp.float32),
        ]

    def impl(xa, xb, src, dst, zrow, ones,
             acc_d, acc_s, deg_d, deg_s,
             gidx, sidx, rows, acc_sh, sem_i, sem_g, sem_s):
        ones_v = rows[0]
        cid = lax.axis_index("c")
        sid = lax.axis_index("s")
        base = sid * rpt

        def zero_slabs():
            pltpu.sync_copy(zrow.at[pl.ds(base, rpt)], acc_sh.at[pl.ds(base, rpt)])
            if rtail:
                @pl.when(sid == NS - 1)
                def _():
                    tb = pl.ds(NS * rpt, rtail)
                    pltpu.sync_copy(zrow.at[tb], acc_sh.at[tb])

        zero_slabs()
        plsc.subcore_barrier()

        def dump_slabs(out_hbm):
            pltpu.sync_copy(acc_sh.at[pl.ds(base, rpt)], out_hbm.at[pl.ds(base, rpt)])
            if rtail:
                @pl.when(sid == NS - 1)
                def _():
                    tb = pl.ds(NS * rpt, rtail)
                    pltpu.sync_copy(acc_sh.at[tb], out_hbm.at[tb])

        def run_all(x_hbm, g_hbm, s_hbm, acc_out, deg_out):
            def agg_group(g, carry):
                j0 = sid + g * KB * NS
                dsc = []
                for b in range(KB):
                    bb = (j0 + b * NS) * CHUNK
                    dsc.append(pltpu.async_copy(
                        g_hbm.at[pl.ds(bb, CHUNK)], gidx[b], sem_i))
                    dsc.append(pltpu.async_copy(
                        s_hbm.at[pl.ds(bb, CHUNK)], sidx[b], sem_i))
                for d in dsc:
                    d.wait()
                dsc = [pltpu.async_copy(x_hbm.at[gidx[b]], rows[b], sem_g)
                       for b in range(KB)]
                for d in dsc:
                    d.wait()
                dsc = [pltpu.async_copy(rows[b], acc_sh.at[sidx[b]], sem_s,
                                        add=True)
                       for b in range(KB)]
                for d in dsc:
                    d.wait()
                return carry

            lax.fori_loop(0, n_groups, agg_group, 0)

            def agg_chunk(j):
                b = j * CHUNK
                pltpu.sync_copy(g_hbm.at[pl.ds(b, CHUNK)], gidx[0])
                pltpu.sync_copy(s_hbm.at[pl.ds(b, CHUNK)], sidx[0])
                pltpu.async_copy(x_hbm.at[gidx[0]], rows[0], sem_g).wait()
                pltpu.sync_copy(rows[0], acc_sh.at[sidx[0]], add=True)

            for t in range(n_loose):
                agg_chunk(sid + (n_groups * KB + t) * NS)
            if n_chunks % NS:
                @pl.when(sid < n_chunks % NS)
                def _():
                    agg_chunk(sid + n_even * NS)

            plsc.subcore_barrier()
            dump_slabs(acc_out)

            if with_deg:
                zero_slabs()
                pltpu.sync_copy(ones, ones_v)
                plsc.subcore_barrier()

                def deg_group(g, carry):
                    j0 = sid + g * KB * NS
                    dsc = []
                    for b in range(KB):
                        bb = (j0 + b * NS) * CHUNK
                        dsc.append(pltpu.async_copy(
                            s_hbm.at[pl.ds(bb, CHUNK)], sidx[b], sem_i))
                    for d in dsc:
                        d.wait()
                    dsc = [pltpu.async_copy(ones_v, acc_sh.at[sidx[b]], sem_s,
                                            add=True)
                           for b in range(KB)]
                    for d in dsc:
                        d.wait()
                    return carry

                lax.fori_loop(0, n_groups, deg_group, 0)

                def deg_chunk(j):
                    b = j * CHUNK
                    pltpu.sync_copy(s_hbm.at[pl.ds(b, CHUNK)], sidx[0])
                    pltpu.sync_copy(ones_v, acc_sh.at[sidx[0]], add=True)

                for t in range(n_loose):
                    deg_chunk(sid + (n_groups * KB + t) * NS)
                if n_chunks % NS:
                    @pl.when(sid < n_chunks % NS)
                    def _():
                        deg_chunk(sid + n_even * NS)

                plsc.subcore_barrier()
                dump_slabs(deg_out)

        @pl.when(cid == 0)
        def _():
            run_all(xa, src, dst, acc_d, deg_d)

        @pl.when(cid == 1)
        def _():
            run_all(xb, dst, src, acc_s, deg_s)

    if with_deg:
        def body(xa, xb, src, dst, zrow, ones,
                 acc_d, acc_s, deg_d, deg_s, *refs):
            gidx = refs[0:KB]
            sidx = refs[KB:2 * KB]
            rows = refs[2 * KB:3 * KB]
            acc_sh, sem_i, sem_g, sem_s = refs[3 * KB:]
            impl(xa, xb, src, dst, zrow, ones,
                 acc_d, acc_s, deg_d, deg_s,
                 gidx, sidx, rows, acc_sh, sem_i, sem_g, sem_s)
    else:
        def body(xa, xb, src, dst, zrow,
                 acc_d, acc_s, *refs):
            gidx = refs[0:KB]
            sidx = refs[KB:2 * KB]
            rows = refs[2 * KB:3 * KB]
            acc_sh, sem_i, sem_g, sem_s = refs[3 * KB:]
            impl(xa, xb, src, dst, zrow, None,
                 acc_d, acc_s, None, None,
                 gidx, sidx, rows, acc_sh, sem_i, sem_g, sem_s)

    return pl.kernel(body, out_type=out_type, mesh=_mesh(), scratch_types=scratch)


def _make_pair_gather(n_out, width):
    n_full = n_out // CHUNK
    tail = n_out - n_full * CHUNK
    tail_tile = n_full % NS

    KB = 6
    n_even = n_full // NS
    n_groups = n_even // KB
    n_loose = n_even - n_groups * KB

    out_type = [
        jax.ShapeDtypeStruct((n_out, width), jnp.float32),
        jax.ShapeDtypeStruct((n_out, width), jnp.float32),
    ]
    scratch = (
        [pltpu.VMEM((CHUNK,), jnp.int32) for _ in range(KB)]
        + [pltpu.VMEM((CHUNK, width), jnp.float32) for _ in range(KB)]
        + [pltpu.SemaphoreType.DMA, pltpu.SemaphoreType.DMA,
           pltpu.SemaphoreType.DMA]
    )
    if tail:
        scratch += [
            pltpu.VMEM((tail,), jnp.int32),
            pltpu.VMEM((tail, width), jnp.float32),
        ]

    def impl(za, zb, ridx, cidx, oa, ob, idx, rows,
             sem_i, sem_g, sem_s, tidx_v, trows_v):
        cid = lax.axis_index("c")
        sid = lax.axis_index("s")

        def run(z_hbm, i_hbm, o_hbm):
            def group(g, carry):
                j0 = sid + g * KB * NS
                dsc = []
                for b in range(KB):
                    bb = (j0 + b * NS) * CHUNK
                    dsc.append(pltpu.async_copy(
                        i_hbm.at[pl.ds(bb, CHUNK)], idx[b], sem_i))
                for d in dsc:
                    d.wait()
                dsc = [pltpu.async_copy(z_hbm.at[idx[b]], rows[b], sem_g)
                       for b in range(KB)]
                for d in dsc:
                    d.wait()
                dsc = []
                for b in range(KB):
                    bb = (j0 + b * NS) * CHUNK
                    dsc.append(pltpu.async_copy(
                        rows[b], o_hbm.at[pl.ds(bb, CHUNK)], sem_s))
                for d in dsc:
                    d.wait()
                return carry

            lax.fori_loop(0, n_groups, group, 0)

            def do_chunk(j):
                b = j * CHUNK
                pltpu.sync_copy(i_hbm.at[pl.ds(b, CHUNK)], idx[0])
                pltpu.async_copy(z_hbm.at[idx[0]], rows[0], sem_g).wait()
                pltpu.sync_copy(rows[0], o_hbm.at[pl.ds(b, CHUNK)])

            for t in range(n_loose):
                do_chunk(sid + (n_groups * KB + t) * NS)
            if n_full % NS:
                @pl.when(sid < n_full % NS)
                def _():
                    do_chunk(sid + n_even * NS)
            if tail:
                @pl.when(sid == tail_tile)
                def _():
                    b = n_full * CHUNK
                    pltpu.sync_copy(i_hbm.at[pl.ds(b, tail)], tidx_v)
                    pltpu.async_copy(z_hbm.at[tidx_v], trows_v, sem_g).wait()
                    pltpu.sync_copy(trows_v, o_hbm.at[pl.ds(b, tail)])

        @pl.when(cid == 0)
        def _():
            run(za, ridx, oa)

        @pl.when(cid == 1)
        def _():
            run(zb, cidx, ob)

    if tail:
        def body(za, zb, ridx, cidx, oa, ob, *refs):
            idx = refs[0:KB]
            rows = refs[KB:2 * KB]
            sem_i, sem_g, sem_s, tidx_v, trows_v = refs[2 * KB:]
            impl(za, zb, ridx, cidx, oa, ob, idx, rows,
                 sem_i, sem_g, sem_s, tidx_v, trows_v)
    else:
        def body(za, zb, ridx, cidx, oa, ob, *refs):
            idx = refs[0:KB]
            rows = refs[KB:2 * KB]
            sem_i, sem_g, sem_s = refs[2 * KB:]
            impl(za, zb, ridx, cidx, oa, ob, idx, rows,
                 sem_i, sem_g, sem_s, None, None)

    return pl.kernel(body, out_type=out_type, mesh=_mesh(), scratch_types=scratch)


def _dot(a, b):
    return lax.dot_general(a, b, (((1,), (0,)), ((), ())), precision=_HIGH,
                           preferred_element_type=jnp.float32)


def _dot_t(a, b):
    return lax.dot_general(a, b, (((1,), (1,)), ((), ())), precision=_HIGH,
                           preferred_element_type=jnp.float32)


def _cnt(deg_ref):
    return jnp.maximum(deg_ref[:, 0:1], 1.0)


def _l1_pair(refs, h_ref, r_ref):
    (acc_ref, deg_ref, x_ref, wl1_ref, wr1_ref, wr2_ref, bl1_ref, bl2_ref) = refs
    mean = acc_ref[...] / _cnt(deg_ref)
    h = _dot(mean, wl1_ref[...]) + bl1_ref[...] + _dot(x_ref[...], wr1_ref[...])
    h = jnp.maximum(h, 0.0)
    h_ref[...] = h
    r_ref[...] = _dot(h, wr2_ref[...]) + bl2_ref[...]


def _l1_body(*refs):
    _l1_pair(refs[0:8], refs[16], refs[17])
    _l1_pair(refs[8:16], refs[18], refs[19])


def _layer1_both(args_c, args_m):
    n = args_c[0].shape[0]
    grid = n // BLK
    full = lambda s: pl.BlockSpec(s, lambda i: (0, 0))
    rows = lambda w: pl.BlockSpec((BLK, w), lambda i: (i, 0))
    type_specs = [rows(H), rows(H), rows(D), full((D, H)), full((D, H)),
                  full((H, O)), full((1, H)), full((1, O))]

    def prep(a):
        (acc, degs, x, wl1, wr1, wr2_dst, bl1, bl2_dst) = a
        return (acc, degs, x, wl1, wr1, wr2_dst,
                bl1.reshape(1, H), bl2_dst.reshape(1, O))

    return pl.pallas_call(
        _l1_body,
        grid=(grid,),
        in_specs=type_specs + type_specs,
        out_specs=[rows(H), rows(O), rows(H), rows(O)],
        out_shape=[jax.ShapeDtypeStruct((n, H), jnp.float32),
                   jax.ShapeDtypeStruct((n, O), jnp.float32),
                   jax.ShapeDtypeStruct((n, H), jnp.float32),
                   jax.ShapeDtypeStruct((n, O), jnp.float32)],
    )(*prep(args_c), *prep(args_m))


def _zfin_body(ac_ref, dc_ref, rc_ref, am_ref, dm_ref, rm_ref,
               wl2mc_ref, wl2cm_ref, zc_ref, zm_ref, z2_ref):
    mean_c = ac_ref[...] / _cnt(dc_ref)
    mean_m = am_ref[...] / _cnt(dm_ref)
    zc = _dot(mean_c, wl2mc_ref[...]) + rc_ref[...]
    zm = _dot(mean_m, wl2cm_ref[...]) + rm_ref[...]
    zc_ref[...] = zc
    zm_ref[...] = zm
    z2_ref[...] = jnp.concatenate([zm, zc], axis=1)


def _z_finalize(acc2_c, degs_c, r_c, acc2_m, degs_m, r_m, wl2_mc, wl2_cm):
    n = acc2_c.shape[0]
    full = lambda s: pl.BlockSpec(s, lambda i: (0, 0))
    rows = lambda w: pl.BlockSpec((BLK, w), lambda i: (i, 0))
    return pl.pallas_call(
        _zfin_body,
        grid=(n // BLK,),
        in_specs=[rows(H), rows(H), rows(O), rows(H), rows(H), rows(O),
                  full((H, O)), full((H, O))],
        out_specs=[rows(O), rows(O), rows(2 * O)],
        out_shape=[jax.ShapeDtypeStruct((n, O), jnp.float32),
                   jax.ShapeDtypeStruct((n, O), jnp.float32),
                   jax.ShapeDtypeStruct((n, 2 * O), jnp.float32)],
    )(acc2_c, degs_c, r_c, acc2_m, degs_m, r_m, wl2_mc, wl2_cm)


def _dec_body(gr_ref, gc_ref, w1_ref, b1_ref, w2_ref, b2_ref, k_ref, probs_ref):
    kblk = jnp.concatenate([gr_ref[:, 0:O], gc_ref[:, O:2 * O]], axis=1)
    k_ref[...] = kblk
    hdec = jnp.maximum(_dot_t(kblk, w1_ref[...]) + b1_ref[...], 0.0)
    logits = _dot_t(hdec, w2_ref[...]) + b2_ref[...]
    l0 = logits[:, 0:1]
    l1 = logits[:, 1:2]
    m = jnp.maximum(l0, l1)
    e0 = jnp.exp(l0 - m)
    e1 = jnp.exp(l1 - m)
    s = e0 + e1
    probs_ref[...] = jnp.concatenate([e0 / s, e1 / s], axis=1)


def _decoder(g_r, g_c, w_lin1, b_lin1, w_lin2, b_lin2):
    blk = 1000
    full = lambda s: pl.BlockSpec(s, lambda i: (0, 0))
    rows = lambda w: pl.BlockSpec((blk, w), lambda i: (i, 0))
    return pl.pallas_call(
        _dec_body,
        grid=(L // blk,),
        in_specs=[rows(2 * O), rows(2 * O), full((O, 2 * O)), full((1, O)),
                  full((2, O)), full((1, 2))],
        out_specs=[rows(2 * O), rows(2)],
        out_shape=[jax.ShapeDtypeStruct((L, 2 * O), jnp.float32),
                   jax.ShapeDtypeStruct((L, 2), jnp.float32)],
    )(g_r, g_c, w_lin1, b_lin1.reshape(1, O), w_lin2, b_lin2.reshape(1, 2))


def kernel(x_materials, x_concepts, edge_index_mc, edge_label_index,
           Wl1_mc, bl1_mc, Wr1_mc, Wl1_cm, bl1_cm, Wr1_cm,
           Wl2_mc, bl2_mc, Wr2_mc, Wl2_cm, bl2_cm, Wr2_cm,
           W_lin1, b_lin1, W_lin2, b_lin2):
    src = edge_index_mc[0]
    dst = edge_index_mc[1]
    row = edge_label_index[0]
    col = edge_label_index[1]

    z128 = jnp.zeros((N_CON, D), jnp.float32)
    ones128 = jnp.ones((CHUNK, D), jnp.float32)

    agg_deg = _make_agg(N_CON, D, E, with_deg=True)
    acc1_c, acc1_m, deg_c, deg_m = agg_deg(
        x_materials, x_concepts, src, dst, z128, ones128)

    h_con, r_c, h_mat, r_m = _layer1_both(
        (acc1_c, deg_c, x_concepts, Wl1_mc, Wr1_mc, Wr2_mc, bl1_mc, bl2_mc),
        (acc1_m, deg_m, x_materials, Wl1_cm, Wr1_cm, Wr2_cm, bl1_cm, bl2_cm))

    agg2 = _make_agg(N_CON, D, E, with_deg=False)
    acc2_c, acc2_m = agg2(h_mat, h_con, src, dst, z128)

    z_con, z_mat, z2 = _z_finalize(acc2_c, deg_c, r_c, acc2_m, deg_m, r_m,
                                   Wl2_mc, Wl2_cm)

    gather = _make_pair_gather(L, 2 * O)
    g_r, g_c = gather(z2, z2, row, col)

    k, probs = _decoder(g_r, g_c, W_lin1, b_lin1, W_lin2, b_lin2)
    return (probs, z_mat, z_con, k)

# --- scband reference (transcript-rebuilt; emitter-appended) ---
"""Pipeline reference for scband-model-28372553957635 (READ-ONLY COPY).

The authoritative reference and input builder live on the scoring server;
editing this copy changes nothing except your own understanding.
"""

import jax, jax.numpy as jnp
import numpy as np

N_MAT = 10000
N_CON = 10000
E = 320000
D = 128
H = 128
O = 64
L = 100000


def _sage(x_src, x_dst, src, dst, Wl, bl, Wr, n_dst):
    # PyG SAGEConv with mean aggregation: lin_l(mean of neighbor msgs) + lin_r(x_dst)
    msg = jnp.take(x_src, src, axis=0)
    s = jax.ops.segment_sum(msg, dst, num_segments=n_dst)
    cnt = jax.ops.segment_sum(jnp.ones((src.shape[0], 1), x_src.dtype), dst, num_segments=n_dst)
    mean = s / jnp.maximum(cnt, 1.0)
    return mean @ Wl + bl + x_dst @ Wr


def setup_inputs(seed: int = 0):
    key = jax.random.key(seed)
    ks = jax.random.split(key, 24)
    inp = {}
    inp['x_materials'] = jax.random.normal(ks[0], (N_MAT, D), jnp.float32)
    inp['x_concepts'] = jax.random.normal(ks[1], (N_CON, D), jnp.float32)
    inp['edge_index_mc'] = jnp.stack([jax.random.randint(ks[2], (E,), 0, N_MAT), jax.random.randint(ks[3], (E,), 0, N_CON)])
    inp['edge_label_index'] = jnp.stack([jax.random.randint(ks[4], (L,), 0, N_MAT), jax.random.randint(ks[5], (L,), 0, N_CON)])

    def g(k, shape, fan_in):
        return jax.random.normal(k, shape, jnp.float32) * (1.0 / np.sqrt(fan_in))

    # layer 1, edge type materials->concepts (to_hetero duplicates SAGEConv per edge type)
    inp['Wl1_mc'] = g(ks[6], (D, H), D)
    inp['bl1_mc'] = jnp.zeros((H,), jnp.float32)
    inp['Wr1_mc'] = g(ks[7], (D, H), D)
    # layer 1, reverse edge type concepts->materials (from ToUndirected)
    inp['Wl1_cm'] = g(ks[8], (D, H), D)
    inp['bl1_cm'] = jnp.zeros((H,), jnp.float32)
    inp['Wr1_cm'] = g(ks[9], (D, H), D)
    # layer 2
    inp['Wl2_mc'] = g(ks[10], (H, O), H)
    inp['bl2_mc'] = jnp.zeros((O,), jnp.float32)
    inp['Wr2_mc'] = g(ks[11], (H, O), H)
    inp['Wl2_cm'] = g(ks[12], (H, O), H)
    inp['bl2_cm'] = jnp.zeros((O,), jnp.float32)
    inp['Wr2_cm'] = g(ks[13], (H, O), H)
    # edge decoder linears (torch Linear convention: weight [out, in])
    inp['W_lin1'] = g(ks[14], (O, 2 * O), 2 * O)
    inp['b_lin1'] = jnp.zeros((O,), jnp.float32)
    inp['W_lin2'] = g(ks[15], (2, O), O)
    inp['b_lin2'] = jnp.zeros((2,), jnp.float32)
    return inp


def reference(x_materials, x_concepts, edge_index_mc, edge_label_index, Wl1_mc, bl1_mc, Wr1_mc, Wl1_cm, bl1_cm, Wr1_cm, Wl2_mc, bl2_mc, Wr2_mc, Wl2_cm, bl2_cm, Wr2_cm, W_lin1, b_lin1, W_lin2, b_lin2):
    src_m = edge_index_mc[0]
    dst_c = edge_index_mc[1]
    # hetero layer 1 (each destination type receives from exactly one edge type; aggr='sum' trivial)
    h_con = _sage(x_materials, x_concepts, src_m, dst_c, Wl1_mc, bl1_mc, Wr1_mc, N_CON)
    h_mat = _sage(x_concepts, x_materials, dst_c, src_m, Wl1_cm, bl1_cm, Wr1_cm, N_MAT)
    h_con = jax.nn.relu(h_con)
    h_mat = jax.nn.relu(h_mat)
    # hetero layer 2
    z_con = _sage(h_mat, h_con, src_m, dst_c, Wl2_mc, bl2_mc, Wr2_mc, N_CON)
    z_mat = _sage(h_con, h_mat, dst_c, src_m, Wl2_cm, bl2_cm, Wr2_cm, N_MAT)
    # edge decoder
    row = edge_label_index[0]
    col = edge_label_index[1]
    z = jnp.concatenate([jnp.take(z_mat, row, axis=0), jnp.take(z_con, col, axis=0)], axis=-1)
    k = z
    hdec = jax.nn.relu(z @ W_lin1.T + b_lin1)
    logits = hdec @ W_lin2.T + b_lin2
    probs = jax.nn.softmax(logits, axis=-1)
    return (probs, z_mat, z_con, k)

if __name__ == "__main__":
    import jax
    _d = setup_inputs()
    print(jax.jit(kernel)(*tuple(_d.values())))

</pallas_src>

<mosaic_0001>
#map = affine_map<(d0, d1) -> (0, 0)>
#map1 = affine_map<(d0, d1) -> (0)>
module attributes {stable_mosaic.version = 14 : i64} {
  func.func @body(%arg0: i32, %arg1: i32, %arg2: memref<10000x128xf32, #tpu.memory_space<hbm>>, %arg3: memref<10000x128xf32, #tpu.memory_space<hbm>>, %arg4: memref<320000xi32, #tpu.memory_space<hbm>>, %arg5: memref<320000xi32, #tpu.memory_space<hbm>>, %arg6: memref<10000x128xf32, #tpu.memory_space<hbm>>, %arg7: memref<10000x128xf32, #tpu.memory_space<hbm>>, %arg8: memref<10000x128xf32, #tpu.memory_space<hbm>>, %arg9: memref<128xi32, #tpu.memory_space<vmem>>, %arg10: memref<128xi32, #tpu.memory_space<vmem>>, %arg11: memref<128xi32, #tpu.memory_space<vmem>>, %arg12: memref<128xi32, #tpu.memory_space<vmem>>, %arg13: memref<128xi32, #tpu.memory_space<vmem>>, %arg14: memref<128xi32, #tpu.memory_space<vmem>>, %arg15: memref<128x128xf32, #tpu.memory_space<vmem>>, %arg16: memref<128x128xf32, #tpu.memory_space<vmem>>, %arg17: memref<128x128xf32, #tpu.memory_space<vmem>>, %arg18: memref<10000x128xf32, #tpu.memory_space<vmem_shared>>, %arg19: memref<!tpu.dma_semaphore, #tpu.memory_space<semaphore_mem>>, %arg20: memref<!tpu.dma_semaphore, #tpu.memory_space<semaphore_mem>>, %arg21: memref<!tpu.dma_semaphore, #tpu.memory_space<semaphore_mem>>) attributes {dimension_semantics = [#tpu.dimension_semantics<core_parallel>, #tpu.dimension_semantics<subcore_parallel>], iteration_bounds = array<i64: 2, 16>, scalar_prefetch = 0 : i64, scratch_operands = 13 : i64, tpu.core_type = #tpu.core_type<sc_vector_subcore>, window_params = [{transform_indices = #map}, {transform_indices = #map}, {transform_indices = #map1}, {transform_indices = #map1}, {transform_indices = #map}, {transform_indices = #map}, {transform_indices = #map}]} {
    %mul3A = arith.constant 624 : i32
    %mul3A_0 = arith.muli %arg1, %mul3A : i32
    "tpu.region"() ({
      %run_scoped3A = tpu.sem_alloc : memref<!tpu.dma_semaphore, #tpu.memory_space<semaphore_mem>>
      %dma_start3A = arith.constant 0 : i32
      %dma_start3A_13 = tpu.memref_slice %arg18[%mul3A_0, %dma_start3A] : memref<10000x128xf32, #tpu.memory_space<vmem_shared>> -> memref<624x128xf32, #tpu.memory_space<vmem_shared>>
      %dma_start3A_14 = arith.constant 0 : i32
      %dma_start3A_15 = tpu.memref_slice %arg6[%mul3A_0, %dma_start3A_14] : memref<10000x128xf32, #tpu.memory_space<hbm>> -> memref<624x128xf32, #tpu.memory_space<hbm>>
      tpu.enqueue_dma source(%dma_start3A_15 : memref<624x128xf32, #tpu.memory_space<hbm>>) target(%dma_start3A_13 : memref<624x128xf32, #tpu.memory_space<vmem_shared>>) target_semaphore(%run_scoped3A : memref<!tpu.dma_semaphore, #tpu.memory_space<semaphore_mem>>)
      %dma_wait3A = arith.constant 0 : i32
      %dma_wait3A_16 = tpu.memref_slice %arg18[%mul3A_0, %dma_wait3A] : memref<10000x128xf32, #tpu.memory_space<vmem_shared>> -> memref<624x128xf32, #tpu.memory_space<vmem_shared>>
      %dma_wait3A_17 = arith.constant 0 : i32
      %dma_wait3A_18 = tpu.memref_slice %arg6[%mul3A_0, %dma_wait3A_17] : memref<10000x128xf32, #tpu.memory_space<hbm>> -> memref<624x128xf32, #tpu.memory_space<hbm>>
      tpu.wait_dma2 semaphore(%run_scoped3A : memref<!tpu.dma_semaphore, #tpu.memory_space<semaphore_mem>>) src(%dma_wait3A_18 : memref<624x128xf32, #tpu.memory_space<hbm>>) dst(%dma_wait3A_16 : memref<624x128xf32, #tpu.memory_space<vmem_shared>>)
      tpu.yield
    }) : () -> ()
    %eq3A = arith.constant 15 : i32
    %eq3A_1 = arith.cmpi eq, %arg1, %eq3A : i32
    %convert_element_type3A = arith.extui %eq3A_1 : i1 to i32
    %cond3A = arith.constant 0 : i32
    %cond3A_2 = arith.cmpi ne, %convert_element_type3A, %cond3A : i32
    scf.if %cond3A_2 {
      "tpu.region"() ({
        %run_scoped3A = tpu.sem_alloc : memref<!tpu.dma_semaphore, #tpu.memory_space<semaphore_mem>>
        %dma_start3A = arith.constant 9984 : i32
        %dma_start3A_13 = arith.constant 0 : i32
        %dma_start3A_14 = tpu.memref_slice %arg18[%dma_start3A, %dma_start3A_13] : memref<10000x128xf32, #tpu.memory_space<vmem_shared>> -> memref<16x128xf32, #tpu.memory_space<vmem_shared>>
        %dma_start3A_15 = arith.constant 9984 : i32
        %dma_start3A_16 = arith.constant 0 : i32
        %dma_start3A_17 = tpu.memref_slice %arg6[%dma_start3A_15, %dma_start3A_16] : memref<10000x128xf32, #tpu.memory_space<hbm>> -> memref<16x128xf32, #tpu.memory_space<hbm>>
        tpu.enqueue_dma source(%dma_start3A_17 : memref<16x128xf32, #tpu.memory_space<hbm>>) target(%dma_start3A_14 : memref<16x128xf32, #tpu.memory_space<vmem_shared>>) target_semaphore(%run_scoped3A : memref<!tpu.dma_semaphore, #tpu.memory_space<semaphore_mem>>)
        %dma_wait3A = arith.constant 9984 : i32
        %dma_wait3A_18 = arith.constant 0 : i32
        %dma_wait3A_19 = tpu.memref_slice %arg18[%dma_wait3A, %dma_wait3A_18] : memref<10000x128xf32, #tpu.memory_space<vmem_shared>> -> memref<16x128xf32, #tpu.memory_space<vmem_shared>>
        %dma_wait3A_20 = arith.constant 9984 : i32
        %dma_wait3A_21 = arith.constant 0 : i32
        %dma_wait3A_22 = tpu.memref_slice %arg6[%dma_wait3A_20, %dma_wait3A_21] : memref<10000x128xf32, #tpu.memory_space<hbm>> -> memref<16x128xf32, #tpu.memory_space<hbm>>
        tpu.wait_dma2 semaphore(%run_scoped3A : memref<!tpu.dma_semaphore, #tpu.memory_space<semaphore_mem>>) src(%dma_wait3A_22 : memref<16x128xf32, #tpu.memory_space<hbm>>) dst(%dma_wait3A_19 : memref<16x128xf32, #tpu.memory_space<vmem_shared>>)
        tpu.yield
      }) : () -> ()
    } else {
    }
    %barrier3A = arith.constant 0 : index
    tpu.barrier barrier_id(%barrier3A)
    %eq3A_3 = arith.constant 0 : i32
    %eq3A_4 = arith.cmpi eq, %arg0, %eq3A_3 : i32
    %convert_element_type3A_5 = arith.extui %eq3A_4 : i1 to i32
    %cond3A_6 = arith.constant 0 : i32
    %cond3A_7 = arith.cmpi ne, %convert_element_type3A_5, %cond3A_6 : i32
    scf.if %cond3A_7 {
      %scan3A = arith.constant 0 : i32
      %scan3A_13 = arith.constant 0 : i32
      %scan3A_14 = arith.constant 52 : i32
      %scan3A_15 = arith.addi %scan3A_13, %scan3A_14 : i32
      %scan3A_16 = arith.constant 1 : i32
      scf.for %scan3A_28 = %scan3A_13 to %scan3A_15 step %scan3A_16  : i32 {
        %mul3A_29 = arith.constant 3 : i32
        %mul3A_30 = arith.muli %scan3A_28, %mul3A_29 : i32
        %mul3A_31 = arith.constant 16 : i32
        %mul3A_32 = arith.muli %mul3A_30, %mul3A_31 : i32
        %add3A = arith.addi %arg1, %mul3A_32 : i32
        %add3A_33 = arith.constant 0 : i32
        %add3A_34 = arith.addi %add3A, %add3A_33 : i32
        %mul3A_35 = arith.constant 128 : i32
        %mul3A_36 = arith.muli %add3A_34, %mul3A_35 : i32
        %dma_start3A = tpu.memref_slice %arg4[%mul3A_36] : memref<320000xi32, #tpu.memory_space<hbm>> -> memref<128xi32, #tpu.memory_space<hbm>>
        %dma_start3A_37 = tpu.memref_slice %arg4[%mul3A_36] : memref<320000xi32, #tpu.memory_space<hbm>> -> memref<128xi32, #tpu.memory_space<hbm>>
        tpu.enqueue_dma source(%dma_start3A_37 : memref<128xi32, #tpu.memory_space<hbm>>) target(%arg9 : memref<128xi32, #tpu.memory_space<vmem>>) target_semaphore(%arg19 : memref<!tpu.dma_semaphore, #tpu.memory_space<semaphore_mem>>)
        %dma_start3A_38 = tpu.memref_slice %arg5[%mul3A_36] : memref<320000xi32, #tpu.memory_space<hbm>> -> memref<128xi32, #tpu.memory_space<hbm>>
        %dma_start3A_39 = tpu.memref_slice %arg5[%mul3A_36] : memref<320000xi32, #tpu.memory_space<hbm>> -> memref<128xi32, #tpu.memory_space<hbm>>
        tpu.enqueue_dma source(%dma_start3A_39 : memref<128xi32, #tpu.memory_space<hbm>>) target(%arg12 : memref<128xi32, #tpu.memory_space<vmem>>) target_semaphore(%arg19 : memref<!tpu.dma_semaphore, #tpu.memory_space<semaphore_mem>>)
        %add3A_40 = arith.constant 16 : i32
        %add3A_41 = arith.addi %add3A, %add3A_40 : i32
        %mul3A_42 = arith.constant 128 : i32
        %mul3A_43 = arith.muli %add3A_41, %mul3A_42 : i32
        %dma_start3A_44 = tpu.memref_slice %arg4[%mul3A_43] : memref<320000xi32, #tpu.memory_space<hbm>> -> memref<128xi32, #tpu.memory_space<hbm>>
        %dma_start3A_45 = tpu.memref_slice %arg4[%mul3A_43] : memref<320000xi32, #tpu.memory_space<hbm>> -> memref<128xi32, #tpu.memory_space<hbm>>
        tpu.enqueue_dma source(%dma_start3A_45 : memref<128xi32, #tpu.memory_space<hbm>>) target(%arg10 : memref<128xi32, #tpu.memory_space<vmem>>) target_semaphore(%arg19 : memref<!tpu.dma_semaphore, #tpu.memory_space<semaphore_mem>>)
        %dma_start3A_46 = tpu.memref_slice %arg5[%mul3A_43] : memref<320000xi32, #tpu.memory_space<hbm>> -> memref<128xi32, #tpu.memory_space<hbm>>
        %dma_start3A_47 = tpu.memref_slice %arg5[%mul3A_43] : memref<320000xi32, #tpu.memory_space<hbm>> -> memref<128xi32, #tpu.memory_space<hbm>>
        tpu.enqueue_dma source(%dma_start3A_47 : memref<128xi32, #tpu.memory_space<hbm>>) target(%arg13 : memref<128xi32, #tpu.memory_space<vmem>>) target_semaphore(%arg19 : memref<!tpu.dma_semaphore, #tpu.memory_space<semaphore_mem>>)
        %add3A_48 = arith.constant 32 : i32
        %add3A_49 = arith.addi %add3A, %add3A_48 : i32
        %mul3A_50 = arith.constant 128 : i32
        %mul3A_51 = arith.muli %add3A_49, %mul3A_50 : i32
        %dma_start3A_52 = tpu.memref_slice %arg4[%mul3A_51] : memref<320000xi32, #tpu.memory_space<hbm>> -> memref<128xi32, #tpu.memory_space<hbm>>
        %dma_start3A_53 = tpu.memref_slice %arg4[%mul3A_51] : memref<320000xi32, #tpu.memory_space<hbm>> -> memref<128xi32, #tpu.memory_space<hbm>>
        tpu.enqueue_dma source(%dma_start3A_53 : memref<128xi32, #tpu.memory_space<hbm>>) target(%arg11 : memref<128xi32, #tpu.memory_space<vmem>>) target_semaphore(%arg19 : memref<!tpu.dma_semaphore, #tpu.memory_space<semaphore_mem>>)
        %dma_start3A_54 = tpu.memref_slice %arg5[%mul3A_51] : memref<320000xi32, #tpu.memory_space<hbm>> -> memref<128xi32, #tpu.memory_space<hbm>>
        %dma_start3A_55 = tpu.memref_slice %arg5[%mul3A_51] : memref<320000xi32, #tpu.memory_space<hbm>> -> memref<128xi32, #tpu.memory_space<hbm>>
        tpu.enqueue_dma source(%dma_start3A_55 : memref<128xi32, #tpu.memory_space<hbm>>) target(%arg14 : memref<128xi32, #tpu.memory_space<vmem>>) target_semaphore(%arg19 : memref<!tpu.dma_semaphore, #tpu.memory_space<semaphore_mem>>)
        %dma_wait3A = tpu.memref_slice %arg4[%mul3A_36] : memref<320000xi32, #tpu.memory_space<hbm>> -> memref<128xi32, #tpu.memory_space<hbm>>
        %dma_wait3A_56 = tpu.memref_slice %arg4[%mul3A_36] : memref<320000xi32, #tpu.memory_space<hbm>> -> memref<128xi32, #tpu.memory_space<hbm>>
        tpu.wait_dma2 semaphore(%arg19 : memref<!tpu.dma_semaphore, #tpu.memory_space<semaphore_mem>>) src(%dma_wait3A_56 : memref<128xi32, #tpu.memory_space<hbm>>) dst(%arg9 : memref<128xi32, #tpu.memory_space<vmem>>)
        %dma_wait3A_57 = tpu.memref_slice %arg5[%mul3A_36] : memref<320000xi32, #tpu.memory_space<hbm>> -> memref<128xi32, #tpu.memory_space<hbm>>
        %dma_wait3A_58 = tpu.memref_slice %arg5[%mul3A_36] : memref<320000xi32, #tpu.memory_space<hbm>> -> memref<128xi32, #tpu.memory_space<hbm>>
        tpu.wait_dma2 semaphore(%arg19 : memref<!tpu.dma_semaphore, #tpu.memory_space<semaphore_mem>>) src(%dma_wait3A_58 : memref<128xi32, #tpu.memory_space<hbm>>) dst(%arg12 : memref<128xi32, #tpu.memory_space<vmem>>)
        %dma_wait3A_59 = tpu.memref_slice %arg4[%mul3A_43] : memref<320000xi32, #tpu.memory_space<hbm>> -> memref<128xi32, #tpu.memory_space<hbm>>
        %dma_wait3A_60 = tpu.memref_slice %arg4[%mul3A_43] : memref<320000xi32, #tpu.memory_space<hbm>> -> memref<128xi32, #tpu.memory_space<hbm>>
        tpu.wait_dma2 semaphore(%arg19 : memref<!tpu.dma_semaphore, #tpu.memory_space<semaphore_mem>>) src(%dma_wait3A_60 : memref<128xi32, #tpu.memory_space<hbm>>) dst(%arg10 : memref<128xi32, #tpu.memory_space<vmem>>)
        %dma_wait3A_61 = tpu.memref_slice %arg5[%mul3A_43] : memref<320000xi32, #tpu.memory_space<hbm>> -> memref<128xi32, #tpu.memory_space<hbm>>
        %dma_wait3A_62 = tpu.memref_slice %arg5[%mul3A_43] : memref<320000xi32, #tpu.memory_space<hbm>> -> memref<128xi32, #tpu.memory_space<hbm>>
        tpu.wait_dma2 semaphore(%arg19 : memref<!tpu.dma_semaphore, #tpu.memory_space<semaphore_mem>>) src(%dma_wait3A_62 : memref<128xi32, #tpu.memory_space<hbm>>) dst(%arg13 : memref<128xi32, #tpu.memory_space<vmem>>)
        %dma_wait3A_63 = tpu.memref_slice %arg4[%mul3A_51] : memref<320000xi32, #tpu.memory_space<hbm>> -> memref<128xi32, #tpu.memory_space<hbm>>
        %dma_wait3A_64 = tpu.memref_slice %arg4[%mul3A_51] : memref<320000xi32, #tpu.memory_space<hbm>> -> memref<128xi32, #tpu.memory_space<hbm>>
        tpu.wait_dma2 semaphore(%arg19 : memref<!tpu.dma_semaphore, #tpu.memory_space<semaphore_mem>>) src(%dma_wait3A_64 : memref<128xi32, #tpu.memory_space<hbm>>) dst(%arg11 : memref<128xi32, #tpu.memory_space<vmem>>)
        %dma_wait3A_65 = tpu.memref_slice %arg5[%mul3A_51] : memref<320000xi32, #tpu.memory_space<hbm>> -> memref<128xi32, #tpu.memory_space<hbm>>
        %dma_wait3A_66 = tpu.memref_slice %arg5[%mul3A_51] : memref<320000xi32, #tpu.memory_space<hbm>> -> memref<128xi32, #tpu.memory_space<hbm>>
        tpu.wait_dma2 semaphore(%arg19 : memref<!tpu.dma_semaphore, #tpu.memory_space<semaphore_mem>>) src(%dma_wait3A_66 : memref<128xi32, #tpu.memory_space<hbm>>) dst(%arg14 : memref<128xi32, #tpu.memory_space<vmem>>)
        %dma_start3A_67 = arith.constant 0 : i32
        %dma_start3A_68 = arith.constant 0 : i32
        %dma_start3A_69 = tpu.memref_slice %arg2[%dma_start3A_67, %dma_start3A_68] : memref<10000x128xf32, #tpu.memory_space<hbm>> -> memref<10000x128xf32, #tpu.memory_space<hbm>>
        tpu.enqueue_indirect_dma source(%dma_start3A_69 : memref<10000x128xf32, #tpu.memory_space<hbm>>) target(%arg15 : memref<128x128xf32, #tpu.memory_space<vmem>>) offsets(%arg9 : memref<128xi32, #tpu.memory_space<vmem>>) semaphore(%arg20 : memref<!tpu.dma_semaphore, #tpu.memory_space<semaphore_mem>>)
        %dma_start3A_70 = arith.constant 0 : i32
        %dma_start3A_71 = arith.constant 0 : i32
        %dma_start3A_72 = tpu.memref_slice %arg2[%dma_start3A_70, %dma_start3A_71] : memref<10000x128xf32, #tpu.memory_space<hbm>> -> memref<10000x128xf32, #tpu.memory_space<hbm>>
        tpu.enqueue_indirect_dma source(%dma_start3A_72 : memref<10000x128xf32, #tpu.memory_space<hbm>>) target(%arg16 : memref<128x128xf32, #tpu.memory_space<vmem>>) offsets(%arg10 : memref<128xi32, #tpu.memory_space<vmem>>) semaphore(%arg20 : memref<!tpu.dma_semaphore, #tpu.memory_space<semaphore_mem>>)
        %dma_start3A_73 = arith.constant 0 : i32
        %dma_start3A_74 = arith.constant 0 : i32
        %dma_start3A_75 = tpu.memref_slice %arg2[%dma_start3A_73, %dma_start3A_74] : memref<10000x128xf32, #tpu.memory_space<hbm>> -> memref<10000x128xf32, #tpu.memory_space<hbm>>
        tpu.enqueue_indirect_dma source(%dma_start3A_75 : memref<10000x128xf32, #tpu.memory_space<hbm>>) target(%arg17 : memref<128x128xf32, #tpu.memory_space<vmem>>) offsets(%arg11 : memref<128xi32, #tpu.memory_space<vmem>>) semaphore(%arg20 : memref<!tpu.dma_semaphore, #tpu.memory_space<semaphore_mem>>)
        %dma_wait3A_76 = arith.constant 0 : i32
        %dma_wait3A_77 = arith.constant 0 : i32
        %dma_wait3A_78 = tpu.memref_slice %arg2[%dma_wait3A_76, %dma_wait3A_77] : memref<10000x128xf32, #tpu.memory_space<hbm>> -> memref<10000x128xf32, #tpu.memory_space<hbm>>
        tpu.wait_indirect_dma semaphore(%arg20 : memref<!tpu.dma_semaphore, #tpu.memory_space<semaphore_mem>>) src(%dma_wait3A_78 : memref<10000x128xf32, #tpu.memory_space<hbm>>) dst(%arg15 : memref<128x128xf32, #tpu.memory_space<vmem>>)
        %dma_wait3A_79 = arith.constant 0 : i32
        %dma_wait3A_80 = arith.constant 0 : i32
        %dma_wait3A_81 = tpu.memref_slice %arg2[%dma_wait3A_79, %dma_wait3A_80] : memref<10000x128xf32, #tpu.memory_space<hbm>> -> memref<10000x128xf32, #tpu.memory_space<hbm>>
        tpu.wait_indirect_dma semaphore(%arg20 : memref<!tpu.dma_semaphore, #tpu.memory_space<semaphore_mem>>) src(%dma_wait3A_81 : memref<10000x128xf32, #tpu.memory_space<hbm>>) dst(%arg16 : memref<128x128xf32, #tpu.memory_space<vmem>>)
        %dma_wait3A_82 = arith.constant 0 : i32
        %dma_wait3A_83 = arith.constant 0 : i32
        %dma_wait3A_84 = tpu.memref_slice %arg2[%dma_wait3A_82, %dma_wait3A_83] : memref<10000x128xf32, #tpu.memory_space<hbm>> -> memref<10000x128xf32, #tpu.memory_space<hbm>>
        tpu.wait_indirect_dma semaphore(%arg20 : memref<!tpu.dma_semaphore, #tpu.memory_space<semaphore_mem>>) src(%dma_wait3A_84 : memref<10000x128xf32, #tpu.memory_space<hbm>>) dst(%arg17 : memref<128x128xf32, #tpu.memory_space<vmem>>)
        %dma_start3A_85 = arith.constant 0 : i32
        %dma_start3A_86 = arith.constant 0 : i32
        %dma_start3A_87 = tpu.memref_slice %arg18[%dma_start3A_85, %dma_start3A_86] : memref<10000x128xf32, #tpu.memory_space<vmem_shared>> -> memref<10000x128xf32, #tpu.memory_space<vmem_shared>>
        tpu.enqueue_indirect_dma source(%arg15 : memref<128x128xf32, #tpu.memory_space<vmem>>) target(%dma_start3A_87 : memref<10000x128xf32, #tpu.memory_space<vmem_shared>>) offsets(%arg12 : memref<128xi32, #tpu.memory_space<vmem>>) semaphore(%arg21 : memref<!tpu.dma_semaphore, #tpu.memory_space<semaphore_mem>>) {add = true}
        %dma_start3A_88 = arith.constant 0 : i32
        %dma_start3A_89 = arith.constant 0 : i32
        %dma_start3A_90 = tpu.memref_slice %arg18[%dma_start3A_88, %dma_start3A_89] : memref<10000x128xf32, #tpu.memory_space<vmem_shared>> -> memref<10000x128xf32, #tpu.memory_space<vmem_shared>>
        tpu.enqueue_indirect_dma source(%arg16 : memref<128x128xf32, #tpu.memory_space<vmem>>) target(%dma_start3A_90 : memref<10000x128xf32, #tpu.memory_space<vmem_shared>>) offsets(%arg13 : memref<128xi32, #tpu.memory_space<vmem>>) semaphore(%arg21 : memref<!tpu.dma_semaphore, #tpu.memory_space<semaphore_mem>>) {add = true}
        %dma_start3A_91 = arith.constant 0 : i32
        %dma_start3A_92 = arith.constant 0 : i32
        %dma_start3A_93 = tpu.memref_slice %arg18[%dma_start3A_91, %dma_start3A_92] : memref<10000x128xf32, #tpu.memory_space<vmem_shared>> -> memref<10000x128xf32, #tpu.memory_space<vmem_shared>>
        tpu.enqueue_indirect_dma source(%arg17 : memref<128x128xf32, #tpu.memory_space<vmem>>) target(%dma_start3A_93 : memref<10000x128xf32, #tpu.memory_space<vmem_shared>>) offsets(%arg14 : memref<128xi32, #tpu.memory_space<vmem>>) semaphore(%arg21 : memref<!tpu.dma_semaphore, #tpu.memory_space<semaphore_mem>>) {add = true}
        %dma_wait3A_94 = arith.constant 0 : i32
        %dma_wait3A_95 = arith.constant 0 : i32
        %dma_wait3A_96 = tpu.memref_slice %arg18[%dma_wait3A_94, %dma_wait3A_95] : memref<10000x128xf32, #tpu.memory_space<vmem_shared>> -> memref<10000x128xf32, #tpu.memory_space<vmem_shared>>
        tpu.wait_indirect_dma semaphore(%arg21 : memref<!tpu.dma_semaphore, #tpu.memory_space<semaphore_mem>>) src(%arg15 : memref<128x128xf32, #tpu.memory_space<vmem>>) dst(%dma_wait3A_96 : memref<10000x128xf32, #tpu.memory_space<vmem_shared>>)
        %dma_wait3A_97 = arith.constant 0 : i32
        %dma_wait3A_98 = arith.constant 0 : i32
        %dma_wait3A_99 = tpu.memref_slice %arg18[%dma_wait3A_97, %dma_wait3A_98] : memref<10000x128xf32, #tpu.memory_space<vmem_shared>> -> memref<10000x128xf32, #tpu.memory_space<vmem_shared>>
        tpu.wait_indirect_dma semaphore(%arg21 : memref<!tpu.dma_semaphore, #tpu.memory_space<semaphore_mem>>) src(%arg16 : memref<128x128xf32, #tpu.memory_space<vmem>>) dst(%dma_wait3A_99 : memref<10000x128xf32, #tpu.memory_space<vmem_shared>>)
        %dma_wait3A_100 = arith.constant 0 : i32
        %dma_wait3A_101 = arith.constant 0 : i32
        %dma_wait3A_102 = tpu.memref_slice %arg18[%dma_wait3A_100, %dma_wait3A_101] : memref<10000x128xf32, #tpu.memory_space<vmem_shared>> -> memref<10000x128xf32, #tpu.memory_space<vmem_shared>>
        tpu.wait_indirect_dma semaphore(%arg21 : memref<!tpu.dma_semaphore, #tpu.memory_space<semaphore_mem>>) src(%arg17 : memref<128x128xf32, #tpu.memory_space<vmem>>) dst(%dma_wait3A_102 : memref<10000x128xf32, #tpu.memory_space<vmem_shared>>)
      }
      %scan3A_17 = arith.constant 52 : i32
      %lt3A = arith.constant 4 : i32
      %lt3A_18 = arith.cmpi slt, %arg1, %lt3A : i32
      %convert_element_type3A_19 = arith.extui %lt3A_18 : i1 to i32
      %cond3A_20 = arith.constant 0 : i32
      %cond3A_21 = arith.cmpi ne, %convert_element_type3A_19, %cond3A_20 : i32
      scf.if %cond3A_21 {
        %add3A = arith.constant 2496 : i32
        %add3A_28 = arith.addi %arg1, %add3A : i32
        %mul3A_29 = arith.constant 128 : i32
        %mul3A_30 = arith.muli %add3A_28, %mul3A_29 : i32
        "tpu.region"() ({
          %run_scoped3A = tpu.sem_alloc : memref<!tpu.dma_semaphore, #tpu.memory_space<semaphore_mem>>
          %dma_start3A_35 = tpu.memref_slice %arg4[%mul3A_30] : memref<320000xi32, #tpu.memory_space<hbm>> -> memref<128xi32, #tpu.memory_space<hbm>>
          %dma_start3A_36 = tpu.memref_slice %arg4[%mul3A_30] : memref<320000xi32, #tpu.memory_space<hbm>> -> memref<128xi32, #tpu.memory_space<hbm>>
          tpu.enqueue_dma source(%dma_start3A_36 : memref<128xi32, #tpu.memory_space<hbm>>) target(%arg9 : memref<128xi32, #tpu.memory_space<vmem>>) target_semaphore(%run_scoped3A : memref<!tpu.dma_semaphore, #tpu.memory_space<semaphore_mem>>)
          %dma_wait3A_37 = tpu.memref_slice %arg4[%mul3A_30] : memref<320000xi32, #tpu.memory_space<hbm>> -> memref<128xi32, #tpu.memory_space<hbm>>
          %dma_wait3A_38 = tpu.memref_slice %arg4[%mul3A_30] : memref<320000xi32, #tpu.memory_space<hbm>> -> memref<128xi32, #tpu.memory_space<hbm>>
          tpu.wait_dma2 semaphore(%run_scoped3A : memref<!tpu.dma_semaphore, #tpu.memory_space<semaphore_mem>>) src(%dma_wait3A_38 : memref<128xi32, #tpu.memory_space<hbm>>) dst(%arg9 : memref<128xi32, #tpu.memory_space<vmem>>)
          tpu.yield
        }) : () -> ()
        "tpu.region"() ({
          %run_scoped3A = tpu.sem_alloc : memref<!tpu.dma_semaphore, #tpu.memory_space<semaphore_mem>>
          %dma_start3A_35 = tpu.memref_slice %arg5[%mul3A_30] : memref<320000xi32, #tpu.memory_space<hbm>> -> memref<128xi32, #tpu.memory_space<hbm>>
          %dma_start3A_36 = tpu.memref_slice %arg5[%mul3A_30] : memref<320000xi32, #tpu.memory_space<hbm>> -> memref<128xi32, #tpu.memory_space<hbm>>
          tpu.enqueue_dma source(%dma_start3A_36 : memref<128xi32, #tpu.memory_space<hbm>>) target(%arg12 : memref<128xi32, #tpu.memory_space<vmem>>) target_semaphore(%run_scoped3A : memref<!tpu.dma_semaphore, #tpu.memory_space<semaphore_mem>>)
          %dma_wait3A_37 = tpu.memref_slice %arg5[%mul3A_30] : memref<320000xi32, #tpu.memory_space<hbm>> -> memref<128xi32, #tpu.memory_space<hbm>>
          %dma_wait3A_38 = tpu.memref_slice %arg5[%mul3A_30] : memref<320000xi32, #tpu.memory_space<hbm>> -> memref<128xi32, #tpu.memory_space<hbm>>
          tpu.wait_dma2 semaphore(%run_scoped3A : memref<!tpu.dma_semaphore, #tpu.memory_space<semaphore_mem>>) src(%dma_wait3A_38 : memref<128xi32, #tpu.memory_space<hbm>>) dst(%arg12 : memref<128xi32, #tpu.memory_space<vmem>>)
          tpu.yield
        }) : () -> ()
        %dma_start3A = arith.constant 0 : i32
        %dma_start3A_31 = arith.constant 0 : i32
        %dma_start3A_32 = tpu.memref_slice %arg2[%dma_start3A, %dma_start3A_31] : memref<10000x128xf32, #tpu.memory_space<hbm>> -> memref<10000x128xf32, #tpu.memory_space<hbm>>
        tpu.enqueue_indirect_dma source(%dma_start3A_32 : memref<10000x128xf32, #tpu.memory_space<hbm>>) target(%arg15 : memref<128x128xf32, #tpu.memory_space<vmem>>) offsets(%arg9 : memref<128xi32, #tpu.memory_space<vmem>>) semaphore(%arg20 : memref<!tpu.dma_semaphore, #tpu.memory_space<semaphore_mem>>)
        %dma_wait3A = arith.constant 0 : i32
        %dma_wait3A_33 = arith.constant 0 : i32
        %dma_wait3A_34 = tpu.memref_slice %arg2[%dma_wait3A, %dma_wait3A_33] : memref<10000x128xf32, #tpu.memory_space<hbm>> -> memref<10000x128xf32, #tpu.memory_space<hbm>>
        tpu.wait_indirect_dma semaphore(%arg20 : memref<!tpu.dma_semaphore, #tpu.memory_space<semaphore_mem>>) src(%dma_wait3A_34 : memref<10000x128xf32, #tpu.memory_space<hbm>>) dst(%arg15 : memref<128x128xf32, #tpu.memory_space<vmem>>)
        "tpu.region"() ({
          %run_scoped3A = tpu.sem_alloc : memref<!tpu.dma_semaphore, #tpu.memory_space<semaphore_mem>>
          %dma_start3A_35 = arith.constant 0 : i32
          %dma_start3A_36 = arith.constant 0 : i32
          %dma_start3A_37 = tpu.memref_slice %arg18[%dma_start3A_35, %dma_start3A_36] : memref<10000x128xf32, #tpu.memory_space<vmem_shared>> -> memref<10000x128xf32, #tpu.memory_space<vmem_shared>>
          tpu.enqueue_indirect_dma source(%arg15 : memref<128x128xf32, #tpu.memory_space<vmem>>) target(%dma_start3A_37 : memref<10000x128xf32, #tpu.memory_space<vmem_shared>>) offsets(%arg12 : memref<128xi32, #tpu.memory_space<vmem>>) semaphore(%run_scoped3A : memref<!tpu.dma_semaphore, #tpu.memory_space<semaphore_mem>>) {add = true}
          %dma_wait3A_38 = arith.constant 0 : i32
          %dma_wait3A_39 = arith.constant 0 : i32
          %dma_wait3A_40 = tpu.memref_slice %arg18[%dma_wait3A_38, %dma_wait3A_39] : memref<10000x128xf32, #tpu.memory_space<vmem_shared>> -> memref<10000x128xf32, #tpu.memory_space<vmem_shared>>
          tpu.wait_indirect_dma semaphore(%run_scoped3A : memref<!tpu.dma_semaphore, #tpu.memory_space<semaphore_mem>>) src(%arg15 : memref<128x128xf32, #tpu.memory_space<vmem>>) dst(%dma_wait3A_40 : memref<10000x128xf32, #tpu.memory_space<vmem_shared>>)
          tpu.yield
        }) : () -> ()
      } else {
      }
      %barrier3A_22 = arith.constant 0 : index
      tpu.barrier barrier_id(%barrier3A_22)
      "tpu.region"() ({
        %run_scoped3A = tpu.sem_alloc : memref<!tpu.dma_semaphore, #tpu.memory_space<semaphore_mem>>
        %dma_start3A = arith.constant 0 : i32
        %dma_start3A_28 = tpu.memref_slice %arg7[%mul3A_0, %dma_start3A] : memref<10000x128xf32, #tpu.memory_space<hbm>> -> memref<624x128xf32, #tpu.memory_space<hbm>>
        %dma_start3A_29 = arith.constant 0 : i32
        %dma_start3A_30 = tpu.memref_slice %arg18[%mul3A_0, %dma_start3A_29] : memref<10000x128xf32, #tpu.memory_space<vmem_shared>> -> memref<624x128xf32, #tpu.memory_space<vmem_shared>>
        tpu.enqueue_dma source(%dma_start3A_30 : memref<624x128xf32, #tpu.memory_space<vmem_shared>>) target(%dma_start3A_28 : memref<624x128xf32, #tpu.memory_space<hbm>>) target_semaphore(%run_scoped3A : memref<!tpu.dma_semaphore, #tpu.memory_space<semaphore_mem>>)
        %dma_wait3A = arith.constant 0 : i32
        %dma_wait3A_31 = tpu.memref_slice %arg7[%mul3A_0, %dma_wait3A] : memref<10000x128xf32, #tpu.memory_space<hbm>> -> memref<624x128xf32, #tpu.memory_space<hbm>>
        %dma_wait3A_32 = arith.constant 0 : i32
        %dma_wait3A_33 = tpu.memref_slice %arg18[%mul3A_0, %dma_wait3A_32] : memref<10000x128xf32, #tpu.memory_space<vmem_shared>> -> memref<624x128xf32, #tpu.memory_space<vmem_shared>>
        tpu.wait_dma2 semaphore(%run_scoped3A : memref<!tpu.dma_semaphore, #tpu.memory_space<semaphore_mem>>) src(%dma_wait3A_33 : memref<624x128xf32, #tpu.memory_space<vmem_shared>>) dst(%dma_wait3A_31 : memref<624x128xf32, #tpu.memory_space<hbm>>)
        tpu.yield
      }) : () -> ()
      %eq3A_23 = arith.constant 15 : i32
      %eq3A_24 = arith.cmpi eq, %arg1, %eq3A_23 : i32
      %convert_element_type3A_25 = arith.extui %eq3A_24 : i1 to i32
      %cond3A_26 = arith.constant 0 : i32
      %cond3A_27 = arith.cmpi ne, %convert_element_type3A_25, %cond3A_26 : i32
      scf.if %cond3A_27 {
        "tpu.region"() ({
          %run_scoped3A = tpu.sem_alloc : memref<!tpu.dma_semaphore, #tpu.memory_space<semaphore_mem>>
          %dma_start3A = arith.constant 9984 : i32
          %dma_start3A_28 = arith.constant 0 : i32
          %dma_start3A_29 = tpu.memref_slice %arg7[%dma_start3A, %dma_start3A_28] : memref<10000x128xf32, #tpu.memory_space<hbm>> -> memref<16x128xf32, #tpu.memory_space<hbm>>
          %dma_start3A_30 = arith.constant 9984 : i32
          %dma_start3A_31 = arith.constant 0 : i32
          %dma_start3A_32 = tpu.memref_slice %arg18[%dma_start3A_30, %dma_start3A_31] : memref<10000x128xf32, #tpu.memory_space<vmem_shared>> -> memref<16x128xf32, #tpu.memory_space<vmem_shared>>
          tpu.enqueue_dma source(%dma_start3A_32 : memref<16x128xf32, #tpu.memory_space<vmem_shared>>) target(%dma_start3A_29 : memref<16x128xf32, #tpu.memory_space<hbm>>) target_semaphore(%run_scoped3A : memref<!tpu.dma_semaphore, #tpu.memory_space<semaphore_mem>>)
          %dma_wait3A = arith.constant 9984 : i32
          %dma_wait3A_33 = arith.constant 0 : i32
          %dma_wait3A_34 = tpu.memref_slice %arg7[%dma_wait3A, %dma_wait3A_33] : memref<10000x128xf32, #tpu.memory_space<hbm>> -> memref<16x128xf32, #tpu.memory_space<hbm>>
          %dma_wait3A_35 = arith.constant 9984 : i32
          %dma_wait3A_36 = arith.constant 0 : i32
          %dma_wait3A_37 = tpu.memref_slice %arg18[%dma_wait3A_35, %dma_wait3A_36] : memref<10000x128xf32, #tpu.memory_space<vmem_shared>> -> memref<16x128xf32, #tpu.memory_space<vmem_shared>>
          tpu.wait_dma2 semaphore(%run_scoped3A : memref<!tpu.dma_semaphore, #tpu.memory_space<semaphore_mem>>) src(%dma_wait3A_37 : memref<16x128xf32, #tpu.memory_space<vmem_shared>>) dst(%dma_wait3A_34 : memref<16x128xf32, #tpu.memory_space<hbm>>)
          tpu.yield
        }) : () -> ()
      } else {
      }
    } else {
    }
    %eq3A_8 = arith.constant 1 : i32
    %eq3A_9 = arith.cmpi eq, %arg0, %eq3A_8 : i32
    %convert_element_type3A_10 = arith.extui %eq3A_9 : i1 to i32
    %cond3A_11 = arith.constant 0 : i32
    %cond3A_12 = arith.cmpi ne, %convert_element_type3A_10, %cond3A_11 : i32
    scf.if %cond3A_12 {
      %scan3A = arith.constant 0 : i32
      %scan3A_13 = arith.constant 0 : i32
      %scan3A_14 = arith.constant 52 : i32
      %scan3A_15 = arith.addi %scan3A_13, %scan3A_14 : i32
      %scan3A_16 = arith.constant 1 : i32
      scf.for %scan3A_28 = %scan3A_13 to %scan3A_15 step %scan3A_16  : i32 {
        %mul3A_29 = arith.constant 3 : i32
        %mul3A_30 = arith.muli %scan3A_28, %mul3A_29 : i32
        %mul3A_31 = arith.constant 16 : i32
        %mul3A_32 = arith.muli %mul3A_30, %mul3A_31 : i32
        %add3A = arith.addi %arg1, %mul3A_32 : i32
        %add3A_33 = arith.constant 0 : i32
        %add3A_34 = arith.addi %add3A, %add3A_33 : i32
        %mul3A_35 = arith.constant 128 : i32
        %mul3A_36 = arith.muli %add3A_34, %mul3A_35 : i32
        %dma_start3A = tpu.memref_slice %arg5[%mul3A_36] : memref<320000xi32, #tpu.memory_space<hbm>> -> memref<128xi32, #tpu.memory_space<hbm>>
        %dma_start3A_37 = tpu.memref_slice %arg5[%mul3A_36] : memref<320000xi32, #tpu.memory_space<hbm>> -> memref<128xi32, #tpu.memory_space<hbm>>
        tpu.enqueue_dma source(%dma_start3A_37 : memref<128xi32, #tpu.memory_space<hbm>>) target(%arg9 : memref<128xi32, #tpu.memory_space<vmem>>) target_semaphore(%arg19 : memref<!tpu.dma_semaphore, #tpu.memory_space<semaphore_mem>>)
        %dma_start3A_38 = tpu.memref_slice %arg4[%mul3A_36] : memref<320000xi32, #tpu.memory_space<hbm>> -> memref<128xi32, #tpu.memory_space<hbm>>
        %dma_start3A_39 = tpu.memref_slice %arg4[%mul3A_36] : memref<320000xi32, #tpu.memory_space<hbm>> -> memref<128xi32, #tpu.memory_space<hbm>>
        tpu.enqueue_dma source(%dma_start3A_39 : memref<128xi32, #tpu.memory_space<hbm>>) target(%arg12 : memref<128xi32, #tpu.memory_space<vmem>>) target_semaphore(%arg19 : memref<!tpu.dma_semaphore, #tpu.memory_space<semaphore_mem>>)
        %add3A_40 = arith.constant 16 : i32
        %add3A_41 = arith.addi %add3A, %add3A_40 : i32
        %mul3A_42 = arith.constant 128 : i32
        %mul3A_43 = arith.muli %add3A_41, %mul3A_42 : i32
        %dma_start3A_44 = tpu.memref_slice %arg5[%mul3A_43] : memref<320000xi32, #tpu.memory_space<hbm>> -> memref<128xi32, #tpu.memory_space<hbm>>
        %dma_start3A_45 = tpu.memref_slice %arg5[%mul3A_43] : memref<320000xi32, #tpu.memory_space<hbm>> -> memref<128xi32, #tpu.memory_space<hbm>>
        tpu.enqueue_dma source(%dma_start3A_45 : memref<128xi32, #tpu.memory_space<hbm>>) target(%arg10 : memref<128xi32, #tpu.memory_space<vmem>>) target_semaphore(%arg19 : memref<!tpu.dma_semaphore, #tpu.memory_space<semaphore_mem>>)
        %dma_start3A_46 = tpu.memref_slice %arg4[%mul3A_43] : memref<320000xi32, #tpu.memory_space<hbm>> -> memref<128xi32, #tpu.memory_space<hbm>>
        %dma_start3A_47 = tpu.memref_slice %arg4[%mul3A_43] : memref<320000xi32, #tpu.memory_space<hbm>> -> memref<128xi32, #tpu.memory_space<hbm>>
        tpu.enqueue_dma source(%dma_start3A_47 : memref<128xi32, #tpu.memory_space<hbm>>) target(%arg13 : memref<128xi32, #tpu.memory_space<vmem>>) target_semaphore(%arg19 : memref<!tpu.dma_semaphore, #tpu.memory_space<semaphore_mem>>)
        %add3A_48 = arith.constant 32 : i32
        %add3A_49 = arith.addi %add3A, %add3A_48 : i32
        %mul3A_50 = arith.constant 128 : i32
        %mul3A_51 = arith.muli %add3A_49, %mul3A_50 : i32
        %dma_start3A_52 = tpu.memref_slice %arg5[%mul3A_51] : memref<320000xi32, #tpu.memory_space<hbm>> -> memref<128xi32, #tpu.memory_space<hbm>>
        %dma_start3A_53 = tpu.memref_slice %arg5[%mul3A_51] : memref<320000xi32, #tpu.memory_space<hbm>> -> memref<128xi32, #tpu.memory_space<hbm>>
        tpu.enqueue_dma source(%dma_start3A_53 : memref<128xi32, #tpu.memory_space<hbm>>) target(%arg11 : memref<128xi32, #tpu.memory_space<vmem>>) target_semaphore(%arg19 : memref<!tpu.dma_semaphore, #tpu.memory_space<semaphore_mem>>)
        %dma_start3A_54 = tpu.memref_slice %arg4[%mul3A_51] : memref<320000xi32, #tpu.memory_space<hbm>> -> memref<128xi32, #tpu.memory_space<hbm>>
        %dma_start3A_55 = tpu.memref_slice %arg4[%mul3A_51] : memref<320000xi32, #tpu.memory_space<hbm>> -> memref<128xi32, #tpu.memory_space<hbm>>
        tpu.enqueue_dma source(%dma_start3A_55 : memref<128xi32, #tpu.memory_space<hbm>>) target(%arg14 : memref<128xi32, #tpu.memory_space<vmem>>) target_semaphore(%arg19 : memref<!tpu.dma_semaphore, #tpu.memory_space<semaphore_mem>>)
        %dma_wait3A = tpu.memref_slice %arg5[%mul3A_36] : memref<320000xi32, #tpu.memory_space<hbm>> -> memref<128xi32, #tpu.memory_space<hbm>>
        %dma_wait3A_56 = tpu.memref_slice %arg5[%mul3A_36] : memref<320000xi32, #tpu.memory_space<hbm>> -> memref<128xi32, #tpu.memory_space<hbm>>
        tpu.wait_dma2 semaphore(%arg19 : memref<!tpu.dma_semaphore, #tpu.memory_space<semaphore_mem>>) src(%dma_wait3A_56 : memref<128xi32, #tpu.memory_space<hbm>>) dst(%arg9 : memref<128xi32, #tpu.memory_space<vmem>>)
        %dma_wait3A_57 = tpu.memref_slice %arg4[%mul3A_36] : memref<320000xi32, #tpu.memory_space<hbm>> -> memref<128xi32, #tpu.memory_space<hbm>>
        %dma_wait3A_58 = tpu.memref_slice %arg4[%mul3A_36] : memref<320000xi32, #tpu.memory_space<hbm>> -> memref<128xi32, #tpu.memory_space<hbm>>
        tpu.wait_dma2 semaphore(%arg19 : memref<!tpu.dma_semaphore, #tpu.memory_space<semaphore_mem>>) src(%dma_wait3A_58 : memref<128xi32, #tpu.memory_space<hbm>>) dst(%arg12 : memref<128xi32, #tpu.memory_space<vmem>>)
        %dma_wait3A_59 = tpu.memref_slice %arg5[%mul3A_43] : memref<320000xi32, #tpu.memory_space<hbm>> -> memref<128xi32, #tpu.memory_space<hbm>>
        %dma_wait3A_60 = tpu.memref_slice %arg5[%mul3A_43] : memref<320000xi32, #tpu.memory_space<hbm>> -> memref<128xi32, #tpu.memory_space<hbm>>
        tpu.wait_dma2 semaphore(%arg19 : memref<!tpu.dma_semaphore, #tpu.memory_space<semaphore_mem>>) src(%dma_wait3A_60 : memref<128xi32, #tpu.memory_space<hbm>>) dst(%arg10 : memref<128xi32, #tpu.memory_space<vmem>>)
        %dma_wait3A_61 = tpu.memref_slice %arg4[%mul3A_43] : memref<320000xi32, #tpu.memory_space<hbm>> -> memref<128xi32, #tpu.memory_space<hbm>>
        %dma_wait3A_62 = tpu.memref_slice %arg4[%mul3A_43] : memref<320000xi32, #tpu.memory_space<hbm>> -> memref<128xi32, #tpu.memory_space<hbm>>
        tpu.wait_dma2 semaphore(%arg19 : memref<!tpu.dma_semaphore, #tpu.memory_space<semaphore_mem>>) src(%dma_wait3A_62 : memref<128xi32, #tpu.memory_space<hbm>>) dst(%arg13 : memref<128xi32, #tpu.memory_space<vmem>>)
        %dma_wait3A_63 = tpu.memref_slice %arg5[%mul3A_51] : memref<320000xi32, #tpu.memory_space<hbm>> -> memref<128xi32, #tpu.memory_space<hbm>>
        %dma_wait3A_64 = tpu.memref_slice %arg5[%mul3A_51] : memref<320000xi32, #tpu.memory_space<hbm>> -> memref<128xi32, #tpu.memory_space<hbm>>
        tpu.wait_dma2 semaphore(%arg19 : memref<!tpu.dma_semaphore, #tpu.memory_space<semaphore_mem>>) src(%dma_wait3A_64 : memref<128xi32, #tpu.memory_space<hbm>>) dst(%arg11 : memref<128xi32, #tpu.memory_space<vmem>>)
        %dma_wait3A_65 = tpu.memref_slice %arg4[%mul3A_51] : memref<320000xi32, #tpu.memory_space<hbm>> -> memref<128xi32, #tpu.memory_space<hbm>>
        %dma_wait3A_66 = tpu.memref_slice %arg4[%mul3A_51] : memref<320000xi32, #tpu.memory_space<hbm>> -> memref<128xi32, #tpu.memory_space<hbm>>
        tpu.wait_dma2 semaphore(%arg19 : memref<!tpu.dma_semaphore, #tpu.memory_space<semaphore_mem>>) src(%dma_wait3A_66 : memref<128xi32, #tpu.memory_space<hbm>>) dst(%arg14 : memref<128xi32, #tpu.memory_space<vmem>>)
        %dma_start3A_67 = arith.constant 0 : i32
        %dma_start3A_68 = arith.constant 0 : i32
        %dma_start3A_69 = tpu.memref_slice %arg3[%dma_start3A_67, %dma_start3A_68] : memref<10000x128xf32, #tpu.memory_space<hbm>> -> memref<10000x128xf32, #tpu.memory_space<hbm>>
        tpu.enqueue_indirect_dma source(%dma_start3A_69 : memref<10000x128xf32, #tpu.memory_space<hbm>>) target(%arg15 : memref<128x128xf32, #tpu.memory_space<vmem>>) offsets(%arg9 : memref<128xi32, #tpu.memory_space<vmem>>) semaphore(%arg20 : memref<!tpu.dma_semaphore, #tpu.memory_space<semaphore_mem>>)
        %dma_start3A_70 = arith.constant 0 : i32
        %dma_start3A_71 = arith.constant 0 : i32
        %dma_start3A_72 = tpu.memref_slice %arg3[%dma_start3A_70, %dma_start3A_71] : memref<10000x128xf32, #tpu.memory_space<hbm>> -> memref<10000x128xf32, #tpu.memory_space<hbm>>
        tpu.enqueue_indirect_dma source(%dma_start3A_72 : memref<10000x128xf32, #tpu.memory_space<hbm>>) target(%arg16 : memref<128x128xf32, #tpu.memory_space<vmem>>) offsets(%arg10 : memref<128xi32, #tpu.memory_space<vmem>>) semaphore(%arg20 : memref<!tpu.dma_semaphore, #tpu.memory_space<semaphore_mem>>)
        %dma_start3A_73 = arith.constant 0 : i32
        %dma_start3A_74 = arith.constant 0 : i32
        %dma_start3A_75 = tpu.memref_slice %arg3[%dma_start3A_73, %dma_start3A_74] : memref<10000x128xf32, #tpu.memory_space<hbm>> -> memref<10000x128xf32, #tpu.memory_space<hbm>>
        tpu.enqueue_indirect_dma source(%dma_start3A_75 : memref<10000x128xf32, #tpu.memory_space<hbm>>) target(%arg17 : memref<128x128xf32, #tpu.memory_space<vmem>>) offsets(%arg11 : memref<128xi32, #tpu.memory_space<vmem>>) semaphore(%arg20 : memref<!tpu.dma_semaphore, #tpu.memory_space<semaphore_mem>>)
        %dma_wait3A_76 = arith.constant 0 : i32
        %dma_wait3A_77 = arith.constant 0 : i32
        %dma_wait3A_78 = tpu.memref_slice %arg3[%dma_wait3A_76, %dma_wait3A_77] : memref<10000x128xf32, #tpu.memory_space<hbm>> -> memref<10000x128xf32, #tpu.memory_space<hbm>>
        tpu.wait_indirect_dma semaphore(%arg20 : memref<!tpu.dma_semaphore, #tpu.memory_space<semaphore_mem>>) src(%dma_wait3A_78 : memref<10000x128xf32, #tpu.memory_space<hbm>>) dst(%arg15 : memref<128x128xf32, #tpu.memory_space<vmem>>)
        %dma_wait3A_79 = arith.constant 0 : i32
        %dma_wait3A_80 = arith.constant 0 : i32
        %dma_wait3A_81 = tpu.memref_slice %arg3[%dma_wait3A_79, %dma_wait3A_80] : memref<10000x128xf32, #tpu.memory_space<hbm>> -> memref<10000x128xf32, #tpu.memory_space<hbm>>
        tpu.wait_indirect_dma semaphore(%arg20 : memref<!tpu.dma_semaphore, #tpu.memory_space<semaphore_mem>>) src(%dma_wait3A_81 : memref<10000x128xf32, #tpu.memory_space<hbm>>) dst(%arg16 : memref<128x128xf32, #tpu.memory_space<vmem>>)
        %dma_wait3A_82 = arith.constant 0 : i32
        %dma_wait3A_83 = arith.constant 0 : i32
        %dma_wait3A_84 = tpu.memref_slice %arg3[%dma_wait3A_82, %dma_wait3A_83] : memref<10000x128xf32, #tpu.memory_space<hbm>> -> memref<10000x128xf32, #tpu.memory_space<hbm>>
        tpu.wait_indirect_dma semaphore(%arg20 : memref<!tpu.dma_semaphore, #tpu.memory_space<semaphore_mem>>) src(%dma_wait3A_84 : memref<10000x128xf32, #tpu.memory_space<hbm>>) dst(%arg17 : memref<128x128xf32, #tpu.memory_space<vmem>>)
        %dma_start3A_85 = arith.constant 0 : i32
        %dma_start3A_86 = arith.constant 0 : i32
        %dma_start3A_87 = tpu.memref_slice %arg18[%dma_start3A_85, %dma_start3A_86] : memref<10000x128xf32, #tpu.memory_space<vmem_shared>> -> memref<10000x128xf32, #tpu.memory_space<vmem_shared>>
        tpu.enqueue_indirect_dma source(%arg15 : memref<128x128xf32, #tpu.memory_space<vmem>>) target(%dma_start3A_87 : memref<10000x128xf32, #tpu.memory_space<vmem_shared>>) offsets(%arg12 : memref<128xi32, #tpu.memory_space<vmem>>) semaphore(%arg21 : memref<!tpu.dma_semaphore, #tpu.memory_space<semaphore_mem>>) {add = true}
        %dma_start3A_88 = arith.constant 0 : i32
        %dma_start3A_89 = arith.constant 0 : i32
        %dma_start3A_90 = tpu.memref_slice %arg18[%dma_start3A_88, %dma_start3A_89] : memref<10000x128xf32, #tpu.memory_space<vmem_shared>> -> memref<10000x128xf32, #tpu.memory_space<vmem_shared>>
        tpu.enqueue_indirect_dma source(%arg16 : memref<128x128xf32, #tpu.memory_space<vmem>>) target(%dma_start3A_90 : memref<10000x128xf32, #tpu.memory_space<vmem_shared>>) offsets(%arg13 : memref<128xi32, #tpu.memory_space<vmem>>) semaphore(%arg21 : memref<!tpu.dma_semaphore, #tpu.memory_space<semaphore_mem>>) {add = true}
        %dma_start3A_91 = arith.constant 0 : i32
        %dma_start3A_92 = arith.constant 0 : i32
        %dma_start3A_93 = tpu.memref_slice %arg18[%dma_start3A_91, %dma_start3A_92] : memref<10000x128xf32, #tpu.memory_space<vmem_shared>> -> memref<10000x128xf32, #tpu.memory_space<vmem_shared>>
        tpu.enqueue_indirect_dma source(%arg17 : memref<128x128xf32, #tpu.memory_space<vmem>>) target(%dma_start3A_93 : memref<10000x128xf32, #tpu.memory_space<vmem_shared>>) offsets(%arg14 : memref<128xi32, #tpu.memory_space<vmem>>) semaphore(%arg21 : memref<!tpu.dma_semaphore, #tpu.memory_space<semaphore_mem>>) {add = true}
        %dma_wait3A_94 = arith.constant 0 : i32
        %dma_wait3A_95 = arith.constant 0 : i32
        %dma_wait3A_96 = tpu.memref_slice %arg18[%dma_wait3A_94, %dma_wait3A_95] : memref<10000x128xf32, #tpu.memory_space<vmem_shared>> -> memref<10000x128xf32, #tpu.memory_space<vmem_shared>>
        tpu.wait_indirect_dma semaphore(%arg21 : memref<!tpu.dma_semaphore, #tpu.memory_space<semaphore_mem>>) src(%arg15 : memref<128x128xf32, #tpu.memory_space<vmem>>) dst(%dma_wait3A_96 : memref<10000x128xf32, #tpu.memory_space<vmem_shared>>)
        %dma_wait3A_97 = arith.constant 0 : i32
        %dma_wait3A_98 = arith.constant 0 : i32
        %dma_wait3A_99 = tpu.memref_slice %arg18[%dma_wait3A_97, %dma_wait3A_98] : memref<10000x128xf32, #tpu.memory_space<vmem_shared>> -> memref<10000x128xf32, #tpu.memory_space<vmem_shared>>
        tpu.wait_indirect_dma semaphore(%arg21 : memref<!tpu.dma_semaphore, #tpu.memory_space<semaphore_mem>>) src(%arg16 : memref<128x128xf32, #tpu.memory_space<vmem>>) dst(%dma_wait3A_99 : memref<10000x128xf32, #tpu.memory_space<vmem_shared>>)
        %dma_wait3A_100 = arith.constant 0 : i32
        %dma_wait3A_101 = arith.constant 0 : i32
        %dma_wait3A_102 = tpu.memref_slice %arg18[%dma_wait3A_100, %dma_wait3A_101] : memref<10000x128xf32, #tpu.memory_space<vmem_shared>> -> memref<10000x128xf32, #tpu.memory_space<vmem_shared>>
        tpu.wait_indirect_dma semaphore(%arg21 : memref<!tpu.dma_semaphore, #tpu.memory_space<semaphore_mem>>) src(%arg17 : memref<128x128xf32, #tpu.memory_space<vmem>>) dst(%dma_wait3A_102 : memref<10000x128xf32, #tpu.memory_space<vmem_shared>>)
      }
      %scan3A_17 = arith.constant 52 : i32
      %lt3A = arith.constant 4 : i32
      %lt3A_18 = arith.cmpi slt, %arg1, %lt3A : i32
      %convert_element_type3A_19 = arith.extui %lt3A_18 : i1 to i32
      %cond3A_20 = arith.constant 0 : i32
      %cond3A_21 = arith.cmpi ne, %convert_element_type3A_19, %cond3A_20 : i32
      scf.if %cond3A_21 {
        %add3A = arith.constant 2496 : i32
        %add3A_28 = arith.addi %arg1, %add3A : i32
        %mul3A_29 = arith.constant 128 : i32
        %mul3A_30 = arith.muli %add3A_28, %mul3A_29 : i32
        "tpu.region"() ({
          %run_scoped3A = tpu.sem_alloc : memref<!tpu.dma_semaphore, #tpu.memory_space<semaphore_mem>>
          %dma_start3A_35 = tpu.memref_slice %arg5[%mul3A_30] : memref<320000xi32, #tpu.memory_space<hbm>> -> memref<128xi32, #tpu.memory_space<hbm>>
          %dma_start3A_36 = tpu.memref_slice %arg5[%mul3A_30] : memref<320000xi32, #tpu.memory_space<hbm>> -> memref<128xi32, #tpu.memory_space<hbm>>
          tpu.enqueue_dma source(%dma_start3A_36 : memref<128xi32, #tpu.memory_space<hbm>>) target(%arg9 : memref<128xi32, #tpu.memory_space<vmem>>) target_semaphore(%run_scoped3A : memref<!tpu.dma_semaphore, #tpu.memory_space<semaphore_mem>>)
          %dma_wait3A_37 = tpu.memref_slice %arg5[%mul3A_30] : memref<320000xi32, #tpu.memory_space<hbm>> -> memref<128xi32, #tpu.memory_space<hbm>>
          %dma_wait3A_38 = tpu.memref_slice %arg5[%mul3A_30] : memref<320000xi32, #tpu.memory_space<hbm>> -> memref<128xi32, #tpu.memory_space<hbm>>
          tpu.wait_dma2 semaphore(%run_scoped3A : memref<!tpu.dma_semaphore, #tpu.memory_space<semaphore_mem>>) src(%dma_wait3A_38 : memref<128xi32, #tpu.memory_space<hbm>>) dst(%arg9 : memref<128xi32, #tpu.memory_space<vmem>>)
          tpu.yield
        }) : () -> ()
        "tpu.region"() ({
          %run_scoped3A = tpu.sem_alloc : memref<!tpu.dma_semaphore, #tpu.memory_space<semaphore_mem>>
          %dma_start3A_35 = tpu.memref_slice %arg4[%mul3A_30] : memref<320000xi32, #tpu.memory_space<hbm>> -> memref<128xi32, #tpu.memory_space<hbm>>
          %dma_start3A_36 = tpu.memref_slice %arg4[%mul3A_30] : memref<320000xi32, #tpu.memory_space<hbm>> -> memref<128xi32, #tpu.memory_space<hbm>>
          tpu.enqueue_dma source(%dma_start3A_36 : memref<128xi32, #tpu.memory_space<hbm>>) target(%arg12 : memref<128xi32, #tpu.memory_space<vmem>>) target_semaphore(%run_scoped3A : memref<!tpu.dma_semaphore, #tpu.memory_space<semaphore_mem>>)
          %dma_wait3A_37 = tpu.memref_slice %arg4[%mul3A_30] : memref<320000xi32, #tpu.memory_space<hbm>> -> memref<128xi32, #tpu.memory_space<hbm>>
          %dma_wait3A_38 = tpu.memref_slice %arg4[%mul3A_30] : memref<320000xi32, #tpu.memory_space<hbm>> -> memref<128xi32, #tpu.memory_space<hbm>>
          tpu.wait_dma2 semaphore(%run_scoped3A : memref<!tpu.dma_semaphore, #tpu.memory_space<semaphore_mem>>) src(%dma_wait3A_38 : memref<128xi32, #tpu.memory_space<hbm>>) dst(%arg12 : memref<128xi32, #tpu.memory_space<vmem>>)
          tpu.yield
        }) : () -> ()
        %dma_start3A = arith.constant 0 : i32
        %dma_start3A_31 = arith.constant 0 : i32
        %dma_start3A_32 = tpu.memref_slice %arg3[%dma_start3A, %dma_start3A_31] : memref<10000x128xf32, #tpu.memory_space<hbm>> -> memref<10000x128xf32, #tpu.memory_space<hbm>>
        tpu.enqueue_indirect_dma source(%dma_start3A_32 : memref<10000x128xf32, #tpu.memory_space<hbm>>) target(%arg15 : memref<128x128xf32, #tpu.memory_space<vmem>>) offsets(%arg9 : memref<128xi32, #tpu.memory_space<vmem>>) semaphore(%arg20 : memref<!tpu.dma_semaphore, #tpu.memory_space<semaphore_mem>>)
        %dma_wait3A = arith.constant 0 : i32
        %dma_wait3A_33 = arith.constant 0 : i32
        %dma_wait3A_34 = tpu.memref_slice %arg3[%dma_wait3A, %dma_wait3A_33] : memref<10000x128xf32, #tpu.memory_space<hbm>> -> memref<10000x128xf32, #tpu.memory_space<hbm>>
        tpu.wait_indirect_dma semaphore(%arg20 : memref<!tpu.dma_semaphore, #tpu.memory_space<semaphore_mem>>) src(%dma_wait3A_34 : memref<10000x128xf32, #tpu.memory_space<hbm>>) dst(%arg15 : memref<128x128xf32, #tpu.memory_space<vmem>>)
        "tpu.region"() ({
          %run_scoped3A = tpu.sem_alloc : memref<!tpu.dma_semaphore, #tpu.memory_space<semaphore_mem>>
          %dma_start3A_35 = arith.constant 0 : i32
          %dma_start3A_36 = arith.constant 0 : i32
          %dma_start3A_37 = tpu.memref_slice %arg18[%dma_start3A_35, %dma_start3A_36] : memref<10000x128xf32, #tpu.memory_space<vmem_shared>> -> memref<10000x128xf32, #tpu.memory_space<vmem_shared>>
          tpu.enqueue_indirect_dma source(%arg15 : memref<128x128xf32, #tpu.memory_space<vmem>>) target(%dma_start3A_37 : memref<10000x128xf32, #tpu.memory_space<vmem_shared>>) offsets(%arg12 : memref<128xi32, #tpu.memory_space<vmem>>) semaphore(%run_scoped3A : memref<!tpu.dma_semaphore, #tpu.memory_space<semaphore_mem>>) {add = true}
          %dma_wait3A_38 = arith.constant 0 : i32
          %dma_wait3A_39 = arith.constant 0 : i32
          %dma_wait3A_40 = tpu.memref_slice %arg18[%dma_wait3A_38, %dma_wait3A_39] : memref<10000x128xf32, #tpu.memory_space<vmem_shared>> -> memref<10000x128xf32, #tpu.memory_space<vmem_shared>>
          tpu.wait_indirect_dma semaphore(%run_scoped3A : memref<!tpu.dma_semaphore, #tpu.memory_space<semaphore_mem>>) src(%arg15 : memref<128x128xf32, #tpu.memory_space<vmem>>) dst(%dma_wait3A_40 : memref<10000x128xf32, #tpu.memory_space<vmem_shared>>)
          tpu.yield
        }) : () -> ()
      } else {
      }
      %barrier3A_22 = arith.constant 0 : index
      tpu.barrier barrier_id(%barrier3A_22)
      "tpu.region"() ({
        %run_scoped3A = tpu.sem_alloc : memref<!tpu.dma_semaphore, #tpu.memory_space<semaphore_mem>>
        %dma_start3A = arith.constant 0 : i32
        %dma_start3A_28 = tpu.memref_slice %arg8[%mul3A_0, %dma_start3A] : memref<10000x128xf32, #tpu.memory_space<hbm>> -> memref<624x128xf32, #tpu.memory_space<hbm>>
        %dma_start3A_29 = arith.constant 0 : i32
        %dma_start3A_30 = tpu.memref_slice %arg18[%mul3A_0, %dma_start3A_29] : memref<10000x128xf32, #tpu.memory_space<vmem_shared>> -> memref<624x128xf32, #tpu.memory_space<vmem_shared>>
        tpu.enqueue_dma source(%dma_start3A_30 : memref<624x128xf32, #tpu.memory_space<vmem_shared>>) target(%dma_start3A_28 : memref<624x128xf32, #tpu.memory_space<hbm>>) target_semaphore(%run_scoped3A : memref<!tpu.dma_semaphore, #tpu.memory_space<semaphore_mem>>)
        %dma_wait3A = arith.constant 0 : i32
        %dma_wait3A_31 = tpu.memref_slice %arg8[%mul3A_0, %dma_wait3A] : memref<10000x128xf32, #tpu.memory_space<hbm>> -> memref<624x128xf32, #tpu.memory_space<hbm>>
        %dma_wait3A_32 = arith.constant 0 : i32
        %dma_wait3A_33 = tpu.memref_slice %arg18[%mul3A_0, %dma_wait3A_32] : memref<10000x128xf32, #tpu.memory_space<vmem_shared>> -> memref<624x128xf32, #tpu.memory_space<vmem_shared>>
        tpu.wait_dma2 semaphore(%run_scoped3A : memref<!tpu.dma_semaphore, #tpu.memory_space<semaphore_mem>>) src(%dma_wait3A_33 : memref<624x128xf32, #tpu.memory_space<vmem_shared>>) dst(%dma_wait3A_31 : memref<624x128xf32, #tpu.memory_space<hbm>>)
        tpu.yield
      }) : () -> ()
      %eq3A_23 = arith.constant 15 : i32
      %eq3A_24 = arith.cmpi eq, %arg1, %eq3A_23 : i32
      %convert_element_type3A_25 = arith.extui %eq3A_24 : i1 to i32
      %cond3A_26 = arith.constant 0 : i32
      %cond3A_27 = arith.cmpi ne, %convert_element_type3A_25, %cond3A_26 : i32
      scf.if %cond3A_27 {
        "tpu.region"() ({
          %run_scoped3A = tpu.sem_alloc : memref<!tpu.dma_semaphore, #tpu.memory_space<semaphore_mem>>
          %dma_start3A = arith.constant 9984 : i32
          %dma_start3A_28 = arith.constant 0 : i32
          %dma_start3A_29 = tpu.memref_slice %arg8[%dma_start3A, %dma_start3A_28] : memref<10000x128xf32, #tpu.memory_space<hbm>> -> memref<16x128xf32, #tpu.memory_space<hbm>>
          %dma_start3A_30 = arith.constant 9984 : i32
          %dma_start3A_31 = arith.constant 0 : i32
          %dma_start3A_32 = tpu.memref_slice %arg18[%dma_start3A_30, %dma_start3A_31] : memref<10000x128xf32, #tpu.memory_space<vmem_shared>> -> memref<16x128xf32, #tpu.memory_space<vmem_shared>>
          tpu.enqueue_dma source(%dma_start3A_32 : memref<16x128xf32, #tpu.memory_space<vmem_shared>>) target(%dma_start3A_29 : memref<16x128xf32, #tpu.memory_space<hbm>>) target_semaphore(%run_scoped3A : memref<!tpu.dma_semaphore, #tpu.memory_space<semaphore_mem>>)
          %dma_wait3A = arith.constant 9984 : i32
          %dma_wait3A_33 = arith.constant 0 : i32
          %dma_wait3A_34 = tpu.memref_slice %arg8[%dma_wait3A, %dma_wait3A_33] : memref<10000x128xf32, #tpu.memory_space<hbm>> -> memref<16x128xf32, #tpu.memory_space<hbm>>
          %dma_wait3A_35 = arith.constant 9984 : i32
          %dma_wait3A_36 = arith.constant 0 : i32
          %dma_wait3A_37 = tpu.memref_slice %arg18[%dma_wait3A_35, %dma_wait3A_36] : memref<10000x128xf32, #tpu.memory_space<vmem_shared>> -> memref<16x128xf32, #tpu.memory_space<vmem_shared>>
          tpu.wait_dma2 semaphore(%run_scoped3A : memref<!tpu.dma_semaphore, #tpu.memory_space<semaphore_mem>>) src(%dma_wait3A_37 : memref<16x128xf32, #tpu.memory_space<vmem_shared>>) dst(%dma_wait3A_34 : memref<16x128xf32, #tpu.memory_space<hbm>>)
          tpu.yield
        }) : () -> ()
      } else {
      }
    } else {
    }
    return
  }
}

#map = affine_map<(d0, d1) -> (0, 0)>
#map1 = affine_map<(d0, d1) -> (0)>
module attributes {stable_mosaic.version = 14 : i64} {
  func.func @body(%arg0: i32, %arg1: i32, %arg2: memref<10000x128xf32, #tpu.memory_space<hbm>>, %arg3: memref<10000x128xf32, #tpu.memory_space<hbm>>, %arg4: memref<100000xi32, #tpu.memory_space<hbm>>, %arg5: memref<100000xi32, #tpu.memory_space<hbm>>, %arg6: memref<100000x128xf32, #tpu.memory_space<hbm>>, %arg7: memref<100000x128xf32, #tpu.memory_space<hbm>>, %arg8: memref<128xi32, #tpu.memory_space<vmem>>, %arg9: memref<128xi32, #tpu.memory_space<vmem>>, %arg10: memref<128xi32, #tpu.memory_space<vmem>>, %arg11: memref<128xi32, #tpu.memory_space<vmem>>, %arg12: memref<128xi32, #tpu.memory_space<vmem>>, %arg13: memref<128xi32, #tpu.memory_space<vmem>>, %arg14: memref<128x128xf32, #tpu.memory_space<vmem>>, %arg15: memref<128x128xf32, #tpu.memory_space<vmem>>, %arg16: memref<128x128xf32, #tpu.memory_space<vmem>>, %arg17: memref<128x128xf32, #tpu.memory_space<vmem>>, %arg18: memref<128x128xf32, #tpu.memory_space<vmem>>, %arg19: memref<128x128xf32, #tpu.memory_space<vmem>>, %arg20: memref<!tpu.dma_semaphore, #tpu.memory_space<semaphore_mem>>, %arg21: memref<!tpu.dma_semaphore, #tpu.memory_space<semaphore_mem>>, %arg22: memref<!tpu.dma_semaphore, #tpu.memory_space<semaphore_mem>>, %arg23: memref<32xi32, #tpu.memory_space<vmem>>, %arg24: memref<32x128xf32, #tpu.memory_space<vmem>>) attributes {dimension_semantics = [#tpu.dimension_semantics<core_parallel>, #tpu.dimension_semantics<subcore_parallel>], iteration_bounds = array<i64: 2, 16>, scalar_prefetch = 0 : i64, scratch_operands = 17 : i64, tpu.core_type = #tpu.core_type<sc_vector_subcore>, window_params = [{transform_indices = #map}, {transform_indices = #map}, {transform_indices = #map1}, {transform_indices = #map1}, {transform_indices = #map}, {transform_indices = #map}]} {
    %eq3A = arith.constant 0 : i32
    %eq3A_0 = arith.cmpi eq, %arg0, %eq3A : i32
    %convert_element_type3A = arith.extui %eq3A_0 : i1 to i32
    %cond3A = arith.constant 0 : i32
    %cond3A_1 = arith.cmpi ne, %convert_element_type3A, %cond3A : i32
    scf.if %cond3A_1 {
      %scan3A = arith.constant 0 : i32
      %scan3A_7 = arith.constant 0 : i32
      %scan3A_8 = arith.constant 8 : i32
      %scan3A_9 = arith.addi %scan3A_7, %scan3A_8 : i32
      %scan3A_10 = arith.constant 1 : i32
      scf.for %scan3A_21 = %scan3A_7 to %scan3A_9 step %scan3A_10  : i32 {
        %mul3A = arith.constant 6 : i32
        %mul3A_22 = arith.muli %scan3A_21, %mul3A : i32
        %mul3A_23 = arith.constant 16 : i32
        %mul3A_24 = arith.muli %mul3A_22, %mul3A_23 : i32
        %add3A = arith.addi %arg1, %mul3A_24 : i32
        %add3A_25 = arith.constant 0 : i32
        %add3A_26 = arith.addi %add3A, %add3A_25 : i32
        %mul3A_27 = arith.constant 128 : i32
        %mul3A_28 = arith.muli %add3A_26, %mul3A_27 : i32
        %dma_start3A = tpu.memref_slice %arg4[%mul3A_28] : memref<100000xi32, #tpu.memory_space<hbm>> -> memref<128xi32, #tpu.memory_space<hbm>>
        %dma_start3A_29 = tpu.memref_slice %arg4[%mul3A_28] : memref<100000xi32, #tpu.memory_space<hbm>> -> memref<128xi32, #tpu.memory_space<hbm>>
        tpu.enqueue_dma source(%dma_start3A_29 : memref<128xi32, #tpu.memory_space<hbm>>) target(%arg8 : memref<128xi32, #tpu.memory_space<vmem>>) target_semaphore(%arg20 : memref<!tpu.dma_semaphore, #tpu.memory_space<semaphore_mem>>)
        %add3A_30 = arith.constant 16 : i32
        %add3A_31 = arith.addi %add3A, %add3A_30 : i32
        %mul3A_32 = arith.constant 128 : i32
        %mul3A_33 = arith.muli %add3A_31, %mul3A_32 : i32
        %dma_start3A_34 = tpu.memref_slice %arg4[%mul3A_33] : memref<100000xi32, #tpu.memory_space<hbm>> -> memref<128xi32, #tpu.memory_space<hbm>>
        %dma_start3A_35 = tpu.memref_slice %arg4[%mul3A_33] : memref<100000xi32, #tpu.memory_space<hbm>> -> memref<128xi32, #tpu.memory_space<hbm>>
        tpu.enqueue_dma source(%dma_start3A_35 : memref<128xi32, #tpu.memory_space<hbm>>) target(%arg9 : memref<128xi32, #tpu.memory_space<vmem>>) target_semaphore(%arg20 : memref<!tpu.dma_semaphore, #tpu.memory_space<semaphore_mem>>)
        %add3A_36 = arith.constant 32 : i32
        %add3A_37 = arith.addi %add3A, %add3A_36 : i32
        %mul3A_38 = arith.constant 128 : i32
        %mul3A_39 = arith.muli %add3A_37, %mul3A_38 : i32
        %dma_start3A_40 = tpu.memref_slice %arg4[%mul3A_39] : memref<100000xi32, #tpu.memory_space<hbm>> -> memref<128xi32, #tpu.memory_space<hbm>>
        %dma_start3A_41 = tpu.memref_slice %arg4[%mul3A_39] : memref<100000xi32, #tpu.memory_space<hbm>> -> memref<128xi32, #tpu.memory_space<hbm>>
        tpu.enqueue_dma source(%dma_start3A_41 : memref<128xi32, #tpu.memory_space<hbm>>) target(%arg10 : memref<128xi32, #tpu.memory_space<vmem>>) target_semaphore(%arg20 : memref<!tpu.dma_semaphore, #tpu.memory_space<semaphore_mem>>)
        %add3A_42 = arith.constant 48 : i32
        %add3A_43 = arith.addi %add3A, %add3A_42 : i32
        %mul3A_44 = arith.constant 128 : i32
        %mul3A_45 = arith.muli %add3A_43, %mul3A_44 : i32
        %dma_start3A_46 = tpu.memref_slice %arg4[%mul3A_45] : memref<100000xi32, #tpu.memory_space<hbm>> -> memref<128xi32, #tpu.memory_space<hbm>>
        %dma_start3A_47 = tpu.memref_slice %arg4[%mul3A_45] : memref<100000xi32, #tpu.memory_space<hbm>> -> memref<128xi32, #tpu.memory_space<hbm>>
        tpu.enqueue_dma source(%dma_start3A_47 : memref<128xi32, #tpu.memory_space<hbm>>) target(%arg11 : memref<128xi32, #tpu.memory_space<vmem>>) target_semaphore(%arg20 : memref<!tpu.dma_semaphore, #tpu.memory_space<semaphore_mem>>)
        %add3A_48 = arith.constant 64 : i32
        %add3A_49 = arith.addi %add3A, %add3A_48 : i32
        %mul3A_50 = arith.constant 128 : i32
        %mul3A_51 = arith.muli %add3A_49, %mul3A_50 : i32
        %dma_start3A_52 = tpu.memref_slice %arg4[%mul3A_51] : memref<100000xi32, #tpu.memory_space<hbm>> -> memref<128xi32, #tpu.memory_space<hbm>>
        %dma_start3A_53 = tpu.memref_slice %arg4[%mul3A_51] : memref<100000xi32, #tpu.memory_space<hbm>> -> memref<128xi32, #tpu.memory_space<hbm>>
        tpu.enqueue_dma source(%dma_start3A_53 : memref<128xi32, #tpu.memory_space<hbm>>) target(%arg12 : memref<128xi32, #tpu.memory_space<vmem>>) target_semaphore(%arg20 : memref<!tpu.dma_semaphore, #tpu.memory_space<semaphore_mem>>)
        %add3A_54 = arith.constant 80 : i32
        %add3A_55 = arith.addi %add3A, %add3A_54 : i32
        %mul3A_56 = arith.constant 128 : i32
        %mul3A_57 = arith.muli %add3A_55, %mul3A_56 : i32
        %dma_start3A_58 = tpu.memref_slice %arg4[%mul3A_57] : memref<100000xi32, #tpu.memory_space<hbm>> -> memref<128xi32, #tpu.memory_space<hbm>>
        %dma_start3A_59 = tpu.memref_slice %arg4[%mul3A_57] : memref<100000xi32, #tpu.memory_space<hbm>> -> memref<128xi32, #tpu.memory_space<hbm>>
        tpu.enqueue_dma source(%dma_start3A_59 : memref<128xi32, #tpu.memory_space<hbm>>) target(%arg13 : memref<128xi32, #tpu.memory_space<vmem>>) target_semaphore(%arg20 : memref<!tpu.dma_semaphore, #tpu.memory_space<semaphore_mem>>)
        %dma_wait3A = tpu.memref_slice %arg4[%mul3A_28] : memref<100000xi32, #tpu.memory_space<hbm>> -> memref<128xi32, #tpu.memory_space<hbm>>
        %dma_wait3A_60 = tpu.memref_slice %arg4[%mul3A_28] : memref<100000xi32, #tpu.memory_space<hbm>> -> memref<128xi32, #tpu.memory_space<hbm>>
        tpu.wait_dma2 semaphore(%arg20 : memref<!tpu.dma_semaphore, #tpu.memory_space<semaphore_mem>>) src(%dma_wait3A_60 : memref<128xi32, #tpu.memory_space<hbm>>) dst(%arg8 : memref<128xi32, #tpu.memory_space<vmem>>)
        %dma_wait3A_61 = tpu.memref_slice %arg4[%mul3A_33] : memref<100000xi32, #tpu.memory_space<hbm>> -> memref<128xi32, #tpu.memory_space<hbm>>
        %dma_wait3A_62 = tpu.memref_slice %arg4[%mul3A_33] : memref<100000xi32, #tpu.memory_space<hbm>> -> memref<128xi32, #tpu.memory_space<hbm>>
        tpu.wait_dma2 semaphore(%arg20 : memref<!tpu.dma_semaphore, #tpu.memory_space<semaphore_mem>>) src(%dma_wait3A_62 : memref<128xi32, #tpu.memory_space<hbm>>) dst(%arg9 : memref<128xi32, #tpu.memory_space<vmem>>)
        %dma_wait3A_63 = tpu.memref_slice %arg4[%mul3A_39] : memref<100000xi32, #tpu.memory_space<hbm>> -> memref<128xi32, #tpu.memory_space<hbm>>
        %dma_wait3A_64 = tpu.memref_slice %arg4[%mul3A_39] : memref<100000xi32, #tpu.memory_space<hbm>> -> memref<128xi32, #tpu.memory_space<hbm>>
        tpu.wait_dma2 semaphore(%arg20 : memref<!tpu.dma_semaphore, #tpu.memory_space<semaphore_mem>>) src(%dma_wait3A_64 : memref<128xi32, #tpu.memory_space<hbm>>) dst(%arg10 : memref<128xi32, #tpu.memory_space<vmem>>)
        %dma_wait3A_65 = tpu.memref_slice %arg4[%mul3A_45] : memref<100000xi32, #tpu.memory_space<hbm>> -> memref<128xi32, #tpu.memory_space<hbm>>
        %dma_wait3A_66 = tpu.memref_slice %arg4[%mul3A_45] : memref<100000xi32, #tpu.memory_space<hbm>> -> memref<128xi32, #tpu.memory_space<hbm>>
        tpu.wait_dma2 semaphore(%arg20 : memref<!tpu.dma_semaphore, #tpu.memory_space<semaphore_mem>>) src(%dma_wait3A_66 : memref<128xi32, #tpu.memory_space<hbm>>) dst(%arg11 : memref<128xi32, #tpu.memory_space<vmem>>)
        %dma_wait3A_67 = tpu.memref_slice %arg4[%mul3A_51] : memref<100000xi32, #tpu.memory_space<hbm>> -> memref<128xi32, #tpu.memory_space<hbm>>
        %dma_wait3A_68 = tpu.memref_slice %arg4[%mul3A_51] : memref<100000xi32, #tpu.memory_space<hbm>> -> memref<128xi32, #tpu.memory_space<hbm>>
        tpu.wait_dma2 semaphore(%arg20 : memref<!tpu.dma_semaphore, #tpu.memory_space<semaphore_mem>>) src(%dma_wait3A_68 : memref<128xi32, #tpu.memory_space<hbm>>) dst(%arg12 : memref<128xi32, #tpu.memory_space<vmem>>)
        %dma_wait3A_69 = tpu.memref_slice %arg4[%mul3A_57] : memref<100000xi32, #tpu.memory_space<hbm>> -> memref<128xi32, #tpu.memory_space<hbm>>
        %dma_wait3A_70 = tpu.memref_slice %arg4[%mul3A_57] : memref<100000xi32, #tpu.memory_space<hbm>> -> memref<128xi32, #tpu.memory_space<hbm>>
        tpu.wait_dma2 semaphore(%arg20 : memref<!tpu.dma_semaphore, #tpu.memory_space<semaphore_mem>>) src(%dma_wait3A_70 : memref<128xi32, #tpu.memory_space<hbm>>) dst(%arg13 : memref<128xi32, #tpu.memory_space<vmem>>)
        %dma_start3A_71 = arith.constant 0 : i32
        %dma_start3A_72 = arith.constant 0 : i32
        %dma_start3A_73 = tpu.memref_slice %arg2[%dma_start3A_71, %dma_start3A_72] : memref<10000x128xf32, #tpu.memory_space<hbm>> -> memref<10000x128xf32, #tpu.memory_space<hbm>>
        tpu.enqueue_indirect_dma source(%dma_start3A_73 : memref<10000x128xf32, #tpu.memory_space<hbm>>) target(%arg14 : memref<128x128xf32, #tpu.memory_space<vmem>>) offsets(%arg8 : memref<128xi32, #tpu.memory_space<vmem>>) semaphore(%arg21 : memref<!tpu.dma_semaphore, #tpu.memory_space<semaphore_mem>>)
        %dma_start3A_74 = arith.constant 0 : i32
        %dma_start3A_75 = arith.constant 0 : i32
        %dma_start3A_76 = tpu.memref_slice %arg2[%dma_start3A_74, %dma_start3A_75] : memref<10000x128xf32, #tpu.memory_space<hbm>> -> memref<10000x128xf32, #tpu.memory_space<hbm>>
        tpu.enqueue_indirect_dma source(%dma_start3A_76 : memref<10000x128xf32, #tpu.memory_space<hbm>>) target(%arg15 : memref<128x128xf32, #tpu.memory_space<vmem>>) offsets(%arg9 : memref<128xi32, #tpu.memory_space<vmem>>) semaphore(%arg21 : memref<!tpu.dma_semaphore, #tpu.memory_space<semaphore_mem>>)
        %dma_start3A_77 = arith.constant 0 : i32
        %dma_start3A_78 = arith.constant 0 : i32
        %dma_start3A_79 = tpu.memref_slice %arg2[%dma_start3A_77, %dma_start3A_78] : memref<10000x128xf32, #tpu.memory_space<hbm>> -> memref<10000x128xf32, #tpu.memory_space<hbm>>
        tpu.enqueue_indirect_dma source(%dma_start3A_79 : memref<10000x128xf32, #tpu.memory_space<hbm>>) target(%arg16 : memref<128x128xf32, #tpu.memory_space<vmem>>) offsets(%arg10 : memref<128xi32, #tpu.memory_space<vmem>>) semaphore(%arg21 : memref<!tpu.dma_semaphore, #tpu.memory_space<semaphore_mem>>)
        %dma_start3A_80 = arith.constant 0 : i32
        %dma_start3A_81 = arith.constant 0 : i32
        %dma_start3A_82 = tpu.memref_slice %arg2[%dma_start3A_80, %dma_start3A_81] : memref<10000x128xf32, #tpu.memory_space<hbm>> -> memref<10000x128xf32, #tpu.memory_space<hbm>>
        tpu.enqueue_indirect_dma source(%dma_start3A_82 : memref<10000x128xf32, #tpu.memory_space<hbm>>) target(%arg17 : memref<128x128xf32, #tpu.memory_space<vmem>>) offsets(%arg11 : memref<128xi32, #tpu.memory_space<vmem>>) semaphore(%arg21 : memref<!tpu.dma_semaphore, #tpu.memory_space<semaphore_mem>>)
        %dma_start3A_83 = arith.constant 0 : i32
        %dma_start3A_84 = arith.constant 0 : i32
        %dma_start3A_85 = tpu.memref_slice %arg2[%dma_start3A_83, %dma_start3A_84] : memref<10000x128xf32, #tpu.memory_space<hbm>> -> memref<10000x128xf32, #tpu.memory_space<hbm>>
        tpu.enqueue_indirect_dma source(%dma_start3A_85 : memref<10000x128xf32, #tpu.memory_space<hbm>>) target(%arg18 : memref<128x128xf32, #tpu.memory_space<vmem>>) offsets(%arg12 : memref<128xi32, #tpu.memory_space<vmem>>) semaphore(%arg21 : memref<!tpu.dma_semaphore, #tpu.memory_space<semaphore_mem>>)
        %dma_start3A_86 = arith.constant 0 : i32
        %dma_start3A_87 = arith.constant 0 : i32
        %dma_start3A_88 = tpu.memref_slice %arg2[%dma_start3A_86, %dma_start3A_87] : memref<10000x128xf32, #tpu.memory_space<hbm>> -> memref<10000x128xf32, #tpu.memory_space<hbm>>
        tpu.enqueue_indirect_dma source(%dma_start3A_88 : memref<10000x128xf32, #tpu.memory_space<hbm>>) target(%arg19 : memref<128x128xf32, #tpu.memory_space<vmem>>) offsets(%arg13 : memref<128xi32, #tpu.memory_space<vmem>>) semaphore(%arg21 : memref<!tpu.dma_semaphore, #tpu.memory_space<semaphore_mem>>)
        %dma_wait3A_89 = arith.constant 0 : i32
        %dma_wait3A_90 = arith.constant 0 : i32
        %dma_wait3A_91 = tpu.memref_slice %arg2[%dma_wait3A_89, %dma_wait3A_90] : memref<10000x128xf32, #tpu.memory_space<hbm>> -> memref<10000x128xf32, #tpu.memory_space<hbm>>
        tpu.wait_indirect_dma semaphore(%arg21 : memref<!tpu.dma_semaphore, #tpu.memory_space<semaphore_mem>>) src(%dma_wait3A_91 : memref<10000x128xf32, #tpu.memory_space<hbm>>) dst(%arg14 : memref<128x128xf32, #tpu.memory_space<vmem>>)
        %dma_wait3A_92 = arith.constant 0 : i32
        %dma_wait3A_93 = arith.constant 0 : i32
        %dma_wait3A_94 = tpu.memref_slice %arg2[%dma_wait3A_92, %dma_wait3A_93] : memref<10000x128xf32, #tpu.memory_space<hbm>> -> memref<10000x128xf32, #tpu.memory_space<hbm>>
        tpu.wait_indirect_dma semaphore(%arg21 : memref<!tpu.dma_semaphore, #tpu.memory_space<semaphore_mem>>) src(%dma_wait3A_94 : memref<10000x128xf32, #tpu.memory_space<hbm>>) dst(%arg15 : memref<128x128xf32, #tpu.memory_space<vmem>>)
        %dma_wait3A_95 = arith.constant 0 : i32
        %dma_wait3A_96 = arith.constant 0 : i32
        %dma_wait3A_97 = tpu.memref_slice %arg2[%dma_wait3A_95, %dma_wait3A_96] : memref<10000x128xf32, #tpu.memory_space<hbm>> -> memref<10000x128xf32, #tpu.memory_space<hbm>>
        tpu.wait_indirect_dma semaphore(%arg21 : memref<!tpu.dma_semaphore, #tpu.memory_space<semaphore_mem>>) src(%dma_wait3A_97 : memref<10000x128xf32, #tpu.memory_space<hbm>>) dst(%arg16 : memref<128x128xf32, #tpu.memory_space<vmem>>)
        %dma_wait3A_98 = arith.constant 0 : i32
        %dma_wait3A_99 = arith.constant 0 : i32
        %dma_wait3A_100 = tpu.memref_slice %arg2[%dma_wait3A_98, %dma_wait3A_99] : memref<10000x128xf32, #tpu.memory_space<hbm>> -> memref<10000x128xf32, #tpu.memory_space<hbm>>
        tpu.wait_indirect_dma semaphore(%arg21 : memref<!tpu.dma_semaphore, #tpu.memory_space<semaphore_mem>>) src(%dma_wait3A_100 : memref<10000x128xf32, #tpu.memory_space<hbm>>) dst(%arg17 : memref<128x128xf32, #tpu.memory_space<vmem>>)
        %dma_wait3A_101 = arith.constant 0 : i32
        %dma_wait3A_102 = arith.constant 0 : i32
        %dma_wait3A_103 = tpu.memref_slice %arg2[%dma_wait3A_101, %dma_wait3A_102] : memref<10000x128xf32, #tpu.memory_space<hbm>> -> memref<10000x128xf32, #tpu.memory_space<hbm>>
        tpu.wait_indirect_dma semaphore(%arg21 : memref<!tpu.dma_semaphore, #tpu.memory_space<semaphore_mem>>) src(%dma_wait3A_103 : memref<10000x128xf32, #tpu.memory_space<hbm>>) dst(%arg18 : memref<128x128xf32, #tpu.memory_space<vmem>>)
        %dma_wait3A_104 = arith.constant 0 : i32
        %dma_wait3A_105 = arith.constant 0 : i32
        %dma_wait3A_106 = tpu.memref_slice %arg2[%dma_wait3A_104, %dma_wait3A_105] : memref<10000x128xf32, #tpu.memory_space<hbm>> -> memref<10000x128xf32, #tpu.memory_space<hbm>>
        tpu.wait_indirect_dma semaphore(%arg21 : memref<!tpu.dma_semaphore, #tpu.memory_space<semaphore_mem>>) src(%dma_wait3A_106 : memref<10000x128xf32, #tpu.memory_space<hbm>>) dst(%arg19 : memref<128x128xf32, #tpu.memory_space<vmem>>)
        %add3A_107 = arith.constant 0 : i32
        %add3A_108 = arith.addi %add3A, %add3A_107 : i32
        %mul3A_109 = arith.constant 128 : i32
        %mul3A_110 = arith.muli %add3A_108, %mul3A_109 : i32
        %dma_start3A_111 = arith.constant 0 : i32
        %dma_start3A_112 = tpu.memref_slice %arg6[%mul3A_110, %dma_start3A_111] : memref<100000x128xf32, #tpu.memory_space<hbm>> -> memref<128x128xf32, #tpu.memory_space<hbm>>
        %dma_start3A_113 = arith.constant 0 : i32
        %dma_start3A_114 = tpu.memref_slice %arg6[%mul3A_110, %dma_start3A_113] : memref<100000x128xf32, #tpu.memory_space<hbm>> -> memref<128x128xf32, #tpu.memory_space<hbm>>
        tpu.enqueue_dma source(%arg14 : memref<128x128xf32, #tpu.memory_space<vmem>>) target(%dma_start3A_114 : memref<128x128xf32, #tpu.memory_space<hbm>>) target_semaphore(%arg22 : memref<!tpu.dma_semaphore, #tpu.memory_space<semaphore_mem>>)
        %add3A_115 = arith.constant 16 : i32
        %add3A_116 = arith.addi %add3A, %add3A_115 : i32
        %mul3A_117 = arith.constant 128 : i32
        %mul3A_118 = arith.muli %add3A_116, %mul3A_117 : i32
        %dma_start3A_119 = arith.constant 0 : i32
        %dma_start3A_120 = tpu.memref_slice %arg6[%mul3A_118, %dma_start3A_119] : memref<100000x128xf32, #tpu.memory_space<hbm>> -> memref<128x128xf32, #tpu.memory_space<hbm>>
        %dma_start3A_121 = arith.constant 0 : i32
        %dma_start3A_122 = tpu.memref_slice %arg6[%mul3A_118, %dma_start3A_121] : memref<100000x128xf32, #tpu.memory_space<hbm>> -> memref<128x128xf32, #tpu.memory_space<hbm>>
        tpu.enqueue_dma source(%arg15 : memref<128x128xf32, #tpu.memory_space<vmem>>) target(%dma_start3A_122 : memref<128x128xf32, #tpu.memory_space<hbm>>) target_semaphore(%arg22 : memref<!tpu.dma_semaphore, #tpu.memory_space<semaphore_mem>>)
        %add3A_123 = arith.constant 32 : i32
        %add3A_124 = arith.addi %add3A, %add3A_123 : i32
        %mul3A_125 = arith.constant 128 : i32
        %mul3A_126 = arith.muli %add3A_124, %mul3A_125 : i32
        %dma_start3A_127 = arith.constant 0 : i32
        %dma_start3A_128 = tpu.memref_slice %arg6[%mul3A_126, %dma_start3A_127] : memref<100000x128xf32, #tpu.memory_space<hbm>> -> memref<128x128xf32, #tpu.memory_space<hbm>>
        %dma_start3A_129 = arith.constant 0 : i32
        %dma_start3A_130 = tpu.memref_slice %arg6[%mul3A_126, %dma_start3A_129] : memref<100000x128xf32, #tpu.memory_space<hbm>> -> memref<128x128xf32, #tpu.memory_space<hbm>>
        tpu.enqueue_dma source(%arg16 : memref<128x128xf32, #tpu.memory_space<vmem>>) target(%dma_start3A_130 : memref<128x128xf32, #tpu.memory_space<hbm>>) target_semaphore(%arg22 : memref<!tpu.dma_semaphore, #tpu.memory_space<semaphore_mem>>)
        %add3A_131 = arith.constant 48 : i32
        %add3A_132 = arith.addi %add3A, %add3A_131 : i32
        %mul3A_133 = arith.constant 128 : i32
        %mul3A_134 = arith.muli %add3A_132, %mul3A_133 : i32
        %dma_start3A_135 = arith.constant 0 : i32
        %dma_start3A_136 = tpu.memref_slice %arg6[%mul3A_134, %dma_start3A_135] : memref<100000x128xf32, #tpu.memory_space<hbm>> -> memref<128x128xf32, #tpu.memory_space<hbm>>
        %dma_start3A_137 = arith.constant 0 : i32
        %dma_start3A_138 = tpu.memref_slice %arg6[%mul3A_134, %dma_start3A_137] : memref<100000x128xf32, #tpu.memory_space<hbm>> -> memref<128x128xf32, #tpu.memory_space<hbm>>
        tpu.enqueue_dma source(%arg17 : memref<128x128xf32, #tpu.memory_space<vmem>>) target(%dma_start3A_138 : memref<128x128xf32, #tpu.memory_space<hbm>>) target_semaphore(%arg22 : memref<!tpu.dma_semaphore, #tpu.memory_space<semaphore_mem>>)
        %add3A_139 = arith.constant 64 : i32
        %add3A_140 = arith.addi %add3A, %add3A_139 : i32
        %mul3A_141 = arith.constant 128 : i32
        %mul3A_142 = arith.muli %add3A_140, %mul3A_141 : i32
        %dma_start3A_143 = arith.constant 0 : i32
        %dma_start3A_144 = tpu.memref_slice %arg6[%mul3A_142, %dma_start3A_143] : memref<100000x128xf32, #tpu.memory_space<hbm>> -> memref<128x128xf32, #tpu.memory_space<hbm>>
        %dma_start3A_145 = arith.constant 0 : i32
        %dma_start3A_146 = tpu.memref_slice %arg6[%mul3A_142, %dma_start3A_145] : memref<100000x128xf32, #tpu.memory_space<hbm>> -> memref<128x128xf32, #tpu.memory_space<hbm>>
        tpu.enqueue_dma source(%arg18 : memref<128x128xf32, #tpu.memory_space<vmem>>) target(%dma_start3A_146 : memref<128x128xf32, #tpu.memory_space<hbm>>) target_semaphore(%arg22 : memref<!tpu.dma_semaphore, #tpu.memory_space<semaphore_mem>>)
        %add3A_147 = arith.constant 80 : i32
        %add3A_148 = arith.addi %add3A, %add3A_147 : i32
        %mul3A_149 = arith.constant 128 : i32
        %mul3A_150 = arith.muli %add3A_148, %mul3A_149 : i32
        %dma_start3A_151 = arith.constant 0 : i32
        %dma_start3A_152 = tpu.memref_slice %arg6[%mul3A_150, %dma_start3A_151] : memref<100000x128xf32, #tpu.memory_space<hbm>> -> memref<128x128xf32, #tpu.memory_space<hbm>>
        %dma_start3A_153 = arith.constant 0 : i32
        %dma_start3A_154 = tpu.memref_slice %arg6[%mul3A_150, %dma_start3A_153] : memref<100000x128xf32, #tpu.memory_space<hbm>> -> memref<128x128xf32, #tpu.memory_space<hbm>>
        tpu.enqueue_dma source(%arg19 : memref<128x128xf32, #tpu.memory_space<vmem>>) target(%dma_start3A_154 : memref<128x128xf32, #tpu.memory_space<hbm>>) target_semaphore(%arg22 : memref<!tpu.dma_semaphore, #tpu.memory_space<semaphore_mem>>)
        %dma_wait3A_155 = arith.constant 0 : i32
        %dma_wait3A_156 = tpu.memref_slice %arg6[%mul3A_110, %dma_wait3A_155] : memref<100000x128xf32, #tpu.memory_space<hbm>> -> memref<128x128xf32, #tpu.memory_space<hbm>>
        %dma_wait3A_157 = arith.constant 0 : i32
        %dma_wait3A_158 = tpu.memref_slice %arg6[%mul3A_110, %dma_wait3A_157] : memref<100000x128xf32, #tpu.memory_space<hbm>> -> memref<128x128xf32, #tpu.memory_space<hbm>>
        tpu.wait_dma2 semaphore(%arg22 : memref<!tpu.dma_semaphore, #tpu.memory_space<semaphore_mem>>) src(%arg14 : memref<128x128xf32, #tpu.memory_space<vmem>>) dst(%dma_wait3A_158 : memref<128x128xf32, #tpu.memory_space<hbm>>)
        %dma_wait3A_159 = arith.constant 0 : i32
        %dma_wait3A_160 = tpu.memref_slice %arg6[%mul3A_118, %dma_wait3A_159] : memref<100000x128xf32, #tpu.memory_space<hbm>> -> memref<128x128xf32, #tpu.memory_space<hbm>>
        %dma_wait3A_161 = arith.constant 0 : i32
        %dma_wait3A_162 = tpu.memref_slice %arg6[%mul3A_118, %dma_wait3A_161] : memref<100000x128xf32, #tpu.memory_space<hbm>> -> memref<128x128xf32, #tpu.memory_space<hbm>>
        tpu.wait_dma2 semaphore(%arg22 : memref<!tpu.dma_semaphore, #tpu.memory_space<semaphore_mem>>) src(%arg15 : memref<128x128xf32, #tpu.memory_space<vmem>>) dst(%dma_wait3A_162 : memref<128x128xf32, #tpu.memory_space<hbm>>)
        %dma_wait3A_163 = arith.constant 0 : i32
        %dma_wait3A_164 = tpu.memref_slice %arg6[%mul3A_126, %dma_wait3A_163] : memref<100000x128xf32, #tpu.memory_space<hbm>> -> memref<128x128xf32, #tpu.memory_space<hbm>>
        %dma_wait3A_165 = arith.constant 0 : i32
        %dma_wait3A_166 = tpu.memref_slice %arg6[%mul3A_126, %dma_wait3A_165] : memref<100000x128xf32, #tpu.memory_space<hbm>> -> memref<128x128xf32, #tpu.memory_space<hbm>>
        tpu.wait_dma2 semaphore(%arg22 : memref<!tpu.dma_semaphore, #tpu.memory_space<semaphore_mem>>) src(%arg16 : memref<128x128xf32, #tpu.memory_space<vmem>>) dst(%dma_wait3A_166 : memref<128x128xf32, #tpu.memory_space<hbm>>)
        %dma_wait3A_167 = arith.constant 0 : i32
        %dma_wait3A_168 = tpu.memref_slice %arg6[%mul3A_134, %dma_wait3A_167] : memref<100000x128xf32, #tpu.memory_space<hbm>> -> memref<128x128xf32, #tpu.memory_space<hbm>>
        %dma_wait3A_169 = arith.constant 0 : i32
        %dma_wait3A_170 = tpu.memref_slice %arg6[%mul3A_134, %dma_wait3A_169] : memref<100000x128xf32, #tpu.memory_space<hbm>> -> memref<128x128xf32, #tpu.memory_space<hbm>>
        tpu.wait_dma2 semaphore(%arg22 : memref<!tpu.dma_semaphore, #tpu.memory_space<semaphore_mem>>) src(%arg17 : memref<128x128xf32, #tpu.memory_space<vmem>>) dst(%dma_wait3A_170 : memref<128x128xf32, #tpu.memory_space<hbm>>)
        %dma_wait3A_171 = arith.constant 0 : i32
        %dma_wait3A_172 = tpu.memref_slice %arg6[%mul3A_142, %dma_wait3A_171] : memref<100000x128xf32, #tpu.memory_space<hbm>> -> memref<128x128xf32, #tpu.memory_space<hbm>>
        %dma_wait3A_173 = arith.constant 0 : i32
        %dma_wait3A_174 = tpu.memref_slice %arg6[%mul3A_142, %dma_wait3A_173] : memref<100000x128xf32, #tpu.memory_space<hbm>> -> memref<128x128xf32, #tpu.memory_space<hbm>>
        tpu.wait_dma2 semaphore(%arg22 : memref<!tpu.dma_semaphore, #tpu.memory_space<semaphore_mem>>) src(%arg18 : memref<128x128xf32, #tpu.memory_space<vmem>>) dst(%dma_wait3A_174 : memref<128x128xf32, #tpu.memory_space<hbm>>)
        %dma_wait3A_175 = arith.constant 0 : i32
        %dma_wait3A_176 = tpu.memref_slice %arg6[%mul3A_150, %dma_wait3A_175] : memref<100000x128xf32, #tpu.memory_space<hbm>> -> memref<128x128xf32, #tpu.memory_space<hbm>>
        %dma_wait3A_177 = arith.constant 0 : i32
        %dma_wait3A_178 = tpu.memref_slice %arg6[%mul3A_150, %dma_wait3A_177] : memref<100000x128xf32, #tpu.memory_space<hbm>> -> memref<128x128xf32, #tpu.memory_space<hbm>>
        tpu.wait_dma2 semaphore(%arg22 : memref<!tpu.dma_semaphore, #tpu.memory_space<semaphore_mem>>) src(%arg19 : memref<128x128xf32, #tpu.memory_space<vmem>>) dst(%dma_wait3A_178 : memref<128x128xf32, #tpu.memory_space<hbm>>)
      }
      %scan3A_11 = arith.constant 8 : i32
      %lt3A = arith.constant 13 : i32
      %lt3A_12 = arith.cmpi slt, %arg1, %lt3A : i32
      %convert_element_type3A_13 = arith.extui %lt3A_12 : i1 to i32
      %cond3A_14 = arith.constant 0 : i32
      %cond3A_15 = arith.cmpi ne, %convert_element_type3A_13, %cond3A_14 : i32
      scf.if %cond3A_15 {
        %add3A = arith.constant 768 : i32
        %add3A_21 = arith.addi %arg1, %add3A : i32
        %mul3A = arith.constant 128 : i32
        %mul3A_22 = arith.muli %add3A_21, %mul3A : i32
        "tpu.region"() ({
          %run_scoped3A = tpu.sem_alloc : memref<!tpu.dma_semaphore, #tpu.memory_space<semaphore_mem>>
          %dma_start3A_27 = tpu.memref_slice %arg4[%mul3A_22] : memref<100000xi32, #tpu.memory_space<hbm>> -> memref<128xi32, #tpu.memory_space<hbm>>
          %dma_start3A_28 = tpu.memref_slice %arg4[%mul3A_22] : memref<100000xi32, #tpu.memory_space<hbm>> -> memref<128xi32, #tpu.memory_space<hbm>>
          tpu.enqueue_dma source(%dma_start3A_28 : memref<128xi32, #tpu.memory_space<hbm>>) target(%arg8 : memref<128xi32, #tpu.memory_space<vmem>>) target_semaphore(%run_scoped3A : memref<!tpu.dma_semaphore, #tpu.memory_space<semaphore_mem>>)
          %dma_wait3A_29 = tpu.memref_slice %arg4[%mul3A_22] : memref<100000xi32, #tpu.memory_space<hbm>> -> memref<128xi32, #tpu.memory_space<hbm>>
          %dma_wait3A_30 = tpu.memref_slice %arg4[%mul3A_22] : memref<100000xi32, #tpu.memory_space<hbm>> -> memref<128xi32, #tpu.memory_space<hbm>>
          tpu.wait_dma2 semaphore(%run_scoped3A : memref<!tpu.dma_semaphore, #tpu.memory_space<semaphore_mem>>) src(%dma_wait3A_30 : memref<128xi32, #tpu.memory_space<hbm>>) dst(%arg8 : memref<128xi32, #tpu.memory_space<vmem>>)
          tpu.yield
        }) : () -> ()
        %dma_start3A = arith.constant 0 : i32
        %dma_start3A_23 = arith.constant 0 : i32
        %dma_start3A_24 = tpu.memref_slice %arg2[%dma_start3A, %dma_start3A_23] : memref<10000x128xf32, #tpu.memory_space<hbm>> -> memref<10000x128xf32, #tpu.memory_space<hbm>>
        tpu.enqueue_indirect_dma source(%dma_start3A_24 : memref<10000x128xf32, #tpu.memory_space<hbm>>) target(%arg14 : memref<128x128xf32, #tpu.memory_space<vmem>>) offsets(%arg8 : memref<128xi32, #tpu.memory_space<vmem>>) semaphore(%arg21 : memref<!tpu.dma_semaphore, #tpu.memory_space<semaphore_mem>>)
        %dma_wait3A = arith.constant 0 : i32
        %dma_wait3A_25 = arith.constant 0 : i32
        %dma_wait3A_26 = tpu.memref_slice %arg2[%dma_wait3A, %dma_wait3A_25] : memref<10000x128xf32, #tpu.memory_space<hbm>> -> memref<10000x128xf32, #tpu.memory_space<hbm>>
        tpu.wait_indirect_dma semaphore(%arg21 : memref<!tpu.dma_semaphore, #tpu.memory_space<semaphore_mem>>) src(%dma_wait3A_26 : memref<10000x128xf32, #tpu.memory_space<hbm>>) dst(%arg14 : memref<128x128xf32, #tpu.memory_space<vmem>>)
        "tpu.region"() ({
          %run_scoped3A = tpu.sem_alloc : memref<!tpu.dma_semaphore, #tpu.memory_space<semaphore_mem>>
          %dma_start3A_27 = arith.constant 0 : i32
          %dma_start3A_28 = tpu.memref_slice %arg6[%mul3A_22, %dma_start3A_27] : memref<100000x128xf32, #tpu.memory_space<hbm>> -> memref<128x128xf32, #tpu.memory_space<hbm>>
          %dma_start3A_29 = arith.constant 0 : i32
          %dma_start3A_30 = tpu.memref_slice %arg6[%mul3A_22, %dma_start3A_29] : memref<100000x128xf32, #tpu.memory_space<hbm>> -> memref<128x128xf32, #tpu.memory_space<hbm>>
          tpu.enqueue_dma source(%arg14 : memref<128x128xf32, #tpu.memory_space<vmem>>) target(%dma_start3A_30 : memref<128x128xf32, #tpu.memory_space<hbm>>) target_semaphore(%run_scoped3A : memref<!tpu.dma_semaphore, #tpu.memory_space<semaphore_mem>>)
          %dma_wait3A_31 = arith.constant 0 : i32
          %dma_wait3A_32 = tpu.memref_slice %arg6[%mul3A_22, %dma_wait3A_31] : memref<100000x128xf32, #tpu.memory_space<hbm>> -> memref<128x128xf32, #tpu.memory_space<hbm>>
          %dma_wait3A_33 = arith.constant 0 : i32
          %dma_wait3A_34 = tpu.memref_slice %arg6[%mul3A_22, %dma_wait3A_33] : memref<100000x128xf32, #tpu.memory_space<hbm>> -> memref<128x128xf32, #tpu.memory_space<hbm>>
          tpu.wait_dma2 semaphore(%run_scoped3A : memref<!tpu.dma_semaphore, #tpu.memory_space<semaphore_mem>>) src(%arg14 : memref<128x128xf32, #tpu.memory_space<vmem>>) dst(%dma_wait3A_34 : memref<128x128xf32, #tpu.memory_space<hbm>>)
          tpu.yield
        }) : () -> ()
      } else {
      }
      %eq3A_16 = arith.constant 13 : i32
      %eq3A_17 = arith.cmpi eq, %arg1, %eq3A_16 : i32
      %convert_element_type3A_18 = arith.extui %eq3A_17 : i1 to i32
      %cond3A_19 = arith.constant 0 : i32
      %cond3A_20 = arith.cmpi ne, %convert_element_type3A_18, %cond3A_19 : i32
      scf.if %cond3A_20 {
        "tpu.region"() ({
          %run_scoped3A = tpu.sem_alloc : memref<!tpu.dma_semaphore, #tpu.memory_space<semaphore_mem>>
          %dma_start3A_25 = arith.constant 99968 : i32
          %dma_start3A_26 = tpu.memref_slice %arg4[%dma_start3A_25] : memref<100000xi32, #tpu.memory_space<hbm>> -> memref<32xi32, #tpu.memory_space<hbm>>
          %dma_start3A_27 = arith.constant 99968 : i32
          %dma_start3A_28 = tpu.memref_slice %arg4[%dma_start3A_27] : memref<100000xi32, #tpu.memory_space<hbm>> -> memref<32xi32, #tpu.memory_space<hbm>>
          tpu.enqueue_dma source(%dma_start3A_28 : memref<32xi32, #tpu.memory_space<hbm>>) target(%arg23 : memref<32xi32, #tpu.memory_space<vmem>>) target_semaphore(%run_scoped3A : memref<!tpu.dma_semaphore, #tpu.memory_space<semaphore_mem>>)
          %dma_wait3A_29 = arith.constant 99968 : i32
          %dma_wait3A_30 = tpu.memref_slice %arg4[%dma_wait3A_29] : memref<100000xi32, #tpu.memory_space<hbm>> -> memref<32xi32, #tpu.memory_space<hbm>>
          %dma_wait3A_31 = arith.constant 99968 : i32
          %dma_wait3A_32 = tpu.memref_slice %arg4[%dma_wait3A_31] : memref<100000xi32, #tpu.memory_space<hbm>> -> memref<32xi32, #tpu.memory_space<hbm>>
          tpu.wait_dma2 semaphore(%run_scoped3A : memref<!tpu.dma_semaphore, #tpu.memory_space<semaphore_mem>>) src(%dma_wait3A_32 : memref<32xi32, #tpu.memory_space<hbm>>) dst(%arg23 : memref<32xi32, #tpu.memory_space<vmem>>)
          tpu.yield
        }) : () -> ()
        %dma_start3A = arith.constant 0 : i32
        %dma_start3A_21 = arith.constant 0 : i32
        %dma_start3A_22 = tpu.memref_slice %arg2[%dma_start3A, %dma_start3A_21] : memref<10000x128xf32, #tpu.memory_space<hbm>> -> memref<10000x128xf32, #tpu.memory_space<hbm>>
        tpu.enqueue_indirect_dma source(%dma_start3A_22 : memref<10000x128xf32, #tpu.memory_space<hbm>>) target(%arg24 : memref<32x128xf32, #tpu.memory_space<vmem>>) offsets(%arg23 : memref<32xi32, #tpu.memory_space<vmem>>) semaphore(%arg21 : memref<!tpu.dma_semaphore, #tpu.memory_space<semaphore_mem>>)
        %dma_wait3A = arith.constant 0 : i32
        %dma_wait3A_23 = arith.constant 0 : i32
        %dma_wait3A_24 = tpu.memref_slice %arg2[%dma_wait3A, %dma_wait3A_23] : memref<10000x128xf32, #tpu.memory_space<hbm>> -> memref<10000x128xf32, #tpu.memory_space<hbm>>
        tpu.wait_indirect_dma semaphore(%arg21 : memref<!tpu.dma_semaphore, #tpu.memory_space<semaphore_mem>>) src(%dma_wait3A_24 : memref<10000x128xf32, #tpu.memory_space<hbm>>) dst(%arg24 : memref<32x128xf32, #tpu.memory_space<vmem>>)
        "tpu.region"() ({
          %run_scoped3A = tpu.sem_alloc : memref<!tpu.dma_semaphore, #tpu.memory_space<semaphore_mem>>
          %dma_start3A_25 = arith.constant 99968 : i32
          %dma_start3A_26 = arith.constant 0 : i32
          %dma_start3A_27 = tpu.memref_slice %arg6[%dma_start3A_25, %dma_start3A_26] : memref<100000x128xf32, #tpu.memory_space<hbm>> -> memref<32x128xf32, #tpu.memory_space<hbm>>
          %dma_start3A_28 = arith.constant 99968 : i32
          %dma_start3A_29 = arith.constant 0 : i32
          %dma_start3A_30 = tpu.memref_slice %arg6[%dma_start3A_28, %dma_start3A_29] : memref<100000x128xf32, #tpu.memory_space<hbm>> -> memref<32x128xf32, #tpu.memory_space<hbm>>
          tpu.enqueue_dma source(%arg24 : memref<32x128xf32, #tpu.memory_space<vmem>>) target(%dma_start3A_30 : memref<32x128xf32, #tpu.memory_space<hbm>>) target_semaphore(%run_scoped3A : memref<!tpu.dma_semaphore, #tpu.memory_space<semaphore_mem>>)
          %dma_wait3A_31 = arith.constant 99968 : i32
          %dma_wait3A_32 = arith.constant 0 : i32
          %dma_wait3A_33 = tpu.memref_slice %arg6[%dma_wait3A_31, %dma_wait3A_32] : memref<100000x128xf32, #tpu.memory_space<hbm>> -> memref<32x128xf32, #tpu.memory_space<hbm>>
          %dma_wait3A_34 = arith.constant 99968 : i32
          %dma_wait3A_35 = arith.constant 0 : i32
          %dma_wait3A_36 = tpu.memref_slice %arg6[%dma_wait3A_34, %dma_wait3A_35] : memref<100000x128xf32, #tpu.memory_space<hbm>> -> memref<32x128xf32, #tpu.memory_space<hbm>>
          tpu.wait_dma2 semaphore(%run_scoped3A : memref<!tpu.dma_semaphore, #tpu.memory_space<semaphore_mem>>) src(%arg24 : memref<32x128xf32, #tpu.memory_space<vmem>>) dst(%dma_wait3A_36 : memref<32x128xf32, #tpu.memory_space<hbm>>)
          tpu.yield
        }) : () -> ()
      } else {
      }
    } else {
    }
    %eq3A_2 = arith.constant 1 : i32
    %eq3A_3 = arith.cmpi eq, %arg0, %eq3A_2 : i32
    %convert_element_type3A_4 = arith.extui %eq3A_3 : i1 to i32
    %cond3A_5 = arith.constant 0 : i32
    %cond3A_6 = arith.cmpi ne, %convert_element_type3A_4, %cond3A_5 : i32
    scf.if %cond3A_6 {
      %scan3A = arith.constant 0 : i32
      %scan3A_7 = arith.constant 0 : i32
      %scan3A_8 = arith.constant 8 : i32
      %scan3A_9 = arith.addi %scan3A_7, %scan3A_8 : i32
      %scan3A_10 = arith.constant 1 : i32
      scf.for %scan3A_21 = %scan3A_7 to %scan3A_9 step %scan3A_10  : i32 {
        %mul3A = arith.constant 6 : i32
        %mul3A_22 = arith.muli %scan3A_21, %mul3A : i32
        %mul3A_23 = arith.constant 16 : i32
        %mul3A_24 = arith.muli %mul3A_22, %mul3A_23 : i32
        %add3A = arith.addi %arg1, %mul3A_24 : i32
        %add3A_25 = arith.constant 0 : i32
        %add3A_26 = arith.addi %add3A, %add3A_25 : i32
        %mul3A_27 = arith.constant 128 : i32
        %mul3A_28 = arith.muli %add3A_26, %mul3A_27 : i32
        %dma_start3A = tpu.memref_slice %arg5[%mul3A_28] : memref<100000xi32, #tpu.memory_space<hbm>> -> memref<128xi32, #tpu.memory_space<hbm>>
        %dma_start3A_29 = tpu.memref_slice %arg5[%mul3A_28] : memref<100000xi32, #tpu.memory_space<hbm>> -> memref<128xi32, #tpu.memory_space<hbm>>
        tpu.enqueue_dma source(%dma_start3A_29 : memref<128xi32, #tpu.memory_space<hbm>>) target(%arg8 : memref<128xi32, #tpu.memory_space<vmem>>) target_semaphore(%arg20 : memref<!tpu.dma_semaphore, #tpu.memory_space<semaphore_mem>>)
        %add3A_30 = arith.constant 16 : i32
        %add3A_31 = arith.addi %add3A, %add3A_30 : i32
        %mul3A_32 = arith.constant 128 : i32
        %mul3A_33 = arith.muli %add3A_31, %mul3A_32 : i32
        %dma_start3A_34 = tpu.memref_slice %arg5[%mul3A_33] : memref<100000xi32, #tpu.memory_space<hbm>> -> memref<128xi32, #tpu.memory_space<hbm>>
        %dma_start3A_35 = tpu.memref_slice %arg5[%mul3A_33] : memref<100000xi32, #tpu.memory_space<hbm>> -> memref<128xi32, #tpu.memory_space<hbm>>
        tpu.enqueue_dma source(%dma_start3A_35 : memref<128xi32, #tpu.memory_space<hbm>>) target(%arg9 : memref<128xi32, #tpu.memory_space<vmem>>) target_semaphore(%arg20 : memref<!tpu.dma_semaphore, #tpu.memory_space<semaphore_mem>>)
        %add3A_36 = arith.constant 32 : i32
        %add3A_37 = arith.addi %add3A, %add3A_36 : i32
        %mul3A_38 = arith.constant 128 : i32
        %mul3A_39 = arith.muli %add3A_37, %mul3A_38 : i32
        %dma_start3A_40 = tpu.memref_slice %arg5[%mul3A_39] : memref<100000xi32, #tpu.memory_space<hbm>> -> memref<128xi32, #tpu.memory_space<hbm>>
        %dma_start3A_41 = tpu.memref_slice %arg5[%mul3A_39] : memref<100000xi32, #tpu.memory_space<hbm>> -> memref<128xi32, #tpu.memory_space<hbm>>
        tpu.enqueue_dma source(%dma_start3A_41 : memref<128xi32, #tpu.memory_space<hbm>>) target(%arg10 : memref<128xi32, #tpu.memory_space<vmem>>) target_semaphore(%arg20 : memref<!tpu.dma_semaphore, #tpu.memory_space<semaphore_mem>>)
        %add3A_42 = arith.constant 48 : i32
        %add3A_43 = arith.addi %add3A, %add3A_42 : i32
        %mul3A_44 = arith.constant 128 : i32
        %mul3A_45 = arith.muli %add3A_43, %mul3A_44 : i32
        %dma_start3A_46 = tpu.memref_slice %arg5[%mul3A_45] : memref<100000xi32, #tpu.memory_space<hbm>> -> memref<128xi32, #tpu.memory_space<hbm>>
        %dma_start3A_47 = tpu.memref_slice %arg5[%mul3A_45] : memref<100000xi32, #tpu.memory_space<hbm>> -> memref<128xi32, #tpu.memory_space<hbm>>
        tpu.enqueue_dma source(%dma_start3A_47 : memref<128xi32, #tpu.memory_space<hbm>>) target(%arg11 : memref<128xi32, #tpu.memory_space<vmem>>) target_semaphore(%arg20 : memref<!tpu.dma_semaphore, #tpu.memory_space<semaphore_mem>>)
        %add3A_48 = arith.constant 64 : i32
        %add3A_49 = arith.addi %add3A, %add3A_48 : i32
        %mul3A_50 = arith.constant 128 : i32
        %mul3A_51 = arith.muli %add3A_49, %mul3A_50 : i32
        %dma_start3A_52 = tpu.memref_slice %arg5[%mul3A_51] : memref<100000xi32, #tpu.memory_space<hbm>> -> memref<128xi32, #tpu.memory_space<hbm>>
        %dma_start3A_53 = tpu.memref_slice %arg5[%mul3A_51] : memref<100000xi32, #tpu.memory_space<hbm>> -> memref<128xi32, #tpu.memory_space<hbm>>
        tpu.enqueue_dma source(%dma_start3A_53 : memref<128xi32, #tpu.memory_space<hbm>>) target(%arg12 : memref<128xi32, #tpu.memory_space<vmem>>) target_semaphore(%arg20 : memref<!tpu.dma_semaphore, #tpu.memory_space<semaphore_mem>>)
        %add3A_54 = arith.constant 80 : i32
        %add3A_55 = arith.addi %add3A, %add3A_54 : i32
        %mul3A_56 = arith.constant 128 : i32
        %mul3A_57 = arith.muli %add3A_55, %mul3A_56 : i32
        %dma_start3A_58 = tpu.memref_slice %arg5[%mul3A_57] : memref<100000xi32, #tpu.memory_space<hbm>> -> memref<128xi32, #tpu.memory_space<hbm>>
        %dma_start3A_59 = tpu.memref_slice %arg5[%mul3A_57] : memref<100000xi32, #tpu.memory_space<hbm>> -> memref<128xi32, #tpu.memory_space<hbm>>
        tpu.enqueue_dma source(%dma_start3A_59 : memref<128xi32, #tpu.memory_space<hbm>>) target(%arg13 : memref<128xi32, #tpu.memory_space<vmem>>) target_semaphore(%arg20 : memref<!tpu.dma_semaphore, #tpu.memory_space<semaphore_mem>>)
        %dma_wait3A = tpu.memref_slice %arg5[%mul3A_28] : memref<100000xi32, #tpu.memory_space<hbm>> -> memref<128xi32, #tpu.memory_space<hbm>>
        %dma_wait3A_60 = tpu.memref_slice %arg5[%mul3A_28] : memref<100000xi32, #tpu.memory_space<hbm>> -> memref<128xi32, #tpu.memory_space<hbm>>
        tpu.wait_dma2 semaphore(%arg20 : memref<!tpu.dma_semaphore, #tpu.memory_space<semaphore_mem>>) src(%dma_wait3A_60 : memref<128xi32, #tpu.memory_space<hbm>>) dst(%arg8 : memref<128xi32, #tpu.memory_space<vmem>>)
        %dma_wait3A_61 = tpu.memref_slice %arg5[%mul3A_33] : memref<100000xi32, #tpu.memory_space<hbm>> -> memref<128xi32, #tpu.memory_space<hbm>>
        %dma_wait3A_62 = tpu.memref_slice %arg5[%mul3A_33] : memref<100000xi32, #tpu.memory_space<hbm>> -> memref<128xi32, #tpu.memory_space<hbm>>
        tpu.wait_dma2 semaphore(%arg20 : memref<!tpu.dma_semaphore, #tpu.memory_space<semaphore_mem>>) src(%dma_wait3A_62 : memref<128xi32, #tpu.memory_space<hbm>>) dst(%arg9 : memref<128xi32, #tpu.memory_space<vmem>>)
        %dma_wait3A_63 = tpu.memref_slice %arg5[%mul3A_39] : memref<100000xi32, #tpu.memory_space<hbm>> -> memref<128xi32, #tpu.memory_space<hbm>>
        %dma_wait3A_64 = tpu.memref_slice %arg5[%mul3A_39] : memref<100000xi32, #tpu.memory_space<hbm>> -> memref<128xi32, #tpu.memory_space<hbm>>
        tpu.wait_dma2 semaphore(%arg20 : memref<!tpu.dma_semaphore, #tpu.memory_space<semaphore_mem>>) src(%dma_wait3A_64 : memref<128xi32, #tpu.memory_space<hbm>>) dst(%arg10 : memref<128xi32, #tpu.memory_space<vmem>>)
        %dma_wait3A_65 = tpu.memref_slice %arg5[%mul3A_45] : memref<100000xi32, #tpu.memory_space<hbm>> -> memref<128xi32, #tpu.memory_space<hbm>>
        %dma_wait3A_66 = tpu.memref_slice %arg5[%mul3A_45] : memref<100000xi32, #tpu.memory_space<hbm>> -> memref<128xi32, #tpu.memory_space<hbm>>
        tpu.wait_dma2 semaphore(%arg20 : memref<!tpu.dma_semaphore, #tpu.memory_space<semaphore_mem>>) src(%dma_wait3A_66 : memref<128xi32, #tpu.memory_space<hbm>>) dst(%arg11 : memref<128xi32, #tpu.memory_space<vmem>>)
        %dma_wait3A_67 = tpu.memref_slice %arg5[%mul3A_51] : memref<100000xi32, #tpu.memory_space<hbm>> -> memref<128xi32, #tpu.memory_space<hbm>>
        %dma_wait3A_68 = tpu.memref_slice %arg5[%mul3A_51] : memref<100000xi32, #tpu.memory_space<hbm>> -> memref<128xi32, #tpu.memory_space<hbm>>
        tpu.wait_dma2 semaphore(%arg20 : memref<!tpu.dma_semaphore, #tpu.memory_space<semaphore_mem>>) src(%dma_wait3A_68 : memref<128xi32, #tpu.memory_space<hbm>>) dst(%arg12 : memref<128xi32, #tpu.memory_space<vmem>>)
        %dma_wait3A_69 = tpu.memref_slice %arg5[%mul3A_57] : memref<100000xi32, #tpu.memory_space<hbm>> -> memref<128xi32, #tpu.memory_space<hbm>>
        %dma_wait3A_70 = tpu.memref_slice %arg5[%mul3A_57] : memref<100000xi32, #tpu.memory_space<hbm>> -> memref<128xi32, #tpu.memory_space<hbm>>
        tpu.wait_dma2 semaphore(%arg20 : memref<!tpu.dma_semaphore, #tpu.memory_space<semaphore_mem>>) src(%dma_wait3A_70 : memref<128xi32, #tpu.memory_space<hbm>>) dst(%arg13 : memref<128xi32, #tpu.memory_space<vmem>>)
        %dma_start3A_71 = arith.constant 0 : i32
        %dma_start3A_72 = arith.constant 0 : i32
        %dma_start3A_73 = tpu.memref_slice %arg3[%dma_start3A_71, %dma_start3A_72] : memref<10000x128xf32, #tpu.memory_space<hbm>> -> memref<10000x128xf32, #tpu.memory_space<hbm>>
        tpu.enqueue_indirect_dma source(%dma_start3A_73 : memref<10000x128xf32, #tpu.memory_space<hbm>>) target(%arg14 : memref<128x128xf32, #tpu.memory_space<vmem>>) offsets(%arg8 : memref<128xi32, #tpu.memory_space<vmem>>) semaphore(%arg21 : memref<!tpu.dma_semaphore, #tpu.memory_space<semaphore_mem>>)
        %dma_start3A_74 = arith.constant 0 : i32
        %dma_start3A_75 = arith.constant 0 : i32
        %dma_start3A_76 = tpu.memref_slice %arg3[%dma_start3A_74, %dma_start3A_75] : memref<10000x128xf32, #tpu.memory_space<hbm>> -> memref<10000x128xf32, #tpu.memory_space<hbm>>
        tpu.enqueue_indirect_dma source(%dma_start3A_76 : memref<10000x128xf32, #tpu.memory_space<hbm>>) target(%arg15 : memref<128x128xf32, #tpu.memory_space<vmem>>) offsets(%arg9 : memref<128xi32, #tpu.memory_space<vmem>>) semaphore(%arg21 : memref<!tpu.dma_semaphore, #tpu.memory_space<semaphore_mem>>)
        %dma_start3A_77 = arith.constant 0 : i32
        %dma_start3A_78 = arith.constant 0 : i32
        %dma_start3A_79 = tpu.memref_slice %arg3[%dma_start3A_77, %dma_start3A_78] : memref<10000x128xf32, #tpu.memory_space<hbm>> -> memref<10000x128xf32, #tpu.memory_space<hbm>>
        tpu.enqueue_indirect_dma source(%dma_start3A_79 : memref<10000x128xf32, #tpu.memory_space<hbm>>) target(%arg16 : memref<128x128xf32, #tpu.memory_space<vmem>>) offsets(%arg10 : memref<128xi32, #tpu.memory_space<vmem>>) semaphore(%arg21 : memref<!tpu.dma_semaphore, #tpu.memory_space<semaphore_mem>>)
        %dma_start3A_80 = arith.constant 0 : i32
        %dma_start3A_81 = arith.constant 0 : i32
        %dma_start3A_82 = tpu.memref_slice %arg3[%dma_start3A_80, %dma_start3A_81] : memref<10000x128xf32, #tpu.memory_space<hbm>> -> memref<10000x128xf32, #tpu.memory_space<hbm>>
        tpu.enqueue_indirect_dma source(%dma_start3A_82 : memref<10000x128xf32, #tpu.memory_space<hbm>>) target(%arg17 : memref<128x128xf32, #tpu.memory_space<vmem>>) offsets(%arg11 : memref<128xi32, #tpu.memory_space<vmem>>) semaphore(%arg21 : memref<!tpu.dma_semaphore, #tpu.memory_space<semaphore_mem>>)
        %dma_start3A_83 = arith.constant 0 : i32
        %dma_start3A_84 = arith.constant 0 : i32
        %dma_start3A_85 = tpu.memref_slice %arg3[%dma_start3A_83, %dma_start3A_84] : memref<10000x128xf32, #tpu.memory_space<hbm>> -> memref<10000x128xf32, #tpu.memory_space<hbm>>
        tpu.enqueue_indirect_dma source(%dma_start3A_85 : memref<10000x128xf32, #tpu.memory_space<hbm>>) target(%arg18 : memref<128x128xf32, #tpu.memory_space<vmem>>) offsets(%arg12 : memref<128xi32, #tpu.memory_space<vmem>>) semaphore(%arg21 : memref<!tpu.dma_semaphore, #tpu.memory_space<semaphore_mem>>)
        %dma_start3A_86 = arith.constant 0 : i32
        %dma_start3A_87 = arith.constant 0 : i32
        %dma_start3A_88 = tpu.memref_slice %arg3[%dma_start3A_86, %dma_start3A_87] : memref<10000x128xf32, #tpu.memory_space<hbm>> -> memref<10000x128xf32, #tpu.memory_space<hbm>>
        tpu.enqueue_indirect_dma source(%dma_start3A_88 : memref<10000x128xf32, #tpu.memory_space<hbm>>) target(%arg19 : memref<128x128xf32, #tpu.memory_space<vmem>>) offsets(%arg13 : memref<128xi32, #tpu.memory_space<vmem>>) semaphore(%arg21 : memref<!tpu.dma_semaphore, #tpu.memory_space<semaphore_mem>>)
        %dma_wait3A_89 = arith.constant 0 : i32
        %dma_wait3A_90 = arith.constant 0 : i32
        %dma_wait3A_91 = tpu.memref_slice %arg3[%dma_wait3A_89, %dma_wait3A_90] : memref<10000x128xf32, #tpu.memory_space<hbm>> -> memref<10000x128xf32, #tpu.memory_space<hbm>>
        tpu.wait_indirect_dma semaphore(%arg21 : memref<!tpu.dma_semaphore, #tpu.memory_space<semaphore_mem>>) src(%dma_wait3A_91 : memref<10000x128xf32, #tpu.memory_space<hbm>>) dst(%arg14 : memref<128x128xf32, #tpu.memory_space<vmem>>)
        %dma_wait3A_92 = arith.constant 0 : i32
        %dma_wait3A_93 = arith.constant 0 : i32
        %dma_wait3A_94 = tpu.memref_slice %arg3[%dma_wait3A_92, %dma_wait3A_93] : memref<10000x128xf32, #tpu.memory_space<hbm>> -> memref<10000x128xf32, #tpu.memory_space<hbm>>
        tpu.wait_indirect_dma semaphore(%arg21 : memref<!tpu.dma_semaphore, #tpu.memory_space<semaphore_mem>>) src(%dma_wait3A_94 : memref<10000x128xf32, #tpu.memory_space<hbm>>) dst(%arg15 : memref<128x128xf32, #tpu.memory_space<vmem>>)
        %dma_wait3A_95 = arith.constant 0 : i32
        %dma_wait3A_96 = arith.constant 0 : i32
        %dma_wait3A_97 = tpu.memref_slice %arg3[%dma_wait3A_95, %dma_wait3A_96] : memref<10000x128xf32, #tpu.memory_space<hbm>> -> memref<10000x128xf32, #tpu.memory_space<hbm>>
        tpu.wait_indirect_dma semaphore(%arg21 : memref<!tpu.dma_semaphore, #tpu.memory_space<semaphore_mem>>) src(%dma_wait3A_97 : memref<10000x128xf32, #tpu.memory_space<hbm>>) dst(%arg16 : memref<128x128xf32, #tpu.memory_space<vmem>>)
        %dma_wait3A_98 = arith.constant 0 : i32
        %dma_wait3A_99 = arith.constant 0 : i32
        %dma_wait3A_100 = tpu.memref_slice %arg3[%dma_wait3A_98, %dma_wait3A_99] : memref<10000x128xf32, #tpu.memory_space<hbm>> -> memref<10000x128xf32, #tpu.memory_space<hbm>>
        tpu.wait_indirect_dma semaphore(%arg21 : memref<!tpu.dma_semaphore, #tpu.memory_space<semaphore_mem>>) src(%dma_wait3A_100 : memref<10000x128xf32, #tpu.memory_space<hbm>>) dst(%arg17 : memref<128x128xf32, #tpu.memory_space<vmem>>)
        %dma_wait3A_101 = arith.constant 0 : i32
        %dma_wait3A_102 = arith.constant 0 : i32
        %dma_wait3A_103 = tpu.memref_slice %arg3[%dma_wait3A_101, %dma_wait3A_102] : memref<10000x128xf32, #tpu.memory_space<hbm>> -> memref<10000x128xf32, #tpu.memory_space<hbm>>
        tpu.wait_indirect_dma semaphore(%arg21 : memref<!tpu.dma_semaphore, #tpu.memory_space<semaphore_mem>>) src(%dma_wait3A_103 : memref<10000x128xf32, #tpu.memory_space<hbm>>) dst(%arg18 : memref<128x128xf32, #tpu.memory_space<vmem>>)
        %dma_wait3A_104 = arith.constant 0 : i32
        %dma_wait3A_105 = arith.constant 0 : i32
        %dma_wait3A_106 = tpu.memref_slice %arg3[%dma_wait3A_104, %dma_wait3A_105] : memref<10000x128xf32, #tpu.memory_space<hbm>> -> memref<10000x128xf32, #tpu.memory_space<hbm>>
        tpu.wait_indirect_dma semaphore(%arg21 : memref<!tpu.dma_semaphore, #tpu.memory_space<semaphore_mem>>) src(%dma_wait3A_106 : memref<10000x128xf32, #tpu.memory_space<hbm>>) dst(%arg19 : memref<128x128xf32, #tpu.memory_space<vmem>>)
        %add3A_107 = arith.constant 0 : i32
        %add3A_108 = arith.addi %add3A, %add3A_107 : i32
        %mul3A_109 = arith.constant 128 : i32
        %mul3A_110 = arith.muli %add3A_108, %mul3A_109 : i32
        %dma_start3A_111 = arith.constant 0 : i32
        %dma_start3A_112 = tpu.memref_slice %arg7[%mul3A_110, %dma_start3A_111] : memref<100000x128xf32, #tpu.memory_space<hbm>> -> memref<128x128xf32, #tpu.memory_space<hbm>>
        %dma_start3A_113 = arith.constant 0 : i32
        %dma_start3A_114 = tpu.memref_slice %arg7[%mul3A_110, %dma_start3A_113] : memref<100000x128xf32, #tpu.memory_space<hbm>> -> memref<128x128xf32, #tpu.memory_space<hbm>>
        tpu.enqueue_dma source(%arg14 : memref<128x128xf32, #tpu.memory_space<vmem>>) target(%dma_start3A_114 : memref<128x128xf32, #tpu.memory_space<hbm>>) target_semaphore(%arg22 : memref<!tpu.dma_semaphore, #tpu.memory_space<semaphore_mem>>)
        %add3A_115 = arith.constant 16 : i32
        %add3A_116 = arith.addi %add3A, %add3A_115 : i32
        %mul3A_117 = arith.constant 128 : i32
        %mul3A_118 = arith.muli %add3A_116, %mul3A_117 : i32
        %dma_start3A_119 = arith.constant 0 : i32
        %dma_start3A_120 = tpu.memref_slice %arg7[%mul3A_118, %dma_start3A_119] : memref<100000x128xf32, #tpu.memory_space<hbm>> -> memref<128x128xf32, #tpu.memory_space<hbm>>
        %dma_start3A_121 = arith.constant 0 : i32
        %dma_start3A_122 = tpu.memref_slice %arg7[%mul3A_118, %dma_start3A_121] : memref<100000x128xf32, #tpu.memory_space<hbm>> -> memref<128x128xf32, #tpu.memory_space<hbm>>
        tpu.enqueue_dma source(%arg15 : memref<128x128xf32, #tpu.memory_space<vmem>>) target(%dma_start3A_122 : memref<128x128xf32, #tpu.memory_space<hbm>>) target_semaphore(%arg22 : memref<!tpu.dma_semaphore, #tpu.memory_space<semaphore_mem>>)
        %add3A_123 = arith.constant 32 : i32
        %add3A_124 = arith.addi %add3A, %add3A_123 : i32
        %mul3A_125 = arith.constant 128 : i32
        %mul3A_126 = arith.muli %add3A_124, %mul3A_125 : i32
        %dma_start3A_127 = arith.constant 0 : i32
        %dma_start3A_128 = tpu.memref_slice %arg7[%mul3A_126, %dma_start3A_127] : memref<100000x128xf32, #tpu.memory_space<hbm>> -> memref<128x128xf32, #tpu.memory_space<hbm>>
        %dma_start3A_129 = arith.constant 0 : i32
        %dma_start3A_130 = tpu.memref_slice %arg7[%mul3A_126, %dma_start3A_129] : memref<100000x128xf32, #tpu.memory_space<hbm>> -> memref<128x128xf32, #tpu.memory_space<hbm>>
        tpu.enqueue_dma source(%arg16 : memref<128x128xf32, #tpu.memory_space<vmem>>) target(%dma_start3A_130 : memref<128x128xf32, #tpu.memory_space<hbm>>) target_semaphore(%arg22 : memref<!tpu.dma_semaphore, #tpu.memory_space<semaphore_mem>>)
        %add3A_131 = arith.constant 48 : i32
        %add3A_132 = arith.addi %add3A, %add3A_131 : i32
        %mul3A_133 = arith.constant 128 : i32
        %mul3A_134 = arith.muli %add3A_132, %mul3A_133 : i32
        %dma_start3A_135 = arith.constant 0 : i32
        %dma_start3A_136 = tpu.memref_slice %arg7[%mul3A_134, %dma_start3A_135] : memref<100000x128xf32, #tpu.memory_space<hbm>> -> memref<128x128xf32, #tpu.memory_space<hbm>>
        %dma_start3A_137 = arith.constant 0 : i32
        %dma_start3A_138 = tpu.memref_slice %arg7[%mul3A_134, %dma_start3A_137] : memref<100000x128xf32, #tpu.memory_space<hbm>> -> memref<128x128xf32, #tpu.memory_space<hbm>>
        tpu.enqueue_dma source(%arg17 : memref<128x128xf32, #tpu.memory_space<vmem>>) target(%dma_start3A_138 : memref<128x128xf32, #tpu.memory_space<hbm>>) target_semaphore(%arg22 : memref<!tpu.dma_semaphore, #tpu.memory_space<semaphore_mem>>)
        %add3A_139 = arith.constant 64 : i32
        %add3A_140 = arith.addi %add3A, %add3A_139 : i32
        %mul3A_141 = arith.constant 128 : i32
        %mul3A_142 = arith.muli %add3A_140, %mul3A_141 : i32
        %dma_start3A_143 = arith.constant 0 : i32
        %dma_start3A_144 = tpu.memref_slice %arg7[%mul3A_142, %dma_start3A_143] : memref<100000x128xf32, #tpu.memory_space<hbm>> -> memref<128x128xf32, #tpu.memory_space<hbm>>
        %dma_start3A_145 = arith.constant 0 : i32
        %dma_start3A_146 = tpu.memref_slice %arg7[%mul3A_142, %dma_start3A_145] : memref<100000x128xf32, #tpu.memory_space<hbm>> -> memref<128x128xf32, #tpu.memory_space<hbm>>
        tpu.enqueue_dma source(%arg18 : memref<128x128xf32, #tpu.memory_space<vmem>>) target(%dma_start3A_146 : memref<128x128xf32, #tpu.memory_space<hbm>>) target_semaphore(%arg22 : memref<!tpu.dma_semaphore, #tpu.memory_space<semaphore_mem>>)
        %add3A_147 = arith.constant 80 : i32
        %add3A_148 = arith.addi %add3A, %add3A_147 : i32
        %mul3A_149 = arith.constant 128 : i32
        %mul3A_150 = arith.muli %add3A_148, %mul3A_149 : i32
        %dma_start3A_151 = arith.constant 0 : i32
        %dma_start3A_152 = tpu.memref_slice %arg7[%mul3A_150, %dma_start3A_151] : memref<100000x128xf32, #tpu.memory_space<hbm>> -> memref<128x128xf32, #tpu.memory_space<hbm>>
        %dma_start3A_153 = arith.constant 0 : i32
        %dma_start3A_154 = tpu.memref_slice %arg7[%mul3A_150, %dma_start3A_153] : memref<100000x128xf32, #tpu.memory_space<hbm>> -> memref<128x128xf32, #tpu.memory_space<hbm>>
        tpu.enqueue_dma source(%arg19 : memref<128x128xf32, #tpu.memory_space<vmem>>) target(%dma_start3A_154 : memref<128x128xf32, #tpu.memory_space<hbm>>) target_semaphore(%arg22 : memref<!tpu.dma_semaphore, #tpu.memory_space<semaphore_mem>>)
        %dma_wait3A_155 = arith.constant 0 : i32
        %dma_wait3A_156 = tpu.memref_slice %arg7[%mul3A_110, %dma_wait3A_155] : memref<100000x128xf32, #tpu.memory_space<hbm>> -> memref<128x128xf32, #tpu.memory_space<hbm>>
        %dma_wait3A_157 = arith.constant 0 : i32
        %dma_wait3A_158 = tpu.memref_slice %arg7[%mul3A_110, %dma_wait3A_157] : memref<100000x128xf32, #tpu.memory_space<hbm>> -> memref<128x128xf32, #tpu.memory_space<hbm>>
        tpu.wait_dma2 semaphore(%arg22 : memref<!tpu.dma_semaphore, #tpu.memory_space<semaphore_mem>>) src(%arg14 : memref<128x128xf32, #tpu.memory_space<vmem>>) dst(%dma_wait3A_158 : memref<128x128xf32, #tpu.memory_space<hbm>>)
        %dma_wait3A_159 = arith.constant 0 : i32
        %dma_wait3A_160 = tpu.memref_slice %arg7[%mul3A_118, %dma_wait3A_159] : memref<100000x128xf32, #tpu.memory_space<hbm>> -> memref<128x128xf32, #tpu.memory_space<hbm>>
        %dma_wait3A_161 = arith.constant 0 : i32
        %dma_wait3A_162 = tpu.memref_slice %arg7[%mul3A_118, %dma_wait3A_161] : memref<100000x128xf32, #tpu.memory_space<hbm>> -> memref<128x128xf32, #tpu.memory_space<hbm>>
        tpu.wait_dma2 semaphore(%arg22 : memref<!tpu.dma_semaphore, #tpu.memory_space<semaphore_mem>>) src(%arg15 : memref<128x128xf32, #tpu.memory_space<vmem>>) dst(%dma_wait3A_162 : memref<128x128xf32, #tpu.memory_space<hbm>>)
        %dma_wait3A_163 = arith.constant 0 : i32
        %dma_wait3A_164 = tpu.memref_slice %arg7[%mul3A_126, %dma_wait3A_163] : memref<100000x128xf32, #tpu.memory_space<hbm>> -> memref<128x128xf32, #tpu.memory_space<hbm>>
        %dma_wait3A_165 = arith.constant 0 : i32
        %dma_wait3A_166 = tpu.memref_slice %arg7[%mul3A_126, %dma_wait3A_165] : memref<100000x128xf32, #tpu.memory_space<hbm>> -> memref<128x128xf32, #tpu.memory_space<hbm>>
        tpu.wait_dma2 semaphore(%arg22 : memref<!tpu.dma_semaphore, #tpu.memory_space<semaphore_mem>>) src(%arg16 : memref<128x128xf32, #tpu.memory_space<vmem>>) dst(%dma_wait3A_166 : memref<128x128xf32, #tpu.memory_space<hbm>>)
        %dma_wait3A_167 = arith.constant 0 : i32
        %dma_wait3A_168 = tpu.memref_slice %arg7[%mul3A_134, %dma_wait3A_167] : memref<100000x128xf32, #tpu.memory_space<hbm>> -> memref<128x128xf32, #tpu.memory_space<hbm>>
        %dma_wait3A_169 = arith.constant 0 : i32
        %dma_wait3A_170 = tpu.memref_slice %arg7[%mul3A_134, %dma_wait3A_169] : memref<100000x128xf32, #tpu.memory_space<hbm>> -> memref<128x128xf32, #tpu.memory_space<hbm>>
        tpu.wait_dma2 semaphore(%arg22 : memref<!tpu.dma_semaphore, #tpu.memory_space<semaphore_mem>>) src(%arg17 : memref<128x128xf32, #tpu.memory_space<vmem>>) dst(%dma_wait3A_170 : memref<128x128xf32, #tpu.memory_space<hbm>>)
        %dma_wait3A_171 = arith.constant 0 : i32
        %dma_wait3A_172 = tpu.memref_slice %arg7[%mul3A_142, %dma_wait3A_171] : memref<100000x128xf32, #tpu.memory_space<hbm>> -> memref<128x128xf32, #tpu.memory_space<hbm>>
        %dma_wait3A_173 = arith.constant 0 : i32
        %dma_wait3A_174 = tpu.memref_slice %arg7[%mul3A_142, %dma_wait3A_173] : memref<100000x128xf32, #tpu.memory_space<hbm>> -> memref<128x128xf32, #tpu.memory_space<hbm>>
        tpu.wait_dma2 semaphore(%arg22 : memref<!tpu.dma_semaphore, #tpu.memory_space<semaphore_mem>>) src(%arg18 : memref<128x128xf32, #tpu.memory_space<vmem>>) dst(%dma_wait3A_174 : memref<128x128xf32, #tpu.memory_space<hbm>>)
        %dma_wait3A_175 = arith.constant 0 : i32
        %dma_wait3A_176 = tpu.memref_slice %arg7[%mul3A_150, %dma_wait3A_175] : memref<100000x128xf32, #tpu.memory_space<hbm>> -> memref<128x128xf32, #tpu.memory_space<hbm>>
        %dma_wait3A_177 = arith.constant 0 : i32
        %dma_wait3A_178 = tpu.memref_slice %arg7[%mul3A_150, %dma_wait3A_177] : memref<100000x128xf32, #tpu.memory_space<hbm>> -> memref<128x128xf32, #tpu.memory_space<hbm>>
        tpu.wait_dma2 semaphore(%arg22 : memref<!tpu.dma_semaphore, #tpu.memory_space<semaphore_mem>>) src(%arg19 : memref<128x128xf32, #tpu.memory_space<vmem>>) dst(%dma_wait3A_178 : memref<128x128xf32, #tpu.memory_space<hbm>>)
      }
      %scan3A_11 = arith.constant 8 : i32
      %lt3A = arith.constant 13 : i32
      %lt3A_12 = arith.cmpi slt, %arg1, %lt3A : i32
      %convert_element_type3A_13 = arith.extui %lt3A_12 : i1 to i32
      %cond3A_14 = arith.constant 0 : i32
      %cond3A_15 = arith.cmpi ne, %convert_element_type3A_13, %cond3A_14 : i32
      scf.if %cond3A_15 {
        %add3A = arith.constant 768 : i32
        %add3A_21 = arith.addi %arg1, %add3A : i32
        %mul3A = arith.constant 128 : i32
        %mul3A_22 = arith.muli %add3A_21, %mul3A : i32
        "tpu.region"() ({
          %run_scoped3A = tpu.sem_alloc : memref<!tpu.dma_semaphore, #tpu.memory_space<semaphore_mem>>
          %dma_start3A_27 = tpu.memref_slice %arg5[%mul3A_22] : memref<100000xi32, #tpu.memory_space<hbm>> -> memref<128xi32, #tpu.memory_space<hbm>>
          %dma_start3A_28 = tpu.memref_slice %arg5[%mul3A_22] : memref<100000xi32, #tpu.memory_space<hbm>> -> memref<128xi32, #tpu.memory_space<hbm>>
          tpu.enqueue_dma source(%dma_start3A_28 : memref<128xi32, #tpu.memory_space<hbm>>) target(%arg8 : memref<128xi32, #tpu.memory_space<vmem>>) target_semaphore(%run_scoped3A : memref<!tpu.dma_semaphore, #tpu.memory_space<semaphore_mem>>)
          %dma_wait3A_29 = tpu.memref_slice %arg5[%mul3A_22] : memref<100000xi32, #tpu.memory_space<hbm>> -> memref<128xi32, #tpu.memory_space<hbm>>
          %dma_wait3A_30 = tpu.memref_slice %arg5[%mul3A_22] : memref<100000xi32, #tpu.memory_space<hbm>> -> memref<128xi32, #tpu.memory_space<hbm>>
          tpu.wait_dma2 semaphore(%run_scoped3A : memref<!tpu.dma_semaphore, #tpu.memory_space<semaphore_mem>>) src(%dma_wait3A_30 : memref<128xi32, #tpu.memory_space<hbm>>) dst(%arg8 : memref<128xi32, #tpu.memory_space<vmem>>)
          tpu.yield
        }) : () -> ()
        %dma_start3A = arith.constant 0 : i32
        %dma_start3A_23 = arith.constant 0 : i32
        %dma_start3A_24 = tpu.memref_slice %arg3[%dma_start3A, %dma_start3A_23] : memref<10000x128xf32, #tpu.memory_space<hbm>> -> memref<10000x128xf32, #tpu.memory_space<hbm>>
        tpu.enqueue_indirect_dma source(%dma_start3A_24 : memref<10000x128xf32, #tpu.memory_space<hbm>>) target(%arg14 : memref<128x128xf32, #tpu.memory_space<vmem>>) offsets(%arg8 : memref<128xi32, #tpu.memory_space<vmem>>) semaphore(%arg21 : memref<!tpu.dma_semaphore, #tpu.memory_space<semaphore_mem>>)
        %dma_wait3A = arith.constant 0 : i32
        %dma_wait3A_25 = arith.constant 0 : i32
        %dma_wait3A_26 = tpu.memref_slice %arg3[%dma_wait3A, %dma_wait3A_25] : memref<10000x128xf32, #tpu.memory_space<hbm>> -> memref<10000x128xf32, #tpu.memory_space<hbm>>
        tpu.wait_indirect_dma semaphore(%arg21 : memref<!tpu.dma_semaphore, #tpu.memory_space<semaphore_mem>>) src(%dma_wait3A_26 : memref<10000x128xf32, #tpu.memory_space<hbm>>) dst(%arg14 : memref<128x128xf32, #tpu.memory_space<vmem>>)
        "tpu.region"() ({
          %run_scoped3A = tpu.sem_alloc : memref<!tpu.dma_semaphore, #tpu.memory_space<semaphore_mem>>
          %dma_start3A_27 = arith.constant 0 : i32
          %dma_start3A_28 = tpu.memref_slice %arg7[%mul3A_22, %dma_start3A_27] : memref<100000x128xf32, #tpu.memory_space<hbm>> -> memref<128x128xf32, #tpu.memory_space<hbm>>
          %dma_start3A_29 = arith.constant 0 : i32
          %dma_start3A_30 = tpu.memref_slice %arg7[%mul3A_22, %dma_start3A_29] : memref<100000x128xf32, #tpu.memory_space<hbm>> -> memref<128x128xf32, #tpu.memory_space<hbm>>
          tpu.enqueue_dma source(%arg14 : memref<128x128xf32, #tpu.memory_space<vmem>>) target(%dma_start3A_30 : memref<128x128xf32, #tpu.memory_space<hbm>>) target_semaphore(%run_scoped3A : memref<!tpu.dma_semaphore, #tpu.memory_space<semaphore_mem>>)
          %dma_wait3A_31 = arith.constant 0 : i32
          %dma_wait3A_32 = tpu.memref_slice %arg7[%mul3A_22, %dma_wait3A_31] : memref<100000x128xf32, #tpu.memory_space<hbm>> -> memref<128x128xf32, #tpu.memory_space<hbm>>
          %dma_wait3A_33 = arith.constant 0 : i32
          %dma_wait3A_34 = tpu.memref_slice %arg7[%mul3A_22, %dma_wait3A_33] : memref<100000x128xf32, #tpu.memory_space<hbm>> -> memref<128x128xf32, #tpu.memory_space<hbm>>
          tpu.wait_dma2 semaphore(%run_scoped3A : memref<!tpu.dma_semaphore, #tpu.memory_space<semaphore_mem>>) src(%arg14 : memref<128x128xf32, #tpu.memory_space<vmem>>) dst(%dma_wait3A_34 : memref<128x128xf32, #tpu.memory_space<hbm>>)
          tpu.yield
        }) : () -> ()
      } else {
      }
      %eq3A_16 = arith.constant 13 : i32
      %eq3A_17 = arith.cmpi eq, %arg1, %eq3A_16 : i32
      %convert_element_type3A_18 = arith.extui %eq3A_17 : i1 to i32
      %cond3A_19 = arith.constant 0 : i32
      %cond3A_20 = arith.cmpi ne, %convert_element_type3A_18, %cond3A_19 : i32
      scf.if %cond3A_20 {
        "tpu.region"() ({
          %run_scoped3A = tpu.sem_alloc : memref<!tpu.dma_semaphore, #tpu.memory_space<semaphore_mem>>
          %dma_start3A_25 = arith.constant 99968 : i32
          %dma_start3A_26 = tpu.memref_slice %arg5[%dma_start3A_25] : memref<100000xi32, #tpu.memory_space<hbm>> -> memref<32xi32, #tpu.memory_space<hbm>>
          %dma_start3A_27 = arith.constant 99968 : i32
          %dma_start3A_28 = tpu.memref_slice %arg5[%dma_start3A_27] : memref<100000xi32, #tpu.memory_space<hbm>> -> memref<32xi32, #tpu.memory_space<hbm>>
          tpu.enqueue_dma source(%dma_start3A_28 : memref<32xi32, #tpu.memory_space<hbm>>) target(%arg23 : memref<32xi32, #tpu.memory_space<vmem>>) target_semaphore(%run_scoped3A : memref<!tpu.dma_semaphore, #tpu.memory_space<semaphore_mem>>)
          %dma_wait3A_29 = arith.constant 99968 : i32
          %dma_wait3A_30 = tpu.memref_slice %arg5[%dma_wait3A_29] : memref<100000xi32, #tpu.memory_space<hbm>> -> memref<32xi32, #tpu.memory_space<hbm>>
          %dma_wait3A_31 = arith.constant 99968 : i32
          %dma_wait3A_32 = tpu.memref_slice %arg5[%dma_wait3A_31] : memref<100000xi32, #tpu.memory_space<hbm>> -> memref<32xi32, #tpu.memory_space<hbm>>
          tpu.wait_dma2 semaphore(%run_scoped3A : memref<!tpu.dma_semaphore, #tpu.memory_space<semaphore_mem>>) src(%dma_wait3A_32 : memref<32xi32, #tpu.memory_space<hbm>>) dst(%arg23 : memref<32xi32, #tpu.memory_space<vmem>>)
          tpu.yield
        }) : () -> ()
        %dma_start3A = arith.constant 0 : i32
        %dma_start3A_21 = arith.constant 0 : i32
        %dma_start3A_22 = tpu.memref_slice %arg3[%dma_start3A, %dma_start3A_21] : memref<10000x128xf32, #tpu.memory_space<hbm>> -> memref<10000x128xf32, #tpu.memory_space<hbm>>
        tpu.enqueue_indirect_dma source(%dma_start3A_22 : memref<10000x128xf32, #tpu.memory_space<hbm>>) target(%arg24 : memref<32x128xf32, #tpu.memory_space<vmem>>) offsets(%arg23 : memref<32xi32, #tpu.memory_space<vmem>>) semaphore(%arg21 : memref<!tpu.dma_semaphore, #tpu.memory_space<semaphore_mem>>)
        %dma_wait3A = arith.constant 0 : i32
        %dma_wait3A_23 = arith.constant 0 : i32
        %dma_wait3A_24 = tpu.memref_slice %arg3[%dma_wait3A, %dma_wait3A_23] : memref<10000x128xf32, #tpu.memory_space<hbm>> -> memref<10000x128xf32, #tpu.memory_space<hbm>>
        tpu.wait_indirect_dma semaphore(%arg21 : memref<!tpu.dma_semaphore, #tpu.memory_space<semaphore_mem>>) src(%dma_wait3A_24 : memref<10000x128xf32, #tpu.memory_space<hbm>>) dst(%arg24 : memref<32x128xf32, #tpu.memory_space<vmem>>)
        "tpu.region"() ({
          %run_scoped3A = tpu.sem_alloc : memref<!tpu.dma_semaphore, #tpu.memory_space<semaphore_mem>>
          %dma_start3A_25 = arith.constant 99968 : i32
          %dma_start3A_26 = arith.constant 0 : i32
          %dma_start3A_27 = tpu.memref_slice %arg7[%dma_start3A_25, %dma_start3A_26] : memref<100000x128xf32, #tpu.memory_space<hbm>> -> memref<32x128xf32, #tpu.memory_space<hbm>>
          %dma_start3A_28 = arith.constant 99968 : i32
          %dma_start3A_29 = arith.constant 0 : i32
          %dma_start3A_30 = tpu.memref_slice %arg7[%dma_start3A_28, %dma_start3A_29] : memref<100000x128xf32, #tpu.memory_space<hbm>> -> memref<32x128xf32, #tpu.memory_space<hbm>>
          tpu.enqueue_dma source(%arg24 : memref<32x128xf32, #tpu.memory_space<vmem>>) target(%dma_start3A_30 : memref<32x128xf32, #tpu.memory_space<hbm>>) target_semaphore(%run_scoped3A : memref<!tpu.dma_semaphore, #tpu.memory_space<semaphore_mem>>)
          %dma_wait3A_31 = arith.constant 99968 : i32
          %dma_wait3A_32 = arith.constant 0 : i32
          %dma_wait3A_33 = tpu.memref_slice %arg7[%dma_wait3A_31, %dma_wait3A_32] : memref<100000x128xf32, #tpu.memory_space<hbm>> -> memref<32x128xf32, #tpu.memory_space<hbm>>
          %dma_wait3A_34 = arith.constant 99968 : i32
          %dma_wait3A_35 = arith.constant 0 : i32
          %dma_wait3A_36 = tpu.memref_slice %arg7[%dma_wait3A_34, %dma_wait3A_35] : memref<100000x128xf32, #tpu.memory_space<hbm>> -> memref<32x128xf32, #tpu.memory_space<hbm>>
          tpu.wait_dma2 semaphore(%run_scoped3A : memref<!tpu.dma_semaphore, #tpu.memory_space<semaphore_mem>>) src(%arg24 : memref<32x128xf32, #tpu.memory_space<vmem>>) dst(%dma_wait3A_36 : memref<32x128xf32, #tpu.memory_space<hbm>>)
          tpu.yield
        }) : () -> ()
      } else {
      }
    } else {
    }
    return
  }
}

#map = affine_map<(d0, d1) -> (0, 0)>
#map1 = affine_map<(d0, d1) -> (0)>
module attributes {stable_mosaic.version = 14 : i64} {
  func.func @body(%arg0: i32, %arg1: i32, %arg2: memref<10000x128xf32, #tpu.memory_space<hbm>>, %arg3: memref<10000x128xf32, #tpu.memory_space<hbm>>, %arg4: memref<320000xi32, #tpu.memory_space<hbm>>, %arg5: memref<320000xi32, #tpu.memory_space<hbm>>, %arg6: memref<10000x128xf32, #tpu.memory_space<hbm>>, %arg7: memref<128x128xf32, #tpu.memory_space<hbm>>, %arg8: memref<10000x128xf32, #tpu.memory_space<hbm>>, %arg9: memref<10000x128xf32, #tpu.memory_space<hbm>>, %arg10: memref<10000x128xf32, #tpu.memory_space<hbm>>, %arg11: memref<10000x128xf32, #tpu.memory_space<hbm>>, %arg12: memref<128xi32, #tpu.memory_space<vmem>>, %arg13: memref<128xi32, #tpu.memory_space<vmem>>, %arg14: memref<128xi32, #tpu.memory_space<vmem>>, %arg15: memref<128xi32, #tpu.memory_space<vmem>>, %arg16: memref<128xi32, #tpu.memory_space<vmem>>, %arg17: memref<128xi32, #tpu.memory_space<vmem>>, %arg18: memref<128x128xf32, #tpu.memory_space<vmem>>, %arg19: memref<128x128xf32, #tpu.memory_space<vmem>>, %arg20: memref<128x128xf32, #tpu.memory_space<vmem>>, %arg21: memref<10000x128xf32, #tpu.memory_space<vmem_shared>>, %arg22: memref<!tpu.dma_semaphore, #tpu.memory_space<semaphore_mem>>, %arg23: memref<!tpu.dma_semaphore, #tpu.memory_space<semaphore_mem>>, %arg24: memref<!tpu.dma_semaphore, #tpu.memory_space<semaphore_mem>>) attributes {dimension_semantics = [#tpu.dimension_semantics<core_parallel>, #tpu.dimension_semantics<subcore_parallel>], iteration_bounds = array<i64: 2, 16>, scalar_prefetch = 0 : i64, scratch_operands = 13 : i64, tpu.core_type = #tpu.core_type<sc_vector_subcore>, window_params = [{transform_indices = #map}, {transform_indices = #map}, {transform_indices = #map1}, {transform_indices = #map1}, {transform_indices = #map}, {transform_indices = #map}, {transform_indices = #map}, {transform_indices = #map}, {transform_indices = #map}, {transform_indices = #map}]} {
    %mul3A = arith.constant 624 : i32
    %mul3A_0 = arith.muli %arg1, %mul3A : i32
    "tpu.region"() ({
      %run_scoped3A = tpu.sem_alloc : memref<!tpu.dma_semaphore, #tpu.memory_space<semaphore_mem>>
      %dma_start3A = arith.constant 0 : i32
      %dma_start3A_13 = tpu.memref_slice %arg21[%mul3A_0, %dma_start3A] : memref<10000x128xf32, #tpu.memory_space<vmem_shared>> -> memref<624x128xf32, #tpu.memory_space<vmem_shared>>
      %dma_start3A_14 = arith.constant 0 : i32
      %dma_start3A_15 = tpu.memref_slice %arg6[%mul3A_0, %dma_start3A_14] : memref<10000x128xf32, #tpu.memory_space<hbm>> -> memref<624x128xf32, #tpu.memory_space<hbm>>
      tpu.enqueue_dma source(%dma_start3A_15 : memref<624x128xf32, #tpu.memory_space<hbm>>) target(%dma_start3A_13 : memref<624x128xf32, #tpu.memory_space<vmem_shared>>) target_semaphore(%run_scoped3A : memref<!tpu.dma_semaphore, #tpu.memory_space<semaphore_mem>>)
      %dma_wait3A = arith.constant 0 : i32
      %dma_wait3A_16 = tpu.memref_slice %arg21[%mul3A_0, %dma_wait3A] : memref<10000x128xf32, #tpu.memory_space<vmem_shared>> -> memref<624x128xf32, #tpu.memory_space<vmem_shared>>
      %dma_wait3A_17 = arith.constant 0 : i32
      %dma_wait3A_18 = tpu.memref_slice %arg6[%mul3A_0, %dma_wait3A_17] : memref<10000x128xf32, #tpu.memory_space<hbm>> -> memref<624x128xf32, #tpu.memory_space<hbm>>
      tpu.wait_dma2 semaphore(%run_scoped3A : memref<!tpu.dma_semaphore, #tpu.memory_space<semaphore_mem>>) src(%dma_wait3A_18 : memref<624x128xf32, #tpu.memory_space<hbm>>) dst(%dma_wait3A_16 : memref<624x128xf32, #tpu.memory_space<vmem_shared>>)
      tpu.yield
    }) : () -> ()
    %eq3A = arith.constant 15 : i32
    %eq3A_1 = arith.cmpi eq, %arg1, %eq3A : i32
    %convert_element_type3A = arith.extui %eq3A_1 : i1 to i32
    %cond3A = arith.constant 0 : i32
    %cond3A_2 = arith.cmpi ne, %convert_element_type3A, %cond3A : i32
    scf.if %cond3A_2 {
      "tpu.region"() ({
        %run_scoped3A = tpu.sem_alloc : memref<!tpu.dma_semaphore, #tpu.memory_space<semaphore_mem>>
        %dma_start3A = arith.constant 9984 : i32
        %dma_start3A_13 = arith.constant 0 : i32
        %dma_start3A_14 = tpu.memref_slice %arg21[%dma_start3A, %dma_start3A_13] : memref<10000x128xf32, #tpu.memory_space<vmem_shared>> -> memref<16x128xf32, #tpu.memory_space<vmem_shared>>
        %dma_start3A_15 = arith.constant 9984 : i32
        %dma_start3A_16 = arith.constant 0 : i32
        %dma_start3A_17 = tpu.memref_slice %arg6[%dma_start3A_15, %dma_start3A_16] : memref<10000x128xf32, #tpu.memory_space<hbm>> -> memref<16x128xf32, #tpu.memory_space<hbm>>
        tpu.enqueue_dma source(%dma_start3A_17 : memref<16x128xf32, #tpu.memory_space<hbm>>) target(%dma_start3A_14 : memref<16x128xf32, #tpu.memory_space<vmem_shared>>) target_semaphore(%run_scoped3A : memref<!tpu.dma_semaphore, #tpu.memory_space<semaphore_mem>>)
        %dma_wait3A = arith.constant 9984 : i32
        %dma_wait3A_18 = arith.constant 0 : i32
        %dma_wait3A_19 = tpu.memref_slice %arg21[%dma_wait3A, %dma_wait3A_18] : memref<10000x128xf32, #tpu.memory_space<vmem_shared>> -> memref<16x128xf32, #tpu.memory_space<vmem_shared>>
        %dma_wait3A_20 = arith.constant 9984 : i32
        %dma_wait3A_21 = arith.constant 0 : i32
        %dma_wait3A_22 = tpu.memref_slice %arg6[%dma_wait3A_20, %dma_wait3A_21] : memref<10000x128xf32, #tpu.memory_space<hbm>> -> memref<16x128xf32, #tpu.memory_space<hbm>>
        tpu.wait_dma2 semaphore(%run_scoped3A : memref<!tpu.dma_semaphore, #tpu.memory_space<semaphore_mem>>) src(%dma_wait3A_22 : memref<16x128xf32, #tpu.memory_space<hbm>>) dst(%dma_wait3A_19 : memref<16x128xf32, #tpu.memory_space<vmem_shared>>)
        tpu.yield
      }) : () -> ()
    } else {
    }
    %barrier3A = arith.constant 0 : index
    tpu.barrier barrier_id(%barrier3A)
    %eq3A_3 = arith.constant 0 : i32
    %eq3A_4 = arith.cmpi eq, %arg0, %eq3A_3 : i32
    %convert_element_type3A_5 = arith.extui %eq3A_4 : i1 to i32
    %cond3A_6 = arith.constant 0 : i32
    %cond3A_7 = arith.cmpi ne, %convert_element_type3A_5, %cond3A_6 : i32
    scf.if %cond3A_7 {
      %scan3A = arith.constant 0 : i32
      %scan3A_13 = arith.constant 0 : i32
      %scan3A_14 = arith.constant 52 : i32
      %scan3A_15 = arith.addi %scan3A_13, %scan3A_14 : i32
      %scan3A_16 = arith.constant 1 : i32
      scf.for %scan3A_51 = %scan3A_13 to %scan3A_15 step %scan3A_16  : i32 {
        %mul3A_52 = arith.constant 3 : i32
        %mul3A_53 = arith.muli %scan3A_51, %mul3A_52 : i32
        %mul3A_54 = arith.constant 16 : i32
        %mul3A_55 = arith.muli %mul3A_53, %mul3A_54 : i32
        %add3A = arith.addi %arg1, %mul3A_55 : i32
        %add3A_56 = arith.constant 0 : i32
        %add3A_57 = arith.addi %add3A, %add3A_56 : i32
        %mul3A_58 = arith.constant 128 : i32
        %mul3A_59 = arith.muli %add3A_57, %mul3A_58 : i32
        %dma_start3A = tpu.memref_slice %arg4[%mul3A_59] : memref<320000xi32, #tpu.memory_space<hbm>> -> memref<128xi32, #tpu.memory_space<hbm>>
        %dma_start3A_60 = tpu.memref_slice %arg4[%mul3A_59] : memref<320000xi32, #tpu.memory_space<hbm>> -> memref<128xi32, #tpu.memory_space<hbm>>
        tpu.enqueue_dma source(%dma_start3A_60 : memref<128xi32, #tpu.memory_space<hbm>>) target(%arg12 : memref<128xi32, #tpu.memory_space<vmem>>) target_semaphore(%arg22 : memref<!tpu.dma_semaphore, #tpu.memory_space<semaphore_mem>>)
        %dma_start3A_61 = tpu.memref_slice %arg5[%mul3A_59] : memref<320000xi32, #tpu.memory_space<hbm>> -> memref<128xi32, #tpu.memory_space<hbm>>
        %dma_start3A_62 = tpu.memref_slice %arg5[%mul3A_59] : memref<320000xi32, #tpu.memory_space<hbm>> -> memref<128xi32, #tpu.memory_space<hbm>>
        tpu.enqueue_dma source(%dma_start3A_62 : memref<128xi32, #tpu.memory_space<hbm>>) target(%arg15 : memref<128xi32, #tpu.memory_space<vmem>>) target_semaphore(%arg22 : memref<!tpu.dma_semaphore, #tpu.memory_space<semaphore_mem>>)
        %add3A_63 = arith.constant 16 : i32
        %add3A_64 = arith.addi %add3A, %add3A_63 : i32
        %mul3A_65 = arith.constant 128 : i32
        %mul3A_66 = arith.muli %add3A_64, %mul3A_65 : i32
        %dma_start3A_67 = tpu.memref_slice %arg4[%mul3A_66] : memref<320000xi32, #tpu.memory_space<hbm>> -> memref<128xi32, #tpu.memory_space<hbm>>
        %dma_start3A_68 = tpu.memref_slice %arg4[%mul3A_66] : memref<320000xi32, #tpu.memory_space<hbm>> -> memref<128xi32, #tpu.memory_space<hbm>>
        tpu.enqueue_dma source(%dma_start3A_68 : memref<128xi32, #tpu.memory_space<hbm>>) target(%arg13 : memref<128xi32, #tpu.memory_space<vmem>>) target_semaphore(%arg22 : memref<!tpu.dma_semaphore, #tpu.memory_space<semaphore_mem>>)
        %dma_start3A_69 = tpu.memref_slice %arg5[%mul3A_66] : memref<320000xi32, #tpu.memory_space<hbm>> -> memref<128xi32, #tpu.memory_space<hbm>>
        %dma_start3A_70 = tpu.memref_slice %arg5[%mul3A_66] : memref<320000xi32, #tpu.memory_space<hbm>> -> memref<128xi32, #tpu.memory_space<hbm>>
        tpu.enqueue_dma source(%dma_start3A_70 : memref<128xi32, #tpu.memory_space<hbm>>) target(%arg16 : memref<128xi32, #tpu.memory_space<vmem>>) target_semaphore(%arg22 : memref<!tpu.dma_semaphore, #tpu.memory_space<semaphore_mem>>)
        %add3A_71 = arith.constant 32 : i32
        %add3A_72 = arith.addi %add3A, %add3A_71 : i32
        %mul3A_73 = arith.constant 128 : i32
        %mul3A_74 = arith.muli %add3A_72, %mul3A_73 : i32
        %dma_start3A_75 = tpu.memref_slice %arg4[%mul3A_74] : memref<320000xi32, #tpu.memory_space<hbm>> -> memref<128xi32, #tpu.memory_space<hbm>>
        %dma_start3A_76 = tpu.memref_slice %arg4[%mul3A_74] : memref<320000xi32, #tpu.memory_space<hbm>> -> memref<128xi32, #tpu.memory_space<hbm>>
        tpu.enqueue_dma source(%dma_start3A_76 : memref<128xi32, #tpu.memory_space<hbm>>) target(%arg14 : memref<128xi32, #tpu.memory_space<vmem>>) target_semaphore(%arg22 : memref<!tpu.dma_semaphore, #tpu.memory_space<semaphore_mem>>)
        %dma_start3A_77 = tpu.memref_slice %arg5[%mul3A_74] : memref<320000xi32, #tpu.memory_space<hbm>> -> memref<128xi32, #tpu.memory_space<hbm>>
        %dma_start3A_78 = tpu.memref_slice %arg5[%mul3A_74] : memref<320000xi32, #tpu.memory_space<hbm>> -> memref<128xi32, #tpu.memory_space<hbm>>
        tpu.enqueue_dma source(%dma_start3A_78 : memref<128xi32, #tpu.memory_space<hbm>>) target(%arg17 : memref<128xi32, #tpu.memory_space<vmem>>) target_semaphore(%arg22 : memref<!tpu.dma_semaphore, #tpu.memory_space<semaphore_mem>>)
        %dma_wait3A = tpu.memref_slice %arg4[%mul3A_59] : memref<320000xi32, #tpu.memory_space<hbm>> -> memref<128xi32, #tpu.memory_space<hbm>>
        %dma_wait3A_79 = tpu.memref_slice %arg4[%mul3A_59] : memref<320000xi32, #tpu.memory_space<hbm>> -> memref<128xi32, #tpu.memory_space<hbm>>
        tpu.wait_dma2 semaphore(%arg22 : memref<!tpu.dma_semaphore, #tpu.memory_space<semaphore_mem>>) src(%dma_wait3A_79 : memref<128xi32, #tpu.memory_space<hbm>>) dst(%arg12 : memref<128xi32, #tpu.memory_space<vmem>>)
        %dma_wait3A_80 = tpu.memref_slice %arg5[%mul3A_59] : memref<320000xi32, #tpu.memory_space<hbm>> -> memref<128xi32, #tpu.memory_space<hbm>>
        %dma_wait3A_81 = tpu.memref_slice %arg5[%mul3A_59] : memref<320000xi32, #tpu.memory_space<hbm>> -> memref<128xi32, #tpu.memory_space<hbm>>
        tpu.wait_dma2 semaphore(%arg22 : memref<!tpu.dma_semaphore, #tpu.memory_space<semaphore_mem>>) src(%dma_wait3A_81 : memref<128xi32, #tpu.memory_space<hbm>>) dst(%arg15 : memref<128xi32, #tpu.memory_space<vmem>>)
        %dma_wait3A_82 = tpu.memref_slice %arg4[%mul3A_66] : memref<320000xi32, #tpu.memory_space<hbm>> -> memref<128xi32, #tpu.memory_space<hbm>>
        %dma_wait3A_83 = tpu.memref_slice %arg4[%mul3A_66] : memref<320000xi32, #tpu.memory_space<hbm>> -> memref<128xi32, #tpu.memory_space<hbm>>
        tpu.wait_dma2 semaphore(%arg22 : memref<!tpu.dma_semaphore, #tpu.memory_space<semaphore_mem>>) src(%dma_wait3A_83 : memref<128xi32, #tpu.memory_space<hbm>>) dst(%arg13 : memref<128xi32, #tpu.memory_space<vmem>>)
        %dma_wait3A_84 = tpu.memref_slice %arg5[%mul3A_66] : memref<320000xi32, #tpu.memory_space<hbm>> -> memref<128xi32, #tpu.memory_space<hbm>>
        %dma_wait3A_85 = tpu.memref_slice %arg5[%mul3A_66] : memref<320000xi32, #tpu.memory_space<hbm>> -> memref<128xi32, #tpu.memory_space<hbm>>
        tpu.wait_dma2 semaphore(%arg22 : memref<!tpu.dma_semaphore, #tpu.memory_space<semaphore_mem>>) src(%dma_wait3A_85 : memref<128xi32, #tpu.memory_space<hbm>>) dst(%arg16 : memref<128xi32, #tpu.memory_space<vmem>>)
        %dma_wait3A_86 = tpu.memref_slice %arg4[%mul3A_74] : memref<320000xi32, #tpu.memory_space<hbm>> -> memref<128xi32, #tpu.memory_space<hbm>>
        %dma_wait3A_87 = tpu.memref_slice %arg4[%mul3A_74] : memref<320000xi32, #tpu.memory_space<hbm>> -> memref<128xi32, #tpu.memory_space<hbm>>
        tpu.wait_dma2 semaphore(%arg22 : memref<!tpu.dma_semaphore, #tpu.memory_space<semaphore_mem>>) src(%dma_wait3A_87 : memref<128xi32, #tpu.memory_space<hbm>>) dst(%arg14 : memref<128xi32, #tpu.memory_space<vmem>>)
        %dma_wait3A_88 = tpu.memref_slice %arg5[%mul3A_74] : memref<320000xi32, #tpu.memory_space<hbm>> -> memref<128xi32, #tpu.memory_space<hbm>>
        %dma_wait3A_89 = tpu.memref_slice %arg5[%mul3A_74] : memref<320000xi32, #tpu.memory_space<hbm>> -> memref<128xi32, #tpu.memory_space<hbm>>
        tpu.wait_dma2 semaphore(%arg22 : memref<!tpu.dma_semaphore, #tpu.memory_space<semaphore_mem>>) src(%dma_wait3A_89 : memref<128xi32, #tpu.memory_space<hbm>>) dst(%arg17 : memref<128xi32, #tpu.memory_space<vmem>>)
        %dma_start3A_90 = arith.constant 0 : i32
        %dma_start3A_91 = arith.constant 0 : i32
        %dma_start3A_92 = tpu.memref_slice %arg2[%dma_start3A_90, %dma_start3A_91] : memref<10000x128xf32, #tpu.memory_space<hbm>> -> memref<10000x128xf32, #tpu.memory_space<hbm>>
        tpu.enqueue_indirect_dma source(%dma_start3A_92 : memref<10000x128xf32, #tpu.memory_space<hbm>>) target(%arg18 : memref<128x128xf32, #tpu.memory_space<vmem>>) offsets(%arg12 : memref<128xi32, #tpu.memory_space<vmem>>) semaphore(%arg23 : memref<!tpu.dma_semaphore, #tpu.memory_space<semaphore_mem>>)
        %dma_start3A_93 = arith.constant 0 : i32
        %dma_start3A_94 = arith.constant 0 : i32
        %dma_start3A_95 = tpu.memref_slice %arg2[%dma_start3A_93, %dma_start3A_94] : memref<10000x128xf32, #tpu.memory_space<hbm>> -> memref<10000x128xf32, #tpu.memory_space<hbm>>
        tpu.enqueue_indirect_dma source(%dma_start3A_95 : memref<10000x128xf32, #tpu.memory_space<hbm>>) target(%arg19 : memref<128x128xf32, #tpu.memory_space<vmem>>) offsets(%arg13 : memref<128xi32, #tpu.memory_space<vmem>>) semaphore(%arg23 : memref<!tpu.dma_semaphore, #tpu.memory_space<semaphore_mem>>)
        %dma_start3A_96 = arith.constant 0 : i32
        %dma_start3A_97 = arith.constant 0 : i32
        %dma_start3A_98 = tpu.memref_slice %arg2[%dma_start3A_96, %dma_start3A_97] : memref<10000x128xf32, #tpu.memory_space<hbm>> -> memref<10000x128xf32, #tpu.memory_space<hbm>>
        tpu.enqueue_indirect_dma source(%dma_start3A_98 : memref<10000x128xf32, #tpu.memory_space<hbm>>) target(%arg20 : memref<128x128xf32, #tpu.memory_space<vmem>>) offsets(%arg14 : memref<128xi32, #tpu.memory_space<vmem>>) semaphore(%arg23 : memref<!tpu.dma_semaphore, #tpu.memory_space<semaphore_mem>>)
        %dma_wait3A_99 = arith.constant 0 : i32
        %dma_wait3A_100 = arith.constant 0 : i32
        %dma_wait3A_101 = tpu.memref_slice %arg2[%dma_wait3A_99, %dma_wait3A_100] : memref<10000x128xf32, #tpu.memory_space<hbm>> -> memref<10000x128xf32, #tpu.memory_space<hbm>>
        tpu.wait_indirect_dma semaphore(%arg23 : memref<!tpu.dma_semaphore, #tpu.memory_space<semaphore_mem>>) src(%dma_wait3A_101 : memref<10000x128xf32, #tpu.memory_space<hbm>>) dst(%arg18 : memref<128x128xf32, #tpu.memory_space<vmem>>)
        %dma_wait3A_102 = arith.constant 0 : i32
        %dma_wait3A_103 = arith.constant 0 : i32
        %dma_wait3A_104 = tpu.memref_slice %arg2[%dma_wait3A_102, %dma_wait3A_103] : memref<10000x128xf32, #tpu.memory_space<hbm>> -> memref<10000x128xf32, #tpu.memory_space<hbm>>
        tpu.wait_indirect_dma semaphore(%arg23 : memref<!tpu.dma_semaphore, #tpu.memory_space<semaphore_mem>>) src(%dma_wait3A_104 : memref<10000x128xf32, #tpu.memory_space<hbm>>) dst(%arg19 : memref<128x128xf32, #tpu.memory_space<vmem>>)
        %dma_wait3A_105 = arith.constant 0 : i32
        %dma_wait3A_106 = arith.constant 0 : i32
        %dma_wait3A_107 = tpu.memref_slice %arg2[%dma_wait3A_105, %dma_wait3A_106] : memref<10000x128xf32, #tpu.memory_space<hbm>> -> memref<10000x128xf32, #tpu.memory_space<hbm>>
        tpu.wait_indirect_dma semaphore(%arg23 : memref<!tpu.dma_semaphore, #tpu.memory_space<semaphore_mem>>) src(%dma_wait3A_107 : memref<10000x128xf32, #tpu.memory_space<hbm>>) dst(%arg20 : memref<128x128xf32, #tpu.memory_space<vmem>>)
        %dma_start3A_108 = arith.constant 0 : i32
        %dma_start3A_109 = arith.constant 0 : i32
        %dma_start3A_110 = tpu.memref_slice %arg21[%dma_start3A_108, %dma_start3A_109] : memref<10000x128xf32, #tpu.memory_space<vmem_shared>> -> memref<10000x128xf32, #tpu.memory_space<vmem_shared>>
        tpu.enqueue_indirect_dma source(%arg18 : memref<128x128xf32, #tpu.memory_space<vmem>>) target(%dma_start3A_110 : memref<10000x128xf32, #tpu.memory_space<vmem_shared>>) offsets(%arg15 : memref<128xi32, #tpu.memory_space<vmem>>) semaphore(%arg24 : memref<!tpu.dma_semaphore, #tpu.memory_space<semaphore_mem>>) {add = true}
        %dma_start3A_111 = arith.constant 0 : i32
        %dma_start3A_112 = arith.constant 0 : i32
        %dma_start3A_113 = tpu.memref_slice %arg21[%dma_start3A_111, %dma_start3A_112] : memref<10000x128xf32, #tpu.memory_space<vmem_shared>> -> memref<10000x128xf32, #tpu.memory_space<vmem_shared>>
        tpu.enqueue_indirect_dma source(%arg19 : memref<128x128xf32, #tpu.memory_space<vmem>>) target(%dma_start3A_113 : memref<10000x128xf32, #tpu.memory_space<vmem_shared>>) offsets(%arg16 : memref<128xi32, #tpu.memory_space<vmem>>) semaphore(%arg24 : memref<!tpu.dma_semaphore, #tpu.memory_space<semaphore_mem>>) {add = true}
        %dma_start3A_114 = arith.constant 0 : i32
        %dma_start3A_115 = arith.constant 0 : i32
        %dma_start3A_116 = tpu.memref_slice %arg21[%dma_start3A_114, %dma_start3A_115] : memref<10000x128xf32, #tpu.memory_space<vmem_shared>> -> memref<10000x128xf32, #tpu.memory_space<vmem_shared>>
        tpu.enqueue_indirect_dma source(%arg20 : memref<128x128xf32, #tpu.memory_space<vmem>>) target(%dma_start3A_116 : memref<10000x128xf32, #tpu.memory_space<vmem_shared>>) offsets(%arg17 : memref<128xi32, #tpu.memory_space<vmem>>) semaphore(%arg24 : memref<!tpu.dma_semaphore, #tpu.memory_space<semaphore_mem>>) {add = true}
        %dma_wait3A_117 = arith.constant 0 : i32
        %dma_wait3A_118 = arith.constant 0 : i32
        %dma_wait3A_119 = tpu.memref_slice %arg21[%dma_wait3A_117, %dma_wait3A_118] : memref<10000x128xf32, #tpu.memory_space<vmem_shared>> -> memref<10000x128xf32, #tpu.memory_space<vmem_shared>>
        tpu.wait_indirect_dma semaphore(%arg24 : memref<!tpu.dma_semaphore, #tpu.memory_space<semaphore_mem>>) src(%arg18 : memref<128x128xf32, #tpu.memory_space<vmem>>) dst(%dma_wait3A_119 : memref<10000x128xf32, #tpu.memory_space<vmem_shared>>)
        %dma_wait3A_120 = arith.constant 0 : i32
        %dma_wait3A_121 = arith.constant 0 : i32
        %dma_wait3A_122 = tpu.memref_slice %arg21[%dma_wait3A_120, %dma_wait3A_121] : memref<10000x128xf32, #tpu.memory_space<vmem_shared>> -> memref<10000x128xf32, #tpu.memory_space<vmem_shared>>
        tpu.wait_indirect_dma semaphore(%arg24 : memref<!tpu.dma_semaphore, #tpu.memory_space<semaphore_mem>>) src(%arg19 : memref<128x128xf32, #tpu.memory_space<vmem>>) dst(%dma_wait3A_122 : memref<10000x128xf32, #tpu.memory_space<vmem_shared>>)
        %dma_wait3A_123 = arith.constant 0 : i32
        %dma_wait3A_124 = arith.constant 0 : i32
        %dma_wait3A_125 = tpu.memref_slice %arg21[%dma_wait3A_123, %dma_wait3A_124] : memref<10000x128xf32, #tpu.memory_space<vmem_shared>> -> memref<10000x128xf32, #tpu.memory_space<vmem_shared>>
        tpu.wait_indirect_dma semaphore(%arg24 : memref<!tpu.dma_semaphore, #tpu.memory_space<semaphore_mem>>) src(%arg20 : memref<128x128xf32, #tpu.memory_space<vmem>>) dst(%dma_wait3A_125 : memref<10000x128xf32, #tpu.memory_space<vmem_shared>>)
      }
      %scan3A_17 = arith.constant 52 : i32
      %lt3A = arith.constant 4 : i32
      %lt3A_18 = arith.cmpi slt, %arg1, %lt3A : i32
      %convert_element_type3A_19 = arith.extui %lt3A_18 : i1 to i32
      %cond3A_20 = arith.constant 0 : i32
      %cond3A_21 = arith.cmpi ne, %convert_element_type3A_19, %cond3A_20 : i32
      scf.if %cond3A_21 {
        %add3A = arith.constant 2496 : i32
        %add3A_51 = arith.addi %arg1, %add3A : i32
        %mul3A_52 = arith.constant 128 : i32
        %mul3A_53 = arith.muli %add3A_51, %mul3A_52 : i32
        "tpu.region"() ({
          %run_scoped3A = tpu.sem_alloc : memref<!tpu.dma_semaphore, #tpu.memory_space<semaphore_mem>>
          %dma_start3A_58 = tpu.memref_slice %arg4[%mul3A_53] : memref<320000xi32, #tpu.memory_space<hbm>> -> memref<128xi32, #tpu.memory_space<hbm>>
          %dma_start3A_59 = tpu.memref_slice %arg4[%mul3A_53] : memref<320000xi32, #tpu.memory_space<hbm>> -> memref<128xi32, #tpu.memory_space<hbm>>
          tpu.enqueue_dma source(%dma_start3A_59 : memref<128xi32, #tpu.memory_space<hbm>>) target(%arg12 : memref<128xi32, #tpu.memory_space<vmem>>) target_semaphore(%run_scoped3A : memref<!tpu.dma_semaphore, #tpu.memory_space<semaphore_mem>>)
          %dma_wait3A_60 = tpu.memref_slice %arg4[%mul3A_53] : memref<320000xi32, #tpu.memory_space<hbm>> -> memref<128xi32, #tpu.memory_space<hbm>>
          %dma_wait3A_61 = tpu.memref_slice %arg4[%mul3A_53] : memref<320000xi32, #tpu.memory_space<hbm>> -> memref<128xi32, #tpu.memory_space<hbm>>
          tpu.wait_dma2 semaphore(%run_scoped3A : memref<!tpu.dma_semaphore, #tpu.memory_space<semaphore_mem>>) src(%dma_wait3A_61 : memref<128xi32, #tpu.memory_space<hbm>>) dst(%arg12 : memref<128xi32, #tpu.memory_space<vmem>>)
          tpu.yield
        }) : () -> ()
        "tpu.region"() ({
          %run_scoped3A = tpu.sem_alloc : memref<!tpu.dma_semaphore, #tpu.memory_space<semaphore_mem>>
          %dma_start3A_58 = tpu.memref_slice %arg5[%mul3A_53] : memref<320000xi32, #tpu.memory_space<hbm>> -> memref<128xi32, #tpu.memory_space<hbm>>
          %dma_start3A_59 = tpu.memref_slice %arg5[%mul3A_53] : memref<320000xi32, #tpu.memory_space<hbm>> -> memref<128xi32, #tpu.memory_space<hbm>>
          tpu.enqueue_dma source(%dma_start3A_59 : memref<128xi32, #tpu.memory_space<hbm>>) target(%arg15 : memref<128xi32, #tpu.memory_space<vmem>>) target_semaphore(%run_scoped3A : memref<!tpu.dma_semaphore, #tpu.memory_space<semaphore_mem>>)
          %dma_wait3A_60 = tpu.memref_slice %arg5[%mul3A_53] : memref<320000xi32, #tpu.memory_space<hbm>> -> memref<128xi32, #tpu.memory_space<hbm>>
          %dma_wait3A_61 = tpu.memref_slice %arg5[%mul3A_53] : memref<320000xi32, #tpu.memory_space<hbm>> -> memref<128xi32, #tpu.memory_space<hbm>>
          tpu.wait_dma2 semaphore(%run_scoped3A : memref<!tpu.dma_semaphore, #tpu.memory_space<semaphore_mem>>) src(%dma_wait3A_61 : memref<128xi32, #tpu.memory_space<hbm>>) dst(%arg15 : memref<128xi32, #tpu.memory_space<vmem>>)
          tpu.yield
        }) : () -> ()
        %dma_start3A = arith.constant 0 : i32
        %dma_start3A_54 = arith.constant 0 : i32
        %dma_start3A_55 = tpu.memref_slice %arg2[%dma_start3A, %dma_start3A_54] : memref<10000x128xf32, #tpu.memory_space<hbm>> -> memref<10000x128xf32, #tpu.memory_space<hbm>>
        tpu.enqueue_indirect_dma source(%dma_start3A_55 : memref<10000x128xf32, #tpu.memory_space<hbm>>) target(%arg18 : memref<128x128xf32, #tpu.memory_space<vmem>>) offsets(%arg12 : memref<128xi32, #tpu.memory_space<vmem>>) semaphore(%arg23 : memref<!tpu.dma_semaphore, #tpu.memory_space<semaphore_mem>>)
        %dma_wait3A = arith.constant 0 : i32
        %dma_wait3A_56 = arith.constant 0 : i32
        %dma_wait3A_57 = tpu.memref_slice %arg2[%dma_wait3A, %dma_wait3A_56] : memref<10000x128xf32, #tpu.memory_space<hbm>> -> memref<10000x128xf32, #tpu.memory_space<hbm>>
        tpu.wait_indirect_dma semaphore(%arg23 : memref<!tpu.dma_semaphore, #tpu.memory_space<semaphore_mem>>) src(%dma_wait3A_57 : memref<10000x128xf32, #tpu.memory_space<hbm>>) dst(%arg18 : memref<128x128xf32, #tpu.memory_space<vmem>>)
        "tpu.region"() ({
          %run_scoped3A = tpu.sem_alloc : memref<!tpu.dma_semaphore, #tpu.memory_space<semaphore_mem>>
          %dma_start3A_58 = arith.constant 0 : i32
          %dma_start3A_59 = arith.constant 0 : i32
          %dma_start3A_60 = tpu.memref_slice %arg21[%dma_start3A_58, %dma_start3A_59] : memref<10000x128xf32, #tpu.memory_space<vmem_shared>> -> memref<10000x128xf32, #tpu.memory_space<vmem_shared>>
          tpu.enqueue_indirect_dma source(%arg18 : memref<128x128xf32, #tpu.memory_space<vmem>>) target(%dma_start3A_60 : memref<10000x128xf32, #tpu.memory_space<vmem_shared>>) offsets(%arg15 : memref<128xi32, #tpu.memory_space<vmem>>) semaphore(%run_scoped3A : memref<!tpu.dma_semaphore, #tpu.memory_space<semaphore_mem>>) {add = true}
          %dma_wait3A_61 = arith.constant 0 : i32
          %dma_wait3A_62 = arith.constant 0 : i32
          %dma_wait3A_63 = tpu.memref_slice %arg21[%dma_wait3A_61, %dma_wait3A_62] : memref<10000x128xf32, #tpu.memory_space<vmem_shared>> -> memref<10000x128xf32, #tpu.memory_space<vmem_shared>>
          tpu.wait_indirect_dma semaphore(%run_scoped3A : memref<!tpu.dma_semaphore, #tpu.memory_space<semaphore_mem>>) src(%arg18 : memref<128x128xf32, #tpu.memory_space<vmem>>) dst(%dma_wait3A_63 : memref<10000x128xf32, #tpu.memory_space<vmem_shared>>)
          tpu.yield
        }) : () -> ()
      } else {
      }
      %barrier3A_22 = arith.constant 0 : index
      tpu.barrier barrier_id(%barrier3A_22)
      "tpu.region"() ({
        %run_scoped3A = tpu.sem_alloc : memref<!tpu.dma_semaphore, #tpu.memory_space<semaphore_mem>>
        %dma_start3A = arith.constant 0 : i32
        %dma_start3A_51 = tpu.memref_slice %arg8[%mul3A_0, %dma_start3A] : memref<10000x128xf32, #tpu.memory_space<hbm>> -> memref<624x128xf32, #tpu.memory_space<hbm>>
        %dma_start3A_52 = arith.constant 0 : i32
        %dma_start3A_53 = tpu.memref_slice %arg21[%mul3A_0, %dma_start3A_52] : memref<10000x128xf32, #tpu.memory_space<vmem_shared>> -> memref<624x128xf32, #tpu.memory_space<vmem_shared>>
        tpu.enqueue_dma source(%dma_start3A_53 : memref<624x128xf32, #tpu.memory_space<vmem_shared>>) target(%dma_start3A_51 : memref<624x128xf32, #tpu.memory_space<hbm>>) target_semaphore(%run_scoped3A : memref<!tpu.dma_semaphore, #tpu.memory_space<semaphore_mem>>)
        %dma_wait3A = arith.constant 0 : i32
        %dma_wait3A_54 = tpu.memref_slice %arg8[%mul3A_0, %dma_wait3A] : memref<10000x128xf32, #tpu.memory_space<hbm>> -> memref<624x128xf32, #tpu.memory_space<hbm>>
        %dma_wait3A_55 = arith.constant 0 : i32
        %dma_wait3A_56 = tpu.memref_slice %arg21[%mul3A_0, %dma_wait3A_55] : memref<10000x128xf32, #tpu.memory_space<vmem_shared>> -> memref<624x128xf32, #tpu.memory_space<vmem_shared>>
        tpu.wait_dma2 semaphore(%run_scoped3A : memref<!tpu.dma_semaphore, #tpu.memory_space<semaphore_mem>>) src(%dma_wait3A_56 : memref<624x128xf32, #tpu.memory_space<vmem_shared>>) dst(%dma_wait3A_54 : memref<624x128xf32, #tpu.memory_space<hbm>>)
        tpu.yield
      }) : () -> ()
      %eq3A_23 = arith.constant 15 : i32
      %eq3A_24 = arith.cmpi eq, %arg1, %eq3A_23 : i32
      %convert_element_type3A_25 = arith.extui %eq3A_24 : i1 to i32
      %cond3A_26 = arith.constant 0 : i32
      %cond3A_27 = arith.cmpi ne, %convert_element_type3A_25, %cond3A_26 : i32
      scf.if %cond3A_27 {
        "tpu.region"() ({
          %run_scoped3A = tpu.sem_alloc : memref<!tpu.dma_semaphore, #tpu.memory_space<semaphore_mem>>
          %dma_start3A = arith.constant 9984 : i32
          %dma_start3A_51 = arith.constant 0 : i32
          %dma_start3A_52 = tpu.memref_slice %arg8[%dma_start3A, %dma_start3A_51] : memref<10000x128xf32, #tpu.memory_space<hbm>> -> memref<16x128xf32, #tpu.memory_space<hbm>>
          %dma_start3A_53 = arith.constant 9984 : i32
          %dma_start3A_54 = arith.constant 0 : i32
          %dma_start3A_55 = tpu.memref_slice %arg21[%dma_start3A_53, %dma_start3A_54] : memref<10000x128xf32, #tpu.memory_space<vmem_shared>> -> memref<16x128xf32, #tpu.memory_space<vmem_shared>>
          tpu.enqueue_dma source(%dma_start3A_55 : memref<16x128xf32, #tpu.memory_space<vmem_shared>>) target(%dma_start3A_52 : memref<16x128xf32, #tpu.memory_space<hbm>>) target_semaphore(%run_scoped3A : memref<!tpu.dma_semaphore, #tpu.memory_space<semaphore_mem>>)
          %dma_wait3A = arith.constant 9984 : i32
          %dma_wait3A_56 = arith.constant 0 : i32
          %dma_wait3A_57 = tpu.memref_slice %arg8[%dma_wait3A, %dma_wait3A_56] : memref<10000x128xf32, #tpu.memory_space<hbm>> -> memref<16x128xf32, #tpu.memory_space<hbm>>
          %dma_wait3A_58 = arith.constant 9984 : i32
          %dma_wait3A_59 = arith.constant 0 : i32
          %dma_wait3A_60 = tpu.memref_slice %arg21[%dma_wait3A_58, %dma_wait3A_59] : memref<10000x128xf32, #tpu.memory_space<vmem_shared>> -> memref<16x128xf32, #tpu.memory_space<vmem_shared>>
          tpu.wait_dma2 semaphore(%run_scoped3A : memref<!tpu.dma_semaphore, #tpu.memory_space<semaphore_mem>>) src(%dma_wait3A_60 : memref<16x128xf32, #tpu.memory_space<vmem_shared>>) dst(%dma_wait3A_57 : memref<16x128xf32, #tpu.memory_space<hbm>>)
          tpu.yield
        }) : () -> ()
      } else {
      }
      "tpu.region"() ({
        %run_scoped3A = tpu.sem_alloc : memref<!tpu.dma_semaphore, #tpu.memory_space<semaphore_mem>>
        %dma_start3A = arith.constant 0 : i32
        %dma_start3A_51 = tpu.memref_slice %arg21[%mul3A_0, %dma_start3A] : memref<10000x128xf32, #tpu.memory_space<vmem_shared>> -> memref<624x128xf32, #tpu.memory_space<vmem_shared>>
        %dma_start3A_52 = arith.constant 0 : i32
        %dma_start3A_53 = tpu.memref_slice %arg6[%mul3A_0, %dma_start3A_52] : memref<10000x128xf32, #tpu.memory_space<hbm>> -> memref<624x128xf32, #tpu.memory_space<hbm>>
        tpu.enqueue_dma source(%dma_start3A_53 : memref<624x128xf32, #tpu.memory_space<hbm>>) target(%dma_start3A_51 : memref<624x128xf32, #tpu.memory_space<vmem_shared>>) target_semaphore(%run_scoped3A : memref<!tpu.dma_semaphore, #tpu.memory_space<semaphore_mem>>)
        %dma_wait3A = arith.constant 0 : i32
        %dma_wait3A_54 = tpu.memref_slice %arg21[%mul3A_0, %dma_wait3A] : memref<10000x128xf32, #tpu.memory_space<vmem_shared>> -> memref<624x128xf32, #tpu.memory_space<vmem_shared>>
        %dma_wait3A_55 = arith.constant 0 : i32
        %dma_wait3A_56 = tpu.memref_slice %arg6[%mul3A_0, %dma_wait3A_55] : memref<10000x128xf32, #tpu.memory_space<hbm>> -> memref<624x128xf32, #tpu.memory_space<hbm>>
        tpu.wait_dma2 semaphore(%run_scoped3A : memref<!tpu.dma_semaphore, #tpu.memory_space<semaphore_mem>>) src(%dma_wait3A_56 : memref<624x128xf32, #tpu.memory_space<hbm>>) dst(%dma_wait3A_54 : memref<624x128xf32, #tpu.memory_space<vmem_shared>>)
        tpu.yield
      }) : () -> ()
      %eq3A_28 = arith.constant 15 : i32
      %eq3A_29 = arith.cmpi eq, %arg1, %eq3A_28 : i32
      %convert_element_type3A_30 = arith.extui %eq3A_29 : i1 to i32
      %cond3A_31 = arith.constant 0 : i32
      %cond3A_32 = arith.cmpi ne, %convert_element_type3A_30, %cond3A_31 : i32
      scf.if %cond3A_32 {
        "tpu.region"() ({
          %run_scoped3A = tpu.sem_alloc : memref<!tpu.dma_semaphore, #tpu.memory_space<semaphore_mem>>
          %dma_start3A = arith.constant 9984 : i32
          %dma_start3A_51 = arith.constant 0 : i32
          %dma_start3A_52 = tpu.memref_slice %arg21[%dma_start3A, %dma_start3A_51] : memref<10000x128xf32, #tpu.memory_space<vmem_shared>> -> memref<16x128xf32, #tpu.memory_space<vmem_shared>>
          %dma_start3A_53 = arith.constant 9984 : i32
          %dma_start3A_54 = arith.constant 0 : i32
          %dma_start3A_55 = tpu.memref_slice %arg6[%dma_start3A_53, %dma_start3A_54] : memref<10000x128xf32, #tpu.memory_space<hbm>> -> memref<16x128xf32, #tpu.memory_space<hbm>>
          tpu.enqueue_dma source(%dma_start3A_55 : memref<16x128xf32, #tpu.memory_space<hbm>>) target(%dma_start3A_52 : memref<16x128xf32, #tpu.memory_space<vmem_shared>>) target_semaphore(%run_scoped3A : memref<!tpu.dma_semaphore, #tpu.memory_space<semaphore_mem>>)
          %dma_wait3A = arith.constant 9984 : i32
          %dma_wait3A_56 = arith.constant 0 : i32
          %dma_wait3A_57 = tpu.memref_slice %arg21[%dma_wait3A, %dma_wait3A_56] : memref<10000x128xf32, #tpu.memory_space<vmem_shared>> -> memref<16x128xf32, #tpu.memory_space<vmem_shared>>
          %dma_wait3A_58 = arith.constant 9984 : i32
          %dma_wait3A_59 = arith.constant 0 : i32
          %dma_wait3A_60 = tpu.memref_slice %arg6[%dma_wait3A_58, %dma_wait3A_59] : memref<10000x128xf32, #tpu.memory_space<hbm>> -> memref<16x128xf32, #tpu.memory_space<hbm>>
          tpu.wait_dma2 semaphore(%run_scoped3A : memref<!tpu.dma_semaphore, #tpu.memory_space<semaphore_mem>>) src(%dma_wait3A_60 : memref<16x128xf32, #tpu.memory_space<hbm>>) dst(%dma_wait3A_57 : memref<16x128xf32, #tpu.memory_space<vmem_shared>>)
          tpu.yield
        }) : () -> ()
      } else {
      }
      "tpu.region"() ({
        %run_scoped3A = tpu.sem_alloc : memref<!tpu.dma_semaphore, #tpu.memory_space<semaphore_mem>>
        tpu.enqueue_dma source(%arg7 : memref<128x128xf32, #tpu.memory_space<hbm>>) target(%arg18 : memref<128x128xf32, #tpu.memory_space<vmem>>) target_semaphore(%run_scoped3A : memref<!tpu.dma_semaphore, #tpu.memory_space<semaphore_mem>>)
        tpu.wait_dma2 semaphore(%run_scoped3A : memref<!tpu.dma_semaphore, #tpu.memory_space<semaphore_mem>>) src(%arg7 : memref<128x128xf32, #tpu.memory_space<hbm>>) dst(%arg18 : memref<128x128xf32, #tpu.memory_space<vmem>>)
        tpu.yield
      }) : () -> ()
      %barrier3A_33 = arith.constant 0 : index
      tpu.barrier barrier_id(%barrier3A_33)
      %scan3A_34 = arith.constant 0 : i32
      %scan3A_35 = arith.constant 0 : i32
      %scan3A_36 = arith.constant 52 : i32
      %scan3A_37 = arith.addi %scan3A_35, %scan3A_36 : i32
      %scan3A_38 = arith.constant 1 : i32
      scf.for %scan3A_51 = %scan3A_35 to %scan3A_37 step %scan3A_38  : i32 {
        %mul3A_52 = arith.constant 3 : i32
        %mul3A_53 = arith.muli %scan3A_51, %mul3A_52 : i32
        %mul3A_54 = arith.constant 16 : i32
        %mul3A_55 = arith.muli %mul3A_53, %mul3A_54 : i32
        %add3A = arith.addi %arg1, %mul3A_55 : i32
        %add3A_56 = arith.constant 0 : i32
        %add3A_57 = arith.addi %add3A, %add3A_56 : i32
        %mul3A_58 = arith.constant 128 : i32
        %mul3A_59 = arith.muli %add3A_57, %mul3A_58 : i32
        %dma_start3A = tpu.memref_slice %arg5[%mul3A_59] : memref<320000xi32, #tpu.memory_space<hbm>> -> memref<128xi32, #tpu.memory_space<hbm>>
        %dma_start3A_60 = tpu.memref_slice %arg5[%mul3A_59] : memref<320000xi32, #tpu.memory_space<hbm>> -> memref<128xi32, #tpu.memory_space<hbm>>
        tpu.enqueue_dma source(%dma_start3A_60 : memref<128xi32, #tpu.memory_space<hbm>>) target(%arg15 : memref<128xi32, #tpu.memory_space<vmem>>) target_semaphore(%arg22 : memref<!tpu.dma_semaphore, #tpu.memory_space<semaphore_mem>>)
        %add3A_61 = arith.constant 16 : i32
        %add3A_62 = arith.addi %add3A, %add3A_61 : i32
        %mul3A_63 = arith.constant 128 : i32
        %mul3A_64 = arith.muli %add3A_62, %mul3A_63 : i32
        %dma_start3A_65 = tpu.memref_slice %arg5[%mul3A_64] : memref<320000xi32, #tpu.memory_space<hbm>> -> memref<128xi32, #tpu.memory_space<hbm>>
        %dma_start3A_66 = tpu.memref_slice %arg5[%mul3A_64] : memref<320000xi32, #tpu.memory_space<hbm>> -> memref<128xi32, #tpu.memory_space<hbm>>
        tpu.enqueue_dma source(%dma_start3A_66 : memref<128xi32, #tpu.memory_space<hbm>>) target(%arg16 : memref<128xi32, #tpu.memory_space<vmem>>) target_semaphore(%arg22 : memref<!tpu.dma_semaphore, #tpu.memory_space<semaphore_mem>>)
        %add3A_67 = arith.constant 32 : i32
        %add3A_68 = arith.addi %add3A, %add3A_67 : i32
        %mul3A_69 = arith.constant 128 : i32
        %mul3A_70 = arith.muli %add3A_68, %mul3A_69 : i32
        %dma_start3A_71 = tpu.memref_slice %arg5[%mul3A_70] : memref<320000xi32, #tpu.memory_space<hbm>> -> memref<128xi32, #tpu.memory_space<hbm>>
        %dma_start3A_72 = tpu.memref_slice %arg5[%mul3A_70] : memref<320000xi32, #tpu.memory_space<hbm>> -> memref<128xi32, #tpu.memory_space<hbm>>
        tpu.enqueue_dma source(%dma_start3A_72 : memref<128xi32, #tpu.memory_space<hbm>>) target(%arg17 : memref<128xi32, #tpu.memory_space<vmem>>) target_semaphore(%arg22 : memref<!tpu.dma_semaphore, #tpu.memory_space<semaphore_mem>>)
        %dma_wait3A = tpu.memref_slice %arg5[%mul3A_59] : memref<320000xi32, #tpu.memory_space<hbm>> -> memref<128xi32, #tpu.memory_space<hbm>>
        %dma_wait3A_73 = tpu.memref_slice %arg5[%mul3A_59] : memref<320000xi32, #tpu.memory_space<hbm>> -> memref<128xi32, #tpu.memory_space<hbm>>
        tpu.wait_dma2 semaphore(%arg22 : memref<!tpu.dma_semaphore, #tpu.memory_space<semaphore_mem>>) src(%dma_wait3A_73 : memref<128xi32, #tpu.memory_space<hbm>>) dst(%arg15 : memref<128xi32, #tpu.memory_space<vmem>>)
        %dma_wait3A_74 = tpu.memref_slice %arg5[%mul3A_64] : memref<320000xi32, #tpu.memory_space<hbm>> -> memref<128xi32, #tpu.memory_space<hbm>>
        %dma_wait3A_75 = tpu.memref_slice %arg5[%mul3A_64] : memref<320000xi32, #tpu.memory_space<hbm>> -> memref<128xi32, #tpu.memory_space<hbm>>
        tpu.wait_dma2 semaphore(%arg22 : memref<!tpu.dma_semaphore, #tpu.memory_space<semaphore_mem>>) src(%dma_wait3A_75 : memref<128xi32, #tpu.memory_space<hbm>>) dst(%arg16 : memref<128xi32, #tpu.memory_space<vmem>>)
        %dma_wait3A_76 = tpu.memref_slice %arg5[%mul3A_70] : memref<320000xi32, #tpu.memory_space<hbm>> -> memref<128xi32, #tpu.memory_space<hbm>>
        %dma_wait3A_77 = tpu.memref_slice %arg5[%mul3A_70] : memref<320000xi32, #tpu.memory_space<hbm>> -> memref<128xi32, #tpu.memory_space<hbm>>
        tpu.wait_dma2 semaphore(%arg22 : memref<!tpu.dma_semaphore, #tpu.memory_space<semaphore_mem>>) src(%dma_wait3A_77 : memref<128xi32, #tpu.memory_space<hbm>>) dst(%arg17 : memref<128xi32, #tpu.memory_space<vmem>>)
        %dma_start3A_78 = arith.constant 0 : i32
        %dma_start3A_79 = arith.constant 0 : i32
        %dma_start3A_80 = tpu.memref_slice %arg21[%dma_start3A_78, %dma_start3A_79] : memref<10000x128xf32, #tpu.memory_space<vmem_shared>> -> memref<10000x128xf32, #tpu.memory_space<vmem_shared>>
        tpu.enqueue_indirect_dma source(%arg18 : memref<128x128xf32, #tpu.memory_space<vmem>>) target(%dma_start3A_80 : memref<10000x128xf32, #tpu.memory_space<vmem_shared>>) offsets(%arg15 : memref<128xi32, #tpu.memory_space<vmem>>) semaphore(%arg24 : memref<!tpu.dma_semaphore, #tpu.memory_space<semaphore_mem>>) {add = true}
        %dma_start3A_81 = arith.constant 0 : i32
        %dma_start3A_82 = arith.constant 0 : i32
        %dma_start3A_83 = tpu.memref_slice %arg21[%dma_start3A_81, %dma_start3A_82] : memref<10000x128xf32, #tpu.memory_space<vmem_shared>> -> memref<10000x128xf32, #tpu.memory_space<vmem_shared>>
        tpu.enqueue_indirect_dma source(%arg18 : memref<128x128xf32, #tpu.memory_space<vmem>>) target(%dma_start3A_83 : memref<10000x128xf32, #tpu.memory_space<vmem_shared>>) offsets(%arg16 : memref<128xi32, #tpu.memory_space<vmem>>) semaphore(%arg24 : memref<!tpu.dma_semaphore, #tpu.memory_space<semaphore_mem>>) {add = true}
        %dma_start3A_84 = arith.constant 0 : i32
        %dma_start3A_85 = arith.constant 0 : i32
        %dma_start3A_86 = tpu.memref_slice %arg21[%dma_start3A_84, %dma_start3A_85] : memref<10000x128xf32, #tpu.memory_space<vmem_shared>> -> memref<10000x128xf32, #tpu.memory_space<vmem_shared>>
        tpu.enqueue_indirect_dma source(%arg18 : memref<128x128xf32, #tpu.memory_space<vmem>>) target(%dma_start3A_86 : memref<10000x128xf32, #tpu.memory_space<vmem_shared>>) offsets(%arg17 : memref<128xi32, #tpu.memory_space<vmem>>) semaphore(%arg24 : memref<!tpu.dma_semaphore, #tpu.memory_space<semaphore_mem>>) {add = true}
        %dma_wait3A_87 = arith.constant 0 : i32
        %dma_wait3A_88 = arith.constant 0 : i32
        %dma_wait3A_89 = tpu.memref_slice %arg21[%dma_wait3A_87, %dma_wait3A_88] : memref<10000x128xf32, #tpu.memory_space<vmem_shared>> -> memref<10000x128xf32, #tpu.memory_space<vmem_shared>>
        tpu.wait_indirect_dma semaphore(%arg24 : memref<!tpu.dma_semaphore, #tpu.memory_space<semaphore_mem>>) src(%arg18 : memref<128x128xf32, #tpu.memory_space<vmem>>) dst(%dma_wait3A_89 : memref<10000x128xf32, #tpu.memory_space<vmem_shared>>)
        %dma_wait3A_90 = arith.constant 0 : i32
        %dma_wait3A_91 = arith.constant 0 : i32
        %dma_wait3A_92 = tpu.memref_slice %arg21[%dma_wait3A_90, %dma_wait3A_91] : memref<10000x128xf32, #tpu.memory_space<vmem_shared>> -> memref<10000x128xf32, #tpu.memory_space<vmem_shared>>
        tpu.wait_indirect_dma semaphore(%arg24 : memref<!tpu.dma_semaphore, #tpu.memory_space<semaphore_mem>>) src(%arg18 : memref<128x128xf32, #tpu.memory_space<vmem>>) dst(%dma_wait3A_92 : memref<10000x128xf32, #tpu.memory_space<vmem_shared>>)
        %dma_wait3A_93 = arith.constant 0 : i32
        %dma_wait3A_94 = arith.constant 0 : i32
        %dma_wait3A_95 = tpu.memref_slice %arg21[%dma_wait3A_93, %dma_wait3A_94] : memref<10000x128xf32, #tpu.memory_space<vmem_shared>> -> memref<10000x128xf32, #tpu.memory_space<vmem_shared>>
        tpu.wait_indirect_dma semaphore(%arg24 : memref<!tpu.dma_semaphore, #tpu.memory_space<semaphore_mem>>) src(%arg18 : memref<128x128xf32, #tpu.memory_space<vmem>>) dst(%dma_wait3A_95 : memref<10000x128xf32, #tpu.memory_space<vmem_shared>>)
      }
      %scan3A_39 = arith.constant 52 : i32
      %lt3A_40 = arith.constant 4 : i32
      %lt3A_41 = arith.cmpi slt, %arg1, %lt3A_40 : i32
      %convert_element_type3A_42 = arith.extui %lt3A_41 : i1 to i32
      %cond3A_43 = arith.constant 0 : i32
      %cond3A_44 = arith.cmpi ne, %convert_element_type3A_42, %cond3A_43 : i32
      scf.if %cond3A_44 {
        %add3A = arith.constant 2496 : i32
        %add3A_51 = arith.addi %arg1, %add3A : i32
        %mul3A_52 = arith.constant 128 : i32
        %mul3A_53 = arith.muli %add3A_51, %mul3A_52 : i32
        "tpu.region"() ({
          %run_scoped3A = tpu.sem_alloc : memref<!tpu.dma_semaphore, #tpu.memory_space<semaphore_mem>>
          %dma_start3A = tpu.memref_slice %arg5[%mul3A_53] : memref<320000xi32, #tpu.memory_space<hbm>> -> memref<128xi32, #tpu.memory_space<hbm>>
          %dma_start3A_54 = tpu.memref_slice %arg5[%mul3A_53] : memref<320000xi32, #tpu.memory_space<hbm>> -> memref<128xi32, #tpu.memory_space<hbm>>
          tpu.enqueue_dma source(%dma_start3A_54 : memref<128xi32, #tpu.memory_space<hbm>>) target(%arg15 : memref<128xi32, #tpu.memory_space<vmem>>) target_semaphore(%run_scoped3A : memref<!tpu.dma_semaphore, #tpu.memory_space<semaphore_mem>>)
          %dma_wait3A = tpu.memref_slice %arg5[%mul3A_53] : memref<320000xi32, #tpu.memory_space<hbm>> -> memref<128xi32, #tpu.memory_space<hbm>>
          %dma_wait3A_55 = tpu.memref_slice %arg5[%mul3A_53] : memref<320000xi32, #tpu.memory_space<hbm>> -> memref<128xi32, #tpu.memory_space<hbm>>
          tpu.wait_dma2 semaphore(%run_scoped3A : memref<!tpu.dma_semaphore, #tpu.memory_space<semaphore_mem>>) src(%dma_wait3A_55 : memref<128xi32, #tpu.memory_space<hbm>>) dst(%arg15 : memref<128xi32, #tpu.memory_space<vmem>>)
          tpu.yield
        }) : () -> ()
        "tpu.region"() ({
          %run_scoped3A = tpu.sem_alloc : memref<!tpu.dma_semaphore, #tpu.memory_space<semaphore_mem>>
          %dma_start3A = arith.constant 0 : i32
          %dma_start3A_54 = arith.constant 0 : i32
          %dma_start3A_55 = tpu.memref_slice %arg21[%dma_start3A, %dma_start3A_54] : memref<10000x128xf32, #tpu.memory_space<vmem_shared>> -> memref<10000x128xf32, #tpu.memory_space<vmem_shared>>
          tpu.enqueue_indirect_dma source(%arg18 : memref<128x128xf32, #tpu.memory_space<vmem>>) target(%dma_start3A_55 : memref<10000x128xf32, #tpu.memory_space<vmem_shared>>) offsets(%arg15 : memref<128xi32, #tpu.memory_space<vmem>>) semaphore(%run_scoped3A : memref<!tpu.dma_semaphore, #tpu.memory_space<semaphore_mem>>) {add = true}
          %dma_wait3A = arith.constant 0 : i32
          %dma_wait3A_56 = arith.constant 0 : i32
          %dma_wait3A_57 = tpu.memref_slice %arg21[%dma_wait3A, %dma_wait3A_56] : memref<10000x128xf32, #tpu.memory_space<vmem_shared>> -> memref<10000x128xf32, #tpu.memory_space<vmem_shared>>
          tpu.wait_indirect_dma semaphore(%run_scoped3A : memref<!tpu.dma_semaphore, #tpu.memory_space<semaphore_mem>>) src(%arg18 : memref<128x128xf32, #tpu.memory_space<vmem>>) dst(%dma_wait3A_57 : memref<10000x128xf32, #tpu.memory_space<vmem_shared>>)
          tpu.yield
        }) : () -> ()
      } else {
      }
      %barrier3A_45 = arith.constant 0 : index
      tpu.barrier barrier_id(%barrier3A_45)
      "tpu.region"() ({
        %run_scoped3A = tpu.sem_alloc : memref<!tpu.dma_semaphore, #tpu.memory_space<semaphore_mem>>
        %dma_start3A = arith.constant 0 : i32
        %dma_start3A_51 = tpu.memref_slice %arg10[%mul3A_0, %dma_start3A] : memref<10000x128xf32, #tpu.memory_space<hbm>> -> memref<624x128xf32, #tpu.memory_space<hbm>>
        %dma_start3A_52 = arith.constant 0 : i32
        %dma_start3A_53 = tpu.memref_slice %arg21[%mul3A_0, %dma_start3A_52] : memref<10000x128xf32, #tpu.memory_space<vmem_shared>> -> memref<624x128xf32, #tpu.memory_space<vmem_shared>>
        tpu.enqueue_dma source(%dma_start3A_53 : memref<624x128xf32, #tpu.memory_space<vmem_shared>>) target(%dma_start3A_51 : memref<624x128xf32, #tpu.memory_space<hbm>>) target_semaphore(%run_scoped3A : memref<!tpu.dma_semaphore, #tpu.memory_space<semaphore_mem>>)
        %dma_wait3A = arith.constant 0 : i32
        %dma_wait3A_54 = tpu.memref_slice %arg10[%mul3A_0, %dma_wait3A] : memref<10000x128xf32, #tpu.memory_space<hbm>> -> memref<624x128xf32, #tpu.memory_space<hbm>>
        %dma_wait3A_55 = arith.constant 0 : i32
        %dma_wait3A_56 = tpu.memref_slice %arg21[%mul3A_0, %dma_wait3A_55] : memref<10000x128xf32, #tpu.memory_space<vmem_shared>> -> memref<624x128xf32, #tpu.memory_space<vmem_shared>>
        tpu.wait_dma2 semaphore(%run_scoped3A : memref<!tpu.dma_semaphore, #tpu.memory_space<semaphore_mem>>) src(%dma_wait3A_56 : memref<624x128xf32, #tpu.memory_space<vmem_shared>>) dst(%dma_wait3A_54 : memref<624x128xf32, #tpu.memory_space<hbm>>)
        tpu.yield
      }) : () -> ()
      %eq3A_46 = arith.constant 15 : i32
      %eq3A_47 = arith.cmpi eq, %arg1, %eq3A_46 : i32
      %convert_element_type3A_48 = arith.extui %eq3A_47 : i1 to i32
      %cond3A_49 = arith.constant 0 : i32
      %cond3A_50 = arith.cmpi ne, %convert_element_type3A_48, %cond3A_49 : i32
      scf.if %cond3A_50 {
        "tpu.region"() ({
          %run_scoped3A = tpu.sem_alloc : memref<!tpu.dma_semaphore, #tpu.memory_space<semaphore_mem>>
          %dma_start3A = arith.constant 9984 : i32
          %dma_start3A_51 = arith.constant 0 : i32
          %dma_start3A_52 = tpu.memref_slice %arg10[%dma_start3A, %dma_start3A_51] : memref<10000x128xf32, #tpu.memory_space<hbm>> -> memref<16x128xf32, #tpu.memory_space<hbm>>
          %dma_start3A_53 = arith.constant 9984 : i32
          %dma_start3A_54 = arith.constant 0 : i32
          %dma_start3A_55 = tpu.memref_slice %arg21[%dma_start3A_53, %dma_start3A_54] : memref<10000x128xf32, #tpu.memory_space<vmem_shared>> -> memref<16x128xf32, #tpu.memory_space<vmem_shared>>
          tpu.enqueue_dma source(%dma_start3A_55 : memref<16x128xf32, #tpu.memory_space<vmem_shared>>) target(%dma_start3A_52 : memref<16x128xf32, #tpu.memory_space<hbm>>) target_semaphore(%run_scoped3A : memref<!tpu.dma_semaphore, #tpu.memory_space<semaphore_mem>>)
          %dma_wait3A = arith.constant 9984 : i32
          %dma_wait3A_56 = arith.constant 0 : i32
          %dma_wait3A_57 = tpu.memref_slice %arg10[%dma_wait3A, %dma_wait3A_56] : memref<10000x128xf32, #tpu.memory_space<hbm>> -> memref<16x128xf32, #tpu.memory_space<hbm>>
          %dma_wait3A_58 = arith.constant 9984 : i32
          %dma_wait3A_59 = arith.constant 0 : i32
          %dma_wait3A_60 = tpu.memref_slice %arg21[%dma_wait3A_58, %dma_wait3A_59] : memref<10000x128xf32, #tpu.memory_space<vmem_shared>> -> memref<16x128xf32, #tpu.memory_space<vmem_shared>>
          tpu.wait_dma2 semaphore(%run_scoped3A : memref<!tpu.dma_semaphore, #tpu.memory_space<semaphore_mem>>) src(%dma_wait3A_60 : memref<16x128xf32, #tpu.memory_space<vmem_shared>>) dst(%dma_wait3A_57 : memref<16x128xf32, #tpu.memory_space<hbm>>)
          tpu.yield
        }) : () -> ()
      } else {
      }
    } else {
    }
    %eq3A_8 = arith.constant 1 : i32
    %eq3A_9 = arith.cmpi eq, %arg0, %eq3A_8 : i32
    %convert_element_type3A_10 = arith.extui %eq3A_9 : i1 to i32
    %cond3A_11 = arith.constant 0 : i32
    %cond3A_12 = arith.cmpi ne, %convert_element_type3A_10, %cond3A_11 : i32
    scf.if %cond3A_12 {
      %scan3A = arith.constant 0 : i32
      %scan3A_13 = arith.constant 0 : i32
      %scan3A_14 = arith.constant 52 : i32
      %scan3A_15 = arith.addi %scan3A_13, %scan3A_14 : i32
      %scan3A_16 = arith.constant 1 : i32
      scf.for %scan3A_51 = %scan3A_13 to %scan3A_15 step %scan3A_16  : i32 {
        %mul3A_52 = arith.constant 3 : i32
        %mul3A_53 = arith.muli %scan3A_51, %mul3A_52 : i32
        %mul3A_54 = arith.constant 16 : i32
        %mul3A_55 = arith.muli %mul3A_53, %mul3A_54 : i32
        %add3A = arith.addi %arg1, %mul3A_55 : i32
        %add3A_56 = arith.constant 0 : i32
        %add3A_57 = arith.addi %add3A, %add3A_56 : i32
        %mul3A_58 = arith.constant 128 : i32
        %mul3A_59 = arith.muli %add3A_57, %mul3A_58 : i32
        %dma_start3A = tpu.memref_slice %arg5[%mul3A_59] : memref<320000xi32, #tpu.memory_space<hbm>> -> memref<128xi32, #tpu.memory_space<hbm>>
        %dma_start3A_60 = tpu.memref_slice %arg5[%mul3A_59] : memref<320000xi32, #tpu.memory_space<hbm>> -> memref<128xi32, #tpu.memory_space<hbm>>
        tpu.enqueue_dma source(%dma_start3A_60 : memref<128xi32, #tpu.memory_space<hbm>>) target(%arg12 : memref<128xi32, #tpu.memory_space<vmem>>) target_semaphore(%arg22 : memref<!tpu.dma_semaphore, #tpu.memory_space<semaphore_mem>>)
        %dma_start3A_61 = tpu.memref_slice %arg4[%mul3A_59] : memref<320000xi32, #tpu.memory_space<hbm>> -> memref<128xi32, #tpu.memory_space<hbm>>
        %dma_start3A_62 = tpu.memref_slice %arg4[%mul3A_59] : memref<320000xi32, #tpu.memory_space<hbm>> -> memref<128xi32, #tpu.memory_space<hbm>>
        tpu.enqueue_dma source(%dma_start3A_62 : memref<128xi32, #tpu.memory_space<hbm>>) target(%arg15 : memref<128xi32, #tpu.memory_space<vmem>>) target_semaphore(%arg22 : memref<!tpu.dma_semaphore, #tpu.memory_space<semaphore_mem>>)
        %add3A_63 = arith.constant 16 : i32
        %add3A_64 = arith.addi %add3A, %add3A_63 : i32
        %mul3A_65 = arith.constant 128 : i32
        %mul3A_66 = arith.muli %add3A_64, %mul3A_65 : i32
        %dma_start3A_67 = tpu.memref_slice %arg5[%mul3A_66] : memref<320000xi32, #tpu.memory_space<hbm>> -> memref<128xi32, #tpu.memory_space<hbm>>
        %dma_start3A_68 = tpu.memref_slice %arg5[%mul3A_66] : memref<320000xi32, #tpu.memory_space<hbm>> -> memref<128xi32, #tpu.memory_space<hbm>>
        tpu.enqueue_dma source(%dma_start3A_68 : memref<128xi32, #tpu.memory_space<hbm>>) target(%arg13 : memref<128xi32, #tpu.memory_space<vmem>>) target_semaphore(%arg22 : memref<!tpu.dma_semaphore, #tpu.memory_space<semaphore_mem>>)
        %dma_start3A_69 = tpu.memref_slice %arg4[%mul3A_66] : memref<320000xi32, #tpu.memory_space<hbm>> -> memref<128xi32, #tpu.memory_space<hbm>>
        %dma_start3A_70 = tpu.memref_slice %arg4[%mul3A_66] : memref<320000xi32, #tpu.memory_space<hbm>> -> memref<128xi32, #tpu.memory_space<hbm>>
        tpu.enqueue_dma source(%dma_start3A_70 : memref<128xi32, #tpu.memory_space<hbm>>) target(%arg16 : memref<128xi32, #tpu.memory_space<vmem>>) target_semaphore(%arg22 : memref<!tpu.dma_semaphore, #tpu.memory_space<semaphore_mem>>)
        %add3A_71 = arith.constant 32 : i32
        %add3A_72 = arith.addi %add3A, %add3A_71 : i32
        %mul3A_73 = arith.constant 128 : i32
        %mul3A_74 = arith.muli %add3A_72, %mul3A_73 : i32
        %dma_start3A_75 = tpu.memref_slice %arg5[%mul3A_74] : memref<320000xi32, #tpu.memory_space<hbm>> -> memref<128xi32, #tpu.memory_space<hbm>>
        %dma_start3A_76 = tpu.memref_slice %arg5[%mul3A_74] : memref<320000xi32, #tpu.memory_space<hbm>> -> memref<128xi32, #tpu.memory_space<hbm>>
        tpu.enqueue_dma source(%dma_start3A_76 : memref<128xi32, #tpu.memory_space<hbm>>) target(%arg14 : memref<128xi32, #tpu.memory_space<vmem>>) target_semaphore(%arg22 : memref<!tpu.dma_semaphore, #tpu.memory_space<semaphore_mem>>)
        %dma_start3A_77 = tpu.memref_slice %arg4[%mul3A_74] : memref<320000xi32, #tpu.memory_space<hbm>> -> memref<128xi32, #tpu.memory_space<hbm>>
        %dma_start3A_78 = tpu.memref_slice %arg4[%mul3A_74] : memref<320000xi32, #tpu.memory_space<hbm>> -> memref<128xi32, #tpu.memory_space<hbm>>
        tpu.enqueue_dma source(%dma_start3A_78 : memref<128xi32, #tpu.memory_space<hbm>>) target(%arg17 : memref<128xi32, #tpu.memory_space<vmem>>) target_semaphore(%arg22 : memref<!tpu.dma_semaphore, #tpu.memory_space<semaphore_mem>>)
        %dma_wait3A = tpu.memref_slice %arg5[%mul3A_59] : memref<320000xi32, #tpu.memory_space<hbm>> -> memref<128xi32, #tpu.memory_space<hbm>>
        %dma_wait3A_79 = tpu.memref_slice %arg5[%mul3A_59] : memref<320000xi32, #tpu.memory_space<hbm>> -> memref<128xi32, #tpu.memory_space<hbm>>
        tpu.wait_dma2 semaphore(%arg22 : memref<!tpu.dma_semaphore, #tpu.memory_space<semaphore_mem>>) src(%dma_wait3A_79 : memref<128xi32, #tpu.memory_space<hbm>>) dst(%arg12 : memref<128xi32, #tpu.memory_space<vmem>>)
        %dma_wait3A_80 = tpu.memref_slice %arg4[%mul3A_59] : memref<320000xi32, #tpu.memory_space<hbm>> -> memref<128xi32, #tpu.memory_space<hbm>>
        %dma_wait3A_81 = tpu.memref_slice %arg4[%mul3A_59] : memref<320000xi32, #tpu.memory_space<hbm>> -> memref<128xi32, #tpu.memory_space<hbm>>
        tpu.wait_dma2 semaphore(%arg22 : memref<!tpu.dma_semaphore, #tpu.memory_space<semaphore_mem>>) src(%dma_wait3A_81 : memref<128xi32, #tpu.memory_space<hbm>>) dst(%arg15 : memref<128xi32, #tpu.memory_space<vmem>>)
        %dma_wait3A_82 = tpu.memref_slice %arg5[%mul3A_66] : memref<320000xi32, #tpu.memory_space<hbm>> -> memref<128xi32, #tpu.memory_space<hbm>>
        %dma_wait3A_83 = tpu.memref_slice %arg5[%mul3A_66] : memref<320000xi32, #tpu.memory_space<hbm>> -> memref<128xi32, #tpu.memory_space<hbm>>
        tpu.wait_dma2 semaphore(%arg22 : memref<!tpu.dma_semaphore, #tpu.memory_space<semaphore_mem>>) src(%dma_wait3A_83 : memref<128xi32, #tpu.memory_space<hbm>>) dst(%arg13 : memref<128xi32, #tpu.memory_space<vmem>>)
        %dma_wait3A_84 = tpu.memref_slice %arg4[%mul3A_66] : memref<320000xi32, #tpu.memory_space<hbm>> -> memref<128xi32, #tpu.memory_space<hbm>>
        %dma_wait3A_85 = tpu.memref_slice %arg4[%mul3A_66] : memref<320000xi32, #tpu.memory_space<hbm>> -> memref<128xi32, #tpu.memory_space<hbm>>
        tpu.wait_dma2 semaphore(%arg22 : memref<!tpu.dma_semaphore, #tpu.memory_space<semaphore_mem>>) src(%dma_wait3A_85 : memref<128xi32, #tpu.memory_space<hbm>>) dst(%arg16 : memref<128xi32, #tpu.memory_space<vmem>>)
        %dma_wait3A_86 = tpu.memref_slice %arg5[%mul3A_74] : memref<320000xi32, #tpu.memory_space<hbm>> -> memref<128xi32, #tpu.memory_space<hbm>>
        %dma_wait3A_87 = tpu.memref_slice %arg5[%mul3A_74] : memref<320000xi32, #tpu.memory_space<hbm>> -> memref<128xi32, #tpu.memory_space<hbm>>
        tpu.wait_dma2 semaphore(%arg22 : memref<!tpu.dma_semaphore, #tpu.memory_space<semaphore_mem>>) src(%dma_wait3A_87 : memref<128xi32, #tpu.memory_space<hbm>>) dst(%arg14 : memref<128xi32, #tpu.memory_space<vmem>>)
        %dma_wait3A_88 = tpu.memref_slice %arg4[%mul3A_74] : memref<320000xi32, #tpu.memory_space<hbm>> -> memref<128xi32, #tpu.memory_space<hbm>>
        %dma_wait3A_89 = tpu.memref_slice %arg4[%mul3A_74] : memref<320000xi32, #tpu.memory_space<hbm>> -> memref<128xi32, #tpu.memory_space<hbm>>
        tpu.wait_dma2 semaphore(%arg22 : memref<!tpu.dma_semaphore, #tpu.memory_space<semaphore_mem>>) src(%dma_wait3A_89 : memref<128xi32, #tpu.memory_space<hbm>>) dst(%arg17 : memref<128xi32, #tpu.memory_space<vmem>>)
        %dma_start3A_90 = arith.constant 0 : i32
        %dma_start3A_91 = arith.constant 0 : i32
        %dma_start3A_92 = tpu.memref_slice %arg3[%dma_start3A_90, %dma_start3A_91] : memref<10000x128xf32, #tpu.memory_space<hbm>> -> memref<10000x128xf32, #tpu.memory_space<hbm>>
        tpu.enqueue_indirect_dma source(%dma_start3A_92 : memref<10000x128xf32, #tpu.memory_space<hbm>>) target(%arg18 : memref<128x128xf32, #tpu.memory_space<vmem>>) offsets(%arg12 : memref<128xi32, #tpu.memory_space<vmem>>) semaphore(%arg23 : memref<!tpu.dma_semaphore, #tpu.memory_space<semaphore_mem>>)
        %dma_start3A_93 = arith.constant 0 : i32
        %dma_start3A_94 = arith.constant 0 : i32
        %dma_start3A_95 = tpu.memref_slice %arg3[%dma_start3A_93, %dma_start3A_94] : memref<10000x128xf32, #tpu.memory_space<hbm>> -> memref<10000x128xf32, #tpu.memory_space<hbm>>
        tpu.enqueue_indirect_dma source(%dma_start3A_95 : memref<10000x128xf32, #tpu.memory_space<hbm>>) target(%arg19 : memref<128x128xf32, #tpu.memory_space<vmem>>) offsets(%arg13 : memref<128xi32, #tpu.memory_space<vmem>>) semaphore(%arg23 : memref<!tpu.dma_semaphore, #tpu.memory_space<semaphore_mem>>)
        %dma_start3A_96 = arith.constant 0 : i32
        %dma_start3A_97 = arith.constant 0 : i32
        %dma_start3A_98 = tpu.memref_slice %arg3[%dma_start3A_96, %dma_start3A_97] : memref<10000x128xf32, #tpu.memory_space<hbm>> -> memref<10000x128xf32, #tpu.memory_space<hbm>>
        tpu.enqueue_indirect_dma source(%dma_start3A_98 : memref<10000x128xf32, #tpu.memory_space<hbm>>) target(%arg20 : memref<128x128xf32, #tpu.memory_space<vmem>>) offsets(%arg14 : memref<128xi32, #tpu.memory_space<vmem>>) semaphore(%arg23 : memref<!tpu.dma_semaphore, #tpu.memory_space<semaphore_mem>>)
        %dma_wait3A_99 = arith.constant 0 : i32
        %dma_wait3A_100 = arith.constant 0 : i32
        %dma_wait3A_101 = tpu.memref_slice %arg3[%dma_wait3A_99, %dma_wait3A_100] : memref<10000x128xf32, #tpu.memory_space<hbm>> -> memref<10000x128xf32, #tpu.memory_space<hbm>>
        tpu.wait_indirect_dma semaphore(%arg23 : memref<!tpu.dma_semaphore, #tpu.memory_space<semaphore_mem>>) src(%dma_wait3A_101 : memref<10000x128xf32, #tpu.memory_space<hbm>>) dst(%arg18 : memref<128x128xf32, #tpu.memory_space<vmem>>)
        %dma_wait3A_102 = arith.constant 0 : i32
        %dma_wait3A_103 = arith.constant 0 : i32
        %dma_wait3A_104 = tpu.memref_slice %arg3[%dma_wait3A_102, %dma_wait3A_103] : memref<10000x128xf32, #tpu.memory_space<hbm>> -> memref<10000x128xf32, #tpu.memory_space<hbm>>
        tpu.wait_indirect_dma semaphore(%arg23 : memref<!tpu.dma_semaphore, #tpu.memory_space<semaphore_mem>>) src(%dma_wait3A_104 : memref<10000x128xf32, #tpu.memory_space<hbm>>) dst(%arg19 : memref<128x128xf32, #tpu.memory_space<vmem>>)
        %dma_wait3A_105 = arith.constant 0 : i32
        %dma_wait3A_106 = arith.constant 0 : i32
        %dma_wait3A_107 = tpu.memref_slice %arg3[%dma_wait3A_105, %dma_wait3A_106] : memref<10000x128xf32, #tpu.memory_space<hbm>> -> memref<10000x128xf32, #tpu.memory_space<hbm>>
        tpu.wait_indirect_dma semaphore(%arg23 : memref<!tpu.dma_semaphore, #tpu.memory_space<semaphore_mem>>) src(%dma_wait3A_107 : memref<10000x128xf32, #tpu.memory_space<hbm>>) dst(%arg20 : memref<128x128xf32, #tpu.memory_space<vmem>>)
        %dma_start3A_108 = arith.constant 0 : i32
        %dma_start3A_109 = arith.constant 0 : i32
        %dma_start3A_110 = tpu.memref_slice %arg21[%dma_start3A_108, %dma_start3A_109] : memref<10000x128xf32, #tpu.memory_space<vmem_shared>> -> memref<10000x128xf32, #tpu.memory_space<vmem_shared>>
        tpu.enqueue_indirect_dma source(%arg18 : memref<128x128xf32, #tpu.memory_space<vmem>>) target(%dma_start3A_110 : memref<10000x128xf32, #tpu.memory_space<vmem_shared>>) offsets(%arg15 : memref<128xi32, #tpu.memory_space<vmem>>) semaphore(%arg24 : memref<!tpu.dma_semaphore, #tpu.memory_space<semaphore_mem>>) {add = true}
        %dma_start3A_111 = arith.constant 0 : i32
        %dma_start3A_112 = arith.constant 0 : i32
        %dma_start3A_113 = tpu.memref_slice %arg21[%dma_start3A_111, %dma_start3A_112] : memref<10000x128xf32, #tpu.memory_space<vmem_shared>> -> memref<10000x128xf32, #tpu.memory_space<vmem_shared>>
        tpu.enqueue_indirect_dma source(%arg19 : memref<128x128xf32, #tpu.memory_space<vmem>>) target(%dma_start3A_113 : memref<10000x128xf32, #tpu.memory_space<vmem_shared>>) offsets(%arg16 : memref<128xi32, #tpu.memory_space<vmem>>) semaphore(%arg24 : memref<!tpu.dma_semaphore, #tpu.memory_space<semaphore_mem>>) {add = true}
        %dma_start3A_114 = arith.constant 0 : i32
        %dma_start3A_115 = arith.constant 0 : i32
        %dma_start3A_116 = tpu.memref_slice %arg21[%dma_start3A_114, %dma_start3A_115] : memref<10000x128xf32, #tpu.memory_space<vmem_shared>> -> memref<10000x128xf32, #tpu.memory_space<vmem_shared>>
        tpu.enqueue_indirect_dma source(%arg20 : memref<128x128xf32, #tpu.memory_space<vmem>>) target(%dma_start3A_116 : memref<10000x128xf32, #tpu.memory_space<vmem_shared>>) offsets(%arg17 : memref<128xi32, #tpu.memory_space<vmem>>) semaphore(%arg24 : memref<!tpu.dma_semaphore, #tpu.memory_space<semaphore_mem>>) {add = true}
        %dma_wait3A_117 = arith.constant 0 : i32
        %dma_wait3A_118 = arith.constant 0 : i32
        %dma_wait3A_119 = tpu.memref_slice %arg21[%dma_wait3A_117, %dma_wait3A_118] : memref<10000x128xf32, #tpu.memory_space<vmem_shared>> -> memref<10000x128xf32, #tpu.memory_space<vmem_shared>>
        tpu.wait_indirect_dma semaphore(%arg24 : memref<!tpu.dma_semaphore, #tpu.memory_space<semaphore_mem>>) src(%arg18 : memref<128x128xf32, #tpu.memory_space<vmem>>) dst(%dma_wait3A_119 : memref<10000x128xf32, #tpu.memory_space<vmem_shared>>)
        %dma_wait3A_120 = arith.constant 0 : i32
        %dma_wait3A_121 = arith.constant 0 : i32
        %dma_wait3A_122 = tpu.memref_slice %arg21[%dma_wait3A_120, %dma_wait3A_121] : memref<10000x128xf32, #tpu.memory_space<vmem_shared>> -> memref<10000x128xf32, #tpu.memory_space<vmem_shared>>
        tpu.wait_indirect_dma semaphore(%arg24 : memref<!tpu.dma_semaphore, #tpu.memory_space<semaphore_mem>>) src(%arg19 : memref<128x128xf32, #tpu.memory_space<vmem>>) dst(%dma_wait3A_122 : memref<10000x128xf32, #tpu.memory_space<vmem_shared>>)
        %dma_wait3A_123 = arith.constant 0 : i32
        %dma_wait3A_124 = arith.constant 0 : i32
        %dma_wait3A_125 = tpu.memref_slice %arg21[%dma_wait3A_123, %dma_wait3A_124] : memref<10000x128xf32, #tpu.memory_space<vmem_shared>> -> memref<10000x128xf32, #tpu.memory_space<vmem_shared>>
        tpu.wait_indirect_dma semaphore(%arg24 : memref<!tpu.dma_semaphore, #tpu.memory_space<semaphore_mem>>) src(%arg20 : memref<128x128xf32, #tpu.memory_space<vmem>>) dst(%dma_wait3A_125 : memref<10000x128xf32, #tpu.memory_space<vmem_shared>>)
      }
      %scan3A_17 = arith.constant 52 : i32
      %lt3A = arith.constant 4 : i32
      %lt3A_18 = arith.cmpi slt, %arg1, %lt3A : i32
      %convert_element_type3A_19 = arith.extui %lt3A_18 : i1 to i32
      %cond3A_20 = arith.constant 0 : i32
      %cond3A_21 = arith.cmpi ne, %convert_element_type3A_19, %cond3A_20 : i32
      scf.if %cond3A_21 {
        %add3A = arith.constant 2496 : i32
        %add3A_51 = arith.addi %arg1, %add3A : i32
        %mul3A_52 = arith.constant 128 : i32
        %mul3A_53 = arith.muli %add3A_51, %mul3A_52 : i32
        "tpu.region"() ({
          %run_scoped3A = tpu.sem_alloc : memref<!tpu.dma_semaphore, #tpu.memory_space<semaphore_mem>>
          %dma_start3A_58 = tpu.memref_slice %arg5[%mul3A_53] : memref<320000xi32, #tpu.memory_space<hbm>> -> memref<128xi32, #tpu.memory_space<hbm>>
          %dma_start3A_59 = tpu.memref_slice %arg5[%mul3A_53] : memref<320000xi32, #tpu.memory_space<hbm>> -> memref<128xi32, #tpu.memory_space<hbm>>
          tpu.enqueue_dma source(%dma_start3A_59 : memref<128xi32, #tpu.memory_space<hbm>>) target(%arg12 : memref<128xi32, #tpu.memory_space<vmem>>) target_semaphore(%run_scoped3A : memref<!tpu.dma_semaphore, #tpu.memory_space<semaphore_mem>>)
          %dma_wait3A_60 = tpu.memref_slice %arg5[%mul3A_53] : memref<320000xi32, #tpu.memory_space<hbm>> -> memref<128xi32, #tpu.memory_space<hbm>>
          %dma_wait3A_61 = tpu.memref_slice %arg5[%mul3A_53] : memref<320000xi32, #tpu.memory_space<hbm>> -> memref<128xi32, #tpu.memory_space<hbm>>
          tpu.wait_dma2 semaphore(%run_scoped3A : memref<!tpu.dma_semaphore, #tpu.memory_space<semaphore_mem>>) src(%dma_wait3A_61 : memref<128xi32, #tpu.memory_space<hbm>>) dst(%arg12 : memref<128xi32, #tpu.memory_space<vmem>>)
          tpu.yield
        }) : () -> ()
        "tpu.region"() ({
          %run_scoped3A = tpu.sem_alloc : memref<!tpu.dma_semaphore, #tpu.memory_space<semaphore_mem>>
          %dma_start3A_58 = tpu.memref_slice %arg4[%mul3A_53] : memref<320000xi32, #tpu.memory_space<hbm>> -> memref<128xi32, #tpu.memory_space<hbm>>
          %dma_start3A_59 = tpu.memref_slice %arg4[%mul3A_53] : memref<320000xi32, #tpu.memory_space<hbm>> -> memref<128xi32, #tpu.memory_space<hbm>>
          tpu.enqueue_dma source(%dma_start3A_59 : memref<128xi32, #tpu.memory_space<hbm>>) target(%arg15 : memref<128xi32, #tpu.memory_space<vmem>>) target_semaphore(%run_scoped3A : memref<!tpu.dma_semaphore, #tpu.memory_space<semaphore_mem>>)
          %dma_wait3A_60 = tpu.memref_slice %arg4[%mul3A_53] : memref<320000xi32, #tpu.memory_space<hbm>> -> memref<128xi32, #tpu.memory_space<hbm>>
          %dma_wait3A_61 = tpu.memref_slice %arg4[%mul3A_53] : memref<320000xi32, #tpu.memory_space<hbm>> -> memref<128xi32, #tpu.memory_space<hbm>>
          tpu.wait_dma2 semaphore(%run_scoped3A : memref<!tpu.dma_semaphore, #tpu.memory_space<semaphore_mem>>) src(%dma_wait3A_61 : memref<128xi32, #tpu.memory_space<hbm>>) dst(%arg15 : memref<128xi32, #tpu.memory_space<vmem>>)
          tpu.yield
        }) : () -> ()
        %dma_start3A = arith.constant 0 : i32
        %dma_start3A_54 = arith.constant 0 : i32
        %dma_start3A_55 = tpu.memref_slice %arg3[%dma_start3A, %dma_start3A_54] : memref<10000x128xf32, #tpu.memory_space<hbm>> -> memref<10000x128xf32, #tpu.memory_space<hbm>>
        tpu.enqueue_indirect_dma source(%dma_start3A_55 : memref<10000x128xf32, #tpu.memory_space<hbm>>) target(%arg18 : memref<128x128xf32, #tpu.memory_space<vmem>>) offsets(%arg12 : memref<128xi32, #tpu.memory_space<vmem>>) semaphore(%arg23 : memref<!tpu.dma_semaphore, #tpu.memory_space<semaphore_mem>>)
        %dma_wait3A = arith.constant 0 : i32
        %dma_wait3A_56 = arith.constant 0 : i32
        %dma_wait3A_57 = tpu.memref_slice %arg3[%dma_wait3A, %dma_wait3A_56] : memref<10000x128xf32, #tpu.memory_space<hbm>> -> memref<10000x128xf32, #tpu.memory_space<hbm>>
        tpu.wait_indirect_dma semaphore(%arg23 : memref<!tpu.dma_semaphore, #tpu.memory_space<semaphore_mem>>) src(%dma_wait3A_57 : memref<10000x128xf32, #tpu.memory_space<hbm>>) dst(%arg18 : memref<128x128xf32, #tpu.memory_space<vmem>>)
        "tpu.region"() ({
          %run_scoped3A = tpu.sem_alloc : memref<!tpu.dma_semaphore, #tpu.memory_space<semaphore_mem>>
          %dma_start3A_58 = arith.constant 0 : i32
          %dma_start3A_59 = arith.constant 0 : i32
          %dma_start3A_60 = tpu.memref_slice %arg21[%dma_start3A_58, %dma_start3A_59] : memref<10000x128xf32, #tpu.memory_space<vmem_shared>> -> memref<10000x128xf32, #tpu.memory_space<vmem_shared>>
          tpu.enqueue_indirect_dma source(%arg18 : memref<128x128xf32, #tpu.memory_space<vmem>>) target(%dma_start3A_60 : memref<10000x128xf32, #tpu.memory_space<vmem_shared>>) offsets(%arg15 : memref<128xi32, #tpu.memory_space<vmem>>) semaphore(%run_scoped3A : memref<!tpu.dma_semaphore, #tpu.memory_space<semaphore_mem>>) {add = true}
          %dma_wait3A_61 = arith.constant 0 : i32
          %dma_wait3A_62 = arith.constant 0 : i32
          %dma_wait3A_63 = tpu.memref_slice %arg21[%dma_wait3A_61, %dma_wait3A_62] : memref<10000x128xf32, #tpu.memory_space<vmem_shared>> -> memref<10000x128xf32, #tpu.memory_space<vmem_shared>>
          tpu.wait_indirect_dma semaphore(%run_scoped3A : memref<!tpu.dma_semaphore, #tpu.memory_space<semaphore_mem>>) src(%arg18 : memref<128x128xf32, #tpu.memory_space<vmem>>) dst(%dma_wait3A_63 : memref<10000x128xf32, #tpu.memory_space<vmem_shared>>)
          tpu.yield
        }) : () -> ()
      } else {
      }
      %barrier3A_22 = arith.constant 0 : index
      tpu.barrier barrier_id(%barrier3A_22)
      "tpu.region"() ({
        %run_scoped3A = tpu.sem_alloc : memref<!tpu.dma_semaphore, #tpu.memory_space<semaphore_mem>>
        %dma_start3A = arith.constant 0 : i32
        %dma_start3A_51 = tpu.memref_slice %arg9[%mul3A_0, %dma_start3A] : memref<10000x128xf32, #tpu.memory_space<hbm>> -> memref<624x128xf32, #tpu.memory_space<hbm>>
        %dma_start3A_52 = arith.constant 0 : i32
        %dma_start3A_53 = tpu.memref_slice %arg21[%mul3A_0, %dma_start3A_52] : memref<10000x128xf32, #tpu.memory_space<vmem_shared>> -> memref<624x128xf32, #tpu.memory_space<vmem_shared>>
        tpu.enqueue_dma source(%dma_start3A_53 : memref<624x128xf32, #tpu.memory_space<vmem_shared>>) target(%dma_start3A_51 : memref<624x128xf32, #tpu.memory_space<hbm>>) target_semaphore(%run_scoped3A : memref<!tpu.dma_semaphore, #tpu.memory_space<semaphore_mem>>)
        %dma_wait3A = arith.constant 0 : i32
        %dma_wait3A_54 = tpu.memref_slice %arg9[%mul3A_0, %dma_wait3A] : memref<10000x128xf32, #tpu.memory_space<hbm>> -> memref<624x128xf32, #tpu.memory_space<hbm>>
        %dma_wait3A_55 = arith.constant 0 : i32
        %dma_wait3A_56 = tpu.memref_slice %arg21[%mul3A_0, %dma_wait3A_55] : memref<10000x128xf32, #tpu.memory_space<vmem_shared>> -> memref<624x128xf32, #tpu.memory_space<vmem_shared>>
        tpu.wait_dma2 semaphore(%run_scoped3A : memref<!tpu.dma_semaphore, #tpu.memory_space<semaphore_mem>>) src(%dma_wait3A_56 : memref<624x128xf32, #tpu.memory_space<vmem_shared>>) dst(%dma_wait3A_54 : memref<624x128xf32, #tpu.memory_space<hbm>>)
        tpu.yield
      }) : () -> ()
      %eq3A_23 = arith.constant 15 : i32
      %eq3A_24 = arith.cmpi eq, %arg1, %eq3A_23 : i32
      %convert_element_type3A_25 = arith.extui %eq3A_24 : i1 to i32
      %cond3A_26 = arith.constant 0 : i32
      %cond3A_27 = arith.cmpi ne, %convert_element_type3A_25, %cond3A_26 : i32
      scf.if %cond3A_27 {
        "tpu.region"() ({
          %run_scoped3A = tpu.sem_alloc : memref<!tpu.dma_semaphore, #tpu.memory_space<semaphore_mem>>
          %dma_start3A = arith.constant 9984 : i32
          %dma_start3A_51 = arith.constant 0 : i32
          %dma_start3A_52 = tpu.memref_slice %arg9[%dma_start3A, %dma_start3A_51] : memref<10000x128xf32, #tpu.memory_space<hbm>> -> memref<16x128xf32, #tpu.memory_space<hbm>>
          %dma_start3A_53 = arith.constant 9984 : i32
          %dma_start3A_54 = arith.constant 0 : i32
          %dma_start3A_55 = tpu.memref_slice %arg21[%dma_start3A_53, %dma_start3A_54] : memref<10000x128xf32, #tpu.memory_space<vmem_shared>> -> memref<16x128xf32, #tpu.memory_space<vmem_shared>>
          tpu.enqueue_dma source(%dma_start3A_55 : memref<16x128xf32, #tpu.memory_space<vmem_shared>>) target(%dma_start3A_52 : memref<16x128xf32, #tpu.memory_space<hbm>>) target_semaphore(%run_scoped3A : memref<!tpu.dma_semaphore, #tpu.memory_space<semaphore_mem>>)
          %dma_wait3A = arith.constant 9984 : i32
          %dma_wait3A_56 = arith.constant 0 : i32
          %dma_wait3A_57 = tpu.memref_slice %arg9[%dma_wait3A, %dma_wait3A_56] : memref<10000x128xf32, #tpu.memory_space<hbm>> -> memref<16x128xf32, #tpu.memory_space<hbm>>
          %dma_wait3A_58 = arith.constant 9984 : i32
          %dma_wait3A_59 = arith.constant 0 : i32
          %dma_wait3A_60 = tpu.memref_slice %arg21[%dma_wait3A_58, %dma_wait3A_59] : memref<10000x128xf32, #tpu.memory_space<vmem_shared>> -> memref<16x128xf32, #tpu.memory_space<vmem_shared>>
          tpu.wait_dma2 semaphore(%run_scoped3A : memref<!tpu.dma_semaphore, #tpu.memory_space<semaphore_mem>>) src(%dma_wait3A_60 : memref<16x128xf32, #tpu.memory_space<vmem_shared>>) dst(%dma_wait3A_57 : memref<16x128xf32, #tpu.memory_space<hbm>>)
          tpu.yield
        }) : () -> ()
      } else {
      }
      "tpu.region"() ({
        %run_scoped3A = tpu.sem_alloc : memref<!tpu.dma_semaphore, #tpu.memory_space<semaphore_mem>>
        %dma_start3A = arith.constant 0 : i32
        %dma_start3A_51 = tpu.memref_slice %arg21[%mul3A_0, %dma_start3A] : memref<10000x128xf32, #tpu.memory_space<vmem_shared>> -> memref<624x128xf32, #tpu.memory_space<vmem_shared>>
        %dma_start3A_52 = arith.constant 0 : i32
        %dma_start3A_53 = tpu.memref_slice %arg6[%mul3A_0, %dma_start3A_52] : memref<10000x128xf32, #tpu.memory_space<hbm>> -> memref<624x128xf32, #tpu.memory_space<hbm>>
        tpu.enqueue_dma source(%dma_start3A_53 : memref<624x128xf32, #tpu.memory_space<hbm>>) target(%dma_start3A_51 : memref<624x128xf32, #tpu.memory_space<vmem_shared>>) target_semaphore(%run_scoped3A : memref<!tpu.dma_semaphore, #tpu.memory_space<semaphore_mem>>)
        %dma_wait3A = arith.constant 0 : i32
        %dma_wait3A_54 = tpu.memref_slice %arg21[%mul3A_0, %dma_wait3A] : memref<10000x128xf32, #tpu.memory_space<vmem_shared>> -> memref<624x128xf32, #tpu.memory_space<vmem_shared>>
        %dma_wait3A_55 = arith.constant 0 : i32
        %dma_wait3A_56 = tpu.memref_slice %arg6[%mul3A_0, %dma_wait3A_55] : memref<10000x128xf32, #tpu.memory_space<hbm>> -> memref<624x128xf32, #tpu.memory_space<hbm>>
        tpu.wait_dma2 semaphore(%run_scoped3A : memref<!tpu.dma_semaphore, #tpu.memory_space<semaphore_mem>>) src(%dma_wait3A_56 : memref<624x128xf32, #tpu.memory_space<hbm>>) dst(%dma_wait3A_54 : memref<624x128xf32, #tpu.memory_space<vmem_shared>>)
        tpu.yield
      }) : () -> ()
      %eq3A_28 = arith.constant 15 : i32
      %eq3A_29 = arith.cmpi eq, %arg1, %eq3A_28 : i32
      %convert_element_type3A_30 = arith.extui %eq3A_29 : i1 to i32
      %cond3A_31 = arith.constant 0 : i32
      %cond3A_32 = arith.cmpi ne, %convert_element_type3A_30, %cond3A_31 : i32
      scf.if %cond3A_32 {
        "tpu.region"() ({
          %run_scoped3A = tpu.sem_alloc : memref<!tpu.dma_semaphore, #tpu.memory_space<semaphore_mem>>
          %dma_start3A = arith.constant 9984 : i32
          %dma_start3A_51 = arith.constant 0 : i32
          %dma_start3A_52 = tpu.memref_slice %arg21[%dma_start3A, %dma_start3A_51] : memref<10000x128xf32, #tpu.memory_space<vmem_shared>> -> memref<16x128xf32, #tpu.memory_space<vmem_shared>>
          %dma_start3A_53 = arith.constant 9984 : i32
          %dma_start3A_54 = arith.constant 0 : i32
          %dma_start3A_55 = tpu.memref_slice %arg6[%dma_start3A_53, %dma_start3A_54] : memref<10000x128xf32, #tpu.memory_space<hbm>> -> memref<16x128xf32, #tpu.memory_space<hbm>>
          tpu.enqueue_dma source(%dma_start3A_55 : memref<16x128xf32, #tpu.memory_space<hbm>>) target(%dma_start3A_52 : memref<16x128xf32, #tpu.memory_space<vmem_shared>>) target_semaphore(%run_scoped3A : memref<!tpu.dma_semaphore, #tpu.memory_space<semaphore_mem>>)
          %dma_wait3A = arith.constant 9984 : i32
          %dma_wait3A_56 = arith.constant 0 : i32
          %dma_wait3A_57 = tpu.memref_slice %arg21[%dma_wait3A, %dma_wait3A_56] : memref<10000x128xf32, #tpu.memory_space<vmem_shared>> -> memref<16x128xf32, #tpu.memory_space<vmem_shared>>
          %dma_wait3A_58 = arith.constant 9984 : i32
          %dma_wait3A_59 = arith.constant 0 : i32
          %dma_wait3A_60 = tpu.memref_slice %arg6[%dma_wait3A_58, %dma_wait3A_59] : memref<10000x128xf32, #tpu.memory_space<hbm>> -> memref<16x128xf32, #tpu.memory_space<hbm>>
          tpu.wait_dma2 semaphore(%run_scoped3A : memref<!tpu.dma_semaphore, #tpu.memory_space<semaphore_mem>>) src(%dma_wait3A_60 : memref<16x128xf32, #tpu.memory_space<hbm>>) dst(%dma_wait3A_57 : memref<16x128xf32, #tpu.memory_space<vmem_shared>>)
          tpu.yield
        }) : () -> ()
      } else {
      }
      "tpu.region"() ({
        %run_scoped3A = tpu.sem_alloc : memref<!tpu.dma_semaphore, #tpu.memory_space<semaphore_mem>>
        tpu.enqueue_dma source(%arg7 : memref<128x128xf32, #tpu.memory_space<hbm>>) target(%arg18 : memref<128x128xf32, #tpu.memory_space<vmem>>) target_semaphore(%run_scoped3A : memref<!tpu.dma_semaphore, #tpu.memory_space<semaphore_mem>>)
        tpu.wait_dma2 semaphore(%run_scoped3A : memref<!tpu.dma_semaphore, #tpu.memory_space<semaphore_mem>>) src(%arg7 : memref<128x128xf32, #tpu.memory_space<hbm>>) dst(%arg18 : memref<128x128xf32, #tpu.memory_space<vmem>>)
        tpu.yield
      }) : () -> ()
      %barrier3A_33 = arith.constant 0 : index
      tpu.barrier barrier_id(%barrier3A_33)
      %scan3A_34 = arith.constant 0 : i32
      %scan3A_35 = arith.constant 0 : i32
      %scan3A_36 = arith.constant 52 : i32
      %scan3A_37 = arith.addi %scan3A_35, %scan3A_36 : i32
      %scan3A_38 = arith.constant 1 : i32
      scf.for %scan3A_51 = %scan3A_35 to %scan3A_37 step %scan3A_38  : i32 {
        %mul3A_52 = arith.constant 3 : i32
        %mul3A_53 = arith.muli %scan3A_51, %mul3A_52 : i32
        %mul3A_54 = arith.constant 16 : i32
        %mul3A_55 = arith.muli %mul3A_53, %mul3A_54 : i32
        %add3A = arith.addi %arg1, %mul3A_55 : i32
        %add3A_56 = arith.constant 0 : i32
        %add3A_57 = arith.addi %add3A, %add3A_56 : i32
        %mul3A_58 = arith.constant 128 : i32
        %mul3A_59 = arith.muli %add3A_57, %mul3A_58 : i32
        %dma_start3A = tpu.memref_slice %arg4[%mul3A_59] : memref<320000xi32, #tpu.memory_space<hbm>> -> memref<128xi32, #tpu.memory_space<hbm>>
        %dma_start3A_60 = tpu.memref_slice %arg4[%mul3A_59] : memref<320000xi32, #tpu.memory_space<hbm>> -> memref<128xi32, #tpu.memory_space<hbm>>
        tpu.enqueue_dma source(%dma_start3A_60 : memref<128xi32, #tpu.memory_space<hbm>>) target(%arg15 : memref<128xi32, #tpu.memory_space<vmem>>) target_semaphore(%arg22 : memref<!tpu.dma_semaphore, #tpu.memory_space<semaphore_mem>>)
        %add3A_61 = arith.constant 16 : i32
        %add3A_62 = arith.addi %add3A, %add3A_61 : i32
        %mul3A_63 = arith.constant 128 : i32
        %mul3A_64 = arith.muli %add3A_62, %mul3A_63 : i32
        %dma_start3A_65 = tpu.memref_slice %arg4[%mul3A_64] : memref<320000xi32, #tpu.memory_space<hbm>> -> memref<128xi32, #tpu.memory_space<hbm>>
        %dma_start3A_66 = tpu.memref_slice %arg4[%mul3A_64] : memref<320000xi32, #tpu.memory_space<hbm>> -> memref<128xi32, #tpu.memory_space<hbm>>
        tpu.enqueue_dma source(%dma_start3A_66 : memref<128xi32, #tpu.memory_space<hbm>>) target(%arg16 : memref<128xi32, #tpu.memory_space<vmem>>) target_semaphore(%arg22 : memref<!tpu.dma_semaphore, #tpu.memory_space<semaphore_mem>>)
        %add3A_67 = arith.constant 32 : i32
        %add3A_68 = arith.addi %add3A, %add3A_67 : i32
        %mul3A_69 = arith.constant 128 : i32
        %mul3A_70 = arith.muli %add3A_68, %mul3A_69 : i32
        %dma_start3A_71 = tpu.memref_slice %arg4[%mul3A_70] : memref<320000xi32, #tpu.memory_space<hbm>> -> memref<128xi32, #tpu.memory_space<hbm>>
        %dma_start3A_72 = tpu.memref_slice %arg4[%mul3A_70] : memref<320000xi32, #tpu.memory_space<hbm>> -> memref<128xi32, #tpu.memory_space<hbm>>
        tpu.enqueue_dma source(%dma_start3A_72 : memref<128xi32, #tpu.memory_space<hbm>>) target(%arg17 : memref<128xi32, #tpu.memory_space<vmem>>) target_semaphore(%arg22 : memref<!tpu.dma_semaphore, #tpu.memory_space<semaphore_mem>>)
        %dma_wait3A = tpu.memref_slice %arg4[%mul3A_59] : memref<320000xi32, #tpu.memory_space<hbm>> -> memref<128xi32, #tpu.memory_space<hbm>>
        %dma_wait3A_73 = tpu.memref_slice %arg4[%mul3A_59] : memref<320000xi32, #tpu.memory_space<hbm>> -> memref<128xi32, #tpu.memory_space<hbm>>
        tpu.wait_dma2 semaphore(%arg22 : memref<!tpu.dma_semaphore, #tpu.memory_space<semaphore_mem>>) src(%dma_wait3A_73 : memref<128xi32, #tpu.memory_space<hbm>>) dst(%arg15 : memref<128xi32, #tpu.memory_space<vmem>>)
        %dma_wait3A_74 = tpu.memref_slice %arg4[%mul3A_64] : memref<320000xi32, #tpu.memory_space<hbm>> -> memref<128xi32, #tpu.memory_space<hbm>>
        %dma_wait3A_75 = tpu.memref_slice %arg4[%mul3A_64] : memref<320000xi32, #tpu.memory_space<hbm>> -> memref<128xi32, #tpu.memory_space<hbm>>
        tpu.wait_dma2 semaphore(%arg22 : memref<!tpu.dma_semaphore, #tpu.memory_space<semaphore_mem>>) src(%dma_wait3A_75 : memref<128xi32, #tpu.memory_space<hbm>>) dst(%arg16 : memref<128xi32, #tpu.memory_space<vmem>>)
        %dma_wait3A_76 = tpu.memref_slice %arg4[%mul3A_70] : memref<320000xi32, #tpu.memory_space<hbm>> -> memref<128xi32, #tpu.memory_space<hbm>>
        %dma_wait3A_77 = tpu.memref_slice %arg4[%mul3A_70] : memref<320000xi32, #tpu.memory_space<hbm>> -> memref<128xi32, #tpu.memory_space<hbm>>
        tpu.wait_dma2 semaphore(%arg22 : memref<!tpu.dma_semaphore, #tpu.memory_space<semaphore_mem>>) src(%dma_wait3A_77 : memref<128xi32, #tpu.memory_space<hbm>>) dst(%arg17 : memref<128xi32, #tpu.memory_space<vmem>>)
        %dma_start3A_78 = arith.constant 0 : i32
        %dma_start3A_79 = arith.constant 0 : i32
        %dma_start3A_80 = tpu.memref_slice %arg21[%dma_start3A_78, %dma_start3A_79] : memref<10000x128xf32, #tpu.memory_space<vmem_shared>> -> memref<10000x128xf32, #tpu.memory_space<vmem_shared>>
        tpu.enqueue_indirect_dma source(%arg18 : memref<128x128xf32, #tpu.memory_space<vmem>>) target(%dma_start3A_80 : memref<10000x128xf32, #tpu.memory_space<vmem_shared>>) offsets(%arg15 : memref<128xi32, #tpu.memory_space<vmem>>) semaphore(%arg24 : memref<!tpu.dma_semaphore, #tpu.memory_space<semaphore_mem>>) {add = true}
        %dma_start3A_81 = arith.constant 0 : i32
        %dma_start3A_82 = arith.constant 0 : i32
        %dma_start3A_83 = tpu.memref_slice %arg21[%dma_start3A_81, %dma_start3A_82] : memref<10000x128xf32, #tpu.memory_space<vmem_shared>> -> memref<10000x128xf32, #tpu.memory_space<vmem_shared>>
        tpu.enqueue_indirect_dma source(%arg18 : memref<128x128xf32, #tpu.memory_space<vmem>>) target(%dma_start3A_83 : memref<10000x128xf32, #tpu.memory_space<vmem_shared>>) offsets(%arg16 : memref<128xi32, #tpu.memory_space<vmem>>) semaphore(%arg24 : memref<!tpu.dma_semaphore, #tpu.memory_space<semaphore_mem>>) {add = true}
        %dma_start3A_84 = arith.constant 0 : i32
        %dma_start3A_85 = arith.constant 0 : i32
        %dma_start3A_86 = tpu.memref_slice %arg21[%dma_start3A_84, %dma_start3A_85] : memref<10000x128xf32, #tpu.memory_space<vmem_shared>> -> memref<10000x128xf32, #tpu.memory_space<vmem_shared>>
        tpu.enqueue_indirect_dma source(%arg18 : memref<128x128xf32, #tpu.memory_space<vmem>>) target(%dma_start3A_86 : memref<10000x128xf32, #tpu.memory_space<vmem_shared>>) offsets(%arg17 : memref<128xi32, #tpu.memory_space<vmem>>) semaphore(%arg24 : memref<!tpu.dma_semaphore, #tpu.memory_space<semaphore_mem>>) {add = true}
        %dma_wait3A_87 = arith.constant 0 : i32
        %dma_wait3A_88 = arith.constant 0 : i32
        %dma_wait3A_89 = tpu.memref_slice %arg21[%dma_wait3A_87, %dma_wait3A_88] : memref<10000x128xf32, #tpu.memory_space<vmem_shared>> -> memref<10000x128xf32, #tpu.memory_space<vmem_shared>>
        tpu.wait_indirect_dma semaphore(%arg24 : memref<!tpu.dma_semaphore, #tpu.memory_space<semaphore_mem>>) src(%arg18 : memref<128x128xf32, #tpu.memory_space<vmem>>) dst(%dma_wait3A_89 : memref<10000x128xf32, #tpu.memory_space<vmem_shared>>)
        %dma_wait3A_90 = arith.constant 0 : i32
        %dma_wait3A_91 = arith.constant 0 : i32
        %dma_wait3A_92 = tpu.memref_slice %arg21[%dma_wait3A_90, %dma_wait3A_91] : memref<10000x128xf32, #tpu.memory_space<vmem_shared>> -> memref<10000x128xf32, #tpu.memory_space<vmem_shared>>
        tpu.wait_indirect_dma semaphore(%arg24 : memref<!tpu.dma_semaphore, #tpu.memory_space<semaphore_mem>>) src(%arg18 : memref<128x128xf32, #tpu.memory_space<vmem>>) dst(%dma_wait3A_92 : memref<10000x128xf32, #tpu.memory_space<vmem_shared>>)
        %dma_wait3A_93 = arith.constant 0 : i32
        %dma_wait3A_94 = arith.constant 0 : i32
        %dma_wait3A_95 = tpu.memref_slice %arg21[%dma_wait3A_93, %dma_wait3A_94] : memref<10000x128xf32, #tpu.memory_space<vmem_shared>> -> memref<10000x128xf32, #tpu.memory_space<vmem_shared>>
        tpu.wait_indirect_dma semaphore(%arg24 : memref<!tpu.dma_semaphore, #tpu.memory_space<semaphore_mem>>) src(%arg18 : memref<128x128xf32, #tpu.memory_space<vmem>>) dst(%dma_wait3A_95 : memref<10000x128xf32, #tpu.memory_space<vmem_shared>>)
      }
      %scan3A_39 = arith.constant 52 : i32
      %lt3A_40 = arith.constant 4 : i32
      %lt3A_41 = arith.cmpi slt, %arg1, %lt3A_40 : i32
      %convert_element_type3A_42 = arith.extui %lt3A_41 : i1 to i32
      %cond3A_43 = arith.constant 0 : i32
      %cond3A_44 = arith.cmpi ne, %convert_element_type3A_42, %cond3A_43 : i32
      scf.if %cond3A_44 {
        %add3A = arith.constant 2496 : i32
        %add3A_51 = arith.addi %arg1, %add3A : i32
        %mul3A_52 = arith.constant 128 : i32
        %mul3A_53 = arith.muli %add3A_51, %mul3A_52 : i32
        "tpu.region"() ({
          %run_scoped3A = tpu.sem_alloc : memref<!tpu.dma_semaphore, #tpu.memory_space<semaphore_mem>>
          %dma_start3A = tpu.memref_slice %arg4[%mul3A_53] : memref<320000xi32, #tpu.memory_space<hbm>> -> memref<128xi32, #tpu.memory_space<hbm>>
          %dma_start3A_54 = tpu.memref_slice %arg4[%mul3A_53] : memref<320000xi32, #tpu.memory_space<hbm>> -> memref<128xi32, #tpu.memory_space<hbm>>
          tpu.enqueue_dma source(%dma_start3A_54 : memref<128xi32, #tpu.memory_space<hbm>>) target(%arg15 : memref<128xi32, #tpu.memory_space<vmem>>) target_semaphore(%run_scoped3A : memref<!tpu.dma_semaphore, #tpu.memory_space<semaphore_mem>>)
          %dma_wait3A = tpu.memref_slice %arg4[%mul3A_53] : memref<320000xi32, #tpu.memory_space<hbm>> -> memref<128xi32, #tpu.memory_space<hbm>>
          %dma_wait3A_55 = tpu.memref_slice %arg4[%mul3A_53] : memref<320000xi32, #tpu.memory_space<hbm>> -> memref<128xi32, #tpu.memory_space<hbm>>
          tpu.wait_dma2 semaphore(%run_scoped3A : memref<!tpu.dma_semaphore, #tpu.memory_space<semaphore_mem>>) src(%dma_wait3A_55 : memref<128xi32, #tpu.memory_space<hbm>>) dst(%arg15 : memref<128xi32, #tpu.memory_space<vmem>>)
          tpu.yield
        }) : () -> ()
        "tpu.region"() ({
          %run_scoped3A = tpu.sem_alloc : memref<!tpu.dma_semaphore, #tpu.memory_space<semaphore_mem>>
          %dma_start3A = arith.constant 0 : i32
          %dma_start3A_54 = arith.constant 0 : i32
          %dma_start3A_55 = tpu.memref_slice %arg21[%dma_start3A, %dma_start3A_54] : memref<10000x128xf32, #tpu.memory_space<vmem_shared>> -> memref<10000x128xf32, #tpu.memory_space<vmem_shared>>
          tpu.enqueue_indirect_dma source(%arg18 : memref<128x128xf32, #tpu.memory_space<vmem>>) target(%dma_start3A_55 : memref<10000x128xf32, #tpu.memory_space<vmem_shared>>) offsets(%arg15 : memref<128xi32, #tpu.memory_space<vmem>>) semaphore(%run_scoped3A : memref<!tpu.dma_semaphore, #tpu.memory_space<semaphore_mem>>) {add = true}
          %dma_wait3A = arith.constant 0 : i32
          %dma_wait3A_56 = arith.constant 0 : i32
          %dma_wait3A_57 = tpu.memref_slice %arg21[%dma_wait3A, %dma_wait3A_56] : memref<10000x128xf32, #tpu.memory_space<vmem_shared>> -> memref<10000x128xf32, #tpu.memory_space<vmem_shared>>
          tpu.wait_indirect_dma semaphore(%run_scoped3A : memref<!tpu.dma_semaphore, #tpu.memory_space<semaphore_mem>>) src(%arg18 : memref<128x128xf32, #tpu.memory_space<vmem>>) dst(%dma_wait3A_57 : memref<10000x128xf32, #tpu.memory_space<vmem_shared>>)
          tpu.yield
        }) : () -> ()
      } else {
      }
      %barrier3A_45 = arith.constant 0 : index
      tpu.barrier barrier_id(%barrier3A_45)
      "tpu.region"() ({
        %run_scoped3A = tpu.sem_alloc : memref<!tpu.dma_semaphore, #tpu.memory_space<semaphore_mem>>
        %dma_start3A = arith.constant 0 : i32
        %dma_start3A_51 = tpu.memref_slice %arg11[%mul3A_0, %dma_start3A] : memref<10000x128xf32, #tpu.memory_space<hbm>> -> memref<624x128xf32, #tpu.memory_space<hbm>>
        %dma_start3A_52 = arith.constant 0 : i32
        %dma_start3A_53 = tpu.memref_slice %arg21[%mul3A_0, %dma_start3A_52] : memref<10000x128xf32, #tpu.memory_space<vmem_shared>> -> memref<624x128xf32, #tpu.memory_space<vmem_shared>>
        tpu.enqueue_dma source(%dma_start3A_53 : memref<624x128xf32, #tpu.memory_space<vmem_shared>>) target(%dma_start3A_51 : memref<624x128xf32, #tpu.memory_space<hbm>>) target_semaphore(%run_scoped3A : memref<!tpu.dma_semaphore, #tpu.memory_space<semaphore_mem>>)
        %dma_wait3A = arith.constant 0 : i32
        %dma_wait3A_54 = tpu.memref_slice %arg11[%mul3A_0, %dma_wait3A] : memref<10000x128xf32, #tpu.memory_space<hbm>> -> memref<624x128xf32, #tpu.memory_space<hbm>>
        %dma_wait3A_55 = arith.constant 0 : i32
        %dma_wait3A_56 = tpu.memref_slice %arg21[%mul3A_0, %dma_wait3A_55] : memref<10000x128xf32, #tpu.memory_space<vmem_shared>> -> memref<624x128xf32, #tpu.memory_space<vmem_shared>>
        tpu.wait_dma2 semaphore(%run_scoped3A : memref<!tpu.dma_semaphore, #tpu.memory_space<semaphore_mem>>) src(%dma_wait3A_56 : memref<624x128xf32, #tpu.memory_space<vmem_shared>>) dst(%dma_wait3A_54 : memref<624x128xf32, #tpu.memory_space<hbm>>)
        tpu.yield
      }) : () -> ()
      %eq3A_46 = arith.constant 15 : i32
      %eq3A_47 = arith.cmpi eq, %arg1, %eq3A_46 : i32
      %convert_element_type3A_48 = arith.extui %eq3A_47 : i1 to i32
      %cond3A_49 = arith.constant 0 : i32
      %cond3A_50 = arith.cmpi ne, %convert_element_type3A_48, %cond3A_49 : i32
      scf.if %cond3A_50 {
        "tpu.region"() ({
          %run_scoped3A = tpu.sem_alloc : memref<!tpu.dma_semaphore, #tpu.memory_space<semaphore_mem>>
          %dma_start3A = arith.constant 9984 : i32
          %dma_start3A_51 = arith.constant 0 : i32
          %dma_start3A_52 = tpu.memref_slice %arg11[%dma_start3A, %dma_start3A_51] : memref<10000x128xf32, #tpu.memory_space<hbm>> -> memref<16x128xf32, #tpu.memory_space<hbm>>
          %dma_start3A_53 = arith.constant 9984 : i32
          %dma_start3A_54 = arith.constant 0 : i32
          %dma_start3A_55 = tpu.memref_slice %arg21[%dma_start3A_53, %dma_start3A_54] : memref<10000x128xf32, #tpu.memory_space<vmem_shared>> -> memref<16x128xf32, #tpu.memory_space<vmem_shared>>
          tpu.enqueue_dma source(%dma_start3A_55 : memref<16x128xf32, #tpu.memory_space<vmem_shared>>) target(%dma_start3A_52 : memref<16x128xf32, #tpu.memory_space<hbm>>) target_semaphore(%run_scoped3A : memref<!tpu.dma_semaphore, #tpu.memory_space<semaphore_mem>>)
          %dma_wait3A = arith.constant 9984 : i32
          %dma_wait3A_56 = arith.constant 0 : i32
          %dma_wait3A_57 = tpu.memref_slice %arg11[%dma_wait3A, %dma_wait3A_56] : memref<10000x128xf32, #tpu.memory_space<hbm>> -> memref<16x128xf32, #tpu.memory_space<hbm>>
          %dma_wait3A_58 = arith.constant 9984 : i32
          %dma_wait3A_59 = arith.constant 0 : i32
          %dma_wait3A_60 = tpu.memref_slice %arg21[%dma_wait3A_58, %dma_wait3A_59] : memref<10000x128xf32, #tpu.memory_space<vmem_shared>> -> memref<16x128xf32, #tpu.memory_space<vmem_shared>>
          tpu.wait_dma2 semaphore(%run_scoped3A : memref<!tpu.dma_semaphore, #tpu.memory_space<semaphore_mem>>) src(%dma_wait3A_60 : memref<16x128xf32, #tpu.memory_space<vmem_shared>>) dst(%dma_wait3A_57 : memref<16x128xf32, #tpu.memory_space<hbm>>)
          tpu.yield
        }) : () -> ()
      } else {
      }
    } else {
    }
    return
  }
}

module attributes {stable_mosaic.version = 14 : i64} {
  func.func @_l1_body(%arg0: i32, %arg1: memref<1000x128xf32, #tpu.memory_space<vmem>>, %arg2: memref<1000x128xf32, #tpu.memory_space<vmem>>, %arg3: memref<1000x128xf32, #tpu.memory_space<vmem>>, %arg4: memref<128x128xf32, #tpu.memory_space<vmem>>, %arg5: memref<128x128xf32, #tpu.memory_space<vmem>>, %arg6: memref<128x64xf32, #tpu.memory_space<vmem>>, %arg7: memref<1x128xf32, #tpu.memory_space<vmem>>, %arg8: memref<1x64xf32, #tpu.memory_space<vmem>>, %arg9: memref<1000x128xf32, #tpu.memory_space<vmem>>, %arg10: memref<1000x128xf32, #tpu.memory_space<vmem>>, %arg11: memref<1000x128xf32, #tpu.memory_space<vmem>>, %arg12: memref<128x128xf32, #tpu.memory_space<vmem>>, %arg13: memref<128x128xf32, #tpu.memory_space<vmem>>, %arg14: memref<128x64xf32, #tpu.memory_space<vmem>>, %arg15: memref<1x128xf32, #tpu.memory_space<vmem>>, %arg16: memref<1x64xf32, #tpu.memory_space<vmem>>, %arg17: memref<1000x128xf32, #tpu.memory_space<vmem>>, %arg18: memref<1000x64xf32, #tpu.memory_space<vmem>>, %arg19: memref<1000x128xf32, #tpu.memory_space<vmem>>, %arg20: memref<1000x64xf32, #tpu.memory_space<vmem>>) attributes {dimension_semantics = [#tpu.dimension_semantics<arbitrary>], iteration_bounds = array<i64: 10>, scalar_prefetch = 0 : i64, scratch_operands = 0 : i64, tpu.core_type = #tpu.core_type<tc>, window_params = [{transform_indices = @transform_0, window_bounds = array<i64: 1000, 128>}, {transform_indices = @transform_1, window_bounds = array<i64: 1000, 128>}, {transform_indices = @transform_2, window_bounds = array<i64: 1000, 128>}, {pipeline_mode = #tpu.pipeline_mode<synchronous>, transform_indices = @transform_3, window_bounds = array<i64: 128, 128>}, {pipeline_mode = #tpu.pipeline_mode<synchronous>, transform_indices = @transform_4, window_bounds = array<i64: 128, 128>}, {pipeline_mode = #tpu.pipeline_mode<synchronous>, transform_indices = @transform_5, window_bounds = array<i64: 128, 64>}, {pipeline_mode = #tpu.pipeline_mode<synchronous>, transform_indices = @transform_6, window_bounds = array<i64: 1, 128>}, {pipeline_mode = #tpu.pipeline_mode<synchronous>, transform_indices = @transform_7, window_bounds = array<i64: 1, 64>}, {transform_indices = @transform_8, window_bounds = array<i64: 1000, 128>}, {transform_indices = @transform_9, window_bounds = array<i64: 1000, 128>}, {transform_indices = @transform_10, window_bounds = array<i64: 1000, 128>}, {pipeline_mode = #tpu.pipeline_mode<synchronous>, transform_indices = @transform_11, window_bounds = array<i64: 128, 128>}, {pipeline_mode = #tpu.pipeline_mode<synchronous>, transform_indices = @transform_12, window_bounds = array<i64: 128, 128>}, {pipeline_mode = #tpu.pipeline_mode<synchronous>, transform_indices = @transform_13, window_bounds = array<i64: 128, 64>}, {pipeline_mode = #tpu.pipeline_mode<synchronous>, transform_indices = @transform_14, window_bounds = array<i64: 1, 128>}, {pipeline_mode = #tpu.pipeline_mode<synchronous>, transform_indices = @transform_15, window_bounds = array<i64: 1, 64>}, {transform_indices = @transform_16, window_bounds = array<i64: 1000, 128>}, {transform_indices = @transform_17, window_bounds = array<i64: 1000, 64>}, {transform_indices = @transform_18, window_bounds = array<i64: 1000, 128>}, {transform_indices = @transform_19, window_bounds = array<i64: 1000, 64>}]} {
    %get3A = arith.constant 0 : index
    %get3A_0 = arith.constant 0 : index
    %get3A_1 = vector.load %arg1[%get3A, %get3A_0] : memref<1000x128xf32, #tpu.memory_space<vmem>>, vector<1000x128xf32>
    %get3A_2 = arith.constant 0 : index
    %get3A_3 = arith.constant 0 : index
    %get3A_4 = vector.load %arg2[%get3A_2, %get3A_3] : memref<1000x128xf32, #tpu.memory_space<vmem>>, vector<1000x1xf32>
    %max3A = arith.constant 1.000000e+00 : f32
    %max3A_5 = vector.broadcast %max3A : f32 to vector<1000x1xf32>
    %max3A_6 = arith.maximumf %get3A_4, %max3A_5 : vector<1000x1xf32>
    %div3A = vector.broadcast %max3A_6 : vector<1000x1xf32> to vector<1000x128xf32>
    %div3A_7 = arith.divf %get3A_1, %div3A : vector<1000x128xf32>
    %get3A_8 = arith.constant 0 : index
    %get3A_9 = arith.constant 0 : index
    %get3A_10 = vector.load %arg4[%get3A_8, %get3A_9] : memref<128x128xf32, #tpu.memory_space<vmem>>, vector<128x128xf32>
    %dot_general3A = arith.constant dense<0.000000e+00> : vector<1000x128xf32>
    %dot_general3A_11 = tpu.matmul %div3A_7, %get3A_10, %dot_general3A {dimension_numbers = #tpu.dot_dimension_numbers<[1], [0], [0], [1], [0, 0, 1, 1], [], []>, precision = #tpu.contract_precision<fp32>, transpose_lhs_hint = false} : vector<1000x128xf32>, vector<128x128xf32>, vector<1000x128xf32> -> vector<1000x128xf32>
    %get3A_12 = arith.constant 0 : index
    %get3A_13 = arith.constant 0 : index
    %get3A_14 = vector.load %arg7[%get3A_12, %get3A_13] : memref<1x128xf32, #tpu.memory_space<vmem>>, vector<1x128xf32>
    %add3A = vector.broadcast %get3A_14 : vector<1x128xf32> to vector<1000x128xf32>
    %add3A_15 = arith.addf %dot_general3A_11, %add3A : vector<1000x128xf32>
    %get3A_16 = arith.constant 0 : index
    %get3A_17 = arith.constant 0 : index
    %get3A_18 = vector.load %arg3[%get3A_16, %get3A_17] : memref<1000x128xf32, #tpu.memory_space<vmem>>, vector<1000x128xf32>
    %get3A_19 = arith.constant 0 : index
    %get3A_20 = arith.constant 0 : index
    %get3A_21 = vector.load %arg5[%get3A_19, %get3A_20] : memref<128x128xf32, #tpu.memory_space<vmem>>, vector<128x128xf32>
    %dot_general3A_22 = arith.constant dense<0.000000e+00> : vector<1000x128xf32>
    %dot_general3A_23 = tpu.matmul %get3A_18, %get3A_21, %dot_general3A_22 {dimension_numbers = #tpu.dot_dimension_numbers<[1], [0], [0], [1], [0, 0, 1, 1], [], []>, precision = #tpu.contract_precision<fp32>, transpose_lhs_hint = false} : vector<1000x128xf32>, vector<128x128xf32>, vector<1000x128xf32> -> vector<1000x128xf32>
    %add3A_24 = arith.addf %add3A_15, %dot_general3A_23 : vector<1000x128xf32>
    %max3A_25 = arith.constant 0.000000e+00 : f32
    %max3A_26 = vector.broadcast %max3A_25 : f32 to vector<1000x128xf32>
    %max3A_27 = arith.maximumf %add3A_24, %max3A_26 : vector<1000x128xf32>
    %swap3A = arith.constant 0 : index
    %swap3A_28 = arith.constant 0 : index
    %swap3A_29 = vector.load %arg17[%swap3A, %swap3A_28] : memref<1000x128xf32, #tpu.memory_space<vmem>>, vector<1000x128xf32>
    tpu.vector_store %arg17[%swap3A, %swap3A_28], %max3A_27 {strides = array<i32>} : memref<1000x128xf32, #tpu.memory_space<vmem>>, vector<1000x128xf32>,
    %get3A_30 = arith.constant 0 : index
    %get3A_31 = arith.constant 0 : index
    %get3A_32 = vector.load %arg6[%get3A_30, %get3A_31] : memref<128x64xf32, #tpu.memory_space<vmem>>, vector<128x64xf32>
    %dot_general3A_33 = arith.constant dense<0.000000e+00> : vector<1000x64xf32>
    %dot_general3A_34 = tpu.matmul %max3A_27, %get3A_32, %dot_general3A_33 {dimension_numbers = #tpu.dot_dimension_numbers<[1], [0], [0], [1], [0, 0, 1, 1], [], []>, precision = #tpu.contract_precision<fp32>, transpose_lhs_hint = false} : vector<1000x128xf32>, vector<128x64xf32>, vector<1000x64xf32> -> vector<1000x64xf32>
    %get3A_35 = arith.constant 0 : index
    %get3A_36 = arith.constant 0 : index
    %get3A_37 = vector.load %arg8[%get3A_35, %get3A_36] : memref<1x64xf32, #tpu.memory_space<vmem>>, vector<1x64xf32>
    %add3A_38 = vector.broadcast %get3A_37 : vector<1x64xf32> to vector<1000x64xf32>
    %add3A_39 = arith.addf %dot_general3A_34, %add3A_38 : vector<1000x64xf32>
    %swap3A_40 = arith.constant 0 : index
    %swap3A_41 = arith.constant 0 : index
    %swap3A_42 = vector.load %arg18[%swap3A_40, %swap3A_41] : memref<1000x64xf32, #tpu.memory_space<vmem>>, vector<1000x64xf32>
    tpu.vector_store %arg18[%swap3A_40, %swap3A_41], %add3A_39 {strides = array<i32>} : memref<1000x64xf32, #tpu.memory_space<vmem>>, vector<1000x64xf32>,
    %get3A_43 = arith.constant 0 : index
    %get3A_44 = arith.constant 0 : index
    %get3A_45 = vector.load %arg9[%get3A_43, %get3A_44] : memref<1000x128xf32, #tpu.memory_space<vmem>>, vector<1000x128xf32>
    %get3A_46 = arith.constant 0 : index
    %get3A_47 = arith.constant 0 : index
    %get3A_48 = vector.load %arg10[%get3A_46, %get3A_47] : memref<1000x128xf32, #tpu.memory_space<vmem>>, vector<1000x1xf32>
    %max3A_49 = arith.constant 1.000000e+00 : f32
    %max3A_50 = vector.broadcast %max3A_49 : f32 to vector<1000x1xf32>
    %max3A_51 = arith.maximumf %get3A_48, %max3A_50 : vector<1000x1xf32>
    %div3A_52 = vector.broadcast %max3A_51 : vector<1000x1xf32> to vector<1000x128xf32>
    %div3A_53 = arith.divf %get3A_45, %div3A_52 : vector<1000x128xf32>
    %get3A_54 = arith.constant 0 : index
    %get3A_55 = arith.constant 0 : index
    %get3A_56 = vector.load %arg12[%get3A_54, %get3A_55] : memref<128x128xf32, #tpu.memory_space<vmem>>, vector<128x128xf32>
    %dot_general3A_57 = arith.constant dense<0.000000e+00> : vector<1000x128xf32>
    %dot_general3A_58 = tpu.matmul %div3A_53, %get3A_56, %dot_general3A_57 {dimension_numbers = #tpu.dot_dimension_numbers<[1], [0], [0], [1], [0, 0, 1, 1], [], []>, precision = #tpu.contract_precision<fp32>, transpose_lhs_hint = false} : vector<1000x128xf32>, vector<128x128xf32>, vector<1000x128xf32> -> vector<1000x128xf32>
    %get3A_59 = arith.constant 0 : index
    %get3A_60 = arith.constant 0 : index
    %get3A_61 = vector.load %arg15[%get3A_59, %get3A_60] : memref<1x128xf32, #tpu.memory_space<vmem>>, vector<1x128xf32>
    %add3A_62 = vector.broadcast %get3A_61 : vector<1x128xf32> to vector<1000x128xf32>
    %add3A_63 = arith.addf %dot_general3A_58, %add3A_62 : vector<1000x128xf32>
    %get3A_64 = arith.constant 0 : index
    %get3A_65 = arith.constant 0 : index
    %get3A_66 = vector.load %arg11[%get3A_64, %get3A_65] : memref<1000x128xf32, #tpu.memory_space<vmem>>, vector<1000x128xf32>
    %get3A_67 = arith.constant 0 : index
    %get3A_68 = arith.constant 0 : index
    %get3A_69 = vector.load %arg13[%get3A_67, %get3A_68] : memref<128x128xf32, #tpu.memory_space<vmem>>, vector<128x128xf32>
    %dot_general3A_70 = arith.constant dense<0.000000e+00> : vector<1000x128xf32>
    %dot_general3A_71 = tpu.matmul %get3A_66, %get3A_69, %dot_general3A_70 {dimension_numbers = #tpu.dot_dimension_numbers<[1], [0], [0], [1], [0, 0, 1, 1], [], []>, precision = #tpu.contract_precision<fp32>, transpose_lhs_hint = false} : vector<1000x128xf32>, vector<128x128xf32>, vector<1000x128xf32> -> vector<1000x128xf32>
    %add3A_72 = arith.addf %add3A_63, %dot_general3A_71 : vector<1000x128xf32>
    %max3A_73 = arith.constant 0.000000e+00 : f32
    %max3A_74 = vector.broadcast %max3A_73 : f32 to vector<1000x128xf32>
    %max3A_75 = arith.maximumf %add3A_72, %max3A_74 : vector<1000x128xf32>
    %swap3A_76 = arith.constant 0 : index
    %swap3A_77 = arith.constant 0 : index
    %swap3A_78 = vector.load %arg19[%swap3A_76, %swap3A_77] : memref<1000x128xf32, #tpu.memory_space<vmem>>, vector<1000x128xf32>
    tpu.vector_store %arg19[%swap3A_76, %swap3A_77], %max3A_75 {strides = array<i32>} : memref<1000x128xf32, #tpu.memory_space<vmem>>, vector<1000x128xf32>,
    %get3A_79 = arith.constant 0 : index
    %get3A_80 = arith.constant 0 : index
    %get3A_81 = vector.load %arg14[%get3A_79, %get3A_80] : memref<128x64xf32, #tpu.memory_space<vmem>>, vector<128x64xf32>
    %dot_general3A_82 = arith.constant dense<0.000000e+00> : vector<1000x64xf32>
    %dot_general3A_83 = tpu.matmul %max3A_75, %get3A_81, %dot_general3A_82 {dimension_numbers = #tpu.dot_dimension_numbers<[1], [0], [0], [1], [0, 0, 1, 1], [], []>, precision = #tpu.contract_precision<fp32>, transpose_lhs_hint = false} : vector<1000x128xf32>, vector<128x64xf32>, vector<1000x64xf32> -> vector<1000x64xf32>
    %get3A_84 = arith.constant 0 : index
    %get3A_85 = arith.constant 0 : index
    %get3A_86 = vector.load %arg16[%get3A_84, %get3A_85] : memref<1x64xf32, #tpu.memory_space<vmem>>, vector<1x64xf32>
    %add3A_87 = vector.broadcast %get3A_86 : vector<1x64xf32> to vector<1000x64xf32>
    %add3A_88 = arith.addf %dot_general3A_83, %add3A_87 : vector<1000x64xf32>
    %swap3A_89 = arith.constant 0 : index
    %swap3A_90 = arith.constant 0 : index
    %swap3A_91 = vector.load %arg20[%swap3A_89, %swap3A_90] : memref<1000x64xf32, #tpu.memory_space<vmem>>, vector<1000x64xf32>
    tpu.vector_store %arg20[%swap3A_89, %swap3A_90], %add3A_88 {strides = array<i32>} : memref<1000x64xf32, #tpu.memory_space<vmem>>, vector<1000x64xf32>,
    return
  }
  func.func @transform_0(%arg0: i32) -> (i32, i32) {
    %c0_i32 = arith.constant 0 : i32
    %c0_i32_0 = arith.constant 0 : i32
    return %arg0, %c0_i32 : i32, i32
  }
  func.func @transform_1(%arg0: i32) -> (i32, i32) {
    %c0_i32 = arith.constant 0 : i32
    %c0_i32_0 = arith.constant 0 : i32
    return %arg0, %c0_i32 : i32, i32
  }
  func.func @transform_2(%arg0: i32) -> (i32, i32) {
    %c0_i32 = arith.constant 0 : i32
    %c0_i32_0 = arith.constant 0 : i32
    return %arg0, %c0_i32 : i32, i32
  }
  func.func @transform_3(%arg0: i32) -> (i32, i32) {
    %c0_i32 = arith.constant 0 : i32
    %c0_i32_0 = arith.constant 0 : i32
    %c0_i32_1 = arith.constant 0 : i32
    return %c0_i32, %c0_i32_0 : i32, i32
  }
  func.func @transform_4(%arg0: i32) -> (i32, i32) {
    %c0_i32 = arith.constant 0 : i32
    %c0_i32_0 = arith.constant 0 : i32
    %c0_i32_1 = arith.constant 0 : i32
    return %c0_i32, %c0_i32_0 : i32, i32
  }
  func.func @transform_5(%arg0: i32) -> (i32, i32) {
    %c0_i32 = arith.constant 0 : i32
    %c0_i32_0 = arith.constant 0 : i32
    %c0_i32_1 = arith.constant 0 : i32
    return %c0_i32, %c0_i32_0 : i32, i32
  }
  func.func @transform_6(%arg0: i32) -> (i32, i32) {
    %c0_i32 = arith.constant 0 : i32
    %c0_i32_0 = arith.constant 0 : i32
    %c0_i32_1 = arith.constant 0 : i32
    return %c0_i32, %c0_i32_0 : i32, i32
  }
  func.func @transform_7(%arg0: i32) -> (i32, i32) {
    %c0_i32 = arith.constant 0 : i32
    %c0_i32_0 = arith.constant 0 : i32
    %c0_i32_1 = arith.constant 0 : i32
    return %c0_i32, %c0_i32_0 : i32, i32
  }
  func.func @transform_8(%arg0: i32) -> (i32, i32) {
    %c0_i32 = arith.constant 0 : i32
    %c0_i32_0 = arith.constant 0 : i32
    return %arg0, %c0_i32 : i32, i32
  }
  func.func @transform_9(%arg0: i32) -> (i32, i32) {
    %c0_i32 = arith.constant 0 : i32
    %c0_i32_0 = arith.constant 0 : i32
    return %arg0, %c0_i32 : i32, i32
  }
  func.func @transform_10(%arg0: i32) -> (i32, i32) {
    %c0_i32 = arith.constant 0 : i32
    %c0_i32_0 = arith.constant 0 : i32
    return %arg0, %c0_i32 : i32, i32
  }
  func.func @transform_11(%arg0: i32) -> (i32, i32) {
    %c0_i32 = arith.constant 0 : i32
    %c0_i32_0 = arith.constant 0 : i32
    %c0_i32_1 = arith.constant 0 : i32
    return %c0_i32, %c0_i32_0 : i32, i32
  }
  func.func @transform_12(%arg0: i32) -> (i32, i32) {
    %c0_i32 = arith.constant 0 : i32
    %c0_i32_0 = arith.constant 0 : i32
    %c0_i32_1 = arith.constant 0 : i32
    return %c0_i32, %c0_i32_0 : i32, i32
  }
  func.func @transform_13(%arg0: i32) -> (i32, i32) {
    %c0_i32 = arith.constant 0 : i32
    %c0_i32_0 = arith.constant 0 : i32
    %c0_i32_1 = arith.constant 0 : i32
    return %c0_i32, %c0_i32_0 : i32, i32
  }
  func.func @transform_14(%arg0: i32) -> (i32, i32) {
    %c0_i32 = arith.constant 0 : i32
    %c0_i32_0 = arith.constant 0 : i32
    %c0_i32_1 = arith.constant 0 : i32
    return %c0_i32, %c0_i32_0 : i32, i32
  }
  func.func @transform_15(%arg0: i32) -> (i32, i32) {
    %c0_i32 = arith.constant 0 : i32
    %c0_i32_0 = arith.constant 0 : i32
    %c0_i32_1 = arith.constant 0 : i32
    return %c0_i32, %c0_i32_0 : i32, i32
  }
  func.func @transform_16(%arg0: i32) -> (i32, i32) {
    %c0_i32 = arith.constant 0 : i32
    %c0_i32_0 = arith.constant 0 : i32
    return %arg0, %c0_i32 : i32, i32
  }
  func.func @transform_17(%arg0: i32) -> (i32, i32) {
    %c0_i32 = arith.constant 0 : i32
    %c0_i32_0 = arith.constant 0 : i32
    return %arg0, %c0_i32 : i32, i32
  }
  func.func @transform_18(%arg0: i32) -> (i32, i32) {
    %c0_i32 = arith.constant 0 : i32
    %c0_i32_0 = arith.constant 0 : i32
    return %arg0, %c0_i32 : i32, i32
  }
  func.func @transform_19(%arg0: i32) -> (i32, i32) {
    %c0_i32 = arith.constant 0 : i32
    %c0_i32_0 = arith.constant 0 : i32
    return %arg0, %c0_i32 : i32, i32
  }
}

module attributes {stable_mosaic.version = 14 : i64} {
  func.func @_zfin_body(%arg0: i32, %arg1: memref<1000x128xf32, #tpu.memory_space<vmem>>, %arg2: memref<1000x128xf32, #tpu.memory_space<vmem>>, %arg3: memref<1000x64xf32, #tpu.memory_space<vmem>>, %arg4: memref<1000x128xf32, #tpu.memory_space<vmem>>, %arg5: memref<1000x128xf32, #tpu.memory_space<vmem>>, %arg6: memref<1000x64xf32, #tpu.memory_space<vmem>>, %arg7: memref<128x64xf32, #tpu.memory_space<vmem>>, %arg8: memref<128x64xf32, #tpu.memory_space<vmem>>, %arg9: memref<1000x64xf32, #tpu.memory_space<vmem>>, %arg10: memref<1000x64xf32, #tpu.memory_space<vmem>>, %arg11: memref<1000x128xf32, #tpu.memory_space<vmem>>) attributes {dimension_semantics = [#tpu.dimension_semantics<arbitrary>], iteration_bounds = array<i64: 10>, scalar_prefetch = 0 : i64, scratch_operands = 0 : i64, tpu.core_type = #tpu.core_type<tc>, window_params = [{transform_indices = @transform_0, window_bounds = array<i64: 1000, 128>}, {transform_indices = @transform_1, window_bounds = array<i64: 1000, 128>}, {transform_indices = @transform_2, window_bounds = array<i64: 1000, 64>}, {transform_indices = @transform_3, window_bounds = array<i64: 1000, 128>}, {transform_indices = @transform_4, window_bounds = array<i64: 1000, 128>}, {transform_indices = @transform_5, window_bounds = array<i64: 1000, 64>}, {pipeline_mode = #tpu.pipeline_mode<synchronous>, transform_indices = @transform_6, window_bounds = array<i64: 128, 64>}, {pipeline_mode = #tpu.pipeline_mode<synchronous>, transform_indices = @transform_7, window_bounds = array<i64: 128, 64>}, {transform_indices = @transform_8, window_bounds = array<i64: 1000, 64>}, {transform_indices = @transform_9, window_bounds = array<i64: 1000, 64>}, {transform_indices = @transform_10, window_bounds = array<i64: 1000, 128>}]} {
    %get3A = arith.constant 0 : index
    %get3A_0 = arith.constant 0 : index
    %get3A_1 = vector.load %arg1[%get3A, %get3A_0] : memref<1000x128xf32, #tpu.memory_space<vmem>>, vector<1000x128xf32>
    %get3A_2 = arith.constant 0 : index
    %get3A_3 = arith.constant 0 : index
    %get3A_4 = vector.load %arg2[%get3A_2, %get3A_3] : memref<1000x128xf32, #tpu.memory_space<vmem>>, vector<1000x1xf32>
    %max3A = arith.constant 1.000000e+00 : f32
    %max3A_5 = vector.broadcast %max3A : f32 to vector<1000x1xf32>
    %max3A_6 = arith.maximumf %get3A_4, %max3A_5 : vector<1000x1xf32>
    %div3A = vector.broadcast %max3A_6 : vector<1000x1xf32> to vector<1000x128xf32>
    %div3A_7 = arith.divf %get3A_1, %div3A : vector<1000x128xf32>
    %get3A_8 = arith.constant 0 : index
    %get3A_9 = arith.constant 0 : index
    %get3A_10 = vector.load %arg4[%get3A_8, %get3A_9] : memref<1000x128xf32, #tpu.memory_space<vmem>>, vector<1000x128xf32>
    %get3A_11 = arith.constant 0 : index
    %get3A_12 = arith.constant 0 : index
    %get3A_13 = vector.load %arg5[%get3A_11, %get3A_12] : memref<1000x128xf32, #tpu.memory_space<vmem>>, vector<1000x1xf32>
    %max3A_14 = arith.constant 1.000000e+00 : f32
    %max3A_15 = vector.broadcast %max3A_14 : f32 to vector<1000x1xf32>
    %max3A_16 = arith.maximumf %get3A_13, %max3A_15 : vector<1000x1xf32>
    %div3A_17 = vector.broadcast %max3A_16 : vector<1000x1xf32> to vector<1000x128xf32>
    %div3A_18 = arith.divf %get3A_10, %div3A_17 : vector<1000x128xf32>
    %get3A_19 = arith.constant 0 : index
    %get3A_20 = arith.constant 0 : index
    %get3A_21 = vector.load %arg7[%get3A_19, %get3A_20] : memref<128x64xf32, #tpu.memory_space<vmem>>, vector<128x64xf32>
    %dot_general3A = arith.constant dense<0.000000e+00> : vector<1000x64xf32>
    %dot_general3A_22 = tpu.matmul %div3A_7, %get3A_21, %dot_general3A {dimension_numbers = #tpu.dot_dimension_numbers<[1], [0], [0], [1], [0, 0, 1, 1], [], []>, precision = #tpu.contract_precision<fp32>, transpose_lhs_hint = false} : vector<1000x128xf32>, vector<128x64xf32>, vector<1000x64xf32> -> vector<1000x64xf32>
    %get3A_23 = arith.constant 0 : index
    %get3A_24 = arith.constant 0 : index
    %get3A_25 = vector.load %arg3[%get3A_23, %get3A_24] : memref<1000x64xf32, #tpu.memory_space<vmem>>, vector<1000x64xf32>
    %add3A = arith.addf %dot_general3A_22, %get3A_25 : vector<1000x64xf32>
    %get3A_26 = arith.constant 0 : index
    %get3A_27 = arith.constant 0 : index
    %get3A_28 = vector.load %arg8[%get3A_26, %get3A_27] : memref<128x64xf32, #tpu.memory_space<vmem>>, vector<128x64xf32>
    %dot_general3A_29 = arith.constant dense<0.000000e+00> : vector<1000x64xf32>
    %dot_general3A_30 = tpu.matmul %div3A_18, %get3A_28, %dot_general3A_29 {dimension_numbers = #tpu.dot_dimension_numbers<[1], [0], [0], [1], [0, 0, 1, 1], [], []>, precision = #tpu.contract_precision<fp32>, transpose_lhs_hint = false} : vector<1000x128xf32>, vector<128x64xf32>, vector<1000x64xf32> -> vector<1000x64xf32>
    %get3A_31 = arith.constant 0 : index
    %get3A_32 = arith.constant 0 : index
    %get3A_33 = vector.load %arg6[%get3A_31, %get3A_32] : memref<1000x64xf32, #tpu.memory_space<vmem>>, vector<1000x64xf32>
    %add3A_34 = arith.addf %dot_general3A_30, %get3A_33 : vector<1000x64xf32>
    %swap3A = arith.constant 0 : index
    %swap3A_35 = arith.constant 0 : index
    %swap3A_36 = vector.load %arg9[%swap3A, %swap3A_35] : memref<1000x64xf32, #tpu.memory_space<vmem>>, vector<1000x64xf32>
    tpu.vector_store %arg9[%swap3A, %swap3A_35], %add3A {strides = array<i32>} : memref<1000x64xf32, #tpu.memory_space<vmem>>, vector<1000x64xf32>,
    %swap3A_37 = arith.constant 0 : index
    %swap3A_38 = arith.constant 0 : index
    %swap3A_39 = vector.load %arg10[%swap3A_37, %swap3A_38] : memref<1000x64xf32, #tpu.memory_space<vmem>>, vector<1000x64xf32>
    tpu.vector_store %arg10[%swap3A_37, %swap3A_38], %add3A_34 {strides = array<i32>} : memref<1000x64xf32, #tpu.memory_space<vmem>>, vector<1000x64xf32>,
    %concatenate3A = tpu.concatenate %add3A_34, %add3A in 1 : vector<1000x64xf32>, vector<1000x64xf32> -> vector<1000x128xf32>
    %swap3A_40 = arith.constant 0 : index
    %swap3A_41 = arith.constant 0 : index
    %swap3A_42 = vector.load %arg11[%swap3A_40, %swap3A_41] : memref<1000x128xf32, #tpu.memory_space<vmem>>, vector<1000x128xf32>
    tpu.vector_store %arg11[%swap3A_40, %swap3A_41], %concatenate3A {strides = array<i32>} : memref<1000x128xf32, #tpu.memory_space<vmem>>, vector<1000x128xf32>,
    return
  }
  func.func @transform_0(%arg0: i32) -> (i32, i32) {
    %c0_i32 = arith.constant 0 : i32
    %c0_i32_0 = arith.constant 0 : i32
    return %arg0, %c0_i32 : i32, i32
  }
  func.func @transform_1(%arg0: i32) -> (i32, i32) {
    %c0_i32 = arith.constant 0 : i32
    %c0_i32_0 = arith.constant 0 : i32
    return %arg0, %c0_i32 : i32, i32
  }
  func.func @transform_2(%arg0: i32) -> (i32, i32) {
    %c0_i32 = arith.constant 0 : i32
    %c0_i32_0 = arith.constant 0 : i32
    return %arg0, %c0_i32 : i32, i32
  }
  func.func @transform_3(%arg0: i32) -> (i32, i32) {
    %c0_i32 = arith.constant 0 : i32
    %c0_i32_0 = arith.constant 0 : i32
    return %arg0, %c0_i32 : i32, i32
  }
  func.func @transform_4(%arg0: i32) -> (i32, i32) {
    %c0_i32 = arith.constant 0 : i32
    %c0_i32_0 = arith.constant 0 : i32
    return %arg0, %c0_i32 : i32, i32
  }
  func.func @transform_5(%arg0: i32) -> (i32, i32) {
    %c0_i32 = arith.constant 0 : i32
    %c0_i32_0 = arith.constant 0 : i32
    return %arg0, %c0_i32 : i32, i32
  }
  func.func @transform_6(%arg0: i32) -> (i32, i32) {
    %c0_i32 = arith.constant 0 : i32
    %c0_i32_0 = arith.constant 0 : i32
    %c0_i32_1 = arith.constant 0 : i32
    return %c0_i32, %c0_i32_0 : i32, i32
  }
  func.func @transform_7(%arg0: i32) -> (i32, i32) {
    %c0_i32 = arith.constant 0 : i32
    %c0_i32_0 = arith.constant 0 : i32
    %c0_i32_1 = arith.constant 0 : i32
    return %c0_i32, %c0_i32_0 : i32, i32
  }
  func.func @transform_8(%arg0: i32) -> (i32, i32) {
    %c0_i32 = arith.constant 0 : i32
    %c0_i32_0 = arith.constant 0 : i32
    return %arg0, %c0_i32 : i32, i32
  }
  func.func @transform_9(%arg0: i32) -> (i32, i32) {
    %c0_i32 = arith.constant 0 : i32
    %c0_i32_0 = arith.constant 0 : i32
    return %arg0, %c0_i32 : i32, i32
  }
  func.func @transform_10(%arg0: i32) -> (i32, i32) {
    %c0_i32 = arith.constant 0 : i32
    %c0_i32_0 = arith.constant 0 : i32
    return %arg0, %c0_i32 : i32, i32
  }
}

module attributes {stable_mosaic.version = 14 : i64} {
  func.func @_dec_body(%arg0: i32, %arg1: memref<1000x128xf32, #tpu.memory_space<vmem>>, %arg2: memref<1000x128xf32, #tpu.memory_space<vmem>>, %arg3: memref<64x128xf32, #tpu.memory_space<vmem>>, %arg4: memref<1x64xf32, #tpu.memory_space<vmem>>, %arg5: memref<2x64xf32, #tpu.memory_space<vmem>>, %arg6: memref<1x2xf32, #tpu.memory_space<vmem>>, %arg7: memref<1000x128xf32, #tpu.memory_space<vmem>>, %arg8: memref<1000x2xf32, #tpu.memory_space<vmem>>) attributes {dimension_semantics = [#tpu.dimension_semantics<arbitrary>], iteration_bounds = array<i64: 100>, scalar_prefetch = 0 : i64, scratch_operands = 0 : i64, tpu.core_type = #tpu.core_type<tc>, window_params = [{transform_indices = @transform_0, window_bounds = array<i64: 1000, 128>}, {transform_indices = @transform_1, window_bounds = array<i64: 1000, 128>}, {pipeline_mode = #tpu.pipeline_mode<synchronous>, transform_indices = @transform_2, window_bounds = array<i64: 64, 128>}, {pipeline_mode = #tpu.pipeline_mode<synchronous>, transform_indices = @transform_3, window_bounds = array<i64: 1, 64>}, {pipeline_mode = #tpu.pipeline_mode<synchronous>, transform_indices = @transform_4, window_bounds = array<i64: 2, 64>}, {pipeline_mode = #tpu.pipeline_mode<synchronous>, transform_indices = @transform_5, window_bounds = array<i64: 1, 2>}, {transform_indices = @transform_6, window_bounds = array<i64: 1000, 128>}, {transform_indices = @transform_7, window_bounds = array<i64: 1000, 2>}]} {
    %get3A = arith.constant 0 : index
    %get3A_0 = arith.constant 0 : index
    %get3A_1 = vector.load %arg1[%get3A, %get3A_0] : memref<1000x128xf32, #tpu.memory_space<vmem>>, vector<1000x64xf32>
    %get3A_2 = arith.constant 0 : index
    %get3A_3 = arith.constant 64 : index
    %get3A_4 = vector.load %arg2[%get3A_2, %get3A_3] : memref<1000x128xf32, #tpu.memory_space<vmem>>, vector<1000x64xf32>
    %concatenate3A = tpu.concatenate %get3A_1, %get3A_4 in 1 : vector<1000x64xf32>, vector<1000x64xf32> -> vector<1000x128xf32>
    %swap3A = arith.constant 0 : index
    %swap3A_5 = arith.constant 0 : index
    %swap3A_6 = vector.load %arg7[%swap3A, %swap3A_5] : memref<1000x128xf32, #tpu.memory_space<vmem>>, vector<1000x128xf32>
    tpu.vector_store %arg7[%swap3A, %swap3A_5], %concatenate3A {strides = array<i32>} : memref<1000x128xf32, #tpu.memory_space<vmem>>, vector<1000x128xf32>,
    %get3A_7 = arith.constant 0 : index
    %get3A_8 = arith.constant 0 : index
    %get3A_9 = vector.load %arg3[%get3A_7, %get3A_8] : memref<64x128xf32, #tpu.memory_space<vmem>>, vector<64x128xf32>
    %dot_general3A = arith.constant dense<0.000000e+00> : vector<1000x64xf32>
    %dot_general3A_10 = tpu.matmul %concatenate3A, %get3A_9, %dot_general3A {dimension_numbers = #tpu.dot_dimension_numbers<[1], [1], [0], [0], [0, 0, 1, 0], [], []>, precision = #tpu.contract_precision<fp32>, transpose_lhs_hint = false} : vector<1000x128xf32>, vector<64x128xf32>, vector<1000x64xf32> -> vector<1000x64xf32>
    %get3A_11 = arith.constant 0 : index
    %get3A_12 = arith.constant 0 : index
    %get3A_13 = vector.load %arg4[%get3A_11, %get3A_12] : memref<1x64xf32, #tpu.memory_space<vmem>>, vector<1x64xf32>
    %add3A = vector.broadcast %get3A_13 : vector<1x64xf32> to vector<1000x64xf32>
    %add3A_14 = arith.addf %dot_general3A_10, %add3A : vector<1000x64xf32>
    %max3A = arith.constant 0.000000e+00 : f32
    %max3A_15 = vector.broadcast %max3A : f32 to vector<1000x64xf32>
    %max3A_16 = arith.maximumf %add3A_14, %max3A_15 : vector<1000x64xf32>
    %get3A_17 = arith.constant 0 : index
    %get3A_18 = arith.constant 0 : index
    %get3A_19 = vector.load %arg5[%get3A_17, %get3A_18] : memref<2x64xf32, #tpu.memory_space<vmem>>, vector<2x64xf32>
    %dot_general3A_20 = arith.constant dense<0.000000e+00> : vector<1000x2xf32>
    %dot_general3A_21 = tpu.matmul %max3A_16, %get3A_19, %dot_general3A_20 {dimension_numbers = #tpu.dot_dimension_numbers<[1], [1], [0], [0], [0, 0, 1, 0], [], []>, precision = #tpu.contract_precision<fp32>, transpose_lhs_hint = false} : vector<1000x64xf32>, vector<2x64xf32>, vector<1000x2xf32> -> vector<1000x2xf32>
    %get3A_22 = arith.constant 0 : index
    %get3A_23 = arith.constant 0 : index
    %get3A_24 = vector.load %arg6[%get3A_22, %get3A_23] : memref<1x2xf32, #tpu.memory_space<vmem>>, vector<1x2xf32>
    %add3A_25 = vector.broadcast %get3A_24 : vector<1x2xf32> to vector<1000x2xf32>
    %add3A_26 = arith.addf %dot_general3A_21, %add3A_25 : vector<1000x2xf32>
    %slice3A = vector.extract_strided_slice %add3A_26 {offsets = [0, 0], sizes = [1000, 1], strides = [1, 1]} : vector<1000x2xf32> to vector<1000x1xf32>
    %slice3A_27 = vector.extract_strided_slice %add3A_26 {offsets = [0, 1], sizes = [1000, 1], strides = [1, 1]} : vector<1000x2xf32> to vector<1000x1xf32>
    %max3A_28 = arith.maximumf %slice3A, %slice3A_27 : vector<1000x1xf32>
    %sub3A = arith.subf %slice3A, %max3A_28 : vector<1000x1xf32>
    %exp3A = math.exp %sub3A : vector<1000x1xf32>
    %sub3A_29 = arith.subf %slice3A_27, %max3A_28 : vector<1000x1xf32>
    %exp3A_30 = math.exp %sub3A_29 : vector<1000x1xf32>
    %add3A_31 = arith.addf %exp3A, %exp3A_30 : vector<1000x1xf32>
    %div3A = arith.divf %exp3A, %add3A_31 : vector<1000x1xf32>
    %div3A_32 = arith.divf %exp3A_30, %add3A_31 : vector<1000x1xf32>
    %concatenate3A_33 = tpu.concatenate %div3A, %div3A_32 in 1 : vector<1000x1xf32>, vector<1000x1xf32> -> vector<1000x2xf32>
    %swap3A_34 = arith.constant 0 : index
    %swap3A_35 = arith.constant 0 : index
    %swap3A_36 = vector.load %arg8[%swap3A_34, %swap3A_35] : memref<1000x2xf32, #tpu.memory_space<vmem>>, vector<1000x2xf32>
    tpu.vector_store %arg8[%swap3A_34, %swap3A_35], %concatenate3A_33 {strides = array<i32>} : memref<1000x2xf32, #tpu.memory_space<vmem>>, vector<1000x2xf32>,
    return
  }
  func.func @transform_0(%arg0: i32) -> (i32, i32) {
    %c0_i32 = arith.constant 0 : i32
    %c0_i32_0 = arith.constant 0 : i32
    return %arg0, %c0_i32 : i32, i32
  }
  func.func @transform_1(%arg0: i32) -> (i32, i32) {
    %c0_i32 = arith.constant 0 : i32
    %c0_i32_0 = arith.constant 0 : i32
    return %arg0, %c0_i32 : i32, i32
  }
  func.func @transform_2(%arg0: i32) -> (i32, i32) {
    %c0_i32 = arith.constant 0 : i32
    %c0_i32_0 = arith.constant 0 : i32
    %c0_i32_1 = arith.constant 0 : i32
    return %c0_i32, %c0_i32_0 : i32, i32
  }
  func.func @transform_3(%arg0: i32) -> (i32, i32) {
    %c0_i32 = arith.constant 0 : i32
    %c0_i32_0 = arith.constant 0 : i32
    %c0_i32_1 = arith.constant 0 : i32
    return %c0_i32, %c0_i32_0 : i32, i32
  }
  func.func @transform_4(%arg0: i32) -> (i32, i32) {
    %c0_i32 = arith.constant 0 : i32
    %c0_i32_0 = arith.constant 0 : i32
    %c0_i32_1 = arith.constant 0 : i32
    return %c0_i32, %c0_i32_0 : i32, i32
  }
  func.func @transform_5(%arg0: i32) -> (i32, i32) {
    %c0_i32 = arith.constant 0 : i32
    %c0_i32_0 = arith.constant 0 : i32
    %c0_i32_1 = arith.constant 0 : i32
    return %c0_i32, %c0_i32_0 : i32, i32
  }
  func.func @transform_6(%arg0: i32) -> (i32, i32) {
    %c0_i32 = arith.constant 0 : i32
    %c0_i32_0 = arith.constant 0 : i32
    return %arg0, %c0_i32 : i32, i32
  }
  func.func @transform_7(%arg0: i32) -> (i32, i32) {
    %c0_i32 = arith.constant 0 : i32
    %c0_i32_0 = arith.constant 0 : i32
    return %arg0, %c0_i32 : i32, i32
  }
}

</mosaic_0001>

<sc_bundles>
// kernel: kernel.11.cloned.1.call-start
scs
__scs_entry_jumppad:
0x0: {  	(pc) =	sbr.rel $0x88, $3  }
0x1: {  	(tag) =	ssettag $0x0;
	lr =	simm.s32 $0x1  }
0x2: {  	[smem:$0x3F8D] =	sst lr;
	_ =	strace $0xD0000000  }
0x3: {  	_ = 	snop  }
0x4: {  	_ = 	snop  }
0x5: {  	_ = 	snop  }
0x6: {  	_ = 	snop  }
0x7: {  	_ = 	snop  }
__scs_overlays_trampoline_lowered:
0x8: {  	[smem:$0x3F9C] =	sst s0  }
0x9: {  	[smem:$0x3F9D] =	sst s1  }
0xa: {  	[smem:$0x3F9E] =	sst s2  }
0xb: {  	[smem:$0x3F9F] =	sst s3  }
0xc: {  	[smem:$0x3FA0] =	sst s4  }
0xd: {  	[smem:$0x3FA1] =	sst s5  }
0xe: {  	[smem:$0x3FA2] =	sst s6  }
0xf: {  	[smem:$0x3FA3] =	sst s7  }
0x10: {  	[smem:$0x3FA4] =	sst s8  }
0x11: {  	[smem:$0x3FA5] =	sst s9;
	s0 =	simm.s32 @!p0 $0x0  }
0x12: {  	s1 =	sld [smem:$0x3F8B];
	s0 =	simm.s32 @p0 $0x1  }
0x13: {  	[smem:$0x3FA6] =	sst s0;
	s0 =	simm.s32 @!p1 $0x0  }
0x14: {  	s2 =	sld [smem:$0x3F8A];
	s0 =	simm.s32 @p1 $0x1  }
0x15: {  	[smem:$0x3FA7] =	sst s0;
	s0 =	simm.s32 @!p2 $0x0  }
0x16: {  	s3 =	sld [smem:$0x3FDB];
	s0 =	simm.s32 @p2 $0x1  }
0x17: {  	s4 =	simm.s32 $0x1BF5;
	[smem:$0x3FA9] =	sst s0  }
0x18: {  	s0 =	sld [smem:$0x3F8C];
	_ =	swait.ge [sflag:s4], $0x0  }
0x19: {  	s7 =	sld [smem:$0x3F8D]  }
0x1a: {  	s8 =	sadd.s32 $0xFFFFE003, lr  }
0x1b: {  	s9 =	sadd.s32 $0xFFFFFEF7, lr;
	s5 =	simm.s32 $0xFFFFFFFF;
	p2 =	slt.u32 s8, $0xFFFFF086  }
0x1c: {  	p1 =	slt.u32 s9, $0xF7A;
	s5 =	simm.s32 @!p2 $0x0  }
0x1d: {  	s5 =	simm.s32 @p1 $0x1;
	p0 =	seq.s32 s7, s2  }
0x1e: {  	s7 =	smul.u32 @!p0 $0xF7A, s2;
	p2 =	seq.s32 @!p0 s5, $0x0  }
0x1f: {  	s9 =	smul.u32 $0xF7A, s1;
	s8 =	simm.s32 @!p0 $0x1BF5;
	p2 =	por !p2, p0  }
0x20: {  	[sflag:s8] =	ssyncset.s32 @!p0 $0xFFFFF086;
	s6 =	sadd.s32 @!p0 s3, s7;
	s7 =	simm.s32 @!p0 $0x108  }
0x21: {  	s3 =	sadd.s32 s3, s9;
	s6 =	sadd.s32 @!p0 $0x88, s6;
	s7 =	simm.s32 @p2 $0x1082  }
0x22: {  	[simem:s7], [sflag:s8] =	dma.local @!p0 [hbm:s6], $0xF7A  }
0x23: {  	s9 =	sor.u32 $0xD0000000, s2;
	s6 =	simm.s32 $0x108;
	_ =	swait.ge @!p0 [sflag:s8], $0x0  }
0x24: {  	s3 =	sadd.s32 $0x88, s3;
	s6 =	simm.s32 @!p1 $0x1082;
	[sflag:s4] =	ssyncset.s32 $0xFFFFF086  }
0x25: {  	[simem:s6], [sflag:s4] =	dma.local [hbm:s3], $0xF7A  }
0x26: {  	[smem:$0x3F8D] =	sst s1;
	(tag) =	ssettag s2;
	_ =	strace s9  }
0x27: {  	s1 =	sld [smem:$0x3F9D]  }
0x28: {  	s2 =	sld [smem:$0x3F9E]  }
0x29: {  	s4 =	sld [smem:$0x3FA0]  }
0x2a: {  	p0 =	seq.s32 s5, $0x0;
	s5 =	sld [smem:$0x3FA1]  }
0x2b: {  	s6 =	sld [smem:$0x3FA2]  }
0x2c: {  	s7 =	sld [smem:$0x3FA3]  }
0x2d: {  	s3 =	simm.s32 $0x108;
	s8 =	sld [smem:$0x3FA4]  }
0x2e: {  	s3 =	simm.s32 @!p0 $0x1082;
	s9 =	sld [smem:$0x3FA5]  }
0x2f: {  	lr =	sadd.s32 s0, s3;
	s0 =	sld [smem:$0x3F9C]  }
0x30: {  	s3 =	sld [smem:$0x3F9F]  }
0x31: {  	[smem:$0x3FA8] =	sst s10  }
0x32: {  	s10 =	sld [smem:$0x3FA6];
	_ =	sdelay $0x3  }
0x33: {  	p0 =	seq.s32 s10, $0x1;
	s10 =	sld [smem:$0x3FA8];
	_ =	sdelay $0x3  }
0x34: {  	[smem:$0x3FA8] =	sst s10  }
0x35: {  	s10 =	sld [smem:$0x3FA7];
	_ =	sdelay $0x3  }
0x36: {  	p1 =	seq.s32 s10, $0x1;
	s10 =	sld [smem:$0x3FA8];
	_ =	sdelay $0x3  }
0x37: {  	[smem:$0x3FA8] =	sst s10  }
0x38: {  	s10 =	sld [smem:$0x3FA9]  }
0x39: {  	_ = 	snop;
	(pc) =	sbr.ind lr, $3  }
0x3a: {  	_ = 	snop  }
0x3b: {  	_ = 	snop  }
0x3c: {  	p2 =	seq.s32 s10, $0x1;
	s10 =	sld [smem:$0x3FA8]  }
0x3d: {  	_ =	shalt  }
0x3e: {  	_ =	shalt  }
0x3f: {  	_ =	shalt  }
0x40: {  	_ =	shalt  }
0x41: {  	_ =	shalt  }
0x42: {  	_ =	shalt  }
0x43: {  	_ =	shalt  }
0x44: {  	_ =	shalt  }
0x45: {  	_ =	shalt  }
0x46: {  	_ =	shalt  }
0x47: {  	_ =	shalt  }
0x48: {  	_ =	shalt  }
0x49: {  	_ =	shalt  }
0x4a: {  	_ =	shalt  }
0x4b: {  	_ =	shalt  }
0x4c: {  	_ =	shalt  }
0x4d: {  	_ =	shalt  }
0x4e: {  	_ =	shalt  }
0x4f: {  	_ =	shalt  }
0x50: {  	_ =	shalt  }
0x51: {  	_ =	shalt  }
0x52: {  	_ =	shalt  }
0x53: {  	_ =	shalt  }
0x54: {  	_ =	shalt  }
0x55: {  	_ =	shalt  }
0x56: {  	_ =	shalt  }
0x57: {  	_ =	shalt  }
0x58: {  	_ =	shalt  }
0x59: {  	_ =	shalt  }
0x5a: {  	_ =	shalt  }
0x5b: {  	_ =	shalt  }
0x5c: {  	_ =	shalt  }
0x5d: {  	_ =	shalt  }
0x5e: {  	_ =	shalt  }
0x5f: {  	_ =	shalt  }
0x60: {  	_ =	shalt  }
0x61: {  	_ =	shalt  }
0x62: {  	_ =	shalt  }
0x63: {  	_ =	shalt  }
0x64: {  	_ =	shalt  }
0x65: {  	_ =	shalt  }
0x66: {  	_ =	shalt  }
0x67: {  	_ =	shalt  }
0x68: {  	_ =	shalt  }
0x69: {  	_ =	shalt  }
0x6a: {  	_ =	shalt  }
0x6b: {  	_ =	shalt  }
0x6c: {  	_ =	shalt  }
0x6d: {  	_ =	shalt  }
0x6e: {  	_ =	shalt  }
0x6f: {  	_ =	shalt  }
0x70: {  	_ =	shalt  }
0x71: {  	_ =	shalt  }
0x72: {  	_ =	shalt  }
0x73: {  	_ =	shalt  }
0x74: {  	_ =	shalt  }
0x75: {  	_ =	shalt  }
0x76: {  	_ =	shalt  }
0x77: {  	_ =	shalt  }
0x78: {  	_ =	shalt  }
0x79: {  	_ =	shalt  }
0x7a: {  	_ =	shalt  }
0x7b: {  	_ =	shalt  }
0x7c: {  	_ =	shalt  }
0x7d: {  	_ =	shalt  }
0x7e: {  	_ =	shalt  }
0x7f: {  	_ =	shalt  }
0x80: {  	_ =	shalt  }
0x81: {  	_ =	shalt  }
0x82: {  	_ =	shalt  }
0x83: {  	_ =	shalt  }
0x84: {  	_ =	shalt  }
0x85: {  	_ =	shalt  }
0x86: {  	_ =	shalt  }
0x87: {  	_ =	shalt  }
.Lfunc_end0:
.L_simem_size_0:
called_computation.1_lowered:
.L_overlay_start_0:
0x88: {  	s2 =	sld [smem:$0x3FD9]  }
0x89: {  	s3 =	sld [smem:$0x3FFE];
	_ =	sdelay $0x1  }
0x8a: {  	s1 =	srdreg.scid  }
0x8b: {  	s0 =	sand.u32 $0x1, s1  }
0x8c: {  	s14 =	sshll.u32 s0, $0xA;
	s2 =	sadd.s32 s3, s2  }
0x8d: {  	s2 =	sadd.s32 s2, s14  }
0x8e: {  	[smem:$0x3FB4] =	sst s2  }
0x8f: {  	_ = 	snop  }
0x90: {  	s2 =	sld [smem:$0x3FD0];
	_ =	sdelay $0x2  }
0x91: {  	s15 =	simm.s32 $0xA;
	s4 =	simm.s32 $0x10  }
0x92: {  	[smem:s4], [sflag:s15] =	dma.local [hbm:s2], $0x1  }
0x93: {  	_ =	swait.eq [sflag:s15], $0x1  }
0x94: {  	s16 =	sld [smem:$0x11];
	[sflag:s15] =	ssyncset.done $0x0  }
0x95: {  	s17 =	sld [smem:$0x12];
	[sflag:s15] =	ssyncadd.s32 $0xFFFFFFFF  }
0x96: {  	s18 =	sld [smem:$0x13];
	(tm) =	ssettm $0x1  }
0x97: {  	s5 =	sld [smem:$0x3FFB];
	_ =	sdelay $0x3  }
0x98: {  	_ =	strace s5  }
0x99: {  	s5 =	sld [smem:$0x3FFC];
	_ =	sdelay $0x3  }
0x9a: {  	_ =	strace s5  }
0x9b: {  	s5 =	sld [smem:$0x3FFD];
	_ =	sdelay $0x3  }
0x9c: {  	_ =	strace s5  }
0x9d: {  	_ =	strace $0x8FFFFFFF  }
0x9e: {  	s19 =	sld [smem:$0x3FDB];
	_ =	sdelay $0x1  }
0x9f: {  	s6 =	simm.s32 $_scs_section_size  }
0xa0: {  	s7 =	simm.s32 $_size__tile_overlayer_lowered;
	s8 =	simm.s32 $_tile_overlayer_lowered  }
0xa1: {  	s22 =	simm.s32 $0x1BFF;
	s21 =	sshll.u32 s8, $0x1;
	s5 =	sadd.s32 s6, s19  }
0xa2: {  	s9 =	simm.s32 $0x0;
	s20 =	sshll.u32 s7, $0x1;
	s7 =	sadd.s32 s21, s5  }
0xa3: {  	[timem:s9], [sflag:s22] =	dma.local [hbm:s7], s20  }
0xa4: {  	_ =	swait.ge [sflag:s22], s20  }
0xa5: {  	s6 =	ssub.s32 $0x0, s20;
	[sflag:s22] =	ssyncset.done $0x0  }
0xa6: {  	[sflag:s22] =	ssyncadd.s32 s6;
	_ =	sdelay $0x1  }
0xa7: {  	s23 =	simm.s32 $0x1B8B  }
0xa8: {  	_ =	swait.ge [sflag:s23], $0x1  }
0xa9: {  	[sflag:s23] =	ssyncset.done $0x0  }
0xaa: {  	s25 =	simm.s32 $0x1B8E;
	s24 =	sld [smem:$0x3FFE];
	[sflag:s23] =	ssyncadd.s32 $0xFFFFFFFF  }
0xab: {  	s26 =	simm.s32 $execute0_lowered;
	[smem:$0x3FD2] =	sst s25  }
0xac: {  	s7 =	sshll.u32 s26, $0x1;
	_ =	strace $0x80000049;
	[dreg:$0x1] =	wrdreg $0xFFFFFFFF  }
0xad: {  	s28 =	simm.s32 $_size_execute0_lowered;
	s5 =	sadd.s32 s5, s7;
	[dreg:$0x0] =	wrdreg $0x0  }
0xae: {  	s7 =	sshll.u32 s28, $0x1;
	[dreg:$0x2] =	wrdreg s5  }
0xaf: {  	[dreg:$0x3] =	wrdreg s7  }
0xb0: {  	[dreg:$0x4] =	wrdreg $0xC0  }
0xb1: {  	_ =	task [dreg:s9], $0x5FFFF  }
0xb2: {  	[dreg:$0x1] =	wrdreg $0xFFFFFFFF  }
0xb3: {  	[dreg:$0x0] =	wrdreg $0x60  }
0xb4: {  	[dreg:$0x2] =	wrdreg s24  }
0xb5: {  	[dreg:$0x3] =	wrdreg s16  }
0xb6: {  	[dreg:$0x4] =	wrdreg s17  }
0xb7: {  	[dreg:$0x5] =	wrdreg s18  }
0xb8: {  	[dreg:$0x6] =	wrdreg $0xC3000  }
0xb9: {  	[dreg:$0x7] =	wrdreg $0x9  }
0xba: {  	_ =	task.clear_ibuf [dreg:s9], $0x8FFFF;
	_ =	strace $0x90000049  }
0xbb: {  	s29 =	simm.s32 $0x9;
	_ =	strace $0x8000004B  }
0xbc: {  	_ =	swait.ge [sflag:s29], $0x1  }
0xbd: {  	[sflag:s29] =	ssyncadd.s32 $0xFFFFFFFF  }
0xbe: {  	_ =	strace $0x9000004B  }
0xbf: {  	_ =	sfence  }
0xc0: {  	s30 =	sld [smem:$0x0];
	_ =	sdelay $0x2  }
0xc1: {  	s31 =	sshll.u32 s1, $0xD;
	s1 =	sshrl.u32 s1, $0x2  }
0xc2: {  	s3 =	sand.u32 $0x4000, s31;
	s1 =	sadd.s32 s1, s30  }
0xc3: {  	s0 =	sor.u32 s3, s0;
	s1 =	sshll.u32 s1, $0x11  }
0xc4: {  	s0 =	sor.u32 s1, s0  }
0xc5: {  	s0 =	sadd.s32 $0x8F2B, s0  }
0xc6: {  	[sflag:s0] =	ssyncadd.remote.s32 $0x1  }
0xc7: {  	_ =	sfence.sel $0xFFFF  }
0xc8: {  	[dreg:$0x0] =	wrdreg $0xFFFFFFFF;
	(pc) =	sbr.abs _section_cstart, $3  }
0xc9: {  	[dreg:$0x1] =	wrdreg $0xFFFFFFFF  }
0xca: {  	_ =	task.clear_ibuf [dreg:s9], $0x2FFFF;
	_ =	strace $0x9FFFFFFF  }
0xcb: {  	(tm) =	ssettm $0x7FFFFFFF  }
tec
execute0_lowered:
.L_overlay_start_1:
0x0: {  	(tag) =	ssettag $0x1  }
0x1: {  	s0 =	rddreg [dreg:$0x0]  }
0x2: {  	s3 =	rddreg [dreg:$0x1]  }
0x3: {  	s6 =	rddreg [dreg:$0x2]  }
0x4: {  	s11 =	rddreg [dreg:$0x3]  }
0x5: {  	s1 =	rddreg [dreg:$0x4];
	s2 =	simm.s32 $0x0  }
0x6: {  	s5 =	srdreg.scid;
	s7 =	stileid.u32;
	s20 =	simm.s32 $0x4  }
0x7: {  	s28 =	simm.s32 $0x300;
	s29 =	simm.s32 $0x4300;
	s30 =	simm.s32 $0x8300  }
0x8: {  	s31 =	simm.s32 $0x2;
	[smem:$0x7FF] =	sst s2;
	s4 =	sadd.s32 $0x3A00, s0  }
0x9: {  	s12 =	sand.u32 $0x1, s5;
	s5 =	sadd.s32 $0x2AC00, s0;
	s9 =	smul.u32 $0x4E000, s7  }
0xa: {  	s16 =	sadd.s32 $0xEE600, s0;
	s14 =	smul.u32 $0x2700, s7;
	s17 =	sadd.s32 $0x115800, s0  }
0xb: {  	s24 =	sshll.u32 s7, $0x6;
	s18 =	sshll.u32 s7, $0x4;
	p1 =	sne.s32 s7, $0xF  }
0xc: {  	p2 =	sgt.u32 s7, $0x3;
	p3 =	seq.s32 s7, $0xF;
	s0 =	simm.s32 $0x3  }
0xd: {  	_ =	strace $0x8000004A;
	s8 =	ssub.s32 $0x2, s12;
	[dreg:$0x6] =	wrdreg s16  }
0xe: {  	p0 =	seq.s32 s12, $0x1;
	s13 =	sor.u32 $0x9C00, s18;
	[dreg:$0x7] =	wrdreg s17  }
0xf: {  	s10 =	sshrl.u32 s8, $0x1;
	s22 =	sshrl.u32 s9, $0x2;
	s23 =	sadd.s32 s11, s14  }
0x10: {  	s9 =	sor.u32 $0x1C04, s24;
	s11 =	sadd.s32 $0x27000, s11;
	s12 =	sadd.s32 s3, s13  }
0x11: {  	s13 =	sadd.s32 s6, s13;
	s25 =	sadd.s32 s16, s14;
	s26 =	sadd.s32 s17, s14  }
0x12: {  	s17 =	sadd.s32 s18, s3;
	s18 =	sadd.s32 s18, s6;
	s24 =	simm.s32 $0x100  }
.Ltmp0:
0x13: {  	s3 =	simm.s32 $0x0;
	[dreg:$0x8] =	wrdreg s23;
	(pc) =	sbr.rel .LBB2_1-.Ltmp0, $4  }
0x14: {  	s21 =	ssub.s32 s8, s10;
	s15 =	sadd.s32 s22, s1;
	[dreg:$0x9] =	wrdreg s25  }
0x15: {  	s10 =	sadd.s32 $0x138000, s1;
	[dreg:$0xa] =	wrdreg s26;
	s22 =	simm.s32 $0x80  }
0x16: {  	s23 =	simm.s32 $0x200;
	s25 =	simm.s32 $0x280;
	s26 =	simm.s32 $0x1  }
0x17: {  	s16 =	smax.u32 s21, $0x1;
	s19 =	sshrl.u32 s15, $0x3;
	s21 =	simm.s32 $0x180  }
.LBB2_8:
0x18: {  	s6 =	sadd.s32 $0x27000, s6;
	s7 =	sshrl.u32 s10, $0x3  }
0x19: {  	[hbm:s6], [sflag:s9] =	dma.local [spmem:s7], $0x100  }
0x1a: {  	_ =	swait.ge [sflag:s20], $0x100  }
0x1b: {  	[sflag:s20] =	ssyncset.done $0x0  }
0x1c: {  	[sflag:s20] =	ssyncadd.s32 $0xFFFFFF00  }
.LBB2_9:
0x1d: {  	s3 =	sadd.s32 $0x1, s3  }
0x1e: {  	p4 =	sne.s32 s3, s16  }
.Ltmp1:
0x1f: {  	_ = 	snop;
	(pc) =	sbr.rel @!p4 .LBB2_10-.Ltmp1, $1  }
0x20: {  	_ =	sdelay $0x3  }
.LBB2_1:
0x21: {  	s6 =	rddreg [dreg:$0x8]  }
0x22: {  	[spmem:s19], [sflag:s9] =	dma.local [hbm:s6], $0x2700  }
0x23: {  	_ =	swait.ge [sflag:s20], $0x2700  }
0x24: {  	[sflag:s20] =	ssyncset.done $0x0  }
0x25: {  	s6 =	sshrl.u32 @!p1 s10, $0x3;
	[sflag:s20] =	ssyncadd.s32 $0xFFFFD900  }
0x26: {  	[spmem:s6], [sflag:s9] =	dma.local @!p1 [hbm:s11], $0x100  }
0x27: {  	s6 =	simm.s32 @!p1 $0x4  }
.Ltmp2:
0x28: {  	_ =	swait.ge @!p1 [sflag:s6], $0x100;
	(pc) =	sbr.rel @!p0 .LBB2_2-.Ltmp2, $3  }
0x29: {  	[sflag:s6] =	ssyncset.done @!p1 $0x0  }
0x2a: {  	[sflag:s6] =	ssyncadd.s32 @!p1 $0xFFFFFF00  }
0x2b: {  	[bflag:$0x0] =	sbarrier.arrive $0xFFFF;
	_ =	sdelay $0x1  }
0x2c: {  	s6 =	sadd.s32 $0x0, s18  }
0x2d: {  	[tilespmem:s2], [sflag:$0x1] =	stream.linear.gather [hbm4b:s6+s2], $0x80, $0x38;
	[tilespmem:$0x1FB80] =	vst v63  }
0x2e: {  	s7 =	sadd.s32 $0x0, s17  }
0x2f: {  	[tilespmem:s21], [sflag:$0x1] =	stream.linear.gather [hbm4b:s7+s2], $0x80, $0x38;
	[tilespmem:$0x1FB80] =	vst v63  }
0x30: {  	s8 =	sadd.s32 $0x100, s6  }
0x31: {  	[tilespmem:s22], [sflag:$0x1] =	stream.linear.gather [hbm4b:s8+s2], $0x80, $0x38;
	[tilespmem:$0x1FB80] =	vst v63  }
0x32: {  	s14 =	sadd.s32 $0x100, s7  }
0x33: {  	[tilespmem:s23], [sflag:$0x1] =	stream.linear.gather [hbm4b:s14+s2], $0x80, $0x38;
	[tilespmem:$0x1FB80] =	vst v63  }
0x34: {  	s6 =	sadd.s32 $0x200, s6  }
0x35: {  	[tilespmem:s24], [sflag:$0x1] =	stream.linear.gather [hbm4b:s6+s2], $0x80, $0x38;
	[tilespmem:$0x1FB80] =	vst v63  }
0x36: {  	s15 =	sadd.s32 $0x200, s7  }
0x37: {  	[tilespmem:s25], [sflag:$0x1] =	stream.linear.gather [hbm4b:s15+s2], $0x80, $0x38;
	[tilespmem:$0x1FB80] =	vst v63  }
0x38: {  	_ =	swait.ge [sflag:s26], $0x80  }
0x39: {  	[sflag:s26] =	ssyncset.done $0x0  }
0x3a: {  	[sflag:s26] =	ssyncadd.s32 $0xFFFFFF80  }
0x3b: {  	_ =	swait.ge [sflag:s26], $0x80  }
0x3c: {  	[sflag:s26] =	ssyncset.done $0x0  }
0x3d: {  	[sflag:s26] =	ssyncadd.s32 $0xFFFFFF80  }
0x3e: {  	_ =	swait.ge [sflag:s26], $0x80  }
0x3f: {  	[sflag:s26] =	ssyncset.done $0x0  }
0x40: {  	[sflag:s26] =	ssyncadd.s32 $0xFFFFFF80  }
0x41: {  	_ =	swait.ge [sflag:s26], $0x80  }
0x42: {  	[sflag:s26] =	ssyncset.done $0x0  }
0x43: {  	[sflag:s26] =	ssyncadd.s32 $0xFFFFFF80  }
0x44: {  	_ =	swait.ge [sflag:s26], $0x80  }
0x45: {  	[sflag:s26] =	ssyncset.done $0x0  }
0x46: {  	[sflag:s26] =	ssyncadd.s32 $0xFFFFFF80  }
0x47: {  	_ =	swait.ge [sflag:s26], $0x80  }
0x48: {  	[sflag:s26] =	ssyncset.done $0x0  }
0x49: {  	[sflag:s26] =	ssyncadd.s32 $0xFFFFFF80  }
0x4a: {  	[tilespmem:s28], [sflag:$0x2] =	stream.indirect.gather [hbm4b:s5+s22], $0x80, s2, s22, $0xb8;
	[tilespmem:$0x1FB80] =	vst v63  }
0x4b: {  	_ = 	snop  }
0x4c: {  	[tilespmem:s29], [sflag:$0x2] =	stream.indirect.gather [hbm4b:s5+s22], $0x80, s22, s22, $0xb8;
	[tilespmem:$0x1FB80] =	vst v63  }
0x4d: {  	_ = 	snop  }
0x4e: {  	[tilespmem:s30], [sflag:$0x2] =	stream.indirect.gather [hbm4b:s5+s22], $0x80, s24, s22, $0xb8;
	[tilespmem:$0x1FB80] =	vst v63  }
0x4f: {  	_ =	swait.ge [sflag:s31], $0x4000  }
0x50: {  	[sflag:s31] =	ssyncset.done $0x0  }
0x51: {  	[sflag:s31] =	ssyncadd.s32 $0xFFFFC000  }
0x52: {  	_ =	swait.ge [sflag:s31], $0x4000  }
0x53: {  	[sflag:s31] =	ssyncset.done $0x0  }
0x54: {  	[sflag:s31] =	ssyncadd.s32 $0xFFFFC000  }
0x55: {  	_ =	swait.ge [sflag:s31], $0x4000  }
0x56: {  	[sflag:s31] =	ssyncset.done $0x0  }
0x57: {  	[sflag:s31] =	ssyncadd.s32 $0xFFFFC000  }
0x58: {  	[spmem:s1] =	stream.indirect.scatter.add.f32 [tilespmem:s28], [sflag:$0x3], $0x80, s21, s22, $0xb8;
	[tilespmem:$0x1FB80] =	vst v63  }
0x59: {  	_ = 	snop  }
0x5a: {  	[spmem:s1] =	stream.indirect.scatter.add.f32 [tilespmem:s29], [sflag:$0x3], $0x80, s23, s22, $0xb8;
	[tilespmem:$0x1FB80] =	vst v63  }
0x5b: {  	_ = 	snop  }
0x5c: {  	[spmem:s1] =	stream.indirect.scatter.add.f32 [tilespmem:s30], [sflag:$0x3], $0x80, s25, s22, $0xb8;
	[tilespmem:$0x1FB80] =	vst v63  }
0x5d: {  	_ =	swait.ge [sflag:s0], $0x4000  }
0x5e: {  	[sflag:s0] =	ssyncset.done $0x0  }
0x5f: {  	[sflag:s0] =	ssyncadd.s32 $0xFFFFC000  }
0x60: {  	_ =	swait.ge [sflag:s0], $0x4000  }
0x61: {  	[sflag:s0] =	ssyncset.done $0x0  }
0x62: {  	[sflag:s0] =	ssyncadd.s32 $0xFFFFC000  }
0x63: {  	_ =	swait.ge [sflag:s0], $0x4000  }
0x64: {  	s14 =	simm.s32 $0x300;
	s6 =	simm.s32 $0x600;
	[sflag:s0] =	ssyncset.done $0x0  }
.LBB2_6:
0x65: {  	s7 =	sadd.s32 s14, s18  }
0x66: {  	[sflag:s0] =	ssyncadd.s32 $0xFFFFC000;
	s8 =	smov.u32 s6;
	s15 =	sadd.s32 $0x300, s6  }
0x67: {  	[tilespmem:s2], [sflag:$0x1] =	stream.linear.gather [hbm4b:s7+s2], $0x80, $0x38;
	[tilespmem:$0x1FB80] =	vst v63  }
0x68: {  	p4 =	sne.s32 s6, $0x9900;
	s6 =	sadd.s32 s14, s17;
	s14 =	smov.u32 s8  }
0x69: {  	[tilespmem:s21], [sflag:$0x1] =	stream.linear.gather [hbm4b:s6+s2], $0x80, $0x38;
	[tilespmem:$0x1FB80] =	vst v63  }
0x6a: {  	s8 =	sadd.s32 $0x100, s7  }
0x6b: {  	[tilespmem:s22], [sflag:$0x1] =	stream.linear.gather [hbm4b:s8+s2], $0x80, $0x38;
	[tilespmem:$0x1FB80] =	vst v63  }
0x6c: {  	s8 =	sadd.s32 $0x100, s6  }
0x6d: {  	[tilespmem:s23], [sflag:$0x1] =	stream.linear.gather [hbm4b:s8+s2], $0x80, $0x38;
	[tilespmem:$0x1FB80] =	vst v63  }
0x6e: {  	s7 =	sadd.s32 $0x200, s7  }
0x6f: {  	[tilespmem:s24], [sflag:$0x1] =	stream.linear.gather [hbm4b:s7+s2], $0x80, $0x38;
	[tilespmem:$0x1FB80] =	vst v63  }
0x70: {  	s6 =	sadd.s32 $0x200, s6  }
0x71: {  	[tilespmem:s25], [sflag:$0x1] =	stream.linear.gather [hbm4b:s6+s2], $0x80, $0x38;
	[tilespmem:$0x1FB80] =	vst v63  }
0x72: {  	_ =	swait.ge [sflag:s26], $0x80  }
0x73: {  	[sflag:s26] =	ssyncset.done $0x0  }
0x74: {  	[sflag:s26] =	ssyncadd.s32 $0xFFFFFF80  }
0x75: {  	_ =	swait.ge [sflag:s26], $0x80  }
0x76: {  	[sflag:s26] =	ssyncset.done $0x0  }
0x77: {  	[sflag:s26] =	ssyncadd.s32 $0xFFFFFF80  }
0x78: {  	_ =	swait.ge [sflag:s26], $0x80  }
0x79: {  	[sflag:s26] =	ssyncset.done $0x0  }
0x7a: {  	[sflag:s26] =	ssyncadd.s32 $0xFFFFFF80  }
0x7b: {  	_ =	swait.ge [sflag:s26], $0x80  }
0x7c: {  	[sflag:s26] =	ssyncset.done $0x0  }
0x7d: {  	[sflag:s26] =	ssyncadd.s32 $0xFFFFFF80  }
0x7e: {  	_ =	swait.ge [sflag:s26], $0x80  }
0x7f: {  	[sflag:s26] =	ssyncset.done $0x0  }
0x80: {  	[sflag:s26] =	ssyncadd.s32 $0xFFFFFF80  }
0x81: {  	_ =	swait.ge [sflag:s26], $0x80  }
0x82: {  	[sflag:s26] =	ssyncset.done $0x0  }
0x83: {  	[sflag:s26] =	ssyncadd.s32 $0xFFFFFF80  }
0x84: {  	[tilespmem:s28], [sflag:$0x2] =	stream.indirect.gather [hbm4b:s5+s22], $0x80, s2, s22, $0xb8;
	[tilespmem:$0x1FB80] =	vst v63  }
0x85: {  	_ = 	snop  }
0x86: {  	[tilespmem:s29], [sflag:$0x2] =	stream.indirect.gather [hbm4b:s5+s22], $0x80, s22, s22, $0xb8;
	[tilespmem:$0x1FB80] =	vst v63  }
0x87: {  	_ = 	snop  }
0x88: {  	[tilespmem:s30], [sflag:$0x2] =	stream.indirect.gather [hbm4b:s5+s22], $0x80, s24, s22, $0xb8;
	[tilespmem:$0x1FB80] =	vst v63  }
0x89: {  	_ =	swait.ge [sflag:s31], $0x4000  }
0x8a: {  	[sflag:s31] =	ssyncset.done $0x0  }
0x8b: {  	[sflag:s31] =	ssyncadd.s32 $0xFFFFC000  }
0x8c: {  	_ =	swait.ge [sflag:s31], $0x4000  }
0x8d: {  	[sflag:s31] =	ssyncset.done $0x0  }
0x8e: {  	[sflag:s31] =	ssyncadd.s32 $0xFFFFC000  }
0x8f: {  	_ =	swait.ge [sflag:s31], $0x4000  }
0x90: {  	[sflag:s31] =	ssyncset.done $0x0  }
0x91: {  	[sflag:s31] =	ssyncadd.s32 $0xFFFFC000  }
0x92: {  	[spmem:s1] =	stream.indirect.scatter.add.f32 [tilespmem:s28], [sflag:$0x3], $0x80, s21, s22, $0xb8;
	[tilespmem:$0x1FB80] =	vst v63  }
0x93: {  	_ = 	snop  }
0x94: {  	[spmem:s1] =	stream.indirect.scatter.add.f32 [tilespmem:s29], [sflag:$0x3], $0x80, s23, s22, $0xb8;
	[tilespmem:$0x1FB80] =	vst v63  }
0x95: {  	_ = 	snop  }
0x96: {  	[spmem:s1] =	stream.indirect.scatter.add.f32 [tilespmem:s30], [sflag:$0x3], $0x80, s25, s22, $0xb8;
	[tilespmem:$0x1FB80] =	vst v63  }
0x97: {  	_ =	swait.ge [sflag:s0], $0x4000  }
0x98: {  	[sflag:s0] =	ssyncset.done $0x0  }
0x99: {  	[sflag:s0] =	ssyncadd.s32 $0xFFFFC000  }
.Ltmp3:
0x9a: {  	_ =	swait.ge [sflag:s0], $0x4000;
	(pc) =	sbr.rel @p4 .LBB2_6-.Ltmp3, $4  }
0x9b: {  	[sflag:s0] =	ssyncset.done $0x0  }
0x9c: {  	[sflag:s0] =	ssyncadd.s32 $0xFFFFC000  }
0x9d: {  	_ =	swait.ge [sflag:s0], $0x4000  }
0x9e: {  	s6 =	smov.u32 s15;
	[sflag:s0] =	ssyncset.done $0x0  }
0x9f: {  	s6 =	sadd.s32 s14, s18;
	[sflag:s0] =	ssyncadd.s32 $0xFFFFC000  }
0xa0: {  	[tilespmem:s2], [sflag:$0x1] =	stream.linear.gather [hbm4b:s6+s2], $0x80, $0x38;
	[tilespmem:$0x1FB80] =	vst v63  }
0xa1: {  	s7 =	sadd.s32 s14, s17  }
0xa2: {  	[tilespmem:s21], [sflag:$0x1] =	stream.linear.gather [hbm4b:s7+s2], $0x80, $0x38;
	[tilespmem:$0x1FB80] =	vst v63  }
0xa3: {  	s8 =	sadd.s32 $0x100, s6  }
0xa4: {  	[tilespmem:s22], [sflag:$0x1] =	stream.linear.gather [hbm4b:s8+s2], $0x80, $0x38;
	[tilespmem:$0x1FB80] =	vst v63  }
0xa5: {  	s15 =	sadd.s32 $0x100, s7  }
0xa6: {  	[tilespmem:s23], [sflag:$0x1] =	stream.linear.gather [hbm4b:s15+s2], $0x80, $0x38;
	[tilespmem:$0x1FB80] =	vst v63  }
0xa7: {  	s6 =	sadd.s32 $0x200, s6  }
0xa8: {  	[tilespmem:s24], [sflag:$0x1] =	stream.linear.gather [hbm4b:s6+s2], $0x80, $0x38;
	[tilespmem:$0x1FB80] =	vst v63  }
0xa9: {  	s14 =	sadd.s32 $0x200, s7  }
0xaa: {  	[tilespmem:s25], [sflag:$0x1] =	stream.linear.gather [hbm4b:s14+s2], $0x80, $0x38;
	[tilespmem:$0x1FB80] =	vst v63  }
0xab: {  	_ =	swait.ge [sflag:s26], $0x80  }
0xac: {  	[sflag:s26] =	ssyncset.done $0x0  }
0xad: {  	[sflag:s26] =	ssyncadd.s32 $0xFFFFFF80  }
0xae: {  	_ =	swait.ge [sflag:s26], $0x80  }
0xaf: {  	[sflag:s26] =	ssyncset.done $0x0  }
0xb0: {  	[sflag:s26] =	ssyncadd.s32 $0xFFFFFF80  }
0xb1: {  	_ =	swait.ge [sflag:s26], $0x80  }
0xb2: {  	[sflag:s26] =	ssyncset.done $0x0  }
0xb3: {  	[sflag:s26] =	ssyncadd.s32 $0xFFFFFF80  }
0xb4: {  	_ =	swait.ge [sflag:s26], $0x80  }
0xb5: {  	[sflag:s26] =	ssyncset.done $0x0  }
0xb6: {  	[sflag:s26] =	ssyncadd.s32 $0xFFFFFF80  }
0xb7: {  	_ =	swait.ge [sflag:s26], $0x80  }
0xb8: {  	[sflag:s26] =	ssyncset.done $0x0  }
0xb9: {  	[sflag:s26] =	ssyncadd.s32 $0xFFFFFF80  }
0xba: {  	_ =	swait.ge [sflag:s26], $0x80  }
0xbb: {  	[sflag:s26] =	ssyncset.done $0x0  }
0xbc: {  	[sflag:s26] =	ssyncadd.s32 $0xFFFFFF80  }
0xbd: {  	[tilespmem:s28], [sflag:$0x2] =	stream.indirect.gather [hbm4b:s5+s22], $0x80, s2, s22, $0xb8;
	[tilespmem:$0x1FB80] =	vst v63  }
0xbe: {  	_ = 	snop  }
0xbf: {  	[tilespmem:s29], [sflag:$0x2] =	stream.indirect.gather [hbm4b:s5+s22], $0x80, s22, s22, $0xb8;
	[tilespmem:$0x1FB80] =	vst v63  }
0xc0: {  	_ = 	snop  }
0xc1: {  	[tilespmem:s30], [sflag:$0x2] =	stream.indirect.gather [hbm4b:s5+s22], $0x80, s24, s22, $0xb8;
	[tilespmem:$0x1FB80] =	vst v63  }
0xc2: {  	_ =	swait.ge [sflag:s31], $0x4000  }
0xc3: {  	[sflag:s31] =	ssyncset.done $0x0  }
0xc4: {  	[sflag:s31] =	ssyncadd.s32 $0xFFFFC000  }
0xc5: {  	_ =	swait.ge [sflag:s31], $0x4000  }
0xc6: {  	[sflag:s31] =	ssyncset.done $0x0  }
0xc7: {  	[sflag:s31] =	ssyncadd.s32 $0xFFFFC000  }
0xc8: {  	_ =	swait.ge [sflag:s31], $0x4000  }
0xc9: {  	[sflag:s31] =	ssyncset.done $0x0  }
0xca: {  	[sflag:s31] =	ssyncadd.s32 $0xFFFFC000  }
0xcb: {  	[spmem:s1] =	stream.indirect.scatter.add.f32 [tilespmem:s28], [sflag:$0x3], $0x80, s21, s22, $0xb8;
	[tilespmem:$0x1FB80] =	vst v63  }
0xcc: {  	_ = 	snop  }
0xcd: {  	[spmem:s1] =	stream.indirect.scatter.add.f32 [tilespmem:s29], [sflag:$0x3], $0x80, s23, s22, $0xb8;
	[tilespmem:$0x1FB80] =	vst v63  }
0xce: {  	_ = 	snop  }
0xcf: {  	[spmem:s1] =	stream.indirect.scatter.add.f32 [tilespmem:s30], [sflag:$0x3], $0x80, s25, s22, $0xb8;
	[tilespmem:$0x1FB80] =	vst v63  }
0xd0: {  	_ =	swait.ge [sflag:s0], $0x4000  }
0xd1: {  	[sflag:s0] =	ssyncset.done $0x0  }
0xd2: {  	[sflag:s0] =	ssyncadd.s32 $0xFFFFC000  }
0xd3: {  	_ =	swait.ge [sflag:s0], $0x4000  }
0xd4: {  	[sflag:s0] =	ssyncset.done $0x0  }
0xd5: {  	[sflag:s0] =	ssyncadd.s32 $0xFFFFC000  }
0xd6: {  	_ =	swait.ge [sflag:s0], $0x4000  }
0xd7: {  	[sflag:s0] =	ssyncset.done $0x0  }
0xd8: {  	s7 =	simm.s32 @!p2 $0x4;
	s6 =	simm.s32 @!p2 $0x0;
	[sflag:s0] =	ssyncadd.s32 $0xFFFFC000  }
0xd9: {  	[tilespmem:s6], [sflag:$0x4] =	stream.linear.gather @!p2 [hbm4b:s13+s6], $0x80, $0x38;
	[tilespmem:$0x1FB80] =	vst v63  }
0xda: {  	_ =	swait.ge @!p2 [sflag:s7], $0x80  }
0xdb: {  	[sflag:s7] =	ssyncset.done @!p2 $0x0  }
0xdc: {  	s8 =	simm.s32 @!p2 $0x180;
	[sflag:s7] =	ssyncadd.s32 @!p2 $0xFFFFFF80  }
0xdd: {  	[tilespmem:s8], [sflag:$0x4] =	stream.linear.gather @!p2 [hbm4b:s12+s6], $0x80, $0x38;
	[tilespmem:$0x1FB80] =	vst v63  }
0xde: {  	_ =	swait.ge @!p2 [sflag:s7], $0x80  }
0xdf: {  	[sflag:s7] =	ssyncset.done @!p2 $0x0  }
0xe0: {  	s15 =	simm.s32 @!p2 $0x300;
	s14 =	simm.s32 @!p2 $0x80;
	[sflag:s7] =	ssyncadd.s32 @!p2 $0xFFFFFF80  }
0xe1: {  	[tilespmem:s15], [sflag:$0x2] =	stream.indirect.gather @!p2 [hbm4b:s5+s14], $0x80, s6, s14, $0xb8;
	[tilespmem:$0x1FB80] =	vst v63  }
0xe2: {  	s6 =	simm.s32 @!p2 $0x2  }
0xe3: {  	_ =	swait.ge @!p2 [sflag:s6], $0x4000  }
0xe4: {  	[sflag:s6] =	ssyncset.done @!p2 $0x0  }
0xe5: {  	[sflag:s6] =	ssyncadd.s32 @!p2 $0xFFFFC000  }
0xe6: {  	[spmem:s1] =	stream.indirect.scatter.add.f32 @!p2 [tilespmem:s15], [sflag:$0x4], $0x80, s8, s14, $0xb8;
	[tilespmem:$0x1FB80] =	vst v63  }
0xe7: {  	_ =	swait.ge @!p2 [sflag:s7], $0x4000  }
0xe8: {  	[sflag:s7] =	ssyncset.done @!p2 $0x0  }
0xe9: {  	[sflag:s7] =	ssyncadd.s32 @!p2 $0xFFFFC000  }
0xea: {  	[bflag:$0x0] =	sbarrier.arrive $0xFFFF  }
0xeb: {  	s15 =	rddreg [dreg:$0xa]  }
0xec: {  	[hbm:s15], [sflag:s9] =	dma.local [spmem:s19], $0x2700  }
.Ltmp4:
0xed: {  	_ = 	snop;
	(pc) =	sbr.rel @p1 .LBB2_9-.Ltmp4, $4  }
.Ltmp5:
0xee: {  	_ = 	snop;
	(pc) =	sbr.rel @!p1 .LBB2_8-.Ltmp5, $4  }
0xef: {  	_ =	swait.ge [sflag:s20], $0x2700  }
0xf0: {  	[sflag:s20] =	ssyncset.done $0x0  }
0xf1: {  	s6 =	rddreg [dreg:$0x7];
	[sflag:s20] =	ssyncadd.s32 $0xFFFFD900  }
0xf2: {  	_ = 	snop  }
.LBB2_2:
0xf3: {  	s6 =	sadd.s32 $0x0, s17  }
0xf4: {  	[tilespmem:s2], [sflag:$0x1] =	stream.linear.gather [hbm4b:s6+s2], $0x80, $0x38;
	[tilespmem:$0x1FB80] =	vst v63  }
0xf5: {  	s14 =	sadd.s32 $0x0, s18  }
0xf6: {  	[tilespmem:s21], [sflag:$0x1] =	stream.linear.gather [hbm4b:s14+s2], $0x80, $0x38;
	[tilespmem:$0x1FB80] =	vst v63  }
0xf7: {  	s15 =	sadd.s32 $0x100, s6  }
0xf8: {  	[tilespmem:s22], [sflag:$0x1] =	stream.linear.gather [hbm4b:s15+s2], $0x80, $0x38;
	[tilespmem:$0x1FB80] =	vst v63  }
0xf9: {  	s8 =	sadd.s32 $0x100, s14  }
0xfa: {  	[tilespmem:s23], [sflag:$0x1] =	stream.linear.gather [hbm4b:s8+s2], $0x80, $0x38;
	[tilespmem:$0x1FB80] =	vst v63  }
0xfb: {  	s6 =	sadd.s32 $0x200, s6  }
0xfc: {  	[tilespmem:s24], [sflag:$0x1] =	stream.linear.gather [hbm4b:s6+s2], $0x80, $0x38;
	[tilespmem:$0x1FB80] =	vst v63  }
0xfd: {  	s15 =	sadd.s32 $0x200, s14  }
0xfe: {  	[tilespmem:s25], [sflag:$0x1] =	stream.linear.gather [hbm4b:s15+s2], $0x80, $0x38;
	[tilespmem:$0x1FB80] =	vst v63  }
0xff: {  	_ =	swait.ge [sflag:s26], $0x80  }
0x100: {  	[sflag:s26] =	ssyncset.done $0x0  }
0x101: {  	[sflag:s26] =	ssyncadd.s32 $0xFFFFFF80  }
0x102: {  	_ =	swait.ge [sflag:s26], $0x80  }
0x103: {  	[sflag:s26] =	ssyncset.done $0x0  }
0x104: {  	[sflag:s26] =	ssyncadd.s32 $0xFFFFFF80  }
0x105: {  	_ =	swait.ge [sflag:s26], $0x80  }
0x106: {  	[sflag:s26] =	ssyncset.done $0x0  }
0x107: {  	[sflag:s26] =	ssyncadd.s32 $0xFFFFFF80  }
0x108: {  	_ =	swait.ge [sflag:s26], $0x80  }
0x109: {  	[sflag:s26] =	ssyncset.done $0x0  }
0x10a: {  	[sflag:s26] =	ssyncadd.s32 $0xFFFFFF80  }
0x10b: {  	_ =	swait.ge [sflag:s26], $0x80  }
0x10c: {  	[sflag:s26] =	ssyncset.done $0x0  }
0x10d: {  	[sflag:s26] =	ssyncadd.s32 $0xFFFFFF80  }
0x10e: {  	_ =	swait.ge [sflag:s26], $0x80  }
0x10f: {  	[sflag:s26] =	ssyncset.done $0x0  }
0x110: {  	[sflag:s26] =	ssyncadd.s32 $0xFFFFFF80  }
0x111: {  	[tilespmem:s28], [sflag:$0x2] =	stream.indirect.gather [hbm4b:s4+s22], $0x80, s2, s22, $0xb8;
	[tilespmem:$0x1FB80] =	vst v63  }
0x112: {  	_ = 	snop  }
0x113: {  	[tilespmem:s29], [sflag:$0x2] =	stream.indirect.gather [hbm4b:s4+s22], $0x80, s22, s22, $0xb8;
	[tilespmem:$0x1FB80] =	vst v63  }
0x114: {  	_ = 	snop  }
0x115: {  	[tilespmem:s30], [sflag:$0x2] =	stream.indirect.gather [hbm4b:s4+s22], $0x80, s24, s22, $0xb8;
	[tilespmem:$0x1FB80] =	vst v63  }
0x116: {  	_ =	swait.ge [sflag:s31], $0x4000  }
0x117: {  	[sflag:s31] =	ssyncset.done $0x0  }
0x118: {  	[sflag:s31] =	ssyncadd.s32 $0xFFFFC000  }
0x119: {  	_ =	swait.ge [sflag:s31], $0x4000  }
0x11a: {  	[sflag:s31] =	ssyncset.done $0x0  }
0x11b: {  	[sflag:s31] =	ssyncadd.s32 $0xFFFFC000  }
0x11c: {  	_ =	swait.ge [sflag:s31], $0x4000  }
0x11d: {  	[sflag:s31] =	ssyncset.done $0x0  }
0x11e: {  	[sflag:s31] =	ssyncadd.s32 $0xFFFFC000  }
0x11f: {  	[spmem:s1] =	stream.indirect.scatter.add.f32 [tilespmem:s28], [sflag:$0x3], $0x80, s21, s22, $0xb8;
	[tilespmem:$0x1FB80] =	vst v63  }
0x120: {  	_ = 	snop  }
0x121: {  	[spmem:s1] =	stream.indirect.scatter.add.f32 [tilespmem:s29], [sflag:$0x3], $0x80, s23, s22, $0xb8;
	[tilespmem:$0x1FB80] =	vst v63  }
0x122: {  	_ = 	snop  }
0x123: {  	[spmem:s1] =	stream.indirect.scatter.add.f32 [tilespmem:s30], [sflag:$0x3], $0x80, s25, s22, $0xb8;
	[tilespmem:$0x1FB80] =	vst v63  }
0x124: {  	_ =	swait.ge [sflag:s0], $0x4000  }
0x125: {  	[sflag:s0] =	ssyncset.done $0x0  }
0x126: {  	[sflag:s0] =	ssyncadd.s32 $0xFFFFC000  }
0x127: {  	_ =	swait.ge [sflag:s0], $0x4000  }
0x128: {  	[sflag:s0] =	ssyncset.done $0x0  }
0x129: {  	[sflag:s0] =	ssyncadd.s32 $0xFFFFC000  }
0x12a: {  	_ =	swait.ge [sflag:s0], $0x4000  }
0x12b: {  	s14 =	simm.s32 $0x300;
	s15 =	simm.s32 $0x600;
	[sflag:s0] =	ssyncset.done $0x0  }
.LBB2_3:
0x12c: {  	s7 =	sadd.s32 s14, s17  }
0x12d: {  	[sflag:s0] =	ssyncadd.s32 $0xFFFFC000;
	s8 =	smov.u32 s15;
	s6 =	sadd.s32 $0x300, s15  }
0x12e: {  	[tilespmem:s2], [sflag:$0x1] =	stream.linear.gather [hbm4b:s7+s2], $0x80, $0x38;
	[tilespmem:$0x1FB80] =	vst v63  }
0x12f: {  	p4 =	sne.s32 s15, $0x9900;
	s15 =	sadd.s32 s14, s18;
	s14 =	smov.u32 s8  }
0x130: {  	[tilespmem:s21], [sflag:$0x1] =	stream.linear.gather [hbm4b:s15+s2], $0x80, $0x38;
	[tilespmem:$0x1FB80] =	vst v63  }
0x131: {  	s8 =	sadd.s32 $0x100, s7  }
0x132: {  	[tilespmem:s22], [sflag:$0x1] =	stream.linear.gather [hbm4b:s8+s2], $0x80, $0x38;
	[tilespmem:$0x1FB80] =	vst v63  }
0x133: {  	s8 =	sadd.s32 $0x100, s15  }
0x134: {  	[tilespmem:s23], [sflag:$0x1] =	stream.linear.gather [hbm4b:s8+s2], $0x80, $0x38;
	[tilespmem:$0x1FB80] =	vst v63  }
0x135: {  	s7 =	sadd.s32 $0x200, s7  }
0x136: {  	[tilespmem:s24], [sflag:$0x1] =	stream.linear.gather [hbm4b:s7+s2], $0x80, $0x38;
	[tilespmem:$0x1FB80] =	vst v63  }
0x137: {  	s7 =	sadd.s32 $0x200, s15  }
0x138: {  	[tilespmem:s25], [sflag:$0x1] =	stream.linear.gather [hbm4b:s7+s2], $0x80, $0x38;
	[tilespmem:$0x1FB80] =	vst v63  }
0x139: {  	_ =	swait.ge [sflag:s26], $0x80  }
0x13a: {  	[sflag:s26] =	ssyncset.done $0x0  }
0x13b: {  	[sflag:s26] =	ssyncadd.s32 $0xFFFFFF80  }
0x13c: {  	_ =	swait.ge [sflag:s26], $0x80  }
0x13d: {  	[sflag:s26] =	ssyncset.done $0x0  }
0x13e: {  	[sflag:s26] =	ssyncadd.s32 $0xFFFFFF80  }
0x13f: {  	_ =	swait.ge [sflag:s26], $0x80  }
0x140: {  	[sflag:s26] =	ssyncset.done $0x0  }
0x141: {  	[sflag:s26] =	ssyncadd.s32 $0xFFFFFF80  }
0x142: {  	_ =	swait.ge [sflag:s26], $0x80  }
0x143: {  	[sflag:s26] =	ssyncset.done $0x0  }
0x144: {  	[sflag:s26] =	ssyncadd.s32 $0xFFFFFF80  }
0x145: {  	_ =	swait.ge [sflag:s26], $0x80  }
0x146: {  	[sflag:s26] =	ssyncset.done $0x0  }
0x147: {  	[sflag:s26] =	ssyncadd.s32 $0xFFFFFF80  }
0x148: {  	_ =	swait.ge [sflag:s26], $0x80  }
0x149: {  	[sflag:s26] =	ssyncset.done $0x0  }
0x14a: {  	[sflag:s26] =	ssyncadd.s32 $0xFFFFFF80  }
0x14b: {  	[tilespmem:s28], [sflag:$0x2] =	stream.indirect.gather [hbm4b:s4+s22], $0x80, s2, s22, $0xb8;
	[tilespmem:$0x1FB80] =	vst v63  }
0x14c: {  	_ = 	snop  }
0x14d: {  	[tilespmem:s29], [sflag:$0x2] =	stream.indirect.gather [hbm4b:s4+s22], $0x80, s22, s22, $0xb8;
	[tilespmem:$0x1FB80] =	vst v63  }
0x14e: {  	_ = 	snop  }
0x14f: {  	[tilespmem:s30], [sflag:$0x2] =	stream.indirect.gather [hbm4b:s4+s22], $0x80, s24, s22, $0xb8;
	[tilespmem:$0x1FB80] =	vst v63  }
0x150: {  	_ =	swait.ge [sflag:s31], $0x4000  }
0x151: {  	[sflag:s31] =	ssyncset.done $0x0  }
0x152: {  	[sflag:s31] =	ssyncadd.s32 $0xFFFFC000  }
0x153: {  	_ =	swait.ge [sflag:s31], $0x4000  }
0x154: {  	[sflag:s31] =	ssyncset.done $0x0  }
0x155: {  	[sflag:s31] =	ssyncadd.s32 $0xFFFFC000  }
0x156: {  	_ =	swait.ge [sflag:s31], $0x4000  }
0x157: {  	[sflag:s31] =	ssyncset.done $0x0  }
0x158: {  	[sflag:s31] =	ssyncadd.s32 $0xFFFFC000  }
0x159: {  	[spmem:s1] =	stream.indirect.scatter.add.f32 [tilespmem:s28], [sflag:$0x3], $0x80, s21, s22, $0xb8;
	[tilespmem:$0x1FB80] =	vst v63  }
0x15a: {  	_ = 	snop  }
0x15b: {  	[spmem:s1] =	stream.indirect.scatter.add.f32 [tilespmem:s29], [sflag:$0x3], $0x80, s23, s22, $0xb8;
	[tilespmem:$0x1FB80] =	vst v63  }
0x15c: {  	_ = 	snop  }
0x15d: {  	[spmem:s1] =	stream.indirect.scatter.add.f32 [tilespmem:s30], [sflag:$0x3], $0x80, s25, s22, $0xb8;
	[tilespmem:$0x1FB80] =	vst v63  }
0x15e: {  	_ =	swait.ge [sflag:s0], $0x4000  }
0x15f: {  	[sflag:s0] =	ssyncset.done $0x0  }
0x160: {  	[sflag:s0] =	ssyncadd.s32 $0xFFFFC000  }
.Ltmp6:
0x161: {  	_ =	swait.ge [sflag:s0], $0x4000;
	(pc) =	sbr.rel @p4 .LBB2_3-.Ltmp6, $4  }
0x162: {  	[sflag:s0] =	ssyncset.done $0x0  }
0x163: {  	[sflag:s0] =	ssyncadd.s32 $0xFFFFC000  }
0x164: {  	_ =	swait.ge [sflag:s0], $0x4000  }
0x165: {  	s15 =	smov.u32 s6;
	[sflag:s0] =	ssyncset.done $0x0  }
0x166: {  	s6 =	sadd.s32 s14, s17;
	[sflag:s0] =	ssyncadd.s32 $0xFFFFC000  }
0x167: {  	[tilespmem:s2], [sflag:$0x1] =	stream.linear.gather [hbm4b:s6+s2], $0x80, $0x38;
	[tilespmem:$0x1FB80] =	vst v63  }
0x168: {  	s7 =	sadd.s32 s14, s18  }
0x169: {  	[tilespmem:s21], [sflag:$0x1] =	stream.linear.gather [hbm4b:s7+s2], $0x80, $0x38;
	[tilespmem:$0x1FB80] =	vst v63  }
0x16a: {  	s8 =	sadd.s32 $0x100, s6  }
0x16b: {  	[tilespmem:s22], [sflag:$0x1] =	stream.linear.gather [hbm4b:s8+s2], $0x80, $0x38;
	[tilespmem:$0x1FB80] =	vst v63  }
0x16c: {  	s15 =	sadd.s32 $0x100, s7  }
0x16d: {  	[tilespmem:s23], [sflag:$0x1] =	stream.linear.gather [hbm4b:s15+s2], $0x80, $0x38;
	[tilespmem:$0x1FB80] =	vst v63  }
0x16e: {  	s6 =	sadd.s32 $0x200, s6  }
0x16f: {  	[tilespmem:s24], [sflag:$0x1] =	stream.linear.gather [hbm4b:s6+s2], $0x80, $0x38;
	[tilespmem:$0x1FB80] =	vst v63  }
0x170: {  	s14 =	sadd.s32 $0x200, s7  }
0x171: {  	[tilespmem:s25], [sflag:$0x1] =	stream.linear.gather [hbm4b:s14+s2], $0x80, $0x38;
	[tilespmem:$0x1FB80] =	vst v63  }
0x172: {  	_ =	swait.ge [sflag:s26], $0x80  }
0x173: {  	[sflag:s26] =	ssyncset.done $0x0  }
0x174: {  	[sflag:s26] =	ssyncadd.s32 $0xFFFFFF80  }
0x175: {  	_ =	swait.ge [sflag:s26], $0x80  }
0x176: {  	[sflag:s26] =	ssyncset.done $0x0  }
0x177: {  	[sflag:s26] =	ssyncadd.s32 $0xFFFFFF80  }
0x178: {  	_ =	swait.ge [sflag:s26], $0x80  }
0x179: {  	[sflag:s26] =	ssyncset.done $0x0  }
0x17a: {  	[sflag:s26] =	ssyncadd.s32 $0xFFFFFF80  }
0x17b: {  	_ =	swait.ge [sflag:s26], $0x80  }
0x17c: {  	[sflag:s26] =	ssyncset.done $0x0  }
0x17d: {  	[sflag:s26] =	ssyncadd.s32 $0xFFFFFF80  }
0x17e: {  	_ =	swait.ge [sflag:s26], $0x80  }
0x17f: {  	[sflag:s26] =	ssyncset.done $0x0  }
0x180: {  	[sflag:s26] =	ssyncadd.s32 $0xFFFFFF80  }
0x181: {  	_ =	swait.ge [sflag:s26], $0x80  }
0x182: {  	[sflag:s26] =	ssyncset.done $0x0  }
0x183: {  	[sflag:s26] =	ssyncadd.s32 $0xFFFFFF80  }
0x184: {  	[tilespmem:s28], [sflag:$0x2] =	stream.indirect.gather [hbm4b:s4+s22], $0x80, s2, s22, $0xb8;
	[tilespmem:$0x1FB80] =	vst v63  }
0x185: {  	_ = 	snop  }
0x186: {  	[tilespmem:s29], [sflag:$0x2] =	stream.indirect.gather [hbm4b:s4+s22], $0x80, s22, s22, $0xb8;
	[tilespmem:$0x1FB80] =	vst v63  }
0x187: {  	_ = 	snop  }
0x188: {  	[tilespmem:s30], [sflag:$0x2] =	stream.indirect.gather [hbm4b:s4+s22], $0x80, s24, s22, $0xb8;
	[tilespmem:$0x1FB80] =	vst v63  }
0x189: {  	_ =	swait.ge [sflag:s31], $0x4000  }
0x18a: {  	[sflag:s31] =	ssyncset.done $0x0  }
0x18b: {  	[sflag:s31] =	ssyncadd.s32 $0xFFFFC000  }
0x18c: {  	_ =	swait.ge [sflag:s31], $0x4000  }
0x18d: {  	[sflag:s31] =	ssyncset.done $0x0  }
0x18e: {  	[sflag:s31] =	ssyncadd.s32 $0xFFFFC000  }
0x18f: {  	_ =	swait.ge [sflag:s31], $0x4000  }
0x190: {  	[sflag:s31] =	ssyncset.done $0x0  }
0x191: {  	[sflag:s31] =	ssyncadd.s32 $0xFFFFC000  }
0x192: {  	[spmem:s1] =	stream.indirect.scatter.add.f32 [tilespmem:s28], [sflag:$0x3], $0x80, s21, s22, $0xb8;
	[tilespmem:$0x1FB80] =	vst v63  }
0x193: {  	_ = 	snop  }
0x194: {  	[spmem:s1] =	stream.indirect.scatter.add.f32 [tilespmem:s29], [sflag:$0x3], $0x80, s23, s22, $0xb8;
	[tilespmem:$0x1FB80] =	vst v63  }
0x195: {  	_ = 	snop  }
0x196: {  	[spmem:s1] =	stream.indirect.scatter.add.f32 [tilespmem:s30], [sflag:$0x3], $0x80, s25, s22, $0xb8;
	[tilespmem:$0x1FB80] =	vst v63  }
0x197: {  	_ =	swait.ge [sflag:s0], $0x4000  }
0x198: {  	[sflag:s0] =	ssyncset.done $0x0  }
0x199: {  	[sflag:s0] =	ssyncadd.s32 $0xFFFFC000  }
0x19a: {  	_ =	swait.ge [sflag:s0], $0x4000  }
0x19b: {  	[sflag:s0] =	ssyncset.done $0x0  }
0x19c: {  	[sflag:s0] =	ssyncadd.s32 $0xFFFFC000  }
0x19d: {  	_ =	swait.ge [sflag:s0], $0x4000  }
0x19e: {  	[sflag:s0] =	ssyncset.done $0x0  }
0x19f: {  	s7 =	simm.s32 @!p2 $0x4;
	s6 =	simm.s32 @!p2 $0x0;
	[sflag:s0] =	ssyncadd.s32 $0xFFFFC000  }
0x1a0: {  	[tilespmem:s6], [sflag:$0x4] =	stream.linear.gather @!p2 [hbm4b:s12+s6], $0x80, $0x38;
	[tilespmem:$0x1FB80] =	vst v63  }
0x1a1: {  	_ =	swait.ge @!p2 [sflag:s7], $0x80  }
0x1a2: {  	[sflag:s7] =	ssyncset.done @!p2 $0x0  }
0x1a3: {  	s8 =	simm.s32 @!p2 $0x180;
	[sflag:s7] =	ssyncadd.s32 @!p2 $0xFFFFFF80  }
0x1a4: {  	[tilespmem:s8], [sflag:$0x4] =	stream.linear.gather @!p2 [hbm4b:s13+s6], $0x80, $0x38;
	[tilespmem:$0x1FB80] =	vst v63  }
0x1a5: {  	_ =	swait.ge @!p2 [sflag:s7], $0x80  }
0x1a6: {  	[sflag:s7] =	ssyncset.done @!p2 $0x0  }
0x1a7: {  	s15 =	simm.s32 @!p2 $0x300;
	s14 =	simm.s32 @!p2 $0x80;
	[sflag:s7] =	ssyncadd.s32 @!p2 $0xFFFFFF80  }
0x1a8: {  	[tilespmem:s15], [sflag:$0x2] =	stream.indirect.gather @!p2 [hbm4b:s4+s14], $0x80, s6, s14, $0xb8;
	[tilespmem:$0x1FB80] =	vst v63  }
0x1a9: {  	s6 =	simm.s32 @!p2 $0x2  }
0x1aa: {  	_ =	swait.ge @!p2 [sflag:s6], $0x4000  }
0x1ab: {  	[sflag:s6] =	ssyncset.done @!p2 $0x0  }
0x1ac: {  	[sflag:s6] =	ssyncadd.s32 @!p2 $0xFFFFC000  }
0x1ad: {  	[spmem:s1] =	stream.indirect.scatter.add.f32 @!p2 [tilespmem:s15], [sflag:$0x4], $0x80, s8, s14, $0xb8;
	[tilespmem:$0x1FB80] =	vst v63  }
0x1ae: {  	_ =	swait.ge @!p2 [sflag:s7], $0x4000  }
0x1af: {  	[sflag:s7] =	ssyncset.done @!p2 $0x0  }
0x1b0: {  	[sflag:s7] =	ssyncadd.s32 @!p2 $0xFFFFC000  }
0x1b1: {  	[bflag:$0x0] =	sbarrier.arrive $0xFFFF  }
0x1b2: {  	s15 =	rddreg [dreg:$0x9]  }
0x1b3: {  	[hbm:s15], [sflag:s9] =	dma.local [spmem:s19], $0x2700  }
.Ltmp7:
0x1b4: {  	_ = 	snop;
	(pc) =	sbr.rel @p3 .LBB2_8-.Ltmp7, $4  }
.Ltmp8:
0x1b5: {  	_ = 	snop;
	(pc) =	sbr.rel @!p3 .LBB2_9-.Ltmp8, $4  }
0x1b6: {  	_ =	swait.ge [sflag:s20], $0x2700  }
0x1b7: {  	[sflag:s20] =	ssyncset.done $0x0  }
0x1b8: {  	s6 =	rddreg [dreg:$0x6];
	[sflag:s20] =	ssyncadd.s32 $0xFFFFD900  }
0x1b9: {  	_ = 	snop  }
.LBB2_10:
0x1ba: {  	_ =	sfence.sel $0x180000  }
0x1bb: {  	[bflag:$0x0] =	sbarrier.arrive $0xFFFF  }
0x1bc: {  	_ =	strace $0x9000004A  }
0x1bd: {  	s0 =	stileid.u32;
	[bflag:$0x2] =	sbarrier.arrive $0xFFFF  }
0x1be: {  	p0 =	sne.s32 s0, $0x0;
	s0 =	rddreg [dreg:$0x5]  }
0x1bf: {  	s0 =	sadd.s32 @!p0 $0x100000, s0  }
0x1c0: {  	[sflag:s0] =	ssyncadd.tile.s32 @!p0 $0x1;
	_ =	shalt  }
.Lfunc_end2:
_tile_overlayer_lowered:
.L_overlay_start_2:
0x1c1: {  	(tag) =	ssettag $0x2  }
0x1c2: {  	s0 =	rddreg [dreg:$0x0];
	s2 =	stileid.u32  }
0x1c3: {  	s1 =	rddreg [dreg:$0x1];
	p0 =	sne.s32 s2, $0x0  }
0x1c4: {  	s3 =	rddreg [dreg:$0x2];
	[bflag:$0x3] =	sbarrier.arrive $0xFFFF;
	s2 =	simm.s32 @!p0 $0x1C04  }
0x1c5: {  	[timem:s3], [sflag:s2] =	dma.local @!p0 [hbm:s0], s1  }
0x1c6: {  	s0 =	simm.s32 @!p0 $0x4  }
0x1c7: {  	_ =	swait.ge @!p0 [sflag:s0], s1  }
0x1c8: {  	s1 =	ssub.s32 @!p0 $0x0, s1;
	[sflag:s0] =	ssyncset.done @!p0 $0x0  }
0x1c9: {  	[sflag:s0] =	ssyncadd.s32 @!p0 s1  }
0x1ca: {  	[bflag:$0x3] =	sbarrier.arrive $0xFFFF  }
0x1cb: {  	_ =	shalt  }

// kernel: kernel.14.cloned.1.call-start
scs
__scs_entry_jumppad:
0x0: {  	(pc) =	sbr.rel $0x88, $3  }
0x1: {  	(tag) =	ssettag $0x0;
	lr =	simm.s32 $0x1  }
0x2: {  	[smem:$0x3F8D] =	sst lr;
	_ =	strace $0xD0000000  }
0x3: {  	_ = 	snop  }
0x4: {  	_ = 	snop  }
0x5: {  	_ = 	snop  }
0x6: {  	_ = 	snop  }
0x7: {  	_ = 	snop  }
__scs_overlays_trampoline_lowered:
0x8: {  	[smem:$0x3F9C] =	sst s0  }
0x9: {  	[smem:$0x3F9D] =	sst s1  }
0xa: {  	[smem:$0x3F9E] =	sst s2  }
0xb: {  	[smem:$0x3F9F] =	sst s3  }
0xc: {  	[smem:$0x3FA0] =	sst s4  }
0xd: {  	[smem:$0x3FA1] =	sst s5  }
0xe: {  	[smem:$0x3FA2] =	sst s6  }
0xf: {  	[smem:$0x3FA3] =	sst s7  }
0x10: {  	[smem:$0x3FA4] =	sst s8  }
0x11: {  	[smem:$0x3FA5] =	sst s9;
	s0 =	simm.s32 @!p0 $0x0  }
0x12: {  	s1 =	sld [smem:$0x3F8B];
	s0 =	simm.s32 @p0 $0x1  }
0x13: {  	[smem:$0x3FA6] =	sst s0;
	s0 =	simm.s32 @!p1 $0x0  }
0x14: {  	s2 =	sld [smem:$0x3F8A];
	s0 =	simm.s32 @p1 $0x1  }
0x15: {  	[smem:$0x3FA7] =	sst s0;
	s0 =	simm.s32 @!p2 $0x0  }
0x16: {  	s3 =	sld [smem:$0x3FDB];
	s0 =	simm.s32 @p2 $0x1  }
0x17: {  	s4 =	simm.s32 $0x1BF5;
	[smem:$0x3FA9] =	sst s0  }
0x18: {  	s0 =	sld [smem:$0x3F8C];
	_ =	swait.ge [sflag:s4], $0x0  }
0x19: {  	s7 =	sld [smem:$0x3F8D]  }
0x1a: {  	s8 =	sadd.s32 $0xFFFFE003, lr  }
0x1b: {  	s9 =	sadd.s32 $0xFFFFFEF7, lr;
	s5 =	simm.s32 $0xFFFFFFFF;
	p2 =	slt.u32 s8, $0xFFFFF086  }
0x1c: {  	p1 =	slt.u32 s9, $0xF7A;
	s5 =	simm.s32 @!p2 $0x0  }
0x1d: {  	s5 =	simm.s32 @p1 $0x1;
	p0 =	seq.s32 s7, s2  }
0x1e: {  	s7 =	smul.u32 @!p0 $0xF7A, s2;
	p2 =	seq.s32 @!p0 s5, $0x0  }
0x1f: {  	s9 =	smul.u32 $0xF7A, s1;
	s8 =	simm.s32 @!p0 $0x1BF5;
	p2 =	por !p2, p0  }
0x20: {  	[sflag:s8] =	ssyncset.s32 @!p0 $0xFFFFF086;
	s6 =	sadd.s32 @!p0 s3, s7;
	s7 =	simm.s32 @!p0 $0x108  }
0x21: {  	s3 =	sadd.s32 s3, s9;
	s6 =	sadd.s32 @!p0 $0x88, s6;
	s7 =	simm.s32 @p2 $0x1082  }
0x22: {  	[simem:s7], [sflag:s8] =	dma.local @!p0 [hbm:s6], $0xF7A  }
0x23: {  	s9 =	sor.u32 $0xD0000000, s2;
	s6 =	simm.s32 $0x108;
	_ =	swait.ge @!p0 [sflag:s8], $0x0  }
0x24: {  	s3 =	sadd.s32 $0x88, s3;
	s6 =	simm.s32 @!p1 $0x1082;
	[sflag:s4] =	ssyncset.s32 $0xFFFFF086  }
0x25: {  	[simem:s6], [sflag:s4] =	dma.local [hbm:s3], $0xF7A  }
0x26: {  	[smem:$0x3F8D] =	sst s1;
	(tag) =	ssettag s2;
	_ =	strace s9  }
0x27: {  	s1 =	sld [smem:$0x3F9D]  }
0x28: {  	s2 =	sld [smem:$0x3F9E]  }
0x29: {  	s4 =	sld [smem:$0x3FA0]  }
0x2a: {  	p0 =	seq.s32 s5, $0x0;
	s5 =	sld [smem:$0x3FA1]  }
0x2b: {  	s6 =	sld [smem:$0x3FA2]  }
0x2c: {  	s7 =	sld [smem:$0x3FA3]  }
0x2d: {  	s3 =	simm.s32 $0x108;
	s8 =	sld [smem:$0x3FA4]  }
0x2e: {  	s3 =	simm.s32 @!p0 $0x1082;
	s9 =	sld [smem:$0x3FA5]  }
0x2f: {  	lr =	sadd.s32 s0, s3;
	s0 =	sld [smem:$0x3F9C]  }
0x30: {  	s3 =	sld [smem:$0x3F9F]  }
0x31: {  	[smem:$0x3FA8] =	sst s10  }
0x32: {  	s10 =	sld [smem:$0x3FA6];
	_ =	sdelay $0x3  }
0x33: {  	p0 =	seq.s32 s10, $0x1;
	s10 =	sld [smem:$0x3FA8];
	_ =	sdelay $0x3  }
0x34: {  	[smem:$0x3FA8] =	sst s10  }
0x35: {  	s10 =	sld [smem:$0x3FA7];
	_ =	sdelay $0x3  }
0x36: {  	p1 =	seq.s32 s10, $0x1;
	s10 =	sld [smem:$0x3FA8];
	_ =	sdelay $0x3  }
0x37: {  	[smem:$0x3FA8] =	sst s10  }
0x38: {  	s10 =	sld [smem:$0x3FA9]  }
0x39: {  	_ = 	snop;
	(pc) =	sbr.ind lr, $3  }
0x3a: {  	_ = 	snop  }
0x3b: {  	_ = 	snop  }
0x3c: {  	p2 =	seq.s32 s10, $0x1;
	s10 =	sld [smem:$0x3FA8]  }
0x3d: {  	_ =	shalt  }
0x3e: {  	_ =	shalt  }
0x3f: {  	_ =	shalt  }
0x40: {  	_ =	shalt  }
0x41: {  	_ =	shalt  }
0x42: {  	_ =	shalt  }
0x43: {  	_ =	shalt  }
0x44: {  	_ =	shalt  }
0x45: {  	_ =	shalt  }
0x46: {  	_ =	shalt  }
0x47: {  	_ =	shalt  }
0x48: {  	_ =	shalt  }
0x49: {  	_ =	shalt  }
0x4a: {  	_ =	shalt  }
0x4b: {  	_ =	shalt  }
0x4c: {  	_ =	shalt  }
0x4d: {  	_ =	shalt  }
0x4e: {  	_ =	shalt  }
0x4f: {  	_ =	shalt  }
0x50: {  	_ =	shalt  }
0x51: {  	_ =	shalt  }
0x52: {  	_ =	shalt  }
0x53: {  	_ =	shalt  }
0x54: {  	_ =	shalt  }
0x55: {  	_ =	shalt  }
0x56: {  	_ =	shalt  }
0x57: {  	_ =	shalt  }
0x58: {  	_ =	shalt  }
0x59: {  	_ =	shalt  }
0x5a: {  	_ =	shalt  }
0x5b: {  	_ =	shalt  }
0x5c: {  	_ =	shalt  }
0x5d: {  	_ =	shalt  }
0x5e: {  	_ =	shalt  }
0x5f: {  	_ =	shalt  }
0x60: {  	_ =	shalt  }
0x61: {  	_ =	shalt  }
0x62: {  	_ =	shalt  }
0x63: {  	_ =	shalt  }
0x64: {  	_ =	shalt  }
0x65: {  	_ =	shalt  }
0x66: {  	_ =	shalt  }
0x67: {  	_ =	shalt  }
0x68: {  	_ =	shalt  }
0x69: {  	_ =	shalt  }
0x6a: {  	_ =	shalt  }
0x6b: {  	_ =	shalt  }
0x6c: {  	_ =	shalt  }
0x6d: {  	_ =	shalt  }
0x6e: {  	_ =	shalt  }
0x6f: {  	_ =	shalt  }
0x70: {  	_ =	shalt  }
0x71: {  	_ =	shalt  }
0x72: {  	_ =	shalt  }
0x73: {  	_ =	shalt  }
0x74: {  	_ =	shalt  }
0x75: {  	_ =	shalt  }
0x76: {  	_ =	shalt  }
0x77: {  	_ =	shalt  }
0x78: {  	_ =	shalt  }
0x79: {  	_ =	shalt  }
0x7a: {  	_ =	shalt  }
0x7b: {  	_ =	shalt  }
0x7c: {  	_ =	shalt  }
0x7d: {  	_ =	shalt  }
0x7e: {  	_ =	shalt  }
0x7f: {  	_ =	shalt  }
0x80: {  	_ =	shalt  }
0x81: {  	_ =	shalt  }
0x82: {  	_ =	shalt  }
0x83: {  	_ =	shalt  }
0x84: {  	_ =	shalt  }
0x85: {  	_ =	shalt  }
0x86: {  	_ =	shalt  }
0x87: {  	_ =	shalt  }
.Lfunc_end0:
.L_simem_size_0:
called_computation.2_lowered:
.L_overlay_start_0:
0x88: {  	s2 =	sld [smem:$0x3FD9]  }
0x89: {  	s3 =	sld [smem:$0x3FFE];
	_ =	sdelay $0x1  }
0x8a: {  	s1 =	srdreg.scid  }
0x8b: {  	s0 =	sand.u32 $0x1, s1  }
0x8c: {  	s14 =	sshll.u32 s0, $0xA;
	s2 =	sadd.s32 s3, s2  }
0x8d: {  	s2 =	sadd.s32 s2, s14  }
0x8e: {  	[smem:$0x3FB4] =	sst s2  }
0x8f: {  	_ = 	snop  }
0x90: {  	s2 =	sld [smem:$0x3FD0];
	_ =	sdelay $0x2  }
0x91: {  	s15 =	simm.s32 $0xA;
	s4 =	simm.s32 $0x10  }
0x92: {  	[smem:s4], [sflag:s15] =	dma.local [hbm:s2], $0x1  }
0x93: {  	_ =	swait.eq [sflag:s15], $0x1  }
0x94: {  	[sflag:s15] =	ssyncset.done $0x0  }
0x95: {  	s16 =	sld [smem:$0x10];
	[sflag:s15] =	ssyncadd.s32 $0xFFFFFFFF  }
0x96: {  	s17 =	sld [smem:$0x13];
	(tm) =	ssettm $0x1  }
0x97: {  	s18 =	sld [smem:$0x3FFB];
	_ =	sdelay $0x3  }
0x98: {  	_ =	strace s18  }
0x99: {  	s4 =	sld [smem:$0x3FFC];
	_ =	sdelay $0x3  }
0x9a: {  	_ =	strace s4  }
0x9b: {  	s4 =	sld [smem:$0x3FFD];
	_ =	sdelay $0x3  }
0x9c: {  	_ =	strace s4  }
0x9d: {  	_ =	strace $0x8FFFFFFF  }
0x9e: {  	s19 =	sld [smem:$0x3FDB];
	_ =	sdelay $0x1  }
0x9f: {  	s5 =	simm.s32 $_scs_section_size  }
0xa0: {  	s6 =	simm.s32 $_size__tile_overlayer_lowered;
	s7 =	simm.s32 $_tile_overlayer_lowered  }
0xa1: {  	s22 =	simm.s32 $0x1BFF;
	s21 =	sshll.u32 s7, $0x1;
	s4 =	sadd.s32 s5, s19  }
0xa2: {  	s8 =	simm.s32 $0x0;
	s20 =	sshll.u32 s6, $0x1;
	s6 =	sadd.s32 s21, s4  }
0xa3: {  	[timem:s8], [sflag:s22] =	dma.local [hbm:s6], s20  }
0xa4: {  	_ =	swait.ge [sflag:s22], s20  }
0xa5: {  	s5 =	ssub.s32 $0x0, s20;
	[sflag:s22] =	ssyncset.done $0x0  }
0xa6: {  	[sflag:s22] =	ssyncadd.s32 s5;
	_ =	sdelay $0x1  }
0xa7: {  	s23 =	simm.s32 $0x1B8B  }
0xa8: {  	_ =	swait.ge [sflag:s23], $0x1  }
0xa9: {  	[sflag:s23] =	ssyncset.done $0x0  }
0xaa: {  	s25 =	simm.s32 $0x1B8E;
	s24 =	sld [smem:$0x3FFE];
	[sflag:s23] =	ssyncadd.s32 $0xFFFFFFFF  }
0xab: {  	s26 =	simm.s32 $execute0_lowered;
	[smem:$0x3FD2] =	sst s25  }
0xac: {  	s6 =	sshll.u32 s26, $0x1;
	_ =	strace $0x8000004C;
	[dreg:$0x1] =	wrdreg $0xFFFFFFFF  }
0xad: {  	s28 =	simm.s32 $_size_execute0_lowered;
	s4 =	sadd.s32 s4, s6;
	[dreg:$0x0] =	wrdreg $0x0  }
0xae: {  	s6 =	sshll.u32 s28, $0x1;
	[dreg:$0x2] =	wrdreg s4  }
0xaf: {  	[dreg:$0x3] =	wrdreg s6  }
0xb0: {  	[dreg:$0x4] =	wrdreg $0xC0  }
0xb1: {  	_ =	task [dreg:s8], $0x5FFFF  }
0xb2: {  	[dreg:$0x1] =	wrdreg $0xFFFFFFFF  }
0xb3: {  	[dreg:$0x0] =	wrdreg $0x60  }
0xb4: {  	[dreg:$0x2] =	wrdreg s17  }
0xb5: {  	[dreg:$0x3] =	wrdreg s24  }
0xb6: {  	[dreg:$0x4] =	wrdreg s16  }
0xb7: {  	[dreg:$0x5] =	wrdreg $0x9  }
0xb8: {  	_ =	task.clear_ibuf [dreg:s8], $0x6FFFF;
	_ =	strace $0x9000004C  }
0xb9: {  	s29 =	simm.s32 $0x9;
	_ =	strace $0x8000004E  }
0xba: {  	_ =	swait.ge [sflag:s29], $0x1  }
0xbb: {  	[sflag:s29] =	ssyncadd.s32 $0xFFFFFFFF  }
0xbc: {  	_ =	strace $0x9000004E  }
0xbd: {  	_ =	sfence  }
0xbe: {  	s30 =	sld [smem:$0x0];
	_ =	sdelay $0x2  }
0xbf: {  	s31 =	sshll.u32 s1, $0xD;
	s1 =	sshrl.u32 s1, $0x2  }
0xc0: {  	s3 =	sand.u32 $0x4000, s31;
	s1 =	sadd.s32 s1, s30  }
0xc1: {  	s0 =	sor.u32 s3, s0;
	s1 =	sshll.u32 s1, $0x11  }
0xc2: {  	s0 =	sor.u32 s1, s0  }
0xc3: {  	s0 =	sadd.s32 $0x8F2B, s0  }
0xc4: {  	[sflag:s0] =	ssyncadd.remote.s32 $0x1  }
0xc5: {  	_ =	sfence.sel $0xFFFF  }
0xc6: {  	[dreg:$0x0] =	wrdreg $0xFFFFFFFF;
	(pc) =	sbr.abs _section_cstart, $3  }
0xc7: {  	[dreg:$0x1] =	wrdreg $0xFFFFFFFF  }
0xc8: {  	_ =	task.clear_ibuf [dreg:s8], $0x2FFFF;
	_ =	strace $0x9FFFFFFF  }
0xc9: {  	(tm) =	ssettm $0x7FFFFFFF  }
tec
execute0_lowered:
.L_overlay_start_1:
0x0: {  	(tag) =	ssettag $0x1  }
0x1: {  	s1 =	rddreg [dreg:$0x0]  }
0x2: {  	s0 =	rddreg [dreg:$0x1]  }
0x3: {  	s3 =	rddreg [dreg:$0x2];
	s2 =	simm.s32 $0x0  }
0x4: {  	s4 =	srdreg.scid;
	s24 =	stileid.u32;
	s17 =	simm.s32 $0x80  }
0x5: {  	s18 =	simm.s32 $0x100;
	s28 =	simm.s32 $0x10300;
	s29 =	simm.s32 $0x14300  }
0x6: {  	s30 =	simm.s32 $0x2;
	[smem:$0x7FF] =	sst s2;
	s5 =	sadd.s32 $0x13CA00, s0  }
0x7: {  	s31 =	simm.s32 $0x3;
	s13 =	sadd.s32 $0x13FC00, s0;
	s14 =	sadd.s32 $0x2C6600, s0  }
0x8: {  	s4 =	sand.u32 $0x1, s4;
	s20 =	sadd.s32 $0x13FAD0, s0;
	s22 =	sadd.s32 $0x2C6400, s0  }
0x9: {  	s8 =	sshll.u32 s24, $0x7;
	s9 =	sadd.s32 $0x44CE00, s0;
	s26 =	sshll.u32 s24, $0xB  }
0xa: {  	s16 =	sshll.u32 s24, $0x4;
	p1 =	sgt.u32 s24, $0xC;
	s0 =	simm.s32 $0x0  }
0xb: {  	_ =	strace $0x8000004D;
	s6 =	ssub.s32 $0x2, s4;
	[dreg:$0x4] =	wrdreg s20  }
0xc: {  	s19 =	sor.u32 $0x18000, s8;
	p0 =	seq.s32 s4, $0x1;
	[dreg:$0x5] =	wrdreg s22  }
0xd: {  	s8 =	sadd.s32 $0x30D0, s3;
	s4 =	sadd.s32 s16, s5;
	s15 =	sadd.s32 s26, s14  }
0xe: {  	s16 =	sadd.s32 s16, s3;
	s20 =	simm.s32 $0x200;
	s22 =	simm.s32 $0x1  }
0xf: {  	p2 =	sne.s32 @p1 s24, $0xD;
	s24 =	simm.s32 $0x4300;
	s7 =	sshrl.u32 s6, $0x1  }
0x10: {  	s21 =	sshrl.u32 s19, $0x3;
	s11 =	sshll.u32 s19, $0x4;
	s19 =	simm.s32 $0x180  }
.Ltmp0:
0x11: {  	p2 =	por p2, !p1;
	s12 =	ssub.s32 s6, s7;
	(pc) =	sbr.rel .LBB2_1-.Ltmp0, $4  }
0x12: {  	s23 =	sadd.s32 s5, s21;
	s25 =	sadd.s32 s13, s11;
	s10 =	sadd.s32 s3, s21  }
0x13: {  	s11 =	sadd.s32 s14, s11;
	s13 =	sadd.s32 s26, s13;
	[dreg:$0x6] =	wrdreg s23  }
0x14: {  	s21 =	simm.s32 $0x280;
	s26 =	simm.s32 $0xC300;
	[dreg:$0x7] =	wrdreg s25  }
0x15: {  	s12 =	smax.u32 s12, $0x1;
	s23 =	simm.s32 $0x300;
	s25 =	simm.s32 $0x8300  }
.LBB2_7:
0x16: {  	[sflag:s31] =	ssyncadd.s32 $0xFFFFC000  }
0x17: {  	s3 =	simm.s32 @!p2 $0x0;
	s5 =	simm.s32 @!p2 $0x18300;
	s6 =	simm.s32 @!p2 $0x4  }
0x18: {  	[tilespmem:s5], [sflag:$0x4] =	stream.linear.gather @!p2 [hbm4b:s8+s3], $0x20, $0x38;
	[tilespmem:$0x19380] =	vst v63  }
0x19: {  	_ =	swait.ge @!p2 [sflag:s6], $0x20  }
0x1a: {  	[sflag:s6] =	ssyncset.done @!p2 $0x0  }
0x1b: {  	s7 =	simm.s32 @!p2 $0x20;
	s14 =	simm.s32 @!p2 $0x18380;
	[sflag:s6] =	ssyncadd.s32 @!p2 $0xFFFFFFE0  }
0x1c: {  	[tilespmem:s14], [sflag:$0x2] =	stream.indirect.gather @!p2 [hbm4b:s1+s7], $0x80, s5, s7, $0xb8;
	[tilespmem:$0x19380] =	vst v63  }
0x1d: {  	s5 =	simm.s32 @!p2 $0x2  }
0x1e: {  	_ =	swait.ge @!p2 [sflag:s5], $0x1000  }
0x1f: {  	[sflag:s5] =	ssyncset.done @!p2 $0x0  }
0x20: {  	[sflag:s5] =	ssyncadd.s32 @!p2 $0xFFFFF000  }
0x21: {  	[hbm4b:s9+s3] =	stream.linear.scatter @!p2 [tilespmem:s14], [sflag:$0x4], $0x1000, $0x38;
	[tilespmem:$0x19380] =	vst v63  }
0x22: {  	_ =	swait.ge @!p2 [sflag:s6], $0x1000  }
0x23: {  	[sflag:s6] =	ssyncset.done @!p2 $0x0  }
0x24: {  	s5 =	simm.s32 @!p1 $0x4;
	s3 =	simm.s32 @!p1 $0x0;
	[sflag:s6] =	ssyncadd.s32 @!p2 $0xFFFFF000  }
0x25: {  	[tilespmem:s3], [sflag:$0x4] =	stream.linear.gather @!p1 [hbm4b:s10+s3], $0x80, $0x38;
	[tilespmem:$0x19380] =	vst v63  }
0x26: {  	_ =	swait.ge @!p1 [sflag:s5], $0x80  }
0x27: {  	[sflag:s5] =	ssyncset.done @!p1 $0x0  }
0x28: {  	s7 =	simm.s32 @!p1 $0x300;
	s6 =	simm.s32 @!p1 $0x80;
	[sflag:s5] =	ssyncadd.s32 @!p1 $0xFFFFFF80  }
0x29: {  	[tilespmem:s7], [sflag:$0x2] =	stream.indirect.gather @!p1 [hbm4b:s1+s6], $0x80, s3, s6, $0xb8;
	[tilespmem:$0x19380] =	vst v63  }
0x2a: {  	s6 =	simm.s32 @!p1 $0x2  }
0x2b: {  	_ =	swait.ge @!p1 [sflag:s6], $0x4000  }
0x2c: {  	[sflag:s6] =	ssyncset.done @!p1 $0x0  }
0x2d: {  	[sflag:s6] =	ssyncadd.s32 @!p1 $0xFFFFC000  }
0x2e: {  	[hbm4b:s11+s3] =	stream.linear.scatter @!p1 [tilespmem:s7], [sflag:$0x4], $0x4000, $0x38;
	[tilespmem:$0x19380] =	vst v63  }
0x2f: {  	_ =	swait.ge @!p1 [sflag:s5], $0x4000  }
0x30: {  	[sflag:s5] =	ssyncset.done @!p1 $0x0  }
0x31: {  	[sflag:s5] =	ssyncadd.s32 @!p1 $0xFFFFC000  }
.LBB2_8:
0x32: {  	s0 =	sadd.s32 $0x1, s0  }
0x33: {  	p3 =	sne.s32 s0, s12  }
.Ltmp1:
0x34: {  	_ = 	snop;
	(pc) =	sbr.rel @!p3 .LBB2_9-.Ltmp1, $1  }
0x35: {  	_ =	sdelay $0x3  }
.LBB2_1:
.Ltmp2:
0x36: {  	(pc) =	sbr.rel @!p0 .LBB2_2-.Ltmp2, $1  }
0x37: {  	_ =	sdelay $0x3  }
0x38: {  	[tilespmem:s2], [sflag:$0x1] =	stream.linear.gather [hbm4b:s16+s2], $0x80, $0x38;
	[tilespmem:$0x19380] =	vst v63  }
0x39: {  	s3 =	sadd.s32 $0x100, s16  }
0x3a: {  	[tilespmem:s17], [sflag:$0x1] =	stream.linear.gather [hbm4b:s3+s2], $0x80, $0x38;
	[tilespmem:$0x19380] =	vst v63  }
0x3b: {  	s6 =	sadd.s32 $0x200, s16  }
0x3c: {  	[tilespmem:s18], [sflag:$0x1] =	stream.linear.gather [hbm4b:s6+s2], $0x80, $0x38;
	[tilespmem:$0x19380] =	vst v63  }
0x3d: {  	s7 =	sadd.s32 $0x300, s16  }
0x3e: {  	[tilespmem:s19], [sflag:$0x1] =	stream.linear.gather [hbm4b:s7+s2], $0x80, $0x38;
	[tilespmem:$0x19380] =	vst v63  }
0x3f: {  	s14 =	sadd.s32 $0x400, s16  }
0x40: {  	[tilespmem:s20], [sflag:$0x1] =	stream.linear.gather [hbm4b:s14+s2], $0x80, $0x38;
	[tilespmem:$0x19380] =	vst v63  }
0x41: {  	s5 =	sadd.s32 $0x500, s16  }
0x42: {  	[tilespmem:s21], [sflag:$0x1] =	stream.linear.gather [hbm4b:s5+s2], $0x80, $0x38;
	[tilespmem:$0x19380] =	vst v63  }
0x43: {  	_ =	swait.ge [sflag:s22], $0x80  }
0x44: {  	[sflag:s22] =	ssyncset.done $0x0  }
0x45: {  	[sflag:s22] =	ssyncadd.s32 $0xFFFFFF80  }
0x46: {  	_ =	swait.ge [sflag:s22], $0x80  }
0x47: {  	[sflag:s22] =	ssyncset.done $0x0  }
0x48: {  	[sflag:s22] =	ssyncadd.s32 $0xFFFFFF80  }
0x49: {  	_ =	swait.ge [sflag:s22], $0x80  }
0x4a: {  	[sflag:s22] =	ssyncset.done $0x0  }
0x4b: {  	[sflag:s22] =	ssyncadd.s32 $0xFFFFFF80  }
0x4c: {  	_ =	swait.ge [sflag:s22], $0x80  }
0x4d: {  	[sflag:s22] =	ssyncset.done $0x0  }
0x4e: {  	[sflag:s22] =	ssyncadd.s32 $0xFFFFFF80  }
0x4f: {  	_ =	swait.ge [sflag:s22], $0x80  }
0x50: {  	[sflag:s22] =	ssyncset.done $0x0  }
0x51: {  	[sflag:s22] =	ssyncadd.s32 $0xFFFFFF80  }
0x52: {  	_ =	swait.ge [sflag:s22], $0x80  }
0x53: {  	[sflag:s22] =	ssyncset.done $0x0  }
0x54: {  	[sflag:s22] =	ssyncadd.s32 $0xFFFFFF80  }
0x55: {  	[tilespmem:s23], [sflag:$0x2] =	stream.indirect.gather [hbm4b:s1+s17], $0x80, s2, s17, $0xb8;
	[tilespmem:$0x19380] =	vst v63  }
0x56: {  	_ = 	snop  }
0x57: {  	[tilespmem:s24], [sflag:$0x2] =	stream.indirect.gather [hbm4b:s1+s17], $0x80, s17, s17, $0xb8;
	[tilespmem:$0x19380] =	vst v63  }
0x58: {  	_ = 	snop  }
0x59: {  	[tilespmem:s25], [sflag:$0x2] =	stream.indirect.gather [hbm4b:s1+s17], $0x80, s18, s17, $0xb8;
	[tilespmem:$0x19380] =	vst v63  }
0x5a: {  	_ = 	snop  }
0x5b: {  	[tilespmem:s26], [sflag:$0x2] =	stream.indirect.gather [hbm4b:s1+s17], $0x80, s19, s17, $0xb8;
	[tilespmem:$0x19380] =	vst v63  }
0x5c: {  	_ = 	snop  }
0x5d: {  	[tilespmem:s28], [sflag:$0x2] =	stream.indirect.gather [hbm4b:s1+s17], $0x80, s20, s17, $0xb8;
	[tilespmem:$0x19380] =	vst v63  }
0x5e: {  	_ = 	snop  }
0x5f: {  	[tilespmem:s29], [sflag:$0x2] =	stream.indirect.gather [hbm4b:s1+s17], $0x80, s21, s17, $0xb8;
	[tilespmem:$0x19380] =	vst v63  }
0x60: {  	_ =	swait.ge [sflag:s30], $0x4000  }
0x61: {  	[sflag:s30] =	ssyncset.done $0x0  }
0x62: {  	[sflag:s30] =	ssyncadd.s32 $0xFFFFC000  }
0x63: {  	_ =	swait.ge [sflag:s30], $0x4000  }
0x64: {  	[sflag:s30] =	ssyncset.done $0x0  }
0x65: {  	[sflag:s30] =	ssyncadd.s32 $0xFFFFC000  }
0x66: {  	_ =	swait.ge [sflag:s30], $0x4000  }
0x67: {  	[sflag:s30] =	ssyncset.done $0x0  }
0x68: {  	[sflag:s30] =	ssyncadd.s32 $0xFFFFC000  }
0x69: {  	_ =	swait.ge [sflag:s30], $0x4000  }
0x6a: {  	[sflag:s30] =	ssyncset.done $0x0  }
0x6b: {  	[sflag:s30] =	ssyncadd.s32 $0xFFFFC000  }
0x6c: {  	_ =	swait.ge [sflag:s30], $0x4000  }
0x6d: {  	[sflag:s30] =	ssyncset.done $0x0  }
0x6e: {  	[sflag:s30] =	ssyncadd.s32 $0xFFFFC000  }
0x6f: {  	_ =	swait.ge [sflag:s30], $0x4000  }
0x70: {  	[sflag:s30] =	ssyncset.done $0x0  }
0x71: {  	s3 =	sadd.s32 $0x0, s15;
	[sflag:s30] =	ssyncadd.s32 $0xFFFFC000  }
0x72: {  	[hbm4b:s3+s2] =	stream.linear.scatter [tilespmem:s23], [sflag:$0x3], $0x4000, $0x38;
	[tilespmem:$0x19380] =	vst v63  }
0x73: {  	s5 =	sadd.s32 $0x8000, s3  }
0x74: {  	[hbm4b:s5+s2] =	stream.linear.scatter [tilespmem:s24], [sflag:$0x3], $0x4000, $0x38;
	[tilespmem:$0x19380] =	vst v63  }
0x75: {  	s6 =	sadd.s32 $0x10000, s3  }
0x76: {  	[hbm4b:s6+s2] =	stream.linear.scatter [tilespmem:s25], [sflag:$0x3], $0x4000, $0x38;
	[tilespmem:$0x19380] =	vst v63  }
0x77: {  	s7 =	sadd.s32 $0x18000, s3  }
0x78: {  	[hbm4b:s7+s2] =	stream.linear.scatter [tilespmem:s26], [sflag:$0x3], $0x4000, $0x38;
	[tilespmem:$0x19380] =	vst v63  }
0x79: {  	s14 =	sadd.s32 $0x20000, s3  }
0x7a: {  	[hbm4b:s14+s2] =	stream.linear.scatter [tilespmem:s28], [sflag:$0x3], $0x4000, $0x38;
	[tilespmem:$0x19380] =	vst v63  }
0x7b: {  	s3 =	sadd.s32 $0x28000, s3  }
0x7c: {  	[hbm4b:s3+s2] =	stream.linear.scatter [tilespmem:s29], [sflag:$0x3], $0x4000, $0x38;
	[tilespmem:$0x19380] =	vst v63  }
0x7d: {  	_ =	swait.ge [sflag:s31], $0x4000  }
0x7e: {  	[sflag:s31] =	ssyncset.done $0x0  }
0x7f: {  	[sflag:s31] =	ssyncadd.s32 $0xFFFFC000  }
0x80: {  	_ =	swait.ge [sflag:s31], $0x4000  }
0x81: {  	[sflag:s31] =	ssyncset.done $0x0  }
0x82: {  	[sflag:s31] =	ssyncadd.s32 $0xFFFFC000  }
0x83: {  	_ =	swait.ge [sflag:s31], $0x4000  }
0x84: {  	[sflag:s31] =	ssyncset.done $0x0  }
0x85: {  	[sflag:s31] =	ssyncadd.s32 $0xFFFFC000  }
0x86: {  	_ =	swait.ge [sflag:s31], $0x4000  }
0x87: {  	[sflag:s31] =	ssyncset.done $0x0  }
0x88: {  	[sflag:s31] =	ssyncadd.s32 $0xFFFFC000  }
0x89: {  	_ =	swait.ge [sflag:s31], $0x4000  }
0x8a: {  	[sflag:s31] =	ssyncset.done $0x0  }
0x8b: {  	[sflag:s31] =	ssyncadd.s32 $0xFFFFC000  }
0x8c: {  	_ =	swait.ge [sflag:s31], $0x4000  }
0x8d: {  	s14 =	smov.u32 s16;
	s3 =	simm.s32 $0x30000;
	[sflag:s31] =	ssyncset.done $0x0  }
.LBB2_6:
0x8e: {  	p3 =	sne.s32 s3, $0x150000;
	[sflag:s31] =	ssyncadd.s32 $0xFFFFC000;
	s14 =	sadd.s32 $0x600, s14  }
0x8f: {  	[tilespmem:s2], [sflag:$0x1] =	stream.linear.gather [hbm4b:s14+s2], $0x80, $0x38;
	[tilespmem:$0x19380] =	vst v63  }
0x90: {  	s5 =	smov.u32 s3;
	s3 =	sadd.s32 $0x30000, s3;
	s6 =	sadd.s32 $0x100, s14  }
0x91: {  	[tilespmem:s17], [sflag:$0x1] =	stream.linear.gather [hbm4b:s6+s2], $0x80, $0x38;
	[tilespmem:$0x19380] =	vst v63  }
0x92: {  	s6 =	sadd.s32 $0x200, s14  }
0x93: {  	[tilespmem:s18], [sflag:$0x1] =	stream.linear.gather [hbm4b:s6+s2], $0x80, $0x38;
	[tilespmem:$0x19380] =	vst v63  }
0x94: {  	s6 =	sadd.s32 $0x300, s14  }
0x95: {  	[tilespmem:s19], [sflag:$0x1] =	stream.linear.gather [hbm4b:s6+s2], $0x80, $0x38;
	[tilespmem:$0x19380] =	vst v63  }
0x96: {  	s6 =	sadd.s32 $0x400, s14  }
0x97: {  	[tilespmem:s20], [sflag:$0x1] =	stream.linear.gather [hbm4b:s6+s2], $0x80, $0x38;
	[tilespmem:$0x19380] =	vst v63  }
0x98: {  	s6 =	sadd.s32 $0x500, s14  }
0x99: {  	[tilespmem:s21], [sflag:$0x1] =	stream.linear.gather [hbm4b:s6+s2], $0x80, $0x38;
	[tilespmem:$0x19380] =	vst v63  }
0x9a: {  	_ =	swait.ge [sflag:s22], $0x80  }
0x9b: {  	[sflag:s22] =	ssyncset.done $0x0  }
0x9c: {  	[sflag:s22] =	ssyncadd.s32 $0xFFFFFF80  }
0x9d: {  	_ =	swait.ge [sflag:s22], $0x80  }
0x9e: {  	[sflag:s22] =	ssyncset.done $0x0  }
0x9f: {  	[sflag:s22] =	ssyncadd.s32 $0xFFFFFF80  }
0xa0: {  	_ =	swait.ge [sflag:s22], $0x80  }
0xa1: {  	[sflag:s22] =	ssyncset.done $0x0  }
0xa2: {  	[sflag:s22] =	ssyncadd.s32 $0xFFFFFF80  }
0xa3: {  	_ =	swait.ge [sflag:s22], $0x80  }
0xa4: {  	[sflag:s22] =	ssyncset.done $0x0  }
0xa5: {  	[sflag:s22] =	ssyncadd.s32 $0xFFFFFF80  }
0xa6: {  	_ =	swait.ge [sflag:s22], $0x80  }
0xa7: {  	[sflag:s22] =	ssyncset.done $0x0  }
0xa8: {  	[sflag:s22] =	ssyncadd.s32 $0xFFFFFF80  }
0xa9: {  	_ =	swait.ge [sflag:s22], $0x80  }
0xaa: {  	[sflag:s22] =	ssyncset.done $0x0  }
0xab: {  	[sflag:s22] =	ssyncadd.s32 $0xFFFFFF80  }
0xac: {  	[tilespmem:s23], [sflag:$0x2] =	stream.indirect.gather [hbm4b:s1+s17], $0x80, s2, s17, $0xb8;
	[tilespmem:$0x19380] =	vst v63  }
0xad: {  	_ = 	snop  }
0xae: {  	[tilespmem:s24], [sflag:$0x2] =	stream.indirect.gather [hbm4b:s1+s17], $0x80, s17, s17, $0xb8;
	[tilespmem:$0x19380] =	vst v63  }
0xaf: {  	_ = 	snop  }
0xb0: {  	[tilespmem:s25], [sflag:$0x2] =	stream.indirect.gather [hbm4b:s1+s17], $0x80, s18, s17, $0xb8;
	[tilespmem:$0x19380] =	vst v63  }
0xb1: {  	_ = 	snop  }
0xb2: {  	[tilespmem:s26], [sflag:$0x2] =	stream.indirect.gather [hbm4b:s1+s17], $0x80, s19, s17, $0xb8;
	[tilespmem:$0x19380] =	vst v63  }
0xb3: {  	_ = 	snop  }
0xb4: {  	[tilespmem:s28], [sflag:$0x2] =	stream.indirect.gather [hbm4b:s1+s17], $0x80, s20, s17, $0xb8;
	[tilespmem:$0x19380] =	vst v63  }
0xb5: {  	_ = 	snop  }
0xb6: {  	[tilespmem:s29], [sflag:$0x2] =	stream.indirect.gather [hbm4b:s1+s17], $0x80, s21, s17, $0xb8;
	[tilespmem:$0x19380] =	vst v63  }
0xb7: {  	_ =	swait.ge [sflag:s30], $0x4000  }
0xb8: {  	[sflag:s30] =	ssyncset.done $0x0  }
0xb9: {  	[sflag:s30] =	ssyncadd.s32 $0xFFFFC000  }
0xba: {  	_ =	swait.ge [sflag:s30], $0x4000  }
0xbb: {  	[sflag:s30] =	ssyncset.done $0x0  }
0xbc: {  	[sflag:s30] =	ssyncadd.s32 $0xFFFFC000  }
0xbd: {  	_ =	swait.ge [sflag:s30], $0x4000  }
0xbe: {  	[sflag:s30] =	ssyncset.done $0x0  }
0xbf: {  	[sflag:s30] =	ssyncadd.s32 $0xFFFFC000  }
0xc0: {  	_ =	swait.ge [sflag:s30], $0x4000  }
0xc1: {  	[sflag:s30] =	ssyncset.done $0x0  }
0xc2: {  	[sflag:s30] =	ssyncadd.s32 $0xFFFFC000  }
0xc3: {  	_ =	swait.ge [sflag:s30], $0x4000  }
0xc4: {  	[sflag:s30] =	ssyncset.done $0x0  }
0xc5: {  	[sflag:s30] =	ssyncadd.s32 $0xFFFFC000  }
0xc6: {  	_ =	swait.ge [sflag:s30], $0x4000  }
0xc7: {  	[sflag:s30] =	ssyncset.done $0x0  }
0xc8: {  	s5 =	sadd.s32 s5, s15;
	[sflag:s30] =	ssyncadd.s32 $0xFFFFC000  }
0xc9: {  	[hbm4b:s5+s2] =	stream.linear.scatter [tilespmem:s23], [sflag:$0x3], $0x4000, $0x38;
	[tilespmem:$0x19380] =	vst v63  }
0xca: {  	s6 =	sadd.s32 $0x8000, s5  }
0xcb: {  	[hbm4b:s6+s2] =	stream.linear.scatter [tilespmem:s24], [sflag:$0x3], $0x4000, $0x38;
	[tilespmem:$0x19380] =	vst v63  }
0xcc: {  	s6 =	sadd.s32 $0x10000, s5  }
0xcd: {  	[hbm4b:s6+s2] =	stream.linear.scatter [tilespmem:s25], [sflag:$0x3], $0x4000, $0x38;
	[tilespmem:$0x19380] =	vst v63  }
0xce: {  	s6 =	sadd.s32 $0x18000, s5  }
0xcf: {  	[hbm4b:s6+s2] =	stream.linear.scatter [tilespmem:s26], [sflag:$0x3], $0x4000, $0x38;
	[tilespmem:$0x19380] =	vst v63  }
0xd0: {  	s6 =	sadd.s32 $0x20000, s5  }
0xd1: {  	[hbm4b:s6+s2] =	stream.linear.scatter [tilespmem:s28], [sflag:$0x3], $0x4000, $0x38;
	[tilespmem:$0x19380] =	vst v63  }
0xd2: {  	s5 =	sadd.s32 $0x28000, s5  }
0xd3: {  	[hbm4b:s5+s2] =	stream.linear.scatter [tilespmem:s29], [sflag:$0x3], $0x4000, $0x38;
	[tilespmem:$0x19380] =	vst v63  }
0xd4: {  	_ =	swait.ge [sflag:s31], $0x4000  }
0xd5: {  	[sflag:s31] =	ssyncset.done $0x0  }
0xd6: {  	[sflag:s31] =	ssyncadd.s32 $0xFFFFC000  }
0xd7: {  	_ =	swait.ge [sflag:s31], $0x4000  }
0xd8: {  	[sflag:s31] =	ssyncset.done $0x0  }
0xd9: {  	[sflag:s31] =	ssyncadd.s32 $0xFFFFC000  }
0xda: {  	_ =	swait.ge [sflag:s31], $0x4000  }
0xdb: {  	[sflag:s31] =	ssyncset.done $0x0  }
0xdc: {  	[sflag:s31] =	ssyncadd.s32 $0xFFFFC000  }
0xdd: {  	_ =	swait.ge [sflag:s31], $0x4000  }
0xde: {  	[sflag:s31] =	ssyncset.done $0x0  }
0xdf: {  	[sflag:s31] =	ssyncadd.s32 $0xFFFFC000  }
.Ltmp3:
0xe0: {  	_ =	swait.ge [sflag:s31], $0x4000;
	(pc) =	sbr.rel @p3 .LBB2_6-.Ltmp3, $4  }
0xe1: {  	[sflag:s31] =	ssyncset.done $0x0  }
0xe2: {  	[sflag:s31] =	ssyncadd.s32 $0xFFFFC000  }
0xe3: {  	_ =	swait.ge [sflag:s31], $0x4000  }
0xe4: {  	[sflag:s31] =	ssyncset.done $0x0  }
.Ltmp4:
0xe5: {  	_ = 	snop;
	(pc) =	sbr.rel .LBB2_7-.Ltmp4, $1  }
0xe6: {  	_ =	sdelay $0x3  }
.LBB2_2:
0xe7: {  	[tilespmem:s2], [sflag:$0x1] =	stream.linear.gather [hbm4b:s4+s2], $0x80, $0x38;
	[tilespmem:$0x19380] =	vst v63  }
0xe8: {  	s3 =	sadd.s32 $0x100, s4  }
0xe9: {  	[tilespmem:s17], [sflag:$0x1] =	stream.linear.gather [hbm4b:s3+s2], $0x80, $0x38;
	[tilespmem:$0x19380] =	vst v63  }
0xea: {  	s6 =	sadd.s32 $0x200, s4  }
0xeb: {  	[tilespmem:s18], [sflag:$0x1] =	stream.linear.gather [hbm4b:s6+s2], $0x80, $0x38;
	[tilespmem:$0x19380] =	vst v63  }
0xec: {  	s7 =	sadd.s32 $0x300, s4  }
0xed: {  	[tilespmem:s19], [sflag:$0x1] =	stream.linear.gather [hbm4b:s7+s2], $0x80, $0x38;
	[tilespmem:$0x19380] =	vst v63  }
0xee: {  	s14 =	sadd.s32 $0x400, s4  }
0xef: {  	[tilespmem:s20], [sflag:$0x1] =	stream.linear.gather [hbm4b:s14+s2], $0x80, $0x38;
	[tilespmem:$0x19380] =	vst v63  }
0xf0: {  	s5 =	sadd.s32 $0x500, s4  }
0xf1: {  	[tilespmem:s21], [sflag:$0x1] =	stream.linear.gather [hbm4b:s5+s2], $0x80, $0x38;
	[tilespmem:$0x19380] =	vst v63  }
0xf2: {  	_ =	swait.ge [sflag:s22], $0x80  }
0xf3: {  	[sflag:s22] =	ssyncset.done $0x0  }
0xf4: {  	[sflag:s22] =	ssyncadd.s32 $0xFFFFFF80  }
0xf5: {  	_ =	swait.ge [sflag:s22], $0x80  }
0xf6: {  	[sflag:s22] =	ssyncset.done $0x0  }
0xf7: {  	[sflag:s22] =	ssyncadd.s32 $0xFFFFFF80  }
0xf8: {  	_ =	swait.ge [sflag:s22], $0x80  }
0xf9: {  	[sflag:s22] =	ssyncset.done $0x0  }
0xfa: {  	[sflag:s22] =	ssyncadd.s32 $0xFFFFFF80  }
0xfb: {  	_ =	swait.ge [sflag:s22], $0x80  }
0xfc: {  	[sflag:s22] =	ssyncset.done $0x0  }
0xfd: {  	[sflag:s22] =	ssyncadd.s32 $0xFFFFFF80  }
0xfe: {  	_ =	swait.ge [sflag:s22], $0x80  }
0xff: {  	[sflag:s22] =	ssyncset.done $0x0  }
0x100: {  	[sflag:s22] =	ssyncadd.s32 $0xFFFFFF80  }
0x101: {  	_ =	swait.ge [sflag:s22], $0x80  }
0x102: {  	[sflag:s22] =	ssyncset.done $0x0  }
0x103: {  	[sflag:s22] =	ssyncadd.s32 $0xFFFFFF80  }
0x104: {  	[tilespmem:s23], [sflag:$0x2] =	stream.indirect.gather [hbm4b:s1+s17], $0x80, s2, s17, $0xb8;
	[tilespmem:$0x19380] =	vst v63  }
0x105: {  	_ = 	snop  }
0x106: {  	[tilespmem:s24], [sflag:$0x2] =	stream.indirect.gather [hbm4b:s1+s17], $0x80, s17, s17, $0xb8;
	[tilespmem:$0x19380] =	vst v63  }
0x107: {  	_ = 	snop  }
0x108: {  	[tilespmem:s25], [sflag:$0x2] =	stream.indirect.gather [hbm4b:s1+s17], $0x80, s18, s17, $0xb8;
	[tilespmem:$0x19380] =	vst v63  }
0x109: {  	_ = 	snop  }
0x10a: {  	[tilespmem:s26], [sflag:$0x2] =	stream.indirect.gather [hbm4b:s1+s17], $0x80, s19, s17, $0xb8;
	[tilespmem:$0x19380] =	vst v63  }
0x10b: {  	_ = 	snop  }
0x10c: {  	[tilespmem:s28], [sflag:$0x2] =	stream.indirect.gather [hbm4b:s1+s17], $0x80, s20, s17, $0xb8;
	[tilespmem:$0x19380] =	vst v63  }
0x10d: {  	_ = 	snop  }
0x10e: {  	[tilespmem:s29], [sflag:$0x2] =	stream.indirect.gather [hbm4b:s1+s17], $0x80, s21, s17, $0xb8;
	[tilespmem:$0x19380] =	vst v63  }
0x10f: {  	_ =	swait.ge [sflag:s30], $0x4000  }
0x110: {  	[sflag:s30] =	ssyncset.done $0x0  }
0x111: {  	[sflag:s30] =	ssyncadd.s32 $0xFFFFC000  }
0x112: {  	_ =	swait.ge [sflag:s30], $0x4000  }
0x113: {  	[sflag:s30] =	ssyncset.done $0x0  }
0x114: {  	[sflag:s30] =	ssyncadd.s32 $0xFFFFC000  }
0x115: {  	_ =	swait.ge [sflag:s30], $0x4000  }
0x116: {  	[sflag:s30] =	ssyncset.done $0x0  }
0x117: {  	[sflag:s30] =	ssyncadd.s32 $0xFFFFC000  }
0x118: {  	_ =	swait.ge [sflag:s30], $0x4000  }
0x119: {  	[sflag:s30] =	ssyncset.done $0x0  }
0x11a: {  	[sflag:s30] =	ssyncadd.s32 $0xFFFFC000  }
0x11b: {  	_ =	swait.ge [sflag:s30], $0x4000  }
0x11c: {  	[sflag:s30] =	ssyncset.done $0x0  }
0x11d: {  	[sflag:s30] =	ssyncadd.s32 $0xFFFFC000  }
0x11e: {  	_ =	swait.ge [sflag:s30], $0x4000  }
0x11f: {  	[sflag:s30] =	ssyncset.done $0x0  }
0x120: {  	s3 =	sadd.s32 $0x0, s13;
	[sflag:s30] =	ssyncadd.s32 $0xFFFFC000  }
0x121: {  	[hbm4b:s3+s2] =	stream.linear.scatter [tilespmem:s23], [sflag:$0x3], $0x4000, $0x38;
	[tilespmem:$0x19380] =	vst v63  }
0x122: {  	s5 =	sadd.s32 $0x8000, s3  }
0x123: {  	[hbm4b:s5+s2] =	stream.linear.scatter [tilespmem:s24], [sflag:$0x3], $0x4000, $0x38;
	[tilespmem:$0x19380] =	vst v63  }
0x124: {  	s6 =	sadd.s32 $0x10000, s3  }
0x125: {  	[hbm4b:s6+s2] =	stream.linear.scatter [tilespmem:s25], [sflag:$0x3], $0x4000, $0x38;
	[tilespmem:$0x19380] =	vst v63  }
0x126: {  	s7 =	sadd.s32 $0x18000, s3  }
0x127: {  	[hbm4b:s7+s2] =	stream.linear.scatter [tilespmem:s26], [sflag:$0x3], $0x4000, $0x38;
	[tilespmem:$0x19380] =	vst v63  }
0x128: {  	s14 =	sadd.s32 $0x20000, s3  }
0x129: {  	[hbm4b:s14+s2] =	stream.linear.scatter [tilespmem:s28], [sflag:$0x3], $0x4000, $0x38;
	[tilespmem:$0x19380] =	vst v63  }
0x12a: {  	s3 =	sadd.s32 $0x28000, s3  }
0x12b: {  	[hbm4b:s3+s2] =	stream.linear.scatter [tilespmem:s29], [sflag:$0x3], $0x4000, $0x38;
	[tilespmem:$0x19380] =	vst v63  }
0x12c: {  	_ =	swait.ge [sflag:s31], $0x4000  }
0x12d: {  	[sflag:s31] =	ssyncset.done $0x0  }
0x12e: {  	[sflag:s31] =	ssyncadd.s32 $0xFFFFC000  }
0x12f: {  	_ =	swait.ge [sflag:s31], $0x4000  }
0x130: {  	[sflag:s31] =	ssyncset.done $0x0  }
0x131: {  	[sflag:s31] =	ssyncadd.s32 $0xFFFFC000  }
0x132: {  	_ =	swait.ge [sflag:s31], $0x4000  }
0x133: {  	[sflag:s31] =	ssyncset.done $0x0  }
0x134: {  	[sflag:s31] =	ssyncadd.s32 $0xFFFFC000  }
0x135: {  	_ =	swait.ge [sflag:s31], $0x4000  }
0x136: {  	[sflag:s31] =	ssyncset.done $0x0  }
0x137: {  	[sflag:s31] =	ssyncadd.s32 $0xFFFFC000  }
0x138: {  	_ =	swait.ge [sflag:s31], $0x4000  }
0x139: {  	[sflag:s31] =	ssyncset.done $0x0  }
0x13a: {  	[sflag:s31] =	ssyncadd.s32 $0xFFFFC000  }
0x13b: {  	_ =	swait.ge [sflag:s31], $0x4000  }
0x13c: {  	s14 =	smov.u32 s4;
	s3 =	simm.s32 $0x30000;
	[sflag:s31] =	ssyncset.done $0x0  }
.LBB2_3:
0x13d: {  	p3 =	sne.s32 s3, $0x150000;
	[sflag:s31] =	ssyncadd.s32 $0xFFFFC000;
	s14 =	sadd.s32 $0x600, s14  }
0x13e: {  	[tilespmem:s2], [sflag:$0x1] =	stream.linear.gather [hbm4b:s14+s2], $0x80, $0x38;
	[tilespmem:$0x19380] =	vst v63  }
0x13f: {  	s5 =	smov.u32 s3;
	s3 =	sadd.s32 $0x30000, s3;
	s6 =	sadd.s32 $0x100, s14  }
0x140: {  	[tilespmem:s17], [sflag:$0x1] =	stream.linear.gather [hbm4b:s6+s2], $0x80, $0x38;
	[tilespmem:$0x19380] =	vst v63  }
0x141: {  	s6 =	sadd.s32 $0x200, s14  }
0x142: {  	[tilespmem:s18], [sflag:$0x1] =	stream.linear.gather [hbm4b:s6+s2], $0x80, $0x38;
	[tilespmem:$0x19380] =	vst v63  }
0x143: {  	s6 =	sadd.s32 $0x300, s14  }
0x144: {  	[tilespmem:s19], [sflag:$0x1] =	stream.linear.gather [hbm4b:s6+s2], $0x80, $0x38;
	[tilespmem:$0x19380] =	vst v63  }
0x145: {  	s6 =	sadd.s32 $0x400, s14  }
0x146: {  	[tilespmem:s20], [sflag:$0x1] =	stream.linear.gather [hbm4b:s6+s2], $0x80, $0x38;
	[tilespmem:$0x19380] =	vst v63  }
0x147: {  	s6 =	sadd.s32 $0x500, s14  }
0x148: {  	[tilespmem:s21], [sflag:$0x1] =	stream.linear.gather [hbm4b:s6+s2], $0x80, $0x38;
	[tilespmem:$0x19380] =	vst v63  }
0x149: {  	_ =	swait.ge [sflag:s22], $0x80  }
0x14a: {  	[sflag:s22] =	ssyncset.done $0x0  }
0x14b: {  	[sflag:s22] =	ssyncadd.s32 $0xFFFFFF80  }
0x14c: {  	_ =	swait.ge [sflag:s22], $0x80  }
0x14d: {  	[sflag:s22] =	ssyncset.done $0x0  }
0x14e: {  	[sflag:s22] =	ssyncadd.s32 $0xFFFFFF80  }
0x14f: {  	_ =	swait.ge [sflag:s22], $0x80  }
0x150: {  	[sflag:s22] =	ssyncset.done $0x0  }
0x151: {  	[sflag:s22] =	ssyncadd.s32 $0xFFFFFF80  }
0x152: {  	_ =	swait.ge [sflag:s22], $0x80  }
0x153: {  	[sflag:s22] =	ssyncset.done $0x0  }
0x154: {  	[sflag:s22] =	ssyncadd.s32 $0xFFFFFF80  }
0x155: {  	_ =	swait.ge [sflag:s22], $0x80  }
0x156: {  	[sflag:s22] =	ssyncset.done $0x0  }
0x157: {  	[sflag:s22] =	ssyncadd.s32 $0xFFFFFF80  }
0x158: {  	_ =	swait.ge [sflag:s22], $0x80  }
0x159: {  	[sflag:s22] =	ssyncset.done $0x0  }
0x15a: {  	[sflag:s22] =	ssyncadd.s32 $0xFFFFFF80  }
0x15b: {  	[tilespmem:s23], [sflag:$0x2] =	stream.indirect.gather [hbm4b:s1+s17], $0x80, s2, s17, $0xb8;
	[tilespmem:$0x19380] =	vst v63  }
0x15c: {  	_ = 	snop  }
0x15d: {  	[tilespmem:s24], [sflag:$0x2] =	stream.indirect.gather [hbm4b:s1+s17], $0x80, s17, s17, $0xb8;
	[tilespmem:$0x19380] =	vst v63  }
0x15e: {  	_ = 	snop  }
0x15f: {  	[tilespmem:s25], [sflag:$0x2] =	stream.indirect.gather [hbm4b:s1+s17], $0x80, s18, s17, $0xb8;
	[tilespmem:$0x19380] =	vst v63  }
0x160: {  	_ = 	snop  }
0x161: {  	[tilespmem:s26], [sflag:$0x2] =	stream.indirect.gather [hbm4b:s1+s17], $0x80, s19, s17, $0xb8;
	[tilespmem:$0x19380] =	vst v63  }
0x162: {  	_ = 	snop  }
0x163: {  	[tilespmem:s28], [sflag:$0x2] =	stream.indirect.gather [hbm4b:s1+s17], $0x80, s20, s17, $0xb8;
	[tilespmem:$0x19380] =	vst v63  }
0x164: {  	_ = 	snop  }
0x165: {  	[tilespmem:s29], [sflag:$0x2] =	stream.indirect.gather [hbm4b:s1+s17], $0x80, s21, s17, $0xb8;
	[tilespmem:$0x19380] =	vst v63  }
0x166: {  	_ =	swait.ge [sflag:s30], $0x4000  }
0x167: {  	[sflag:s30] =	ssyncset.done $0x0  }
0x168: {  	[sflag:s30] =	ssyncadd.s32 $0xFFFFC000  }
0x169: {  	_ =	swait.ge [sflag:s30], $0x4000  }
0x16a: {  	[sflag:s30] =	ssyncset.done $0x0  }
0x16b: {  	[sflag:s30] =	ssyncadd.s32 $0xFFFFC000  }
0x16c: {  	_ =	swait.ge [sflag:s30], $0x4000  }
0x16d: {  	[sflag:s30] =	ssyncset.done $0x0  }
0x16e: {  	[sflag:s30] =	ssyncadd.s32 $0xFFFFC000  }
0x16f: {  	_ =	swait.ge [sflag:s30], $0x4000  }
0x170: {  	[sflag:s30] =	ssyncset.done $0x0  }
0x171: {  	[sflag:s30] =	ssyncadd.s32 $0xFFFFC000  }
0x172: {  	_ =	swait.ge [sflag:s30], $0x4000  }
0x173: {  	[sflag:s30] =	ssyncset.done $0x0  }
0x174: {  	[sflag:s30] =	ssyncadd.s32 $0xFFFFC000  }
0x175: {  	_ =	swait.ge [sflag:s30], $0x4000  }
0x176: {  	[sflag:s30] =	ssyncset.done $0x0  }
0x177: {  	s5 =	sadd.s32 s5, s13;
	[sflag:s30] =	ssyncadd.s32 $0xFFFFC000  }
0x178: {  	[hbm4b:s5+s2] =	stream.linear.scatter [tilespmem:s23], [sflag:$0x3], $0x4000, $0x38;
	[tilespmem:$0x19380] =	vst v63  }
0x179: {  	s6 =	sadd.s32 $0x8000, s5  }
0x17a: {  	[hbm4b:s6+s2] =	stream.linear.scatter [tilespmem:s24], [sflag:$0x3], $0x4000, $0x38;
	[tilespmem:$0x19380] =	vst v63  }
0x17b: {  	s6 =	sadd.s32 $0x10000, s5  }
0x17c: {  	[hbm4b:s6+s2] =	stream.linear.scatter [tilespmem:s25], [sflag:$0x3], $0x4000, $0x38;
	[tilespmem:$0x19380] =	vst v63  }
0x17d: {  	s6 =	sadd.s32 $0x18000, s5  }
0x17e: {  	[hbm4b:s6+s2] =	stream.linear.scatter [tilespmem:s26], [sflag:$0x3], $0x4000, $0x38;
	[tilespmem:$0x19380] =	vst v63  }
0x17f: {  	s6 =	sadd.s32 $0x20000, s5  }
0x180: {  	[hbm4b:s6+s2] =	stream.linear.scatter [tilespmem:s28], [sflag:$0x3], $0x4000, $0x38;
	[tilespmem:$0x19380] =	vst v63  }
0x181: {  	s5 =	sadd.s32 $0x28000, s5  }
0x182: {  	[hbm4b:s5+s2] =	stream.linear.scatter [tilespmem:s29], [sflag:$0x3], $0x4000, $0x38;
	[tilespmem:$0x19380] =	vst v63  }
0x183: {  	_ =	swait.ge [sflag:s31], $0x4000  }
0x184: {  	[sflag:s31] =	ssyncset.done $0x0  }
0x185: {  	[sflag:s31] =	ssyncadd.s32 $0xFFFFC000  }
0x186: {  	_ =	swait.ge [sflag:s31], $0x4000  }
0x187: {  	[sflag:s31] =	ssyncset.done $0x0  }
0x188: {  	[sflag:s31] =	ssyncadd.s32 $0xFFFFC000  }
0x189: {  	_ =	swait.ge [sflag:s31], $0x4000  }
0x18a: {  	[sflag:s31] =	ssyncset.done $0x0  }
0x18b: {  	[sflag:s31] =	ssyncadd.s32 $0xFFFFC000  }
0x18c: {  	_ =	swait.ge [sflag:s31], $0x4000  }
0x18d: {  	[sflag:s31] =	ssyncset.done $0x0  }
0x18e: {  	[sflag:s31] =	ssyncadd.s32 $0xFFFFC000  }
.Ltmp5:
0x18f: {  	_ =	swait.ge [sflag:s31], $0x4000;
	(pc) =	sbr.rel @p3 .LBB2_3-.Ltmp5, $4  }
0x190: {  	[sflag:s31] =	ssyncset.done $0x0  }
0x191: {  	[sflag:s31] =	ssyncadd.s32 $0xFFFFC000  }
0x192: {  	_ =	swait.ge [sflag:s31], $0x4000  }
0x193: {  	[sflag:s31] =	ssyncset.done $0x0  }
0x194: {  	[sflag:s31] =	ssyncadd.s32 $0xFFFFC000  }
0x195: {  	s3 =	simm.s32 @!p2 $0x0;
	s5 =	simm.s32 @!p2 $0x18300;
	s6 =	rddreg [dreg:$0x4]  }
0x196: {  	[tilespmem:s5], [sflag:$0x4] =	stream.linear.gather @!p2 [hbm4b:s6+s3], $0x20, $0x38;
	[tilespmem:$0x19380] =	vst v63  }
0x197: {  	s6 =	simm.s32 @!p2 $0x4  }
0x198: {  	_ =	swait.ge @!p2 [sflag:s6], $0x20  }
0x199: {  	[sflag:s6] =	ssyncset.done @!p2 $0x0  }
0x19a: {  	s14 =	simm.s32 @!p2 $0x20;
	s7 =	simm.s32 @!p2 $0x18380;
	[sflag:s6] =	ssyncadd.s32 @!p2 $0xFFFFFFE0  }
0x19b: {  	[tilespmem:s7], [sflag:$0x2] =	stream.indirect.gather @!p2 [hbm4b:s1+s14], $0x80, s5, s14, $0xb8;
	[tilespmem:$0x19380] =	vst v63  }
0x19c: {  	s5 =	simm.s32 @!p2 $0x2  }
0x19d: {  	_ =	swait.ge @!p2 [sflag:s5], $0x1000  }
0x19e: {  	[sflag:s5] =	ssyncset.done @!p2 $0x0  }
0x19f: {  	[sflag:s5] =	ssyncadd.s32 @!p2 $0xFFFFF000;
	s5 =	rddreg [dreg:$0x5]  }
0x1a0: {  	[hbm4b:s5+s3] =	stream.linear.scatter @!p2 [tilespmem:s7], [sflag:$0x4], $0x1000, $0x38;
	[tilespmem:$0x19380] =	vst v63  }
0x1a1: {  	_ =	swait.ge @!p2 [sflag:s6], $0x1000  }
0x1a2: {  	[sflag:s6] =	ssyncset.done @!p2 $0x0  }
0x1a3: {  	s3 =	simm.s32 @!p1 $0x0;
	s5 =	rddreg [dreg:$0x6];
	[sflag:s6] =	ssyncadd.s32 @!p2 $0xFFFFF000  }
0x1a4: {  	[tilespmem:s3], [sflag:$0x4] =	stream.linear.gather @!p1 [hbm4b:s5+s3], $0x80, $0x38;
	[tilespmem:$0x19380] =	vst v63  }
0x1a5: {  	s5 =	simm.s32 @!p1 $0x4  }
0x1a6: {  	_ =	swait.ge @!p1 [sflag:s5], $0x80  }
0x1a7: {  	[sflag:s5] =	ssyncset.done @!p1 $0x0  }
0x1a8: {  	s7 =	simm.s32 @!p1 $0x300;
	s6 =	simm.s32 @!p1 $0x80;
	[sflag:s5] =	ssyncadd.s32 @!p1 $0xFFFFFF80  }
0x1a9: {  	[tilespmem:s7], [sflag:$0x2] =	stream.indirect.gather @!p1 [hbm4b:s1+s6], $0x80, s3, s6, $0xb8;
	[tilespmem:$0x19380] =	vst v63  }
0x1aa: {  	s6 =	simm.s32 @!p1 $0x2  }
0x1ab: {  	_ =	swait.ge @!p1 [sflag:s6], $0x4000  }
0x1ac: {  	[sflag:s6] =	ssyncset.done @!p1 $0x0  }
.Ltmp6:
0x1ad: {  	[sflag:s6] =	ssyncadd.s32 @!p1 $0xFFFFC000;
	s6 =	rddreg [dreg:$0x7];
	(pc) =	sbr.rel .LBB2_8-.Ltmp6, $4  }
0x1ae: {  	[hbm4b:s6+s3] =	stream.linear.scatter @!p1 [tilespmem:s7], [sflag:$0x4], $0x4000, $0x38;
	[tilespmem:$0x19380] =	vst v63  }
0x1af: {  	_ =	swait.ge @!p1 [sflag:s5], $0x4000  }
0x1b0: {  	[sflag:s5] =	ssyncset.done @!p1 $0x0  }
0x1b1: {  	[sflag:s5] =	ssyncadd.s32 @!p1 $0xFFFFC000  }
.LBB2_9:
0x1b2: {  	_ =	sfence.sel $0x180000  }
0x1b3: {  	[bflag:$0x0] =	sbarrier.arrive $0xFFFF  }
0x1b4: {  	_ =	strace $0x9000004D  }
0x1b5: {  	s0 =	stileid.u32;
	[bflag:$0x2] =	sbarrier.arrive $0xFFFF  }
0x1b6: {  	p0 =	sne.s32 s0, $0x0;
	s0 =	rddreg [dreg:$0x3]  }
0x1b7: {  	s0 =	sadd.s32 @!p0 $0x100000, s0  }
0x1b8: {  	[sflag:s0] =	ssyncadd.tile.s32 @!p0 $0x1;
	_ =	shalt  }
.Lfunc_end2:
_tile_overlayer_lowered:
.L_overlay_start_2:
0x1b9: {  	(tag) =	ssettag $0x2  }
0x1ba: {  	s0 =	rddreg [dreg:$0x0];
	s2 =	stileid.u32  }
0x1bb: {  	s1 =	rddreg [dreg:$0x1];
	p0 =	sne.s32 s2, $0x0  }
0x1bc: {  	s3 =	rddreg [dreg:$0x2];
	[bflag:$0x3] =	sbarrier.arrive $0xFFFF;
	s2 =	simm.s32 @!p0 $0x1C04  }
0x1bd: {  	[timem:s3], [sflag:s2] =	dma.local @!p0 [hbm:s0], s1  }
0x1be: {  	s0 =	simm.s32 @!p0 $0x4  }
0x1bf: {  	_ =	swait.ge @!p0 [sflag:s0], s1  }
0x1c0: {  	s1 =	ssub.s32 @!p0 $0x0, s1;
	[sflag:s0] =	ssyncset.done @!p0 $0x0  }
0x1c1: {  	[sflag:s0] =	ssyncadd.s32 @!p0 s1  }
0x1c2: {  	[bflag:$0x3] =	sbarrier.arrive $0xFFFF  }
0x1c3: {  	_ =	shalt  }

// kernel: kernel.8.cloned.1.call-start
scs
__scs_entry_jumppad:
0x0: {  	(pc) =	sbr.rel $0x88, $3  }
0x1: {  	(tag) =	ssettag $0x0;
	lr =	simm.s32 $0x1  }
0x2: {  	[smem:$0x3F8D] =	sst lr;
	_ =	strace $0xD0000000  }
0x3: {  	_ = 	snop  }
0x4: {  	_ = 	snop  }
0x5: {  	_ = 	snop  }
0x6: {  	_ = 	snop  }
0x7: {  	_ = 	snop  }
__scs_overlays_trampoline_lowered:
0x8: {  	[smem:$0x3F9C] =	sst s0  }
0x9: {  	[smem:$0x3F9D] =	sst s1  }
0xa: {  	[smem:$0x3F9E] =	sst s2  }
0xb: {  	[smem:$0x3F9F] =	sst s3  }
0xc: {  	[smem:$0x3FA0] =	sst s4  }
0xd: {  	[smem:$0x3FA1] =	sst s5  }
0xe: {  	[smem:$0x3FA2] =	sst s6  }
0xf: {  	[smem:$0x3FA3] =	sst s7  }
0x10: {  	[smem:$0x3FA4] =	sst s8  }
0x11: {  	[smem:$0x3FA5] =	sst s9;
	s0 =	simm.s32 @!p0 $0x0  }
0x12: {  	s1 =	sld [smem:$0x3F8B];
	s0 =	simm.s32 @p0 $0x1  }
0x13: {  	[smem:$0x3FA6] =	sst s0;
	s0 =	simm.s32 @!p1 $0x0  }
0x14: {  	s2 =	sld [smem:$0x3F8A];
	s0 =	simm.s32 @p1 $0x1  }
0x15: {  	[smem:$0x3FA7] =	sst s0;
	s0 =	simm.s32 @!p2 $0x0  }
0x16: {  	s3 =	sld [smem:$0x3FDB];
	s0 =	simm.s32 @p2 $0x1  }
0x17: {  	s4 =	simm.s32 $0x1BF5;
	[smem:$0x3FA9] =	sst s0  }
0x18: {  	s0 =	sld [smem:$0x3F8C];
	_ =	swait.ge [sflag:s4], $0x0  }
0x19: {  	s7 =	sld [smem:$0x3F8D]  }
0x1a: {  	s8 =	sadd.s32 $0xFFFFE003, lr  }
0x1b: {  	s9 =	sadd.s32 $0xFFFFFEF7, lr;
	s5 =	simm.s32 $0xFFFFFFFF;
	p2 =	slt.u32 s8, $0xFFFFF086  }
0x1c: {  	p1 =	slt.u32 s9, $0xF7A;
	s5 =	simm.s32 @!p2 $0x0  }
0x1d: {  	s5 =	simm.s32 @p1 $0x1;
	p0 =	seq.s32 s7, s2  }
0x1e: {  	s7 =	smul.u32 @!p0 $0xF7A, s2;
	p2 =	seq.s32 @!p0 s5, $0x0  }
0x1f: {  	s9 =	smul.u32 $0xF7A, s1;
	s8 =	simm.s32 @!p0 $0x1BF5;
	p2 =	por !p2, p0  }
0x20: {  	[sflag:s8] =	ssyncset.s32 @!p0 $0xFFFFF086;
	s6 =	sadd.s32 @!p0 s3, s7;
	s7 =	simm.s32 @!p0 $0x108  }
0x21: {  	s3 =	sadd.s32 s3, s9;
	s6 =	sadd.s32 @!p0 $0x88, s6;
	s7 =	simm.s32 @p2 $0x1082  }
0x22: {  	[simem:s7], [sflag:s8] =	dma.local @!p0 [hbm:s6], $0xF7A  }
0x23: {  	s9 =	sor.u32 $0xD0000000, s2;
	s6 =	simm.s32 $0x108;
	_ =	swait.ge @!p0 [sflag:s8], $0x0  }
0x24: {  	s3 =	sadd.s32 $0x88, s3;
	s6 =	simm.s32 @!p1 $0x1082;
	[sflag:s4] =	ssyncset.s32 $0xFFFFF086  }
0x25: {  	[simem:s6], [sflag:s4] =	dma.local [hbm:s3], $0xF7A  }
0x26: {  	[smem:$0x3F8D] =	sst s1;
	(tag) =	ssettag s2;
	_ =	strace s9  }
0x27: {  	s1 =	sld [smem:$0x3F9D]  }
0x28: {  	s2 =	sld [smem:$0x3F9E]  }
0x29: {  	s4 =	sld [smem:$0x3FA0]  }
0x2a: {  	p0 =	seq.s32 s5, $0x0;
	s5 =	sld [smem:$0x3FA1]  }
0x2b: {  	s6 =	sld [smem:$0x3FA2]  }
0x2c: {  	s7 =	sld [smem:$0x3FA3]  }
0x2d: {  	s3 =	simm.s32 $0x108;
	s8 =	sld [smem:$0x3FA4]  }
0x2e: {  	s3 =	simm.s32 @!p0 $0x1082;
	s9 =	sld [smem:$0x3FA5]  }
0x2f: {  	lr =	sadd.s32 s0, s3;
	s0 =	sld [smem:$0x3F9C]  }
0x30: {  	s3 =	sld [smem:$0x3F9F]  }
0x31: {  	[smem:$0x3FA8] =	sst s10  }
0x32: {  	s10 =	sld [smem:$0x3FA6];
	_ =	sdelay $0x3  }
0x33: {  	p0 =	seq.s32 s10, $0x1;
	s10 =	sld [smem:$0x3FA8];
	_ =	sdelay $0x3  }
0x34: {  	[smem:$0x3FA8] =	sst s10  }
0x35: {  	s10 =	sld [smem:$0x3FA7];
	_ =	sdelay $0x3  }
0x36: {  	p1 =	seq.s32 s10, $0x1;
	s10 =	sld [smem:$0x3FA8];
	_ =	sdelay $0x3  }
0x37: {  	[smem:$0x3FA8] =	sst s10  }
0x38: {  	s10 =	sld [smem:$0x3FA9]  }
0x39: {  	_ = 	snop;
	(pc) =	sbr.ind lr, $3  }
0x3a: {  	_ = 	snop  }
0x3b: {  	_ = 	snop  }
0x3c: {  	p2 =	seq.s32 s10, $0x1;
	s10 =	sld [smem:$0x3FA8]  }
0x3d: {  	_ =	shalt  }
0x3e: {  	_ =	shalt  }
0x3f: {  	_ =	shalt  }
0x40: {  	_ =	shalt  }
0x41: {  	_ =	shalt  }
0x42: {  	_ =	shalt  }
0x43: {  	_ =	shalt  }
0x44: {  	_ =	shalt  }
0x45: {  	_ =	shalt  }
0x46: {  	_ =	shalt  }
0x47: {  	_ =	shalt  }
0x48: {  	_ =	shalt  }
0x49: {  	_ =	shalt  }
0x4a: {  	_ =	shalt  }
0x4b: {  	_ =	shalt  }
0x4c: {  	_ =	shalt  }
0x4d: {  	_ =	shalt  }
0x4e: {  	_ =	shalt  }
0x4f: {  	_ =	shalt  }
0x50: {  	_ =	shalt  }
0x51: {  	_ =	shalt  }
0x52: {  	_ =	shalt  }
0x53: {  	_ =	shalt  }
0x54: {  	_ =	shalt  }
0x55: {  	_ =	shalt  }
0x56: {  	_ =	shalt  }
0x57: {  	_ =	shalt  }
0x58: {  	_ =	shalt  }
0x59: {  	_ =	shalt  }
0x5a: {  	_ =	shalt  }
0x5b: {  	_ =	shalt  }
0x5c: {  	_ =	shalt  }
0x5d: {  	_ =	shalt  }
0x5e: {  	_ =	shalt  }
0x5f: {  	_ =	shalt  }
0x60: {  	_ =	shalt  }
0x61: {  	_ =	shalt  }
0x62: {  	_ =	shalt  }
0x63: {  	_ =	shalt  }
0x64: {  	_ =	shalt  }
0x65: {  	_ =	shalt  }
0x66: {  	_ =	shalt  }
0x67: {  	_ =	shalt  }
0x68: {  	_ =	shalt  }
0x69: {  	_ =	shalt  }
0x6a: {  	_ =	shalt  }
0x6b: {  	_ =	shalt  }
0x6c: {  	_ =	shalt  }
0x6d: {  	_ =	shalt  }
0x6e: {  	_ =	shalt  }
0x6f: {  	_ =	shalt  }
0x70: {  	_ =	shalt  }
0x71: {  	_ =	shalt  }
0x72: {  	_ =	shalt  }
0x73: {  	_ =	shalt  }
0x74: {  	_ =	shalt  }
0x75: {  	_ =	shalt  }
0x76: {  	_ =	shalt  }
0x77: {  	_ =	shalt  }
0x78: {  	_ =	shalt  }
0x79: {  	_ =	shalt  }
0x7a: {  	_ =	shalt  }
0x7b: {  	_ =	shalt  }
0x7c: {  	_ =	shalt  }
0x7d: {  	_ =	shalt  }
0x7e: {  	_ =	shalt  }
0x7f: {  	_ =	shalt  }
0x80: {  	_ =	shalt  }
0x81: {  	_ =	shalt  }
0x82: {  	_ =	shalt  }
0x83: {  	_ =	shalt  }
0x84: {  	_ =	shalt  }
0x85: {  	_ =	shalt  }
0x86: {  	_ =	shalt  }
0x87: {  	_ =	shalt  }
.Lfunc_end0:
.L_simem_size_0:
called_computation_lowered:
.L_overlay_start_0:
0x88: {  	s2 =	sld [smem:$0x3FD9]  }
0x89: {  	s3 =	sld [smem:$0x3FFE];
	_ =	sdelay $0x1  }
0x8a: {  	s1 =	srdreg.scid  }
0x8b: {  	s0 =	sand.u32 $0x1, s1  }
0x8c: {  	s14 =	sshll.u32 s0, $0xA;
	s2 =	sadd.s32 s3, s2  }
0x8d: {  	s2 =	sadd.s32 s2, s14  }
0x8e: {  	[smem:$0x3FB4] =	sst s2  }
0x8f: {  	_ = 	snop  }
0x90: {  	s2 =	sld [smem:$0x3FD0];
	_ =	sdelay $0x1  }
0x91: {  	s15 =	sld [smem:$0x3FC9]  }
0x92: {  	s5 =	simm.s32 $0xA;
	s6 =	simm.s32 $0x10;
	s4 =	sld [smem:$0x3FC8]  }
0x93: {  	[smem:s6], [sflag:s5] =	dma.local [hbm:s2], $0x1  }
0x94: {  	_ =	swait.eq [sflag:s5], $0x1  }
0x95: {  	s16 =	sld [smem:$0x10]  }
0x96: {  	s17 =	sld [smem:$0x11];
	[sflag:s5] =	ssyncset.done $0x0  }
0x97: {  	s7 =	sld [smem:$0x12];
	[sflag:s5] =	ssyncadd.s32 $0xFFFFFFFF  }
0x98: {  	s18 =	sld [smem:$0x13];
	(tm) =	ssettm $0x1  }
0x99: {  	s8 =	sld [smem:$0x3FFB];
	_ =	sdelay $0x3  }
0x9a: {  	_ =	strace s8  }
0x9b: {  	s8 =	sld [smem:$0x3FFC];
	_ =	sdelay $0x3  }
0x9c: {  	_ =	strace s8  }
0x9d: {  	s8 =	sld [smem:$0x3FFD];
	_ =	sdelay $0x3  }
0x9e: {  	_ =	strace s8  }
0x9f: {  	_ =	strace $0x8FFFFFFF  }
0xa0: {  	s19 =	sld [smem:$0x3FDB];
	_ =	sdelay $0x1  }
0xa1: {  	s9 =	simm.s32 $_scs_section_size  }
0xa2: {  	s10 =	simm.s32 $_size__tile_overlayer_lowered;
	s11 =	simm.s32 $_tile_overlayer_lowered  }
0xa3: {  	s22 =	simm.s32 $0x1BFF;
	s21 =	sshll.u32 s11, $0x1;
	s8 =	sadd.s32 s9, s19  }
0xa4: {  	s12 =	simm.s32 $0x0;
	s20 =	sshll.u32 s10, $0x1;
	s10 =	sadd.s32 s21, s8  }
0xa5: {  	[timem:s12], [sflag:s22] =	dma.local [hbm:s10], s20  }
0xa6: {  	_ =	swait.ge [sflag:s22], s20  }
0xa7: {  	s9 =	ssub.s32 $0x0, s20;
	[sflag:s22] =	ssyncset.done $0x0  }
0xa8: {  	[sflag:s22] =	ssyncadd.s32 s9;
	_ =	sdelay $0x1  }
0xa9: {  	s23 =	simm.s32 $0x1B8B  }
0xaa: {  	_ =	swait.ge [sflag:s23], $0x1  }
0xab: {  	[sflag:s23] =	ssyncset.done $0x0  }
0xac: {  	s25 =	simm.s32 $0x1B8E;
	s24 =	sld [smem:$0x3FFE];
	[sflag:s23] =	ssyncadd.s32 $0xFFFFFFFF  }
0xad: {  	s26 =	simm.s32 $execute0_lowered;
	[smem:$0x3FD2] =	sst s25  }
0xae: {  	s10 =	sshll.u32 s26, $0x1;
	_ =	strace $0x80000046;
	[dreg:$0x1] =	wrdreg $0xFFFFFFFF  }
0xaf: {  	s28 =	simm.s32 $_size_execute0_lowered;
	s8 =	sadd.s32 s8, s10;
	[dreg:$0x0] =	wrdreg $0x0  }
0xb0: {  	s10 =	sshll.u32 s28, $0x1;
	[dreg:$0x2] =	wrdreg s8  }
0xb1: {  	[dreg:$0x3] =	wrdreg s10  }
0xb2: {  	[dreg:$0x4] =	wrdreg $0xC0  }
0xb3: {  	_ =	task [dreg:s12], $0x5FFFF  }
0xb4: {  	[dreg:$0x1] =	wrdreg $0xFFFFFFFF  }
0xb5: {  	[dreg:$0x0] =	wrdreg $0x60  }
0xb6: {  	[dreg:$0x2] =	wrdreg s15  }
0xb7: {  	[dreg:$0x3] =	wrdreg s4  }
0xb8: {  	[dreg:$0x4] =	wrdreg s17  }
0xb9: {  	[dreg:$0x5] =	wrdreg s7  }
0xba: {  	[dreg:$0x6] =	wrdreg s18  }
0xbb: {  	[dreg:$0x7] =	wrdreg s16  }
0xbc: {  	[dreg:$0x8] =	wrdreg s24  }
0xbd: {  	[dreg:$0x9] =	wrdreg $0xC3000  }
0xbe: {  	[dreg:$0xa] =	wrdreg $0x9  }
0xbf: {  	_ =	task.clear_ibuf [dreg:s12], $0xBFFFF;
	_ =	strace $0x90000046  }
0xc0: {  	s29 =	simm.s32 $0x9;
	_ =	strace $0x80000048  }
0xc1: {  	_ =	swait.ge [sflag:s29], $0x1  }
0xc2: {  	[sflag:s29] =	ssyncadd.s32 $0xFFFFFFFF  }
0xc3: {  	_ =	strace $0x90000048  }
0xc4: {  	_ =	sfence  }
0xc5: {  	s30 =	sld [smem:$0x0];
	_ =	sdelay $0x2  }
0xc6: {  	s31 =	sshll.u32 s1, $0xD;
	s1 =	sshrl.u32 s1, $0x2  }
0xc7: {  	s3 =	sand.u32 $0x4000, s31;
	s1 =	sadd.s32 s1, s30  }
0xc8: {  	s0 =	sor.u32 s3, s0;
	s1 =	sshll.u32 s1, $0x11  }
0xc9: {  	s0 =	sor.u32 s1, s0  }
0xca: {  	s0 =	sadd.s32 $0x8F2B, s0  }
0xcb: {  	[sflag:s0] =	ssyncadd.remote.s32 $0x1  }
0xcc: {  	_ =	sfence.sel $0xFFFF  }
0xcd: {  	[dreg:$0x0] =	wrdreg $0xFFFFFFFF;
	(pc) =	sbr.abs _section_cstart, $3  }
0xce: {  	[dreg:$0x1] =	wrdreg $0xFFFFFFFF  }
0xcf: {  	_ =	task.clear_ibuf [dreg:s12], $0x2FFFF;
	_ =	strace $0x9FFFFFFF  }
0xd0: {  	(tm) =	ssettm $0x7FFFFFFF  }
0xd1: {  	_ =	shalt  }
tec
execute0_lowered:
.L_overlay_start_1:
0x0: {  	(tag) =	ssettag $0x1  }
0x1: {  	s0 =	rddreg [dreg:$0x0]  }
0x2: {  	s1 =	rddreg [dreg:$0x1]  }
0x3: {  	s2 =	rddreg [dreg:$0x2]  }
0x4: {  	s3 =	rddreg [dreg:$0x3]  }
0x5: {  	s4 =	rddreg [dreg:$0x4]  }
0x6: {  	s7 =	rddreg [dreg:$0x6]  }
0x7: {  	s5 =	rddreg [dreg:$0x7]  }
0x8: {  	s6 =	simm.s32 $0x0;
	s12 =	stileid.u32;
	s9 =	srdreg.scid  }
0x9: {  	s28 =	simm.s32 $0x4;
	s29 =	simm.s32 $0x180;
	s30 =	simm.s32 $0x80  }
0xa: {  	s31 =	simm.s32 $0x200;
	[smem:$0x7FF] =	sst s6;
	s8 =	smul.u32 $0x2700, s12  }
0xb: {  	s14 =	sand.u32 $0x1, s9;
	s22 =	smul.u32 $0x4E000, s12;
	s13 =	sadd.s32 $0x51E00, s7  }
0xc: {  	s19 =	sadd.s32 $0x79000, s7;
	s23 =	sshll.u32 s12, $0x6;
	s17 =	sshll.u32 s12, $0x4  }
0xd: {  	s18 =	sadd.s32 $0x138000, s5;
	s25 =	sadd.s32 $0x27000, s4;
	p1 =	sne.s32 s12, $0xF  }
0xe: {  	p2 =	sgt.u32 s12, $0x3;
	p3 =	seq.s32 s12, $0xF;
	_ =	strace $0x80000047  }
0xf: {  	s10 =	ssub.s32 $0x2, s14;
	[dreg:$0xb] =	wrdreg s18;
	s24 =	sor.u32 $0x9C00, s17  }
0x10: {  	p0 =	seq.s32 s14, $0x1;
	s14 =	sadd.s32 $0x2AA00, s7;
	[dreg:$0x9] =	wrdreg s13  }
0x11: {  	s18 =	sadd.s32 s17, s3;
	s20 =	sadd.s32 s17, s2;
	[dreg:$0xa] =	wrdreg s19  }
0x12: {  	s15 =	sadd.s32 s8, s7;
	s11 =	sshrl.u32 s10, $0x1;
	s9 =	sshrl.u32 s22, $0x2  }
0x13: {  	s26 =	sadd.s32 s2, s24;
	[dreg:$0x10] =	wrdreg s14;
	s17 =	sadd.s32 s13, s8  }
0x14: {  	s22 =	sadd.s32 $0x51C00, s7;
	s2 =	simm.s32 $0x100;
	[dreg:$0xd] =	wrdreg s26  }
0x15: {  	s16 =	ssub.s32 s10, s11;
	s9 =	sadd.s32 s9, s5;
	[dreg:$0x12] =	wrdreg s17  }
0x16: {  	s10 =	sadd.s32 s4, s8;
	s11 =	sor.u32 $0x1C04, s23;
	[dreg:$0x14] =	wrdreg s22  }
0x17: {  	s4 =	sadd.s32 s3, s24;
	s3 =	sadd.s32 $0x9C00, s18;
	[dreg:$0xc] =	wrdreg s9  }
0x18: {  	s21 =	sadd.s32 $0x2AC00, s15;
	s23 =	sadd.s32 s19, s8;
	[dreg:$0xe] =	wrdreg s4  }
0x19: {  	s26 =	sadd.s32 $0x9C00, s20;
	s17 =	simm.s32 $0x4300;
	[dreg:$0x11] =	wrdreg s3  }
.Ltmp0:
0x1a: {  	s19 =	simm.s32 $0x8300;
	[dreg:$0x13] =	wrdreg s21;
	(pc) =	sbr.rel .LBB2_1-.Ltmp0, $4  }
0x1b: {  	s22 =	simm.s32 $0x3;
	s9 =	sadd.s32 $0x3A00, s15;
	[dreg:$0x15] =	wrdreg s23  }
0x1c: {  	s24 =	smax.u32 s16, $0x1;
	[dreg:$0x17] =	wrdreg s26;
	s4 =	simm.s32 $0x280  }
0x1d: {  	s3 =	simm.s32 $0x1;
	s16 =	simm.s32 $0x300;
	[dreg:$0xf] =	wrdreg s9  }
0x1e: {  	s21 =	simm.s32 $0x2;
	s23 =	simm.s32 $0x0;
	[dreg:$0x16] =	wrdreg s24  }
.LBB2_12:
0x1f: {  	s8 =	rddreg [dreg:$0xb]  }
0x20: {  	s7 =	sadd.s32 $0x27000, s7;
	s8 =	sshrl.u32 s8, $0x3  }
0x21: {  	[hbm:s7], [sflag:s11] =	dma.local [spmem:s8], $0x100  }
0x22: {  	_ =	swait.ge [sflag:s28], $0x100  }
0x23: {  	[sflag:s28] =	ssyncset.done $0x0  }
0x24: {  	[sflag:s28] =	ssyncadd.s32 $0xFFFFFF00  }
.LBB2_13:
0x25: {  	s23 =	sadd.s32 $0x1, s23;
	s7 =	rddreg [dreg:$0x16]  }
0x26: {  	p4 =	sne.s32 s23, s7  }
.Ltmp1:
0x27: {  	_ = 	snop;
	(pc) =	sbr.rel @!p4 .LBB2_14-.Ltmp1, $1  }
0x28: {  	_ =	sdelay $0x3  }
.LBB2_1:
0x29: {  	s12 =	rddreg [dreg:$0xc]  }
0x2a: {  	s24 =	sshrl.u32 s12, $0x3  }
0x2b: {  	[spmem:s24], [sflag:s11] =	dma.local [hbm:s10], $0x2700  }
0x2c: {  	_ =	swait.ge [sflag:s28], $0x2700  }
0x2d: {  	[sflag:s28] =	ssyncset.done $0x0;
	s7 =	rddreg [dreg:$0xb]  }
0x2e: {  	[sflag:s28] =	ssyncadd.s32 $0xFFFFD900;
	s26 =	sshrl.u32 @!p1 s7, $0x3;
	s7 =	simm.s32 @!p1 $0x4  }
0x2f: {  	[spmem:s26], [sflag:s11] =	dma.local @!p1 [hbm:s25], $0x100  }
.Ltmp2:
0x30: {  	_ =	swait.ge @!p1 [sflag:s7], $0x100;
	(pc) =	sbr.rel @!p0 .LBB2_2-.Ltmp2, $4  }
0x31: {  	[sflag:s7] =	ssyncset.done @!p1 $0x0  }
0x32: {  	[sflag:s7] =	ssyncadd.s32 @!p1 $0xFFFFFF00  }
0x33: {  	[bflag:$0x0] =	sbarrier.arrive $0xFFFF  }
0x34: {  	s9 =	smov.u32 s25;
	s8 =	sshrl.u32 @p1 s12, $0x3;
	s7 =	sshrl.u32 @!p1 s12, $0x3  }
0x35: {  	s12 =	sadd.s32 $0x0, s18  }
0x36: {  	[tilespmem:s6], [sflag:$0x1] =	stream.linear.gather [hbm4b:s12+s6], $0x80, $0x38;
	[tilespmem:$0x1FB80] =	vst v63  }
0x37: {  	s13 =	sadd.s32 $0x0, s20  }
0x38: {  	[tilespmem:s29], [sflag:$0x1] =	stream.linear.gather [hbm4b:s13+s6], $0x80, $0x38;
	[tilespmem:$0x1FB80] =	vst v63  }
0x39: {  	s14 =	sadd.s32 $0x100, s12  }
0x3a: {  	[tilespmem:s30], [sflag:$0x1] =	stream.linear.gather [hbm4b:s14+s6], $0x80, $0x38;
	[tilespmem:$0x1FB80] =	vst v63  }
0x3b: {  	s15 =	sadd.s32 $0x100, s13  }
0x3c: {  	[tilespmem:s31], [sflag:$0x1] =	stream.linear.gather [hbm4b:s15+s6], $0x80, $0x38;
	[tilespmem:$0x1FB80] =	vst v63  }
0x3d: {  	s12 =	sadd.s32 $0x200, s12  }
0x3e: {  	[tilespmem:s2], [sflag:$0x1] =	stream.linear.gather [hbm4b:s12+s6], $0x80, $0x38;
	[tilespmem:$0x1FB80] =	vst v63  }
0x3f: {  	s25 =	sadd.s32 $0x200, s13  }
0x40: {  	[tilespmem:s4], [sflag:$0x1] =	stream.linear.gather [hbm4b:s25+s6], $0x80, $0x38;
	[tilespmem:$0x1FB80] =	vst v63  }
0x41: {  	_ =	swait.ge [sflag:s3], $0x80  }
0x42: {  	[sflag:s3] =	ssyncset.done $0x0  }
0x43: {  	[sflag:s3] =	ssyncadd.s32 $0xFFFFFF80  }
0x44: {  	_ =	swait.ge [sflag:s3], $0x80  }
0x45: {  	[sflag:s3] =	ssyncset.done $0x0  }
0x46: {  	[sflag:s3] =	ssyncadd.s32 $0xFFFFFF80  }
0x47: {  	_ =	swait.ge [sflag:s3], $0x80  }
0x48: {  	[sflag:s3] =	ssyncset.done $0x0  }
0x49: {  	[sflag:s3] =	ssyncadd.s32 $0xFFFFFF80  }
0x4a: {  	_ =	swait.ge [sflag:s3], $0x80  }
0x4b: {  	[sflag:s3] =	ssyncset.done $0x0  }
0x4c: {  	[sflag:s3] =	ssyncadd.s32 $0xFFFFFF80  }
0x4d: {  	_ =	swait.ge [sflag:s3], $0x80  }
0x4e: {  	[sflag:s3] =	ssyncset.done $0x0  }
0x4f: {  	[sflag:s3] =	ssyncadd.s32 $0xFFFFFF80  }
0x50: {  	_ =	swait.ge [sflag:s3], $0x80  }
0x51: {  	[sflag:s3] =	ssyncset.done $0x0  }
0x52: {  	[sflag:s3] =	ssyncadd.s32 $0xFFFFFF80  }
0x53: {  	[tilespmem:s16], [sflag:$0x2] =	stream.indirect.gather [hbm4b:s1+s30], $0x80, s6, s30, $0xb8;
	[tilespmem:$0x1FB80] =	vst v63  }
0x54: {  	_ = 	snop  }
0x55: {  	[tilespmem:s17], [sflag:$0x2] =	stream.indirect.gather [hbm4b:s1+s30], $0x80, s30, s30, $0xb8;
	[tilespmem:$0x1FB80] =	vst v63  }
0x56: {  	_ = 	snop  }
0x57: {  	[tilespmem:s19], [sflag:$0x2] =	stream.indirect.gather [hbm4b:s1+s30], $0x80, s2, s30, $0xb8;
	[tilespmem:$0x1FB80] =	vst v63  }
0x58: {  	_ =	swait.ge [sflag:s21], $0x4000  }
0x59: {  	[sflag:s21] =	ssyncset.done $0x0  }
0x5a: {  	[sflag:s21] =	ssyncadd.s32 $0xFFFFC000  }
0x5b: {  	_ =	swait.ge [sflag:s21], $0x4000  }
0x5c: {  	[sflag:s21] =	ssyncset.done $0x0  }
0x5d: {  	[sflag:s21] =	ssyncadd.s32 $0xFFFFC000  }
0x5e: {  	_ =	swait.ge [sflag:s21], $0x4000  }
0x5f: {  	[sflag:s21] =	ssyncset.done $0x0  }
0x60: {  	[sflag:s21] =	ssyncadd.s32 $0xFFFFC000  }
0x61: {  	[spmem:s5] =	stream.indirect.scatter.add.f32 [tilespmem:s16], [sflag:$0x3], $0x80, s29, s30, $0xb8;
	[tilespmem:$0x1FB80] =	vst v63  }
0x62: {  	_ = 	snop  }
0x63: {  	[spmem:s5] =	stream.indirect.scatter.add.f32 [tilespmem:s17], [sflag:$0x3], $0x80, s31, s30, $0xb8;
	[tilespmem:$0x1FB80] =	vst v63  }
0x64: {  	_ = 	snop  }
0x65: {  	[spmem:s5] =	stream.indirect.scatter.add.f32 [tilespmem:s19], [sflag:$0x3], $0x80, s4, s30, $0xb8;
	[tilespmem:$0x1FB80] =	vst v63  }
0x66: {  	_ =	swait.ge [sflag:s22], $0x4000  }
0x67: {  	[sflag:s22] =	ssyncset.done $0x0  }
0x68: {  	[sflag:s22] =	ssyncadd.s32 $0xFFFFC000  }
0x69: {  	_ =	swait.ge [sflag:s22], $0x4000  }
0x6a: {  	[sflag:s22] =	ssyncset.done $0x0  }
0x6b: {  	[sflag:s22] =	ssyncadd.s32 $0xFFFFC000  }
0x6c: {  	_ =	swait.ge [sflag:s22], $0x4000  }
0x6d: {  	s14 =	simm.s32 $0x300;
	s25 =	simm.s32 $0x600;
	[sflag:s22] =	ssyncset.done $0x0  }
.LBB2_8:
0x6e: {  	s12 =	sadd.s32 s14, s18  }
0x6f: {  	[sflag:s22] =	ssyncadd.s32 $0xFFFFC000;
	s13 =	smov.u32 s25;
	s15 =	sadd.s32 $0x300, s25  }
0x70: {  	[tilespmem:s6], [sflag:$0x1] =	stream.linear.gather [hbm4b:s12+s6], $0x80, $0x38;
	[tilespmem:$0x1FB80] =	vst v63  }
0x71: {  	p4 =	sne.s32 s25, $0x9900;
	s25 =	sadd.s32 s14, s20;
	s14 =	smov.u32 s13  }
0x72: {  	[tilespmem:s29], [sflag:$0x1] =	stream.linear.gather [hbm4b:s25+s6], $0x80, $0x38;
	[tilespmem:$0x1FB80] =	vst v63  }
0x73: {  	s13 =	sadd.s32 $0x100, s12  }
0x74: {  	[tilespmem:s30], [sflag:$0x1] =	stream.linear.gather [hbm4b:s13+s6], $0x80, $0x38;
	[tilespmem:$0x1FB80] =	vst v63  }
0x75: {  	s13 =	sadd.s32 $0x100, s25  }
0x76: {  	[tilespmem:s31], [sflag:$0x1] =	stream.linear.gather [hbm4b:s13+s6], $0x80, $0x38;
	[tilespmem:$0x1FB80] =	vst v63  }
0x77: {  	s12 =	sadd.s32 $0x200, s12  }
0x78: {  	[tilespmem:s2], [sflag:$0x1] =	stream.linear.gather [hbm4b:s12+s6], $0x80, $0x38;
	[tilespmem:$0x1FB80] =	vst v63  }
0x79: {  	s12 =	sadd.s32 $0x200, s25  }
0x7a: {  	[tilespmem:s4], [sflag:$0x1] =	stream.linear.gather [hbm4b:s12+s6], $0x80, $0x38;
	[tilespmem:$0x1FB80] =	vst v63  }
0x7b: {  	_ =	swait.ge [sflag:s3], $0x80  }
0x7c: {  	[sflag:s3] =	ssyncset.done $0x0  }
0x7d: {  	[sflag:s3] =	ssyncadd.s32 $0xFFFFFF80  }
0x7e: {  	_ =	swait.ge [sflag:s3], $0x80  }
0x7f: {  	[sflag:s3] =	ssyncset.done $0x0  }
0x80: {  	[sflag:s3] =	ssyncadd.s32 $0xFFFFFF80  }
0x81: {  	_ =	swait.ge [sflag:s3], $0x80  }
0x82: {  	[sflag:s3] =	ssyncset.done $0x0  }
0x83: {  	[sflag:s3] =	ssyncadd.s32 $0xFFFFFF80  }
0x84: {  	_ =	swait.ge [sflag:s3], $0x80  }
0x85: {  	[sflag:s3] =	ssyncset.done $0x0  }
0x86: {  	[sflag:s3] =	ssyncadd.s32 $0xFFFFFF80  }
0x87: {  	_ =	swait.ge [sflag:s3], $0x80  }
0x88: {  	[sflag:s3] =	ssyncset.done $0x0  }
0x89: {  	[sflag:s3] =	ssyncadd.s32 $0xFFFFFF80  }
0x8a: {  	_ =	swait.ge [sflag:s3], $0x80  }
0x8b: {  	[sflag:s3] =	ssyncset.done $0x0  }
0x8c: {  	[sflag:s3] =	ssyncadd.s32 $0xFFFFFF80  }
0x8d: {  	[tilespmem:s16], [sflag:$0x2] =	stream.indirect.gather [hbm4b:s1+s30], $0x80, s6, s30, $0xb8;
	[tilespmem:$0x1FB80] =	vst v63  }
0x8e: {  	_ = 	snop  }
0x8f: {  	[tilespmem:s17], [sflag:$0x2] =	stream.indirect.gather [hbm4b:s1+s30], $0x80, s30, s30, $0xb8;
	[tilespmem:$0x1FB80] =	vst v63  }
0x90: {  	_ = 	snop  }
0x91: {  	[tilespmem:s19], [sflag:$0x2] =	stream.indirect.gather [hbm4b:s1+s30], $0x80, s2, s30, $0xb8;
	[tilespmem:$0x1FB80] =	vst v63  }
0x92: {  	_ =	swait.ge [sflag:s21], $0x4000  }
0x93: {  	[sflag:s21] =	ssyncset.done $0x0  }
0x94: {  	[sflag:s21] =	ssyncadd.s32 $0xFFFFC000  }
0x95: {  	_ =	swait.ge [sflag:s21], $0x4000  }
0x96: {  	[sflag:s21] =	ssyncset.done $0x0  }
0x97: {  	[sflag:s21] =	ssyncadd.s32 $0xFFFFC000  }
0x98: {  	_ =	swait.ge [sflag:s21], $0x4000  }
0x99: {  	[sflag:s21] =	ssyncset.done $0x0  }
0x9a: {  	[sflag:s21] =	ssyncadd.s32 $0xFFFFC000  }
0x9b: {  	[spmem:s5] =	stream.indirect.scatter.add.f32 [tilespmem:s16], [sflag:$0x3], $0x80, s29, s30, $0xb8;
	[tilespmem:$0x1FB80] =	vst v63  }
0x9c: {  	_ = 	snop  }
0x9d: {  	[spmem:s5] =	stream.indirect.scatter.add.f32 [tilespmem:s17], [sflag:$0x3], $0x80, s31, s30, $0xb8;
	[tilespmem:$0x1FB80] =	vst v63  }
0x9e: {  	_ = 	snop  }
0x9f: {  	[spmem:s5] =	stream.indirect.scatter.add.f32 [tilespmem:s19], [sflag:$0x3], $0x80, s4, s30, $0xb8;
	[tilespmem:$0x1FB80] =	vst v63  }
0xa0: {  	_ =	swait.ge [sflag:s22], $0x4000  }
0xa1: {  	[sflag:s22] =	ssyncset.done $0x0  }
0xa2: {  	[sflag:s22] =	ssyncadd.s32 $0xFFFFC000  }
.Ltmp3:
0xa3: {  	_ =	swait.ge [sflag:s22], $0x4000;
	(pc) =	sbr.rel @p4 .LBB2_8-.Ltmp3, $4  }
0xa4: {  	[sflag:s22] =	ssyncset.done $0x0  }
0xa5: {  	[sflag:s22] =	ssyncadd.s32 $0xFFFFC000  }
0xa6: {  	_ =	swait.ge [sflag:s22], $0x4000  }
0xa7: {  	s25 =	smov.u32 s15;
	[sflag:s22] =	ssyncset.done $0x0  }
0xa8: {  	s12 =	sadd.s32 s14, s18;
	[sflag:s22] =	ssyncadd.s32 $0xFFFFC000  }
0xa9: {  	[tilespmem:s6], [sflag:$0x1] =	stream.linear.gather [hbm4b:s12+s6], $0x80, $0x38;
	[tilespmem:$0x1FB80] =	vst v63  }
0xaa: {  	s13 =	sadd.s32 s14, s20  }
0xab: {  	[tilespmem:s29], [sflag:$0x1] =	stream.linear.gather [hbm4b:s13+s6], $0x80, $0x38;
	[tilespmem:$0x1FB80] =	vst v63  }
0xac: {  	s25 =	sadd.s32 $0x100, s12  }
0xad: {  	[tilespmem:s30], [sflag:$0x1] =	stream.linear.gather [hbm4b:s25+s6], $0x80, $0x38;
	[tilespmem:$0x1FB80] =	vst v63  }
0xae: {  	s15 =	sadd.s32 $0x100, s13  }
0xaf: {  	[tilespmem:s31], [sflag:$0x1] =	stream.linear.gather [hbm4b:s15+s6], $0x80, $0x38;
	[tilespmem:$0x1FB80] =	vst v63  }
0xb0: {  	s12 =	sadd.s32 $0x200, s12  }
0xb1: {  	[tilespmem:s2], [sflag:$0x1] =	stream.linear.gather [hbm4b:s12+s6], $0x80, $0x38;
	[tilespmem:$0x1FB80] =	vst v63  }
0xb2: {  	s25 =	sadd.s32 $0x200, s13  }
0xb3: {  	[tilespmem:s4], [sflag:$0x1] =	stream.linear.gather [hbm4b:s25+s6], $0x80, $0x38;
	[tilespmem:$0x1FB80] =	vst v63  }
0xb4: {  	_ =	swait.ge [sflag:s3], $0x80  }
0xb5: {  	[sflag:s3] =	ssyncset.done $0x0  }
0xb6: {  	[sflag:s3] =	ssyncadd.s32 $0xFFFFFF80  }
0xb7: {  	_ =	swait.ge [sflag:s3], $0x80  }
0xb8: {  	[sflag:s3] =	ssyncset.done $0x0  }
0xb9: {  	[sflag:s3] =	ssyncadd.s32 $0xFFFFFF80  }
0xba: {  	_ =	swait.ge [sflag:s3], $0x80  }
0xbb: {  	[sflag:s3] =	ssyncset.done $0x0  }
0xbc: {  	[sflag:s3] =	ssyncadd.s32 $0xFFFFFF80  }
0xbd: {  	_ =	swait.ge [sflag:s3], $0x80  }
0xbe: {  	[sflag:s3] =	ssyncset.done $0x0  }
0xbf: {  	[sflag:s3] =	ssyncadd.s32 $0xFFFFFF80  }
0xc0: {  	_ =	swait.ge [sflag:s3], $0x80  }
0xc1: {  	[sflag:s3] =	ssyncset.done $0x0  }
0xc2: {  	[sflag:s3] =	ssyncadd.s32 $0xFFFFFF80  }
0xc3: {  	_ =	swait.ge [sflag:s3], $0x80  }
0xc4: {  	[sflag:s3] =	ssyncset.done $0x0  }
0xc5: {  	[sflag:s3] =	ssyncadd.s32 $0xFFFFFF80  }
0xc6: {  	[tilespmem:s16], [sflag:$0x2] =	stream.indirect.gather [hbm4b:s1+s30], $0x80, s6, s30, $0xb8;
	[tilespmem:$0x1FB80] =	vst v63  }
0xc7: {  	_ = 	snop  }
0xc8: {  	[tilespmem:s17], [sflag:$0x2] =	stream.indirect.gather [hbm4b:s1+s30], $0x80, s30, s30, $0xb8;
	[tilespmem:$0x1FB80] =	vst v63  }
0xc9: {  	_ = 	snop  }
0xca: {  	[tilespmem:s19], [sflag:$0x2] =	stream.indirect.gather [hbm4b:s1+s30], $0x80, s2, s30, $0xb8;
	[tilespmem:$0x1FB80] =	vst v63  }
0xcb: {  	_ =	swait.ge [sflag:s21], $0x4000  }
0xcc: {  	[sflag:s21] =	ssyncset.done $0x0  }
0xcd: {  	[sflag:s21] =	ssyncadd.s32 $0xFFFFC000  }
0xce: {  	_ =	swait.ge [sflag:s21], $0x4000  }
0xcf: {  	[sflag:s21] =	ssyncset.done $0x0  }
0xd0: {  	[sflag:s21] =	ssyncadd.s32 $0xFFFFC000  }
0xd1: {  	_ =	swait.ge [sflag:s21], $0x4000  }
0xd2: {  	[sflag:s21] =	ssyncset.done $0x0  }
0xd3: {  	[sflag:s21] =	ssyncadd.s32 $0xFFFFC000  }
0xd4: {  	[spmem:s5] =	stream.indirect.scatter.add.f32 [tilespmem:s16], [sflag:$0x3], $0x80, s29, s30, $0xb8;
	[tilespmem:$0x1FB80] =	vst v63  }
0xd5: {  	_ = 	snop  }
0xd6: {  	[spmem:s5] =	stream.indirect.scatter.add.f32 [tilespmem:s17], [sflag:$0x3], $0x80, s31, s30, $0xb8;
	[tilespmem:$0x1FB80] =	vst v63  }
0xd7: {  	_ = 	snop  }
0xd8: {  	[spmem:s5] =	stream.indirect.scatter.add.f32 [tilespmem:s19], [sflag:$0x3], $0x80, s4, s30, $0xb8;
	[tilespmem:$0x1FB80] =	vst v63  }
0xd9: {  	_ =	swait.ge [sflag:s22], $0x4000  }
0xda: {  	[sflag:s22] =	ssyncset.done $0x0  }
0xdb: {  	[sflag:s22] =	ssyncadd.s32 $0xFFFFC000  }
0xdc: {  	_ =	swait.ge [sflag:s22], $0x4000  }
0xdd: {  	[sflag:s22] =	ssyncset.done $0x0  }
0xde: {  	[sflag:s22] =	ssyncadd.s32 $0xFFFFC000  }
0xdf: {  	_ =	swait.ge [sflag:s22], $0x4000  }
0xe0: {  	[sflag:s22] =	ssyncset.done $0x0  }
0xe1: {  	s12 =	simm.s32 @!p2 $0x0;
	s13 =	rddreg [dreg:$0xe];
	[sflag:s22] =	ssyncadd.s32 $0xFFFFC000  }
0xe2: {  	[tilespmem:s12], [sflag:$0x4] =	stream.linear.gather @!p2 [hbm4b:s13+s12], $0x80, $0x38;
	[tilespmem:$0x1FB80] =	vst v63  }
0xe3: {  	s13 =	simm.s32 @!p2 $0x4  }
0xe4: {  	_ =	swait.ge @!p2 [sflag:s13], $0x80  }
0xe5: {  	[sflag:s13] =	ssyncset.done @!p2 $0x0  }
0xe6: {  	s14 =	simm.s32 @!p2 $0x180;
	s15 =	rddreg [dreg:$0xd];
	[sflag:s13] =	ssyncadd.s32 @!p2 $0xFFFFFF80  }
0xe7: {  	[tilespmem:s14], [sflag:$0x4] =	stream.linear.gather @!p2 [hbm4b:s15+s12], $0x80, $0x38;
	[tilespmem:$0x1FB80] =	vst v63  }
0xe8: {  	_ =	swait.ge @!p2 [sflag:s13], $0x80  }
0xe9: {  	[sflag:s13] =	ssyncset.done @!p2 $0x0  }
0xea: {  	s25 =	simm.s32 @!p2 $0x300;
	s15 =	simm.s32 @!p2 $0x80;
	[sflag:s13] =	ssyncadd.s32 @!p2 $0xFFFFFF80  }
0xeb: {  	[tilespmem:s25], [sflag:$0x2] =	stream.indirect.gather @!p2 [hbm4b:s1+s15], $0x80, s12, s15, $0xb8;
	[tilespmem:$0x1FB80] =	vst v63  }
0xec: {  	s12 =	simm.s32 @!p2 $0x2  }
0xed: {  	_ =	swait.ge @!p2 [sflag:s12], $0x4000  }
0xee: {  	[sflag:s12] =	ssyncset.done @!p2 $0x0  }
0xef: {  	[sflag:s12] =	ssyncadd.s32 @!p2 $0xFFFFC000  }
0xf0: {  	[spmem:s5] =	stream.indirect.scatter.add.f32 @!p2 [tilespmem:s25], [sflag:$0x4], $0x80, s14, s15, $0xb8;
	[tilespmem:$0x1FB80] =	vst v63  }
0xf1: {  	_ =	swait.ge @!p2 [sflag:s13], $0x4000  }
0xf2: {  	[sflag:s13] =	ssyncset.done @!p2 $0x0  }
0xf3: {  	[sflag:s13] =	ssyncadd.s32 @!p2 $0xFFFFC000  }
0xf4: {  	[bflag:$0x0] =	sbarrier.arrive $0xFFFF  }
0xf5: {  	s13 =	rddreg [dreg:$0x13]  }
0xf6: {  	[hbm:s13], [sflag:s11] =	dma.local [spmem:s24], $0x2700  }
0xf7: {  	_ =	swait.ge [sflag:s28], $0x2700  }
0xf8: {  	[sflag:s28] =	ssyncset.done $0x0  }
0xf9: {  	[sflag:s28] =	ssyncadd.s32 $0xFFFFD900  }
0xfa: {  	[spmem:s8], [sflag:s11] =	dma.local @p1 [hbm:s10], $0x2700  }
0xfb: {  	s8 =	simm.s32 @p1 $0x4  }
0xfc: {  	_ =	swait.ge @p1 [sflag:s8], $0x2700  }
0xfd: {  	[sflag:s8] =	ssyncset.done @p1 $0x0  }
0xfe: {  	[sflag:s8] =	ssyncadd.s32 @p1 $0xFFFFD900;
	s8 =	rddreg [dreg:$0x14]  }
0xff: {  	[hbm:s8], [sflag:s11] =	dma.local @!p1 [spmem:s26], $0x100  }
0x100: {  	s8 =	simm.s32 @!p1 $0x4  }
0x101: {  	_ =	swait.ge @!p1 [sflag:s8], $0x100  }
0x102: {  	[sflag:s8] =	ssyncset.done @!p1 $0x0  }
0x103: {  	[sflag:s8] =	ssyncadd.s32 @!p1 $0xFFFFFF00  }
0x104: {  	[spmem:s7], [sflag:s11] =	dma.local @!p1 [hbm:s10], $0x2700  }
0x105: {  	_ =	swait.ge @!p1 [sflag:s8], $0x2700  }
0x106: {  	[sflag:s8] =	ssyncset.done @!p1 $0x0  }
0x107: {  	[sflag:s8] =	ssyncadd.s32 @!p1 $0xFFFFD900  }
0x108: {  	[spmem:s26], [sflag:s11] =	dma.local @!p1 [hbm:s9], $0x100  }
0x109: {  	_ =	swait.ge @!p1 [sflag:s8], $0x100  }
0x10a: {  	[sflag:s8] =	ssyncset.done @!p1 $0x0  }
0x10b: {  	[sflag:s8] =	ssyncadd.s32 @!p1 $0xFFFFFF00  }
0x10c: {  	s14 =	simm.s32 $0x0;
	s8 =	rddreg [dreg:$0x5]  }
0x10d: {  	[tilespmem:s16], [sflag:$0x4] =	stream.linear.gather [hbm4b:s8+s14], $0x4000, $0x38;
	[tilespmem:$0x1FB80] =	vst v63  }
0x10e: {  	_ =	swait.ge [sflag:s28], $0x4000  }
0x10f: {  	[sflag:s28] =	ssyncset.done $0x0  }
0x110: {  	[sflag:s28] =	ssyncadd.s32 $0xFFFFC000  }
0x111: {  	s15 =	sadd.s32 $0x0, s20;
	[bflag:$0x0] =	sbarrier.arrive $0xFFFF  }
0x112: {  	[tilespmem:s29], [sflag:$0x1] =	stream.linear.gather [hbm4b:s15+s6], $0x80, $0x38;
	[tilespmem:$0x1FB80] =	vst v63  }
0x113: {  	s26 =	sadd.s32 $0x100, s15  }
0x114: {  	[tilespmem:s31], [sflag:$0x1] =	stream.linear.gather [hbm4b:s26+s6], $0x80, $0x38;
	[tilespmem:$0x1FB80] =	vst v63  }
0x115: {  	s7 =	sadd.s32 $0x200, s15  }
0x116: {  	[tilespmem:s4], [sflag:$0x1] =	stream.linear.gather [hbm4b:s7+s6], $0x80, $0x38;
	[tilespmem:$0x1FB80] =	vst v63  }
0x117: {  	_ =	swait.ge [sflag:s3], $0x80  }
0x118: {  	[sflag:s3] =	ssyncset.done $0x0  }
0x119: {  	[sflag:s3] =	ssyncadd.s32 $0xFFFFFF80  }
0x11a: {  	_ =	swait.ge [sflag:s3], $0x80  }
0x11b: {  	[sflag:s3] =	ssyncset.done $0x0  }
0x11c: {  	[sflag:s3] =	ssyncadd.s32 $0xFFFFFF80  }
0x11d: {  	_ =	swait.ge [sflag:s3], $0x80  }
0x11e: {  	[sflag:s3] =	ssyncset.done $0x0  }
0x11f: {  	[sflag:s3] =	ssyncadd.s32 $0xFFFFFF80  }
0x120: {  	[spmem:s5] =	stream.indirect.scatter.add.f32 [tilespmem:s16], [sflag:$0x3], $0x80, s29, s30, $0xb8;
	[tilespmem:$0x1FB80] =	vst v63  }
0x121: {  	_ = 	snop  }
0x122: {  	[spmem:s5] =	stream.indirect.scatter.add.f32 [tilespmem:s16], [sflag:$0x3], $0x80, s31, s30, $0xb8;
	[tilespmem:$0x1FB80] =	vst v63  }
0x123: {  	_ = 	snop  }
0x124: {  	[spmem:s5] =	stream.indirect.scatter.add.f32 [tilespmem:s16], [sflag:$0x3], $0x80, s4, s30, $0xb8;
	[tilespmem:$0x1FB80] =	vst v63  }
0x125: {  	_ =	swait.ge [sflag:s22], $0x4000  }
0x126: {  	[sflag:s22] =	ssyncset.done $0x0  }
0x127: {  	[sflag:s22] =	ssyncadd.s32 $0xFFFFC000  }
0x128: {  	_ =	swait.ge [sflag:s22], $0x4000  }
0x129: {  	[sflag:s22] =	ssyncset.done $0x0  }
0x12a: {  	[sflag:s22] =	ssyncadd.s32 $0xFFFFC000  }
0x12b: {  	s25 =	smov.u32 s9;
	_ =	swait.ge [sflag:s22], $0x4000  }
0x12c: {  	s8 =	simm.s32 $0x600;
	s7 =	simm.s32 $0x300;
	[sflag:s22] =	ssyncset.done $0x0  }
.LBB2_10:
0x12d: {  	s12 =	sadd.s32 s7, s20  }
0x12e: {  	[sflag:s22] =	ssyncadd.s32 $0xFFFFC000;
	s7 =	smov.u32 s8;
	s13 =	sadd.s32 $0x300, s8  }
0x12f: {  	[tilespmem:s29], [sflag:$0x1] =	stream.linear.gather [hbm4b:s12+s6], $0x80, $0x38;
	[tilespmem:$0x1FB80] =	vst v63  }
0x130: {  	p4 =	sne.s32 s8, $0x9900;
	s8 =	sadd.s32 $0x100, s12  }
0x131: {  	[tilespmem:s31], [sflag:$0x1] =	stream.linear.gather [hbm4b:s8+s6], $0x80, $0x38;
	[tilespmem:$0x1FB80] =	vst v63  }
0x132: {  	s8 =	sadd.s32 $0x200, s12  }
0x133: {  	[tilespmem:s4], [sflag:$0x1] =	stream.linear.gather [hbm4b:s8+s6], $0x80, $0x38;
	[tilespmem:$0x1FB80] =	vst v63  }
0x134: {  	_ =	swait.ge [sflag:s3], $0x80  }
0x135: {  	[sflag:s3] =	ssyncset.done $0x0  }
0x136: {  	[sflag:s3] =	ssyncadd.s32 $0xFFFFFF80  }
0x137: {  	_ =	swait.ge [sflag:s3], $0x80  }
0x138: {  	[sflag:s3] =	ssyncset.done $0x0  }
0x139: {  	[sflag:s3] =	ssyncadd.s32 $0xFFFFFF80  }
0x13a: {  	_ =	swait.ge [sflag:s3], $0x80  }
0x13b: {  	[sflag:s3] =	ssyncset.done $0x0  }
0x13c: {  	[sflag:s3] =	ssyncadd.s32 $0xFFFFFF80  }
0x13d: {  	[spmem:s5] =	stream.indirect.scatter.add.f32 [tilespmem:s16], [sflag:$0x3], $0x80, s29, s30, $0xb8;
	[tilespmem:$0x1FB80] =	vst v63  }
0x13e: {  	_ = 	snop  }
0x13f: {  	[spmem:s5] =	stream.indirect.scatter.add.f32 [tilespmem:s16], [sflag:$0x3], $0x80, s31, s30, $0xb8;
	[tilespmem:$0x1FB80] =	vst v63  }
0x140: {  	_ = 	snop  }
0x141: {  	[spmem:s5] =	stream.indirect.scatter.add.f32 [tilespmem:s16], [sflag:$0x3], $0x80, s4, s30, $0xb8;
	[tilespmem:$0x1FB80] =	vst v63  }
0x142: {  	_ =	swait.ge [sflag:s22], $0x4000  }
0x143: {  	[sflag:s22] =	ssyncset.done $0x0  }
0x144: {  	[sflag:s22] =	ssyncadd.s32 $0xFFFFC000  }
.Ltmp4:
0x145: {  	_ =	swait.ge [sflag:s22], $0x4000;
	(pc) =	sbr.rel @p4 .LBB2_10-.Ltmp4, $4  }
0x146: {  	[sflag:s22] =	ssyncset.done $0x0  }
0x147: {  	[sflag:s22] =	ssyncadd.s32 $0xFFFFC000  }
0x148: {  	_ =	swait.ge [sflag:s22], $0x4000  }
0x149: {  	s8 =	smov.u32 s13;
	[sflag:s22] =	ssyncset.done $0x0  }
0x14a: {  	s7 =	sadd.s32 s7, s20;
	[sflag:s22] =	ssyncadd.s32 $0xFFFFC000  }
0x14b: {  	[tilespmem:s29], [sflag:$0x1] =	stream.linear.gather [hbm4b:s7+s6], $0x80, $0x38;
	[tilespmem:$0x1FB80] =	vst v63  }
0x14c: {  	s8 =	sadd.s32 $0x100, s7  }
0x14d: {  	[tilespmem:s31], [sflag:$0x1] =	stream.linear.gather [hbm4b:s8+s6], $0x80, $0x38;
	[tilespmem:$0x1FB80] =	vst v63  }
0x14e: {  	s7 =	sadd.s32 $0x200, s7  }
0x14f: {  	[tilespmem:s4], [sflag:$0x1] =	stream.linear.gather [hbm4b:s7+s6], $0x80, $0x38;
	[tilespmem:$0x1FB80] =	vst v63  }
0x150: {  	_ =	swait.ge [sflag:s3], $0x80  }
0x151: {  	[sflag:s3] =	ssyncset.done $0x0  }
0x152: {  	[sflag:s3] =	ssyncadd.s32 $0xFFFFFF80  }
0x153: {  	_ =	swait.ge [sflag:s3], $0x80  }
0x154: {  	[sflag:s3] =	ssyncset.done $0x0  }
0x155: {  	[sflag:s3] =	ssyncadd.s32 $0xFFFFFF80  }
0x156: {  	_ =	swait.ge [sflag:s3], $0x80  }
0x157: {  	[sflag:s3] =	ssyncset.done $0x0  }
0x158: {  	[sflag:s3] =	ssyncadd.s32 $0xFFFFFF80  }
0x159: {  	[spmem:s5] =	stream.indirect.scatter.add.f32 [tilespmem:s16], [sflag:$0x3], $0x80, s29, s30, $0xb8;
	[tilespmem:$0x1FB80] =	vst v63  }
0x15a: {  	_ = 	snop  }
0x15b: {  	[spmem:s5] =	stream.indirect.scatter.add.f32 [tilespmem:s16], [sflag:$0x3], $0x80, s31, s30, $0xb8;
	[tilespmem:$0x1FB80] =	vst v63  }
0x15c: {  	_ = 	snop  }
0x15d: {  	[spmem:s5] =	stream.indirect.scatter.add.f32 [tilespmem:s16], [sflag:$0x3], $0x80, s4, s30, $0xb8;
	[tilespmem:$0x1FB80] =	vst v63  }
0x15e: {  	_ =	swait.ge [sflag:s22], $0x4000  }
0x15f: {  	[sflag:s22] =	ssyncset.done $0x0  }
0x160: {  	[sflag:s22] =	ssyncadd.s32 $0xFFFFC000  }
0x161: {  	_ =	swait.ge [sflag:s22], $0x4000  }
0x162: {  	[sflag:s22] =	ssyncset.done $0x0  }
0x163: {  	[sflag:s22] =	ssyncadd.s32 $0xFFFFC000  }
0x164: {  	_ =	swait.ge [sflag:s22], $0x4000  }
0x165: {  	s8 =	simm.s32 @!p2 $0x180;
	[sflag:s22] =	ssyncset.done $0x0  }
0x166: {  	s7 =	simm.s32 @!p2 $0x0;
	s9 =	rddreg [dreg:$0x17];
	[sflag:s22] =	ssyncadd.s32 $0xFFFFC000  }
0x167: {  	[tilespmem:s8], [sflag:$0x4] =	stream.linear.gather @!p2 [hbm4b:s9+s7], $0x80, $0x38;
	[tilespmem:$0x1FB80] =	vst v63  }
0x168: {  	s7 =	simm.s32 @!p2 $0x4  }
0x169: {  	_ =	swait.ge @!p2 [sflag:s7], $0x80  }
0x16a: {  	[sflag:s7] =	ssyncset.done @!p2 $0x0  }
0x16b: {  	s12 =	simm.s32 @!p2 $0x80;
	s13 =	simm.s32 @!p2 $0x300;
	[sflag:s7] =	ssyncadd.s32 @!p2 $0xFFFFFF80  }
0x16c: {  	[spmem:s5] =	stream.indirect.scatter.add.f32 @!p2 [tilespmem:s13], [sflag:$0x4], $0x80, s8, s12, $0xb8;
	[tilespmem:$0x1FB80] =	vst v63  }
0x16d: {  	_ =	swait.ge @!p2 [sflag:s7], $0x4000  }
0x16e: {  	[sflag:s7] =	ssyncset.done @!p2 $0x0  }
0x16f: {  	[sflag:s7] =	ssyncadd.s32 @!p2 $0xFFFFC000  }
0x170: {  	[bflag:$0x0] =	sbarrier.arrive $0xFFFF  }
0x171: {  	s26 =	rddreg [dreg:$0x15]  }
0x172: {  	[hbm:s26], [sflag:s11] =	dma.local [spmem:s24], $0x2700  }
.Ltmp5:
0x173: {  	_ = 	snop;
	(pc) =	sbr.rel @p1 .LBB2_13-.Ltmp5, $4  }
.Ltmp6:
0x174: {  	_ = 	snop;
	(pc) =	sbr.rel @!p1 .LBB2_12-.Ltmp6, $4  }
0x175: {  	_ =	swait.ge [sflag:s28], $0x2700  }
0x176: {  	[sflag:s28] =	ssyncset.done $0x0  }
0x177: {  	s7 =	rddreg [dreg:$0xa];
	[sflag:s28] =	ssyncadd.s32 $0xFFFFD900  }
0x178: {  	_ = 	snop  }
.LBB2_2:
0x179: {  	s14 =	sadd.s32 $0x0, s20  }
0x17a: {  	[tilespmem:s6], [sflag:$0x1] =	stream.linear.gather [hbm4b:s14+s6], $0x80, $0x38;
	[tilespmem:$0x1FB80] =	vst v63  }
0x17b: {  	s15 =	sadd.s32 $0x0, s18  }
0x17c: {  	[tilespmem:s29], [sflag:$0x1] =	stream.linear.gather [hbm4b:s15+s6], $0x80, $0x38;
	[tilespmem:$0x1FB80] =	vst v63  }
0x17d: {  	s25 =	sadd.s32 $0x100, s14  }
0x17e: {  	[tilespmem:s30], [sflag:$0x1] =	stream.linear.gather [hbm4b:s25+s6], $0x80, $0x38;
	[tilespmem:$0x1FB80] =	vst v63  }
0x17f: {  	s13 =	sadd.s32 $0x100, s15  }
0x180: {  	[tilespmem:s31], [sflag:$0x1] =	stream.linear.gather [hbm4b:s13+s6], $0x80, $0x38;
	[tilespmem:$0x1FB80] =	vst v63  }
0x181: {  	s14 =	sadd.s32 $0x200, s14  }
0x182: {  	[tilespmem:s2], [sflag:$0x1] =	stream.linear.gather [hbm4b:s14+s6], $0x80, $0x38;
	[tilespmem:$0x1FB80] =	vst v63  }
0x183: {  	s25 =	sadd.s32 $0x200, s15  }
0x184: {  	[tilespmem:s4], [sflag:$0x1] =	stream.linear.gather [hbm4b:s25+s6], $0x80, $0x38;
	[tilespmem:$0x1FB80] =	vst v63  }
0x185: {  	_ =	swait.ge [sflag:s3], $0x80  }
0x186: {  	[sflag:s3] =	ssyncset.done $0x0  }
0x187: {  	[sflag:s3] =	ssyncadd.s32 $0xFFFFFF80  }
0x188: {  	_ =	swait.ge [sflag:s3], $0x80  }
0x189: {  	[sflag:s3] =	ssyncset.done $0x0  }
0x18a: {  	[sflag:s3] =	ssyncadd.s32 $0xFFFFFF80  }
0x18b: {  	_ =	swait.ge [sflag:s3], $0x80  }
0x18c: {  	[sflag:s3] =	ssyncset.done $0x0  }
0x18d: {  	[sflag:s3] =	ssyncadd.s32 $0xFFFFFF80  }
0x18e: {  	_ =	swait.ge [sflag:s3], $0x80  }
0x18f: {  	[sflag:s3] =	ssyncset.done $0x0  }
0x190: {  	[sflag:s3] =	ssyncadd.s32 $0xFFFFFF80  }
0x191: {  	_ =	swait.ge [sflag:s3], $0x80  }
0x192: {  	[sflag:s3] =	ssyncset.done $0x0  }
0x193: {  	[sflag:s3] =	ssyncadd.s32 $0xFFFFFF80  }
0x194: {  	_ =	swait.ge [sflag:s3], $0x80  }
0x195: {  	[sflag:s3] =	ssyncset.done $0x0  }
0x196: {  	[sflag:s3] =	ssyncadd.s32 $0xFFFFFF80  }
0x197: {  	[tilespmem:s16], [sflag:$0x2] =	stream.indirect.gather [hbm4b:s0+s30], $0x80, s6, s30, $0xb8;
	[tilespmem:$0x1FB80] =	vst v63  }
0x198: {  	_ = 	snop  }
0x199: {  	[tilespmem:s17], [sflag:$0x2] =	stream.indirect.gather [hbm4b:s0+s30], $0x80, s30, s30, $0xb8;
	[tilespmem:$0x1FB80] =	vst v63  }
0x19a: {  	_ = 	snop  }
0x19b: {  	[tilespmem:s19], [sflag:$0x2] =	stream.indirect.gather [hbm4b:s0+s30], $0x80, s2, s30, $0xb8;
	[tilespmem:$0x1FB80] =	vst v63  }
0x19c: {  	_ =	swait.ge [sflag:s21], $0x4000  }
0x19d: {  	[sflag:s21] =	ssyncset.done $0x0  }
0x19e: {  	[sflag:s21] =	ssyncadd.s32 $0xFFFFC000  }
0x19f: {  	_ =	swait.ge [sflag:s21], $0x4000  }
0x1a0: {  	[sflag:s21] =	ssyncset.done $0x0  }
0x1a1: {  	[sflag:s21] =	ssyncadd.s32 $0xFFFFC000  }
0x1a2: {  	_ =	swait.ge [sflag:s21], $0x4000  }
0x1a3: {  	[sflag:s21] =	ssyncset.done $0x0  }
0x1a4: {  	[sflag:s21] =	ssyncadd.s32 $0xFFFFC000  }
0x1a5: {  	[spmem:s5] =	stream.indirect.scatter.add.f32 [tilespmem:s16], [sflag:$0x3], $0x80, s29, s30, $0xb8;
	[tilespmem:$0x1FB80] =	vst v63  }
0x1a6: {  	_ = 	snop  }
0x1a7: {  	[spmem:s5] =	stream.indirect.scatter.add.f32 [tilespmem:s17], [sflag:$0x3], $0x80, s31, s30, $0xb8;
	[tilespmem:$0x1FB80] =	vst v63  }
0x1a8: {  	_ = 	snop  }
0x1a9: {  	[spmem:s5] =	stream.indirect.scatter.add.f32 [tilespmem:s19], [sflag:$0x3], $0x80, s4, s30, $0xb8;
	[tilespmem:$0x1FB80] =	vst v63  }
0x1aa: {  	_ =	swait.ge [sflag:s22], $0x4000  }
0x1ab: {  	[sflag:s22] =	ssyncset.done $0x0  }
0x1ac: {  	[sflag:s22] =	ssyncadd.s32 $0xFFFFC000  }
0x1ad: {  	_ =	swait.ge [sflag:s22], $0x4000  }
0x1ae: {  	[sflag:s22] =	ssyncset.done $0x0  }
0x1af: {  	[sflag:s22] =	ssyncadd.s32 $0xFFFFC000  }
0x1b0: {  	_ =	swait.ge [sflag:s22], $0x4000  }
0x1b1: {  	s15 =	simm.s32 $0x600;
	s14 =	simm.s32 $0x300;
	[sflag:s22] =	ssyncset.done $0x0  }
.LBB2_3:
0x1b2: {  	s12 =	sadd.s32 s14, s20  }
0x1b3: {  	[sflag:s22] =	ssyncadd.s32 $0xFFFFC000;
	s13 =	smov.u32 s15;
	s25 =	sadd.s32 $0x300, s15  }
0x1b4: {  	[tilespmem:s6], [sflag:$0x1] =	stream.linear.gather [hbm4b:s12+s6], $0x80, $0x38;
	[tilespmem:$0x1FB80] =	vst v63  }
0x1b5: {  	p4 =	sne.s32 s15, $0x9900;
	s15 =	sadd.s32 s14, s18;
	s14 =	smov.u32 s13  }
0x1b6: {  	[tilespmem:s29], [sflag:$0x1] =	stream.linear.gather [hbm4b:s15+s6], $0x80, $0x38;
	[tilespmem:$0x1FB80] =	vst v63  }
0x1b7: {  	s13 =	sadd.s32 $0x100, s12  }
0x1b8: {  	[tilespmem:s30], [sflag:$0x1] =	stream.linear.gather [hbm4b:s13+s6], $0x80, $0x38;
	[tilespmem:$0x1FB80] =	vst v63  }
0x1b9: {  	s13 =	sadd.s32 $0x100, s15  }
0x1ba: {  	[tilespmem:s31], [sflag:$0x1] =	stream.linear.gather [hbm4b:s13+s6], $0x80, $0x38;
	[tilespmem:$0x1FB80] =	vst v63  }
0x1bb: {  	s12 =	sadd.s32 $0x200, s12  }
0x1bc: {  	[tilespmem:s2], [sflag:$0x1] =	stream.linear.gather [hbm4b:s12+s6], $0x80, $0x38;
	[tilespmem:$0x1FB80] =	vst v63  }
0x1bd: {  	s12 =	sadd.s32 $0x200, s15  }
0x1be: {  	[tilespmem:s4], [sflag:$0x1] =	stream.linear.gather [hbm4b:s12+s6], $0x80, $0x38;
	[tilespmem:$0x1FB80] =	vst v63  }
0x1bf: {  	_ =	swait.ge [sflag:s3], $0x80  }
0x1c0: {  	[sflag:s3] =	ssyncset.done $0x0  }
0x1c1: {  	[sflag:s3] =	ssyncadd.s32 $0xFFFFFF80  }
0x1c2: {  	_ =	swait.ge [sflag:s3], $0x80  }
0x1c3: {  	[sflag:s3] =	ssyncset.done $0x0  }
0x1c4: {  	[sflag:s3] =	ssyncadd.s32 $0xFFFFFF80  }
0x1c5: {  	_ =	swait.ge [sflag:s3], $0x80  }
0x1c6: {  	[sflag:s3] =	ssyncset.done $0x0  }
0x1c7: {  	[sflag:s3] =	ssyncadd.s32 $0xFFFFFF80  }
0x1c8: {  	_ =	swait.ge [sflag:s3], $0x80  }
0x1c9: {  	[sflag:s3] =	ssyncset.done $0x0  }
0x1ca: {  	[sflag:s3] =	ssyncadd.s32 $0xFFFFFF80  }
0x1cb: {  	_ =	swait.ge [sflag:s3], $0x80  }
0x1cc: {  	[sflag:s3] =	ssyncset.done $0x0  }
0x1cd: {  	[sflag:s3] =	ssyncadd.s32 $0xFFFFFF80  }
0x1ce: {  	_ =	swait.ge [sflag:s3], $0x80  }
0x1cf: {  	[sflag:s3] =	ssyncset.done $0x0  }
0x1d0: {  	[sflag:s3] =	ssyncadd.s32 $0xFFFFFF80  }
0x1d1: {  	[tilespmem:s16], [sflag:$0x2] =	stream.indirect.gather [hbm4b:s0+s30], $0x80, s6, s30, $0xb8;
	[tilespmem:$0x1FB80] =	vst v63  }
0x1d2: {  	_ = 	snop  }
0x1d3: {  	[tilespmem:s17], [sflag:$0x2] =	stream.indirect.gather [hbm4b:s0+s30], $0x80, s30, s30, $0xb8;
	[tilespmem:$0x1FB80] =	vst v63  }
0x1d4: {  	_ = 	snop  }
0x1d5: {  	[tilespmem:s19], [sflag:$0x2] =	stream.indirect.gather [hbm4b:s0+s30], $0x80, s2, s30, $0xb8;
	[tilespmem:$0x1FB80] =	vst v63  }
0x1d6: {  	_ =	swait.ge [sflag:s21], $0x4000  }
0x1d7: {  	[sflag:s21] =	ssyncset.done $0x0  }
0x1d8: {  	[sflag:s21] =	ssyncadd.s32 $0xFFFFC000  }
0x1d9: {  	_ =	swait.ge [sflag:s21], $0x4000  }
0x1da: {  	[sflag:s21] =	ssyncset.done $0x0  }
0x1db: {  	[sflag:s21] =	ssyncadd.s32 $0xFFFFC000  }
0x1dc: {  	_ =	swait.ge [sflag:s21], $0x4000  }
0x1dd: {  	[sflag:s21] =	ssyncset.done $0x0  }
0x1de: {  	[sflag:s21] =	ssyncadd.s32 $0xFFFFC000  }
0x1df: {  	[spmem:s5] =	stream.indirect.scatter.add.f32 [tilespmem:s16], [sflag:$0x3], $0x80, s29, s30, $0xb8;
	[tilespmem:$0x1FB80] =	vst v63  }
0x1e0: {  	_ = 	snop  }
0x1e1: {  	[spmem:s5] =	stream.indirect.scatter.add.f32 [tilespmem:s17], [sflag:$0x3], $0x80, s31, s30, $0xb8;
	[tilespmem:$0x1FB80] =	vst v63  }
0x1e2: {  	_ = 	snop  }
0x1e3: {  	[spmem:s5] =	stream.indirect.scatter.add.f32 [tilespmem:s19], [sflag:$0x3], $0x80, s4, s30, $0xb8;
	[tilespmem:$0x1FB80] =	vst v63  }
0x1e4: {  	_ =	swait.ge [sflag:s22], $0x4000  }
0x1e5: {  	[sflag:s22] =	ssyncset.done $0x0  }
0x1e6: {  	[sflag:s22] =	ssyncadd.s32 $0xFFFFC000  }
.Ltmp7:
0x1e7: {  	_ =	swait.ge [sflag:s22], $0x4000;
	(pc) =	sbr.rel @p4 .LBB2_3-.Ltmp7, $4  }
0x1e8: {  	[sflag:s22] =	ssyncset.done $0x0  }
0x1e9: {  	[sflag:s22] =	ssyncadd.s32 $0xFFFFC000  }
0x1ea: {  	_ =	swait.ge [sflag:s22], $0x4000  }
0x1eb: {  	s15 =	smov.u32 s25;
	[sflag:s22] =	ssyncset.done $0x0  }
0x1ec: {  	s12 =	sadd.s32 s14, s20;
	[sflag:s22] =	ssyncadd.s32 $0xFFFFC000  }
0x1ed: {  	[tilespmem:s6], [sflag:$0x1] =	stream.linear.gather [hbm4b:s12+s6], $0x80, $0x38;
	[tilespmem:$0x1FB80] =	vst v63  }
0x1ee: {  	s13 =	sadd.s32 s14, s18  }
0x1ef: {  	[tilespmem:s29], [sflag:$0x1] =	stream.linear.gather [hbm4b:s13+s6], $0x80, $0x38;
	[tilespmem:$0x1FB80] =	vst v63  }
0x1f0: {  	s25 =	sadd.s32 $0x100, s12  }
0x1f1: {  	[tilespmem:s30], [sflag:$0x1] =	stream.linear.gather [hbm4b:s25+s6], $0x80, $0x38;
	[tilespmem:$0x1FB80] =	vst v63  }
0x1f2: {  	s15 =	sadd.s32 $0x100, s13  }
0x1f3: {  	[tilespmem:s31], [sflag:$0x1] =	stream.linear.gather [hbm4b:s15+s6], $0x80, $0x38;
	[tilespmem:$0x1FB80] =	vst v63  }
0x1f4: {  	s12 =	sadd.s32 $0x200, s12  }
0x1f5: {  	[tilespmem:s2], [sflag:$0x1] =	stream.linear.gather [hbm4b:s12+s6], $0x80, $0x38;
	[tilespmem:$0x1FB80] =	vst v63  }
0x1f6: {  	s25 =	sadd.s32 $0x200, s13  }
0x1f7: {  	[tilespmem:s4], [sflag:$0x1] =	stream.linear.gather [hbm4b:s25+s6], $0x80, $0x38;
	[tilespmem:$0x1FB80] =	vst v63  }
0x1f8: {  	_ =	swait.ge [sflag:s3], $0x80  }
0x1f9: {  	[sflag:s3] =	ssyncset.done $0x0  }
0x1fa: {  	[sflag:s3] =	ssyncadd.s32 $0xFFFFFF80  }
0x1fb: {  	_ =	swait.ge [sflag:s3], $0x80  }
0x1fc: {  	[sflag:s3] =	ssyncset.done $0x0  }
0x1fd: {  	[sflag:s3] =	ssyncadd.s32 $0xFFFFFF80  }
0x1fe: {  	_ =	swait.ge [sflag:s3], $0x80  }
0x1ff: {  	[sflag:s3] =	ssyncset.done $0x0  }
0x200: {  	[sflag:s3] =	ssyncadd.s32 $0xFFFFFF80  }
0x201: {  	_ =	swait.ge [sflag:s3], $0x80  }
0x202: {  	[sflag:s3] =	ssyncset.done $0x0  }
0x203: {  	[sflag:s3] =	ssyncadd.s32 $0xFFFFFF80  }
0x204: {  	_ =	swait.ge [sflag:s3], $0x80  }
0x205: {  	[sflag:s3] =	ssyncset.done $0x0  }
0x206: {  	[sflag:s3] =	ssyncadd.s32 $0xFFFFFF80  }
0x207: {  	_ =	swait.ge [sflag:s3], $0x80  }
0x208: {  	[sflag:s3] =	ssyncset.done $0x0  }
0x209: {  	[sflag:s3] =	ssyncadd.s32 $0xFFFFFF80  }
0x20a: {  	[tilespmem:s16], [sflag:$0x2] =	stream.indirect.gather [hbm4b:s0+s30], $0x80, s6, s30, $0xb8;
	[tilespmem:$0x1FB80] =	vst v63  }
0x20b: {  	_ = 	snop  }
0x20c: {  	[tilespmem:s17], [sflag:$0x2] =	stream.indirect.gather [hbm4b:s0+s30], $0x80, s30, s30, $0xb8;
	[tilespmem:$0x1FB80] =	vst v63  }
0x20d: {  	_ = 	snop  }
0x20e: {  	[tilespmem:s19], [sflag:$0x2] =	stream.indirect.gather [hbm4b:s0+s30], $0x80, s2, s30, $0xb8;
	[tilespmem:$0x1FB80] =	vst v63  }
0x20f: {  	_ =	swait.ge [sflag:s21], $0x4000  }
0x210: {  	[sflag:s21] =	ssyncset.done $0x0  }
0x211: {  	[sflag:s21] =	ssyncadd.s32 $0xFFFFC000  }
0x212: {  	_ =	swait.ge [sflag:s21], $0x4000  }
0x213: {  	[sflag:s21] =	ssyncset.done $0x0  }
0x214: {  	[sflag:s21] =	ssyncadd.s32 $0xFFFFC000  }
0x215: {  	_ =	swait.ge [sflag:s21], $0x4000  }
0x216: {  	[sflag:s21] =	ssyncset.done $0x0  }
0x217: {  	[sflag:s21] =	ssyncadd.s32 $0xFFFFC000  }
0x218: {  	[spmem:s5] =	stream.indirect.scatter.add.f32 [tilespmem:s16], [sflag:$0x3], $0x80, s29, s30, $0xb8;
	[tilespmem:$0x1FB80] =	vst v63  }
0x219: {  	_ = 	snop  }
0x21a: {  	[spmem:s5] =	stream.indirect.scatter.add.f32 [tilespmem:s17], [sflag:$0x3], $0x80, s31, s30, $0xb8;
	[tilespmem:$0x1FB80] =	vst v63  }
0x21b: {  	_ = 	snop  }
0x21c: {  	[spmem:s5] =	stream.indirect.scatter.add.f32 [tilespmem:s19], [sflag:$0x3], $0x80, s4, s30, $0xb8;
	[tilespmem:$0x1FB80] =	vst v63  }
0x21d: {  	_ =	swait.ge [sflag:s22], $0x4000  }
0x21e: {  	[sflag:s22] =	ssyncset.done $0x0  }
0x21f: {  	[sflag:s22] =	ssyncadd.s32 $0xFFFFC000  }
0x220: {  	_ =	swait.ge [sflag:s22], $0x4000  }
0x221: {  	[sflag:s22] =	ssyncset.done $0x0  }
0x222: {  	[sflag:s22] =	ssyncadd.s32 $0xFFFFC000  }
0x223: {  	_ =	swait.ge [sflag:s22], $0x4000  }
0x224: {  	[sflag:s22] =	ssyncset.done $0x0  }
0x225: {  	s12 =	simm.s32 @!p2 $0x0;
	s13 =	rddreg [dreg:$0xd];
	[sflag:s22] =	ssyncadd.s32 $0xFFFFC000  }
0x226: {  	[tilespmem:s12], [sflag:$0x4] =	stream.linear.gather @!p2 [hbm4b:s13+s12], $0x80, $0x38;
	[tilespmem:$0x1FB80] =	vst v63  }
0x227: {  	s13 =	simm.s32 @!p2 $0x4  }
0x228: {  	_ =	swait.ge @!p2 [sflag:s13], $0x80  }
0x229: {  	[sflag:s13] =	ssyncset.done @!p2 $0x0  }
0x22a: {  	s14 =	simm.s32 @!p2 $0x180;
	s15 =	rddreg [dreg:$0xe];
	[sflag:s13] =	ssyncadd.s32 @!p2 $0xFFFFFF80  }
0x22b: {  	[tilespmem:s14], [sflag:$0x4] =	stream.linear.gather @!p2 [hbm4b:s15+s12], $0x80, $0x38;
	[tilespmem:$0x1FB80] =	vst v63  }
0x22c: {  	_ =	swait.ge @!p2 [sflag:s13], $0x80  }
0x22d: {  	[sflag:s13] =	ssyncset.done @!p2 $0x0  }
0x22e: {  	s25 =	simm.s32 @!p2 $0x300;
	s15 =	simm.s32 @!p2 $0x80;
	[sflag:s13] =	ssyncadd.s32 @!p2 $0xFFFFFF80  }
0x22f: {  	[tilespmem:s25], [sflag:$0x2] =	stream.indirect.gather @!p2 [hbm4b:s0+s15], $0x80, s12, s15, $0xb8;
	[tilespmem:$0x1FB80] =	vst v63  }
0x230: {  	s12 =	simm.s32 @!p2 $0x2  }
0x231: {  	_ =	swait.ge @!p2 [sflag:s12], $0x4000  }
0x232: {  	[sflag:s12] =	ssyncset.done @!p2 $0x0  }
0x233: {  	[sflag:s12] =	ssyncadd.s32 @!p2 $0xFFFFC000  }
0x234: {  	[spmem:s5] =	stream.indirect.scatter.add.f32 @!p2 [tilespmem:s25], [sflag:$0x4], $0x80, s14, s15, $0xb8;
	[tilespmem:$0x1FB80] =	vst v63  }
0x235: {  	_ =	swait.ge @!p2 [sflag:s13], $0x4000  }
0x236: {  	[sflag:s13] =	ssyncset.done @!p2 $0x0  }
0x237: {  	[sflag:s13] =	ssyncadd.s32 @!p2 $0xFFFFC000  }
0x238: {  	[bflag:$0x0] =	sbarrier.arrive $0xFFFF  }
0x239: {  	s13 =	rddreg [dreg:$0xf]  }
0x23a: {  	[hbm:s13], [sflag:s11] =	dma.local [spmem:s24], $0x2700  }
0x23b: {  	_ =	swait.ge [sflag:s28], $0x2700  }
0x23c: {  	[sflag:s28] =	ssyncset.done $0x0  }
0x23d: {  	[sflag:s28] =	ssyncadd.s32 $0xFFFFD900  }
0x23e: {  	[spmem:s8], [sflag:s11] =	dma.local @p1 [hbm:s10], $0x2700  }
0x23f: {  	s8 =	simm.s32 @p1 $0x4  }
0x240: {  	_ =	swait.ge @p1 [sflag:s8], $0x2700  }
0x241: {  	[sflag:s8] =	ssyncset.done @p1 $0x0  }
0x242: {  	[sflag:s8] =	ssyncadd.s32 @p1 $0xFFFFD900;
	s8 =	rddreg [dreg:$0x10]  }
0x243: {  	[hbm:s8], [sflag:s11] =	dma.local @!p1 [spmem:s26], $0x100  }
0x244: {  	s8 =	simm.s32 @!p1 $0x4  }
0x245: {  	_ =	swait.ge @!p1 [sflag:s8], $0x100  }
0x246: {  	[sflag:s8] =	ssyncset.done @!p1 $0x0  }
0x247: {  	[sflag:s8] =	ssyncadd.s32 @!p1 $0xFFFFFF00  }
0x248: {  	[spmem:s7], [sflag:s11] =	dma.local @!p1 [hbm:s10], $0x2700  }
0x249: {  	_ =	swait.ge @!p1 [sflag:s8], $0x2700  }
0x24a: {  	[sflag:s8] =	ssyncset.done @!p1 $0x0  }
0x24b: {  	[sflag:s8] =	ssyncadd.s32 @!p1 $0xFFFFD900  }
0x24c: {  	[spmem:s26], [sflag:s11] =	dma.local @!p1 [hbm:s9], $0x100  }
0x24d: {  	_ =	swait.ge @!p1 [sflag:s8], $0x100  }
0x24e: {  	[sflag:s8] =	ssyncset.done @!p1 $0x0  }
0x24f: {  	[sflag:s8] =	ssyncadd.s32 @!p1 $0xFFFFFF00  }
0x250: {  	s14 =	simm.s32 $0x0;
	s8 =	rddreg [dreg:$0x5]  }
0x251: {  	[tilespmem:s16], [sflag:$0x4] =	stream.linear.gather [hbm4b:s8+s14], $0x4000, $0x38;
	[tilespmem:$0x1FB80] =	vst v63  }
0x252: {  	_ =	swait.ge [sflag:s28], $0x4000  }
0x253: {  	[sflag:s28] =	ssyncset.done $0x0  }
0x254: {  	[sflag:s28] =	ssyncadd.s32 $0xFFFFC000  }
0x255: {  	s15 =	sadd.s32 $0x0, s18;
	[bflag:$0x0] =	sbarrier.arrive $0xFFFF  }
0x256: {  	[tilespmem:s29], [sflag:$0x1] =	stream.linear.gather [hbm4b:s15+s6], $0x80, $0x38;
	[tilespmem:$0x1FB80] =	vst v63  }
0x257: {  	s26 =	sadd.s32 $0x100, s15  }
0x258: {  	[tilespmem:s31], [sflag:$0x1] =	stream.linear.gather [hbm4b:s26+s6], $0x80, $0x38;
	[tilespmem:$0x1FB80] =	vst v63  }
0x259: {  	s7 =	sadd.s32 $0x200, s15  }
0x25a: {  	[tilespmem:s4], [sflag:$0x1] =	stream.linear.gather [hbm4b:s7+s6], $0x80, $0x38;
	[tilespmem:$0x1FB80] =	vst v63  }
0x25b: {  	_ =	swait.ge [sflag:s3], $0x80  }
0x25c: {  	[sflag:s3] =	ssyncset.done $0x0  }
0x25d: {  	[sflag:s3] =	ssyncadd.s32 $0xFFFFFF80  }
0x25e: {  	_ =	swait.ge [sflag:s3], $0x80  }
0x25f: {  	[sflag:s3] =	ssyncset.done $0x0  }
0x260: {  	[sflag:s3] =	ssyncadd.s32 $0xFFFFFF80  }
0x261: {  	_ =	swait.ge [sflag:s3], $0x80  }
0x262: {  	[sflag:s3] =	ssyncset.done $0x0  }
0x263: {  	[sflag:s3] =	ssyncadd.s32 $0xFFFFFF80  }
0x264: {  	[spmem:s5] =	stream.indirect.scatter.add.f32 [tilespmem:s16], [sflag:$0x3], $0x80, s29, s30, $0xb8;
	[tilespmem:$0x1FB80] =	vst v63  }
0x265: {  	_ = 	snop  }
0x266: {  	[spmem:s5] =	stream.indirect.scatter.add.f32 [tilespmem:s16], [sflag:$0x3], $0x80, s31, s30, $0xb8;
	[tilespmem:$0x1FB80] =	vst v63  }
0x267: {  	_ = 	snop  }
0x268: {  	[spmem:s5] =	stream.indirect.scatter.add.f32 [tilespmem:s16], [sflag:$0x3], $0x80, s4, s30, $0xb8;
	[tilespmem:$0x1FB80] =	vst v63  }
0x269: {  	_ =	swait.ge [sflag:s22], $0x4000  }
0x26a: {  	[sflag:s22] =	ssyncset.done $0x0  }
0x26b: {  	[sflag:s22] =	ssyncadd.s32 $0xFFFFC000  }
0x26c: {  	_ =	swait.ge [sflag:s22], $0x4000  }
0x26d: {  	[sflag:s22] =	ssyncset.done $0x0  }
0x26e: {  	[sflag:s22] =	ssyncadd.s32 $0xFFFFC000  }
0x26f: {  	s25 =	smov.u32 s9;
	_ =	swait.ge [sflag:s22], $0x4000  }
0x270: {  	s8 =	simm.s32 $0x600;
	s7 =	simm.s32 $0x300;
	[sflag:s22] =	ssyncset.done $0x0  }
.LBB2_5:
0x271: {  	s12 =	sadd.s32 s7, s18  }
0x272: {  	[sflag:s22] =	ssyncadd.s32 $0xFFFFC000;
	s7 =	smov.u32 s8;
	s13 =	sadd.s32 $0x300, s8  }
0x273: {  	[tilespmem:s29], [sflag:$0x1] =	stream.linear.gather [hbm4b:s12+s6], $0x80, $0x38;
	[tilespmem:$0x1FB80] =	vst v63  }
0x274: {  	p4 =	sne.s32 s8, $0x9900;
	s8 =	sadd.s32 $0x100, s12  }
0x275: {  	[tilespmem:s31], [sflag:$0x1] =	stream.linear.gather [hbm4b:s8+s6], $0x80, $0x38;
	[tilespmem:$0x1FB80] =	vst v63  }
0x276: {  	s8 =	sadd.s32 $0x200, s12  }
0x277: {  	[tilespmem:s4], [sflag:$0x1] =	stream.linear.gather [hbm4b:s8+s6], $0x80, $0x38;
	[tilespmem:$0x1FB80] =	vst v63  }
0x278: {  	_ =	swait.ge [sflag:s3], $0x80  }
0x279: {  	[sflag:s3] =	ssyncset.done $0x0  }
0x27a: {  	[sflag:s3] =	ssyncadd.s32 $0xFFFFFF80  }
0x27b: {  	_ =	swait.ge [sflag:s3], $0x80  }
0x27c: {  	[sflag:s3] =	ssyncset.done $0x0  }
0x27d: {  	[sflag:s3] =	ssyncadd.s32 $0xFFFFFF80  }
0x27e: {  	_ =	swait.ge [sflag:s3], $0x80  }
0x27f: {  	[sflag:s3] =	ssyncset.done $0x0  }
0x280: {  	[sflag:s3] =	ssyncadd.s32 $0xFFFFFF80  }
0x281: {  	[spmem:s5] =	stream.indirect.scatter.add.f32 [tilespmem:s16], [sflag:$0x3], $0x80, s29, s30, $0xb8;
	[tilespmem:$0x1FB80] =	vst v63  }
0x282: {  	_ = 	snop  }
0x283: {  	[spmem:s5] =	stream.indirect.scatter.add.f32 [tilespmem:s16], [sflag:$0x3], $0x80, s31, s30, $0xb8;
	[tilespmem:$0x1FB80] =	vst v63  }
0x284: {  	_ = 	snop  }
0x285: {  	[spmem:s5] =	stream.indirect.scatter.add.f32 [tilespmem:s16], [sflag:$0x3], $0x80, s4, s30, $0xb8;
	[tilespmem:$0x1FB80] =	vst v63  }
0x286: {  	_ =	swait.ge [sflag:s22], $0x4000  }
0x287: {  	[sflag:s22] =	ssyncset.done $0x0  }
0x288: {  	[sflag:s22] =	ssyncadd.s32 $0xFFFFC000  }
.Ltmp8:
0x289: {  	_ =	swait.ge [sflag:s22], $0x4000;
	(pc) =	sbr.rel @p4 .LBB2_5-.Ltmp8, $4  }
0x28a: {  	[sflag:s22] =	ssyncset.done $0x0  }
0x28b: {  	[sflag:s22] =	ssyncadd.s32 $0xFFFFC000  }
0x28c: {  	_ =	swait.ge [sflag:s22], $0x4000  }
0x28d: {  	s8 =	smov.u32 s13;
	[sflag:s22] =	ssyncset.done $0x0  }
0x28e: {  	s7 =	sadd.s32 s7, s18;
	[sflag:s22] =	ssyncadd.s32 $0xFFFFC000  }
0x28f: {  	[tilespmem:s29], [sflag:$0x1] =	stream.linear.gather [hbm4b:s7+s6], $0x80, $0x38;
	[tilespmem:$0x1FB80] =	vst v63  }
0x290: {  	s8 =	sadd.s32 $0x100, s7  }
0x291: {  	[tilespmem:s31], [sflag:$0x1] =	stream.linear.gather [hbm4b:s8+s6], $0x80, $0x38;
	[tilespmem:$0x1FB80] =	vst v63  }
0x292: {  	s7 =	sadd.s32 $0x200, s7  }
0x293: {  	[tilespmem:s4], [sflag:$0x1] =	stream.linear.gather [hbm4b:s7+s6], $0x80, $0x38;
	[tilespmem:$0x1FB80] =	vst v63  }
0x294: {  	_ =	swait.ge [sflag:s3], $0x80  }
0x295: {  	[sflag:s3] =	ssyncset.done $0x0  }
0x296: {  	[sflag:s3] =	ssyncadd.s32 $0xFFFFFF80  }
0x297: {  	_ =	swait.ge [sflag:s3], $0x80  }
0x298: {  	[sflag:s3] =	ssyncset.done $0x0  }
0x299: {  	[sflag:s3] =	ssyncadd.s32 $0xFFFFFF80  }
0x29a: {  	_ =	swait.ge [sflag:s3], $0x80  }
0x29b: {  	[sflag:s3] =	ssyncset.done $0x0  }
0x29c: {  	[sflag:s3] =	ssyncadd.s32 $0xFFFFFF80  }
0x29d: {  	[spmem:s5] =	stream.indirect.scatter.add.f32 [tilespmem:s16], [sflag:$0x3], $0x80, s29, s30, $0xb8;
	[tilespmem:$0x1FB80] =	vst v63  }
0x29e: {  	_ = 	snop  }
0x29f: {  	[spmem:s5] =	stream.indirect.scatter.add.f32 [tilespmem:s16], [sflag:$0x3], $0x80, s31, s30, $0xb8;
	[tilespmem:$0x1FB80] =	vst v63  }
0x2a0: {  	_ = 	snop  }
0x2a1: {  	[spmem:s5] =	stream.indirect.scatter.add.f32 [tilespmem:s16], [sflag:$0x3], $0x80, s4, s30, $0xb8;
	[tilespmem:$0x1FB80] =	vst v63  }
0x2a2: {  	_ =	swait.ge [sflag:s22], $0x4000  }
0x2a3: {  	[sflag:s22] =	ssyncset.done $0x0  }
0x2a4: {  	[sflag:s22] =	ssyncadd.s32 $0xFFFFC000  }
0x2a5: {  	_ =	swait.ge [sflag:s22], $0x4000  }
0x2a6: {  	[sflag:s22] =	ssyncset.done $0x0  }
0x2a7: {  	[sflag:s22] =	ssyncadd.s32 $0xFFFFC000  }
0x2a8: {  	_ =	swait.ge [sflag:s22], $0x4000  }
0x2a9: {  	s8 =	simm.s32 @!p2 $0x180;
	[sflag:s22] =	ssyncset.done $0x0  }
0x2aa: {  	s7 =	simm.s32 @!p2 $0x0;
	s9 =	rddreg [dreg:$0x11];
	[sflag:s22] =	ssyncadd.s32 $0xFFFFC000  }
0x2ab: {  	[tilespmem:s8], [sflag:$0x4] =	stream.linear.gather @!p2 [hbm4b:s9+s7], $0x80, $0x38;
	[tilespmem:$0x1FB80] =	vst v63  }
0x2ac: {  	s7 =	simm.s32 @!p2 $0x4  }
0x2ad: {  	_ =	swait.ge @!p2 [sflag:s7], $0x80  }
0x2ae: {  	[sflag:s7] =	ssyncset.done @!p2 $0x0  }
0x2af: {  	s12 =	simm.s32 @!p2 $0x80;
	s13 =	simm.s32 @!p2 $0x300;
	[sflag:s7] =	ssyncadd.s32 @!p2 $0xFFFFFF80  }
0x2b0: {  	[spmem:s5] =	stream.indirect.scatter.add.f32 @!p2 [tilespmem:s13], [sflag:$0x4], $0x80, s8, s12, $0xb8;
	[tilespmem:$0x1FB80] =	vst v63  }
0x2b1: {  	_ =	swait.ge @!p2 [sflag:s7], $0x4000  }
0x2b2: {  	[sflag:s7] =	ssyncset.done @!p2 $0x0  }
0x2b3: {  	[sflag:s7] =	ssyncadd.s32 @!p2 $0xFFFFC000  }
0x2b4: {  	[bflag:$0x0] =	sbarrier.arrive $0xFFFF  }
0x2b5: {  	s26 =	rddreg [dreg:$0x12]  }
0x2b6: {  	[hbm:s26], [sflag:s11] =	dma.local [spmem:s24], $0x2700  }
.Ltmp9:
0x2b7: {  	_ = 	snop;
	(pc) =	sbr.rel @p3 .LBB2_12-.Ltmp9, $4  }
.Ltmp10:
0x2b8: {  	_ = 	snop;
	(pc) =	sbr.rel @!p3 .LBB2_13-.Ltmp10, $4  }
0x2b9: {  	_ =	swait.ge [sflag:s28], $0x2700  }
0x2ba: {  	[sflag:s28] =	ssyncset.done $0x0  }
0x2bb: {  	s7 =	rddreg [dreg:$0x9];
	[sflag:s28] =	ssyncadd.s32 $0xFFFFD900  }
0x2bc: {  	_ = 	snop  }
.LBB2_14:
0x2bd: {  	_ =	sfence.sel $0x180000  }
0x2be: {  	[bflag:$0x0] =	sbarrier.arrive $0xFFFF  }
0x2bf: {  	_ =	strace $0x90000047  }
0x2c0: {  	s0 =	stileid.u32;
	[bflag:$0x2] =	sbarrier.arrive $0xFFFF  }
0x2c1: {  	p0 =	sne.s32 s0, $0x0;
	s0 =	rddreg [dreg:$0x8]  }
0x2c2: {  	s0 =	sadd.s32 @!p0 $0x100000, s0  }
0x2c3: {  	[sflag:s0] =	ssyncadd.tile.s32 @!p0 $0x1;
	_ =	shalt  }
.Lfunc_end2:
_tile_overlayer_lowered:
.L_overlay_start_2:
0x2c4: {  	(tag) =	ssettag $0x2  }
0x2c5: {  	s0 =	rddreg [dreg:$0x0];
	s2 =	stileid.u32  }
0x2c6: {  	s1 =	rddreg [dreg:$0x1];
	p0 =	sne.s32 s2, $0x0  }
0x2c7: {  	s3 =	rddreg [dreg:$0x2];
	[bflag:$0x3] =	sbarrier.arrive $0xFFFF;
	s2 =	simm.s32 @!p0 $0x1C04  }
0x2c8: {  	[timem:s3], [sflag:s2] =	dma.local @!p0 [hbm:s0], s1  }
0x2c9: {  	s0 =	simm.s32 @!p0 $0x4  }
0x2ca: {  	_ =	swait.ge @!p0 [sflag:s0], s1  }
0x2cb: {  	s1 =	ssub.s32 @!p0 $0x0, s1;
	[sflag:s0] =	ssyncset.done @!p0 $0x0  }
0x2cc: {  	[sflag:s0] =	ssyncadd.s32 @!p0 s1  }
0x2cd: {  	[bflag:$0x3] =	sbarrier.arrive $0xFFFF  }
0x2ce: {  	_ =	shalt  }

</sc_bundles>
